<compile_context>
chip_gen: v7x
topology: tpu7x:2x2x1
jax: 0.10.2.dev20260603
libtpu: 0.0.44.dev20260713+nightly
codegen_flags: <defaults>
</compile_context>

<pallas_src>
import functools

import jax
import jax.numpy as jnp
from jax import lax
from jax.experimental import pallas as pl
from jax.experimental.pallas import tpu as pltpu
from jax.experimental.pallas import tpu_sc as plsc

BATCH = 16384
NUM_ENT = 1000000
NUM_REL = 1000
K = 64
ETA = 5

NC = 2
NS = 16
L = 16
NW = NC * NS
ROWS_W = BATCH // NW
CHUNK = 128
NGROUP = CHUNK // L
KP = 128
NG = ETA + 1
TOT = NG * ROWS_W
NSTEP = TOT // CHUNK
CORR_W = ETA * ROWS_W


def _make_sc_call():
    mesh = plsc.VectorSubcoreMesh(core_axis_name="c", subcore_axis_name="s")

    @functools.partial(
        pl.kernel,
        mesh=mesh,
        out_type=(
            jax.ShapeDtypeStruct((BATCH,), jnp.float32),
            jax.ShapeDtypeStruct((BATCH * ETA,), jnp.float32),
        ),
        scratch_types=[
            pltpu.VMEM((ROWS_W, 3), jnp.int32),
            pltpu.VMEM((CORR_W,), jnp.int32),
            pltpu.VMEM((CORR_W,), jnp.int32),
            pltpu.VMEM((TOT,), jnp.int32),
            pltpu.VMEM((TOT,), jnp.int32),
            pltpu.VMEM((TOT,), jnp.int32),
            pltpu.VMEM((TOT,), jnp.float32),
            pltpu.VMEM((CHUNK, KP), jnp.float32),
            pltpu.VMEM((CHUNK, KP), jnp.float32),
            pltpu.VMEM((CHUNK, KP), jnp.float32),
            pltpu.VMEM((CHUNK, KP), jnp.float32),
            pltpu.VMEM((CHUNK, KP), jnp.float32),
            pltpu.VMEM((CHUNK, KP), jnp.float32),
            pltpu.SemaphoreType.DMA,
            pltpu.SemaphoreType.DMA,
            pltpu.SemaphoreType.DMA,
            pltpu.SemaphoreType.DMA,
            pltpu.SemaphoreType.DMA,
            pltpu.SemaphoreType.DMA,
        ],
        compiler_params=pltpu.CompilerParams(
            needs_layout_passes=False, use_tc_tiling_on_sc=False),
    )
    def sc_call(tri_h, rand_h, side_h, ent_h, rel_h,
                inp_out, corr_out,
                tri_all, rand_all, side_all, sidx, pidx, oidx, score_all,
                es0, es1, ep0, ep1, eo0, eo1,
                ss0, ss1, sp0, sp1, so0, so1):
        wid = lax.axis_index("s") * NC + lax.axis_index("c")
        tri_base = pl.multiple_of(wid * ROWS_W, ROWS_W)
        corr_base = pl.multiple_of(wid * ROWS_W, ROWS_W)
        lanes = lax.iota(jnp.int32, L)
        col0 = jnp.zeros((L,), jnp.int32)
        col1 = col0 + 1
        col2 = col0 + 2

        es = (es0, es1)
        ep = (ep0, ep1)
        eo = (eo0, eo1)
        ss = (ss0, ss1)
        sp = (sp0, sp1)
        so = (so0, so1)

        pltpu.sync_copy(tri_h.at[pl.ds(tri_base, ROWS_W)], tri_all)
        for m in range(ETA):
            doff = pl.multiple_of(m * BATCH + corr_base, ROWS_W)
            dsl = pl.ds(m * ROWS_W, ROWS_W)
            pltpu.sync_copy(rand_h.at[pl.ds(doff, ROWS_W)], rand_all.at[dsl])
            pltpu.sync_copy(side_h.at[pl.ds(doff, ROWS_W)], side_all.at[dsl])

        def build(i, _):
            g = i // (ROWS_W // L)
            ltr = (i * L - g * ROWS_W) + lanes
            s = plsc.load_gather(tri_all, [ltr, col0])
            p = plsc.load_gather(tri_all, [ltr, col1])
            o = plsc.load_gather(tri_all, [ltr, col2])
            co = jnp.maximum(i * L - ROWS_W, 0)
            r = rand_all[pl.ds(co, L)]
            f = side_all[pl.ds(co, L)] != 0
            gv = (col0 + g) > 0
            fx = f & gv
            fx2 = f | (~gv)
            sl = pl.ds(i * L, L)
            sidx[sl] = jnp.where(fx, r, s)
            pidx[sl] = p
            oidx[sl] = jnp.where(fx2, o, r)
            return 0

        lax.fori_loop(0, TOT // L, build, 0, unroll=False)

        def fire(t, b):
            off = pl.multiple_of(t * CHUNK, CHUNK)
            pltpu.async_copy(ent_h.at[sidx.at[pl.ds(off, CHUNK)]], es[b], ss[b])
            pltpu.async_copy(rel_h.at[pidx.at[pl.ds(off, CHUNK)]], ep[b], sp[b])
            pltpu.async_copy(ent_h.at[oidx.at[pl.ds(off, CHUNK)]], eo[b], so[b])

        def compute(t, b):
            off = pl.multiple_of(t * CHUNK, CHUNK)
            pltpu.make_async_copy(
                ent_h.at[sidx.at[pl.ds(off, CHUNK)]], es[b], ss[b]).wait()
            pltpu.make_async_copy(
                rel_h.at[pidx.at[pl.ds(off, CHUNK)]], ep[b], sp[b]).wait()
            pltpu.make_async_copy(
                ent_h.at[oidx.at[pl.ds(off, CHUNK)]], eo[b], so[b]).wait()

            def row_group(g, _):
                rows = g * L + lanes
                acc = jnp.zeros((L,), jnp.float32)
                for k in range(K):
                    kv = (lanes + k) & (K - 1)
                    a = plsc.load_gather(es[b], [rows, kv])
                    bb = plsc.load_gather(ep[b], [rows, kv])
                    c = plsc.load_gather(eo[b], [rows, kv])
                    acc = acc + a * bb * c
                score_all[pl.ds(off + g * L, L)] = acc
                return 0

            lax.fori_loop(0, NGROUP, row_group, 0, unroll=False)

        fire(0, 0)

        def step(s2, _):
            t0 = s2 * 2
            fire(t0 + 1, 1)
            compute(t0, 0)

            @pl.when(s2 < NSTEP // 2 - 1)
            def _():
                fire(t0 + 2, 0)

            compute(t0 + 1, 1)
            return 0

        lax.fori_loop(0, NSTEP // 2, step, 0, unroll=False)

        pltpu.sync_copy(score_all.at[pl.ds(0, ROWS_W)],
                        inp_out.at[pl.ds(tri_base, ROWS_W)])
        for m in range(ETA):
            doff = pl.multiple_of(m * BATCH + corr_base, ROWS_W)
            pltpu.sync_copy(score_all.at[pl.ds((m + 1) * ROWS_W, ROWS_W)],
                            corr_out.at[pl.ds(doff, ROWS_W)])

    return sc_call


_SC_CALL = _make_sc_call()


def kernel(triples, ent_emb, rel_emb, rand_entities, rand_side):
    side = rand_side.astype(jnp.int32)
    ent_pad = jnp.pad(ent_emb.T, ((0, KP - K), (0, 0))).T
    rel_pad = jnp.pad(rel_emb.T, ((0, KP - K), (0, 0))).T
    inp_score, corr_score = _SC_CALL(
        triples, rand_entities, side, ent_pad, rel_pad)
    return (inp_score, corr_score)

# --- scband reference (transcript-rebuilt; emitter-appended) ---
"""Pipeline reference for scband-embedding-model-29472065585630 (READ-ONLY COPY).

The authoritative reference and input builder live on the scoring server;
editing this copy changes nothing except your own understanding.
"""

import jax, jax.numpy as jnp
import numpy as np

BATCH = 16384
NUM_ENT = 1000000
NUM_REL = 1000
K = 64
ETA = 5

def setup_inputs(seed: int = 0):
    key = jax.random.key(seed)
    ks = jax.random.split(key, 7)
    subj = jax.random.randint(ks[0], (BATCH,), 0, NUM_ENT, dtype=jnp.int32)
    pred = jax.random.randint(ks[1], (BATCH,), 0, NUM_REL, dtype=jnp.int32)
    obj = jax.random.randint(ks[2], (BATCH,), 0, NUM_ENT, dtype=jnp.int32)
    triples = jnp.stack([subj, pred, obj], axis=1)
    ent_emb = jax.random.normal(ks[3], (NUM_ENT, K), dtype=jnp.float32) * 0.05
    rel_emb = jax.random.normal(ks[4], (NUM_REL, K), dtype=jnp.float32) * 0.05
    rand_entities = jax.random.randint(ks[5], (BATCH * ETA,), 0, NUM_ENT, dtype=jnp.int32)
    rand_side = jax.random.randint(ks[6], (BATCH * ETA,), 0, 2, dtype=jnp.int32) == 1
    return {"triples": triples, "ent_emb": ent_emb, "rel_emb": rel_emb,
            "rand_entities": rand_entities, "rand_side": rand_side}

def _distmult_score(t, ent_emb, rel_emb):
    # EmbeddingLookupLayer: gather entity/relation rows
    e_s = jnp.take(ent_emb, t[:, 0], axis=0)
    e_p = jnp.take(rel_emb, t[:, 1], axis=0)
    e_o = jnp.take(ent_emb, t[:, 2], axis=0)
    # DistMult scoring: sum(e_s * e_p * e_o)
    return jnp.sum(e_s * e_p * e_o, axis=-1)

def reference(triples, ent_emb, rel_emb, rand_entities, rand_side):
    # CorruptionGenerationLayerTrain: eta corruptions per triple,
    # replacing either subject or object with a random entity
    reps = jnp.tile(triples, (ETA, 1))
    corr_subj = jnp.where(rand_side, rand_entities, reps[:, 0])
    corr_obj = jnp.where(rand_side, reps[:, 2], rand_entities)
    corruptions = jnp.stack([corr_subj, reps[:, 1], corr_obj], axis=1)
    inp_score = _distmult_score(triples, ent_emb, rel_emb)
    corr_score = _distmult_score(corruptions, ent_emb, rel_emb)
    return (inp_score, corr_score)

if __name__ == "__main__":
    import jax
    _d = setup_inputs()
    print(jax.jit(kernel)(*tuple(_d.values())))

</pallas_src>

<mosaic_0001>
#map = affine_map<(d0, d1) -> (0, 0)>
#map1 = affine_map<(d0, d1) -> (0)>
module attributes {stable_mosaic.version = 14 : i64} {
  func.func @sc_call(%arg0: i32, %arg1: i32, %arg2: memref<16384x3xi32, #tpu.memory_space<hbm>>, %arg3: memref<81920xi32, #tpu.memory_space<hbm>>, %arg4: memref<81920xi32, #tpu.memory_space<hbm>>, %arg5: memref<1000000x128xf32, #tpu.memory_space<hbm>>, %arg6: memref<1000x128xf32, #tpu.memory_space<hbm>>, %arg7: memref<16384xf32, #tpu.memory_space<hbm>>, %arg8: memref<81920xf32, #tpu.memory_space<hbm>>, %arg9: memref<512x3xi32, #tpu.memory_space<vmem>>, %arg10: memref<2560xi32, #tpu.memory_space<vmem>>, %arg11: memref<2560xi32, #tpu.memory_space<vmem>>, %arg12: memref<3072xi32, #tpu.memory_space<vmem>>, %arg13: memref<3072xi32, #tpu.memory_space<vmem>>, %arg14: memref<3072xi32, #tpu.memory_space<vmem>>, %arg15: memref<3072xf32, #tpu.memory_space<vmem>>, %arg16: memref<128x128xf32, #tpu.memory_space<vmem>>, %arg17: memref<128x128xf32, #tpu.memory_space<vmem>>, %arg18: memref<128x128xf32, #tpu.memory_space<vmem>>, %arg19: memref<128x128xf32, #tpu.memory_space<vmem>>, %arg20: memref<128x128xf32, #tpu.memory_space<vmem>>, %arg21: memref<128x128xf32, #tpu.memory_space<vmem>>, %arg22: memref<!tpu.dma_semaphore, #tpu.memory_space<semaphore_mem>>, %arg23: memref<!tpu.dma_semaphore, #tpu.memory_space<semaphore_mem>>, %arg24: memref<!tpu.dma_semaphore, #tpu.memory_space<semaphore_mem>>, %arg25: memref<!tpu.dma_semaphore, #tpu.memory_space<semaphore_mem>>, %arg26: memref<!tpu.dma_semaphore, #tpu.memory_space<semaphore_mem>>, %arg27: memref<!tpu.dma_semaphore, #tpu.memory_space<semaphore_mem>>) attributes {dimension_semantics = [#tpu.dimension_semantics<core_parallel>, #tpu.dimension_semantics<subcore_parallel>], iteration_bounds = array<i64: 2, 16>, scalar_prefetch = 0 : i64, scratch_operands = 19 : i64, tpu.core_type = #tpu.core_type<sc_vector_subcore>, window_params = [{transform_indices = #map}, {transform_indices = #map1}, {transform_indices = #map1}, {transform_indices = #map}, {transform_indices = #map}, {transform_indices = #map1}, {transform_indices = #map1}]} {
    %mul3A = arith.constant 2 : i32
    %mul3A_0 = arith.muli %arg1, %mul3A : i32
    %add3A = arith.addi %mul3A_0, %arg0 : i32
    %mul3A_1 = arith.constant 512 : i32
    %mul3A_2 = arith.muli %add3A, %mul3A_1 : i32
    %multiple_of3A = tpu.assume_multiple %mul3A_2, 512 : i32
    %mul3A_3 = arith.constant 512 : i32
    %mul3A_4 = arith.muli %add3A, %mul3A_3 : i32
    %multiple_of3A_5 = tpu.assume_multiple %mul3A_4, 512 : i32
    %iota3A = tpu.iota {dimensions = array<i32: 0>} : vector<16xi32>
    %broadcast_in_dim3A = arith.constant 0 : i32
    %broadcast_in_dim3A_6 = vector.broadcast %broadcast_in_dim3A : i32 to vector<16xi32>
    %add3A_7 = arith.constant 1 : i32
    %add3A_8 = vector.broadcast %add3A_7 : i32 to vector<16xi32>
    %add3A_9 = arith.addi %broadcast_in_dim3A_6, %add3A_8 : vector<16xi32>
    %add3A_10 = arith.constant 2 : i32
    %add3A_11 = vector.broadcast %add3A_10 : i32 to vector<16xi32>
    %add3A_12 = arith.addi %broadcast_in_dim3A_6, %add3A_11 : vector<16xi32>
    "tpu.region"() ({
      %run_scoped3A = tpu.sem_alloc : memref<!tpu.dma_semaphore, #tpu.memory_space<semaphore_mem>>
      %dma_start3A_69 = arith.constant 0 : i32
      %dma_start3A_70 = tpu.memref_slice %arg2[%multiple_of3A, %dma_start3A_69] : memref<16384x3xi32, #tpu.memory_space<hbm>> -> memref<512x3xi32, #tpu.memory_space<hbm>>
      %dma_start3A_71 = arith.constant 0 : i32
      %dma_start3A_72 = tpu.memref_slice %arg2[%multiple_of3A, %dma_start3A_71] : memref<16384x3xi32, #tpu.memory_space<hbm>> -> memref<512x3xi32, #tpu.memory_space<hbm>>
      tpu.enqueue_dma source(%dma_start3A_72 : memref<512x3xi32, #tpu.memory_space<hbm>>) target(%arg9 : memref<512x3xi32, #tpu.memory_space<vmem>>) target_semaphore(%run_scoped3A : memref<!tpu.dma_semaphore, #tpu.memory_space<semaphore_mem>>)
      %dma_wait3A = arith.constant 0 : i32
      %dma_wait3A_73 = tpu.memref_slice %arg2[%multiple_of3A, %dma_wait3A] : memref<16384x3xi32, #tpu.memory_space<hbm>> -> memref<512x3xi32, #tpu.memory_space<hbm>>
      %dma_wait3A_74 = arith.constant 0 : i32
      %dma_wait3A_75 = tpu.memref_slice %arg2[%multiple_of3A, %dma_wait3A_74] : memref<16384x3xi32, #tpu.memory_space<hbm>> -> memref<512x3xi32, #tpu.memory_space<hbm>>
      tpu.wait_dma2 semaphore(%run_scoped3A : memref<!tpu.dma_semaphore, #tpu.memory_space<semaphore_mem>>) src(%dma_wait3A_75 : memref<512x3xi32, #tpu.memory_space<hbm>>) dst(%arg9 : memref<512x3xi32, #tpu.memory_space<vmem>>)
      tpu.yield
    }) : () -> ()
    %add3A_13 = arith.constant 0 : i32
    %add3A_14 = arith.addi %add3A_13, %multiple_of3A_5 : i32
    %multiple_of3A_15 = tpu.assume_multiple %add3A_14, 512 : i32
    "tpu.region"() ({
      %run_scoped3A = tpu.sem_alloc : memref<!tpu.dma_semaphore, #tpu.memory_space<semaphore_mem>>
      %dma_start3A_69 = arith.constant 0 : i32
      %dma_start3A_70 = tpu.memref_slice %arg10[%dma_start3A_69] : memref<2560xi32, #tpu.memory_space<vmem>> -> memref<512xi32, #tpu.memory_space<vmem>>
      %dma_start3A_71 = tpu.memref_slice %arg3[%multiple_of3A_15] : memref<81920xi32, #tpu.memory_space<hbm>> -> memref<512xi32, #tpu.memory_space<hbm>>
      %dma_start3A_72 = arith.constant 0 : i32
      %dma_start3A_73 = tpu.memref_slice %arg10[%dma_start3A_72] : memref<2560xi32, #tpu.memory_space<vmem>> -> memref<512xi32, #tpu.memory_space<vmem>>
      %dma_start3A_74 = tpu.memref_slice %arg3[%multiple_of3A_15] : memref<81920xi32, #tpu.memory_space<hbm>> -> memref<512xi32, #tpu.memory_space<hbm>>
      tpu.enqueue_dma source(%dma_start3A_74 : memref<512xi32, #tpu.memory_space<hbm>>) target(%dma_start3A_73 : memref<512xi32, #tpu.memory_space<vmem>>) target_semaphore(%run_scoped3A : memref<!tpu.dma_semaphore, #tpu.memory_space<semaphore_mem>>)
      %dma_wait3A = arith.constant 0 : i32
      %dma_wait3A_75 = tpu.memref_slice %arg10[%dma_wait3A] : memref<2560xi32, #tpu.memory_space<vmem>> -> memref<512xi32, #tpu.memory_space<vmem>>
      %dma_wait3A_76 = tpu.memref_slice %arg3[%multiple_of3A_15] : memref<81920xi32, #tpu.memory_space<hbm>> -> memref<512xi32, #tpu.memory_space<hbm>>
      %dma_wait3A_77 = arith.constant 0 : i32
      %dma_wait3A_78 = tpu.memref_slice %arg10[%dma_wait3A_77] : memref<2560xi32, #tpu.memory_space<vmem>> -> memref<512xi32, #tpu.memory_space<vmem>>
      %dma_wait3A_79 = tpu.memref_slice %arg3[%multiple_of3A_15] : memref<81920xi32, #tpu.memory_space<hbm>> -> memref<512xi32, #tpu.memory_space<hbm>>
      tpu.wait_dma2 semaphore(%run_scoped3A : memref<!tpu.dma_semaphore, #tpu.memory_space<semaphore_mem>>) src(%dma_wait3A_79 : memref<512xi32, #tpu.memory_space<hbm>>) dst(%dma_wait3A_78 : memref<512xi32, #tpu.memory_space<vmem>>)
      tpu.yield
    }) : () -> ()
    "tpu.region"() ({
      %run_scoped3A = tpu.sem_alloc : memref<!tpu.dma_semaphore, #tpu.memory_space<semaphore_mem>>
      %dma_start3A_69 = arith.constant 0 : i32
      %dma_start3A_70 = tpu.memref_slice %arg11[%dma_start3A_69] : memref<2560xi32, #tpu.memory_space<vmem>> -> memref<512xi32, #tpu.memory_space<vmem>>
      %dma_start3A_71 = tpu.memref_slice %arg4[%multiple_of3A_15] : memref<81920xi32, #tpu.memory_space<hbm>> -> memref<512xi32, #tpu.memory_space<hbm>>
      %dma_start3A_72 = arith.constant 0 : i32
      %dma_start3A_73 = tpu.memref_slice %arg11[%dma_start3A_72] : memref<2560xi32, #tpu.memory_space<vmem>> -> memref<512xi32, #tpu.memory_space<vmem>>
      %dma_start3A_74 = tpu.memref_slice %arg4[%multiple_of3A_15] : memref<81920xi32, #tpu.memory_space<hbm>> -> memref<512xi32, #tpu.memory_space<hbm>>
      tpu.enqueue_dma source(%dma_start3A_74 : memref<512xi32, #tpu.memory_space<hbm>>) target(%dma_start3A_73 : memref<512xi32, #tpu.memory_space<vmem>>) target_semaphore(%run_scoped3A : memref<!tpu.dma_semaphore, #tpu.memory_space<semaphore_mem>>)
      %dma_wait3A = arith.constant 0 : i32
      %dma_wait3A_75 = tpu.memref_slice %arg11[%dma_wait3A] : memref<2560xi32, #tpu.memory_space<vmem>> -> memref<512xi32, #tpu.memory_space<vmem>>
      %dma_wait3A_76 = tpu.memref_slice %arg4[%multiple_of3A_15] : memref<81920xi32, #tpu.memory_space<hbm>> -> memref<512xi32, #tpu.memory_space<hbm>>
      %dma_wait3A_77 = arith.constant 0 : i32
      %dma_wait3A_78 = tpu.memref_slice %arg11[%dma_wait3A_77] : memref<2560xi32, #tpu.memory_space<vmem>> -> memref<512xi32, #tpu.memory_space<vmem>>
      %dma_wait3A_79 = tpu.memref_slice %arg4[%multiple_of3A_15] : memref<81920xi32, #tpu.memory_space<hbm>> -> memref<512xi32, #tpu.memory_space<hbm>>
      tpu.wait_dma2 semaphore(%run_scoped3A : memref<!tpu.dma_semaphore, #tpu.memory_space<semaphore_mem>>) src(%dma_wait3A_79 : memref<512xi32, #tpu.memory_space<hbm>>) dst(%dma_wait3A_78 : memref<512xi32, #tpu.memory_space<vmem>>)
      tpu.yield
    }) : () -> ()
    %add3A_16 = arith.constant 16384 : i32
    %add3A_17 = arith.addi %add3A_16, %multiple_of3A_5 : i32
    %multiple_of3A_18 = tpu.assume_multiple %add3A_17, 512 : i32
    "tpu.region"() ({
      %run_scoped3A = tpu.sem_alloc : memref<!tpu.dma_semaphore, #tpu.memory_space<semaphore_mem>>
      %dma_start3A_69 = arith.constant 512 : i32
      %dma_start3A_70 = tpu.memref_slice %arg10[%dma_start3A_69] : memref<2560xi32, #tpu.memory_space<vmem>> -> memref<512xi32, #tpu.memory_space<vmem>>
      %dma_start3A_71 = tpu.memref_slice %arg3[%multiple_of3A_18] : memref<81920xi32, #tpu.memory_space<hbm>> -> memref<512xi32, #tpu.memory_space<hbm>>
      %dma_start3A_72 = arith.constant 512 : i32
      %dma_start3A_73 = tpu.memref_slice %arg10[%dma_start3A_72] : memref<2560xi32, #tpu.memory_space<vmem>> -> memref<512xi32, #tpu.memory_space<vmem>>
      %dma_start3A_74 = tpu.memref_slice %arg3[%multiple_of3A_18] : memref<81920xi32, #tpu.memory_space<hbm>> -> memref<512xi32, #tpu.memory_space<hbm>>
      tpu.enqueue_dma source(%dma_start3A_74 : memref<512xi32, #tpu.memory_space<hbm>>) target(%dma_start3A_73 : memref<512xi32, #tpu.memory_space<vmem>>) target_semaphore(%run_scoped3A : memref<!tpu.dma_semaphore, #tpu.memory_space<semaphore_mem>>)
      %dma_wait3A = arith.constant 512 : i32
      %dma_wait3A_75 = tpu.memref_slice %arg10[%dma_wait3A] : memref<2560xi32, #tpu.memory_space<vmem>> -> memref<512xi32, #tpu.memory_space<vmem>>
      %dma_wait3A_76 = tpu.memref_slice %arg3[%multiple_of3A_18] : memref<81920xi32, #tpu.memory_space<hbm>> -> memref<512xi32, #tpu.memory_space<hbm>>
      %dma_wait3A_77 = arith.constant 512 : i32
      %dma_wait3A_78 = tpu.memref_slice %arg10[%dma_wait3A_77] : memref<2560xi32, #tpu.memory_space<vmem>> -> memref<512xi32, #tpu.memory_space<vmem>>
      %dma_wait3A_79 = tpu.memref_slice %arg3[%multiple_of3A_18] : memref<81920xi32, #tpu.memory_space<hbm>> -> memref<512xi32, #tpu.memory_space<hbm>>
      tpu.wait_dma2 semaphore(%run_scoped3A : memref<!tpu.dma_semaphore, #tpu.memory_space<semaphore_mem>>) src(%dma_wait3A_79 : memref<512xi32, #tpu.memory_space<hbm>>) dst(%dma_wait3A_78 : memref<512xi32, #tpu.memory_space<vmem>>)
      tpu.yield
    }) : () -> ()
    "tpu.region"() ({
      %run_scoped3A = tpu.sem_alloc : memref<!tpu.dma_semaphore, #tpu.memory_space<semaphore_mem>>
      %dma_start3A_69 = arith.constant 512 : i32
      %dma_start3A_70 = tpu.memref_slice %arg11[%dma_start3A_69] : memref<2560xi32, #tpu.memory_space<vmem>> -> memref<512xi32, #tpu.memory_space<vmem>>
      %dma_start3A_71 = tpu.memref_slice %arg4[%multiple_of3A_18] : memref<81920xi32, #tpu.memory_space<hbm>> -> memref<512xi32, #tpu.memory_space<hbm>>
      %dma_start3A_72 = arith.constant 512 : i32
      %dma_start3A_73 = tpu.memref_slice %arg11[%dma_start3A_72] : memref<2560xi32, #tpu.memory_space<vmem>> -> memref<512xi32, #tpu.memory_space<vmem>>
      %dma_start3A_74 = tpu.memref_slice %arg4[%multiple_of3A_18] : memref<81920xi32, #tpu.memory_space<hbm>> -> memref<512xi32, #tpu.memory_space<hbm>>
      tpu.enqueue_dma source(%dma_start3A_74 : memref<512xi32, #tpu.memory_space<hbm>>) target(%dma_start3A_73 : memref<512xi32, #tpu.memory_space<vmem>>) target_semaphore(%run_scoped3A : memref<!tpu.dma_semaphore, #tpu.memory_space<semaphore_mem>>)
      %dma_wait3A = arith.constant 512 : i32
      %dma_wait3A_75 = tpu.memref_slice %arg11[%dma_wait3A] : memref<2560xi32, #tpu.memory_space<vmem>> -> memref<512xi32, #tpu.memory_space<vmem>>
      %dma_wait3A_76 = tpu.memref_slice %arg4[%multiple_of3A_18] : memref<81920xi32, #tpu.memory_space<hbm>> -> memref<512xi32, #tpu.memory_space<hbm>>
      %dma_wait3A_77 = arith.constant 512 : i32
      %dma_wait3A_78 = tpu.memref_slice %arg11[%dma_wait3A_77] : memref<2560xi32, #tpu.memory_space<vmem>> -> memref<512xi32, #tpu.memory_space<vmem>>
      %dma_wait3A_79 = tpu.memref_slice %arg4[%multiple_of3A_18] : memref<81920xi32, #tpu.memory_space<hbm>> -> memref<512xi32, #tpu.memory_space<hbm>>
      tpu.wait_dma2 semaphore(%run_scoped3A : memref<!tpu.dma_semaphore, #tpu.memory_space<semaphore_mem>>) src(%dma_wait3A_79 : memref<512xi32, #tpu.memory_space<hbm>>) dst(%dma_wait3A_78 : memref<512xi32, #tpu.memory_space<vmem>>)
      tpu.yield
    }) : () -> ()
    %add3A_19 = arith.constant 32768 : i32
    %add3A_20 = arith.addi %add3A_19, %multiple_of3A_5 : i32
    %multiple_of3A_21 = tpu.assume_multiple %add3A_20, 512 : i32
    "tpu.region"() ({
      %run_scoped3A = tpu.sem_alloc : memref<!tpu.dma_semaphore, #tpu.memory_space<semaphore_mem>>
      %dma_start3A_69 = arith.constant 1024 : i32
      %dma_start3A_70 = tpu.memref_slice %arg10[%dma_start3A_69] : memref<2560xi32, #tpu.memory_space<vmem>> -> memref<512xi32, #tpu.memory_space<vmem>>
      %dma_start3A_71 = tpu.memref_slice %arg3[%multiple_of3A_21] : memref<81920xi32, #tpu.memory_space<hbm>> -> memref<512xi32, #tpu.memory_space<hbm>>
      %dma_start3A_72 = arith.constant 1024 : i32
      %dma_start3A_73 = tpu.memref_slice %arg10[%dma_start3A_72] : memref<2560xi32, #tpu.memory_space<vmem>> -> memref<512xi32, #tpu.memory_space<vmem>>
      %dma_start3A_74 = tpu.memref_slice %arg3[%multiple_of3A_21] : memref<81920xi32, #tpu.memory_space<hbm>> -> memref<512xi32, #tpu.memory_space<hbm>>
      tpu.enqueue_dma source(%dma_start3A_74 : memref<512xi32, #tpu.memory_space<hbm>>) target(%dma_start3A_73 : memref<512xi32, #tpu.memory_space<vmem>>) target_semaphore(%run_scoped3A : memref<!tpu.dma_semaphore, #tpu.memory_space<semaphore_mem>>)
      %dma_wait3A = arith.constant 1024 : i32
      %dma_wait3A_75 = tpu.memref_slice %arg10[%dma_wait3A] : memref<2560xi32, #tpu.memory_space<vmem>> -> memref<512xi32, #tpu.memory_space<vmem>>
      %dma_wait3A_76 = tpu.memref_slice %arg3[%multiple_of3A_21] : memref<81920xi32, #tpu.memory_space<hbm>> -> memref<512xi32, #tpu.memory_space<hbm>>
      %dma_wait3A_77 = arith.constant 1024 : i32
      %dma_wait3A_78 = tpu.memref_slice %arg10[%dma_wait3A_77] : memref<2560xi32, #tpu.memory_space<vmem>> -> memref<512xi32, #tpu.memory_space<vmem>>
      %dma_wait3A_79 = tpu.memref_slice %arg3[%multiple_of3A_21] : memref<81920xi32, #tpu.memory_space<hbm>> -> memref<512xi32, #tpu.memory_space<hbm>>
      tpu.wait_dma2 semaphore(%run_scoped3A : memref<!tpu.dma_semaphore, #tpu.memory_space<semaphore_mem>>) src(%dma_wait3A_79 : memref<512xi32, #tpu.memory_space<hbm>>) dst(%dma_wait3A_78 : memref<512xi32, #tpu.memory_space<vmem>>)
      tpu.yield
    }) : () -> ()
    "tpu.region"() ({
      %run_scoped3A = tpu.sem_alloc : memref<!tpu.dma_semaphore, #tpu.memory_space<semaphore_mem>>
      %dma_start3A_69 = arith.constant 1024 : i32
      %dma_start3A_70 = tpu.memref_slice %arg11[%dma_start3A_69] : memref<2560xi32, #tpu.memory_space<vmem>> -> memref<512xi32, #tpu.memory_space<vmem>>
      %dma_start3A_71 = tpu.memref_slice %arg4[%multiple_of3A_21] : memref<81920xi32, #tpu.memory_space<hbm>> -> memref<512xi32, #tpu.memory_space<hbm>>
      %dma_start3A_72 = arith.constant 1024 : i32
      %dma_start3A_73 = tpu.memref_slice %arg11[%dma_start3A_72] : memref<2560xi32, #tpu.memory_space<vmem>> -> memref<512xi32, #tpu.memory_space<vmem>>
      %dma_start3A_74 = tpu.memref_slice %arg4[%multiple_of3A_21] : memref<81920xi32, #tpu.memory_space<hbm>> -> memref<512xi32, #tpu.memory_space<hbm>>
      tpu.enqueue_dma source(%dma_start3A_74 : memref<512xi32, #tpu.memory_space<hbm>>) target(%dma_start3A_73 : memref<512xi32, #tpu.memory_space<vmem>>) target_semaphore(%run_scoped3A : memref<!tpu.dma_semaphore, #tpu.memory_space<semaphore_mem>>)
      %dma_wait3A = arith.constant 1024 : i32
      %dma_wait3A_75 = tpu.memref_slice %arg11[%dma_wait3A] : memref<2560xi32, #tpu.memory_space<vmem>> -> memref<512xi32, #tpu.memory_space<vmem>>
      %dma_wait3A_76 = tpu.memref_slice %arg4[%multiple_of3A_21] : memref<81920xi32, #tpu.memory_space<hbm>> -> memref<512xi32, #tpu.memory_space<hbm>>
      %dma_wait3A_77 = arith.constant 1024 : i32
      %dma_wait3A_78 = tpu.memref_slice %arg11[%dma_wait3A_77] : memref<2560xi32, #tpu.memory_space<vmem>> -> memref<512xi32, #tpu.memory_space<vmem>>
      %dma_wait3A_79 = tpu.memref_slice %arg4[%multiple_of3A_21] : memref<81920xi32, #tpu.memory_space<hbm>> -> memref<512xi32, #tpu.memory_space<hbm>>
      tpu.wait_dma2 semaphore(%run_scoped3A : memref<!tpu.dma_semaphore, #tpu.memory_space<semaphore_mem>>) src(%dma_wait3A_79 : memref<512xi32, #tpu.memory_space<hbm>>) dst(%dma_wait3A_78 : memref<512xi32, #tpu.memory_space<vmem>>)
      tpu.yield
    }) : () -> ()
    %add3A_22 = arith.constant 49152 : i32
    %add3A_23 = arith.addi %add3A_22, %multiple_of3A_5 : i32
    %multiple_of3A_24 = tpu.assume_multiple %add3A_23, 512 : i32
    "tpu.region"() ({
      %run_scoped3A = tpu.sem_alloc : memref<!tpu.dma_semaphore, #tpu.memory_space<semaphore_mem>>
      %dma_start3A_69 = arith.constant 1536 : i32
      %dma_start3A_70 = tpu.memref_slice %arg10[%dma_start3A_69] : memref<2560xi32, #tpu.memory_space<vmem>> -> memref<512xi32, #tpu.memory_space<vmem>>
      %dma_start3A_71 = tpu.memref_slice %arg3[%multiple_of3A_24] : memref<81920xi32, #tpu.memory_space<hbm>> -> memref<512xi32, #tpu.memory_space<hbm>>
      %dma_start3A_72 = arith.constant 1536 : i32
      %dma_start3A_73 = tpu.memref_slice %arg10[%dma_start3A_72] : memref<2560xi32, #tpu.memory_space<vmem>> -> memref<512xi32, #tpu.memory_space<vmem>>
      %dma_start3A_74 = tpu.memref_slice %arg3[%multiple_of3A_24] : memref<81920xi32, #tpu.memory_space<hbm>> -> memref<512xi32, #tpu.memory_space<hbm>>
      tpu.enqueue_dma source(%dma_start3A_74 : memref<512xi32, #tpu.memory_space<hbm>>) target(%dma_start3A_73 : memref<512xi32, #tpu.memory_space<vmem>>) target_semaphore(%run_scoped3A : memref<!tpu.dma_semaphore, #tpu.memory_space<semaphore_mem>>)
      %dma_wait3A = arith.constant 1536 : i32
      %dma_wait3A_75 = tpu.memref_slice %arg10[%dma_wait3A] : memref<2560xi32, #tpu.memory_space<vmem>> -> memref<512xi32, #tpu.memory_space<vmem>>
      %dma_wait3A_76 = tpu.memref_slice %arg3[%multiple_of3A_24] : memref<81920xi32, #tpu.memory_space<hbm>> -> memref<512xi32, #tpu.memory_space<hbm>>
      %dma_wait3A_77 = arith.constant 1536 : i32
      %dma_wait3A_78 = tpu.memref_slice %arg10[%dma_wait3A_77] : memref<2560xi32, #tpu.memory_space<vmem>> -> memref<512xi32, #tpu.memory_space<vmem>>
      %dma_wait3A_79 = tpu.memref_slice %arg3[%multiple_of3A_24] : memref<81920xi32, #tpu.memory_space<hbm>> -> memref<512xi32, #tpu.memory_space<hbm>>
      tpu.wait_dma2 semaphore(%run_scoped3A : memref<!tpu.dma_semaphore, #tpu.memory_space<semaphore_mem>>) src(%dma_wait3A_79 : memref<512xi32, #tpu.memory_space<hbm>>) dst(%dma_wait3A_78 : memref<512xi32, #tpu.memory_space<vmem>>)
      tpu.yield
    }) : () -> ()
    "tpu.region"() ({
      %run_scoped3A = tpu.sem_alloc : memref<!tpu.dma_semaphore, #tpu.memory_space<semaphore_mem>>
      %dma_start3A_69 = arith.constant 1536 : i32
      %dma_start3A_70 = tpu.memref_slice %arg11[%dma_start3A_69] : memref<2560xi32, #tpu.memory_space<vmem>> -> memref<512xi32, #tpu.memory_space<vmem>>
      %dma_start3A_71 = tpu.memref_slice %arg4[%multiple_of3A_24] : memref<81920xi32, #tpu.memory_space<hbm>> -> memref<512xi32, #tpu.memory_space<hbm>>
      %dma_start3A_72 = arith.constant 1536 : i32
      %dma_start3A_73 = tpu.memref_slice %arg11[%dma_start3A_72] : memref<2560xi32, #tpu.memory_space<vmem>> -> memref<512xi32, #tpu.memory_space<vmem>>
      %dma_start3A_74 = tpu.memref_slice %arg4[%multiple_of3A_24] : memref<81920xi32, #tpu.memory_space<hbm>> -> memref<512xi32, #tpu.memory_space<hbm>>
      tpu.enqueue_dma source(%dma_start3A_74 : memref<512xi32, #tpu.memory_space<hbm>>) target(%dma_start3A_73 : memref<512xi32, #tpu.memory_space<vmem>>) target_semaphore(%run_scoped3A : memref<!tpu.dma_semaphore, #tpu.memory_space<semaphore_mem>>)
      %dma_wait3A = arith.constant 1536 : i32
      %dma_wait3A_75 = tpu.memref_slice %arg11[%dma_wait3A] : memref<2560xi32, #tpu.memory_space<vmem>> -> memref<512xi32, #tpu.memory_space<vmem>>
      %dma_wait3A_76 = tpu.memref_slice %arg4[%multiple_of3A_24] : memref<81920xi32, #tpu.memory_space<hbm>> -> memref<512xi32, #tpu.memory_space<hbm>>
      %dma_wait3A_77 = arith.constant 1536 : i32
      %dma_wait3A_78 = tpu.memref_slice %arg11[%dma_wait3A_77] : memref<2560xi32, #tpu.memory_space<vmem>> -> memref<512xi32, #tpu.memory_space<vmem>>
      %dma_wait3A_79 = tpu.memref_slice %arg4[%multiple_of3A_24] : memref<81920xi32, #tpu.memory_space<hbm>> -> memref<512xi32, #tpu.memory_space<hbm>>
      tpu.wait_dma2 semaphore(%run_scoped3A : memref<!tpu.dma_semaphore, #tpu.memory_space<semaphore_mem>>) src(%dma_wait3A_79 : memref<512xi32, #tpu.memory_space<hbm>>) dst(%dma_wait3A_78 : memref<512xi32, #tpu.memory_space<vmem>>)
      tpu.yield
    }) : () -> ()
    %add3A_25 = arith.constant 65536 : i32
    %add3A_26 = arith.addi %add3A_25, %multiple_of3A_5 : i32
    %multiple_of3A_27 = tpu.assume_multiple %add3A_26, 512 : i32
    "tpu.region"() ({
      %run_scoped3A = tpu.sem_alloc : memref<!tpu.dma_semaphore, #tpu.memory_space<semaphore_mem>>
      %dma_start3A_69 = arith.constant 2048 : i32
      %dma_start3A_70 = tpu.memref_slice %arg10[%dma_start3A_69] : memref<2560xi32, #tpu.memory_space<vmem>> -> memref<512xi32, #tpu.memory_space<vmem>>
      %dma_start3A_71 = tpu.memref_slice %arg3[%multiple_of3A_27] : memref<81920xi32, #tpu.memory_space<hbm>> -> memref<512xi32, #tpu.memory_space<hbm>>
      %dma_start3A_72 = arith.constant 2048 : i32
      %dma_start3A_73 = tpu.memref_slice %arg10[%dma_start3A_72] : memref<2560xi32, #tpu.memory_space<vmem>> -> memref<512xi32, #tpu.memory_space<vmem>>
      %dma_start3A_74 = tpu.memref_slice %arg3[%multiple_of3A_27] : memref<81920xi32, #tpu.memory_space<hbm>> -> memref<512xi32, #tpu.memory_space<hbm>>
      tpu.enqueue_dma source(%dma_start3A_74 : memref<512xi32, #tpu.memory_space<hbm>>) target(%dma_start3A_73 : memref<512xi32, #tpu.memory_space<vmem>>) target_semaphore(%run_scoped3A : memref<!tpu.dma_semaphore, #tpu.memory_space<semaphore_mem>>)
      %dma_wait3A = arith.constant 2048 : i32
      %dma_wait3A_75 = tpu.memref_slice %arg10[%dma_wait3A] : memref<2560xi32, #tpu.memory_space<vmem>> -> memref<512xi32, #tpu.memory_space<vmem>>
      %dma_wait3A_76 = tpu.memref_slice %arg3[%multiple_of3A_27] : memref<81920xi32, #tpu.memory_space<hbm>> -> memref<512xi32, #tpu.memory_space<hbm>>
      %dma_wait3A_77 = arith.constant 2048 : i32
      %dma_wait3A_78 = tpu.memref_slice %arg10[%dma_wait3A_77] : memref<2560xi32, #tpu.memory_space<vmem>> -> memref<512xi32, #tpu.memory_space<vmem>>
      %dma_wait3A_79 = tpu.memref_slice %arg3[%multiple_of3A_27] : memref<81920xi32, #tpu.memory_space<hbm>> -> memref<512xi32, #tpu.memory_space<hbm>>
      tpu.wait_dma2 semaphore(%run_scoped3A : memref<!tpu.dma_semaphore, #tpu.memory_space<semaphore_mem>>) src(%dma_wait3A_79 : memref<512xi32, #tpu.memory_space<hbm>>) dst(%dma_wait3A_78 : memref<512xi32, #tpu.memory_space<vmem>>)
      tpu.yield
    }) : () -> ()
    "tpu.region"() ({
      %run_scoped3A = tpu.sem_alloc : memref<!tpu.dma_semaphore, #tpu.memory_space<semaphore_mem>>
      %dma_start3A_69 = arith.constant 2048 : i32
      %dma_start3A_70 = tpu.memref_slice %arg11[%dma_start3A_69] : memref<2560xi32, #tpu.memory_space<vmem>> -> memref<512xi32, #tpu.memory_space<vmem>>
      %dma_start3A_71 = tpu.memref_slice %arg4[%multiple_of3A_27] : memref<81920xi32, #tpu.memory_space<hbm>> -> memref<512xi32, #tpu.memory_space<hbm>>
      %dma_start3A_72 = arith.constant 2048 : i32
      %dma_start3A_73 = tpu.memref_slice %arg11[%dma_start3A_72] : memref<2560xi32, #tpu.memory_space<vmem>> -> memref<512xi32, #tpu.memory_space<vmem>>
      %dma_start3A_74 = tpu.memref_slice %arg4[%multiple_of3A_27] : memref<81920xi32, #tpu.memory_space<hbm>> -> memref<512xi32, #tpu.memory_space<hbm>>
      tpu.enqueue_dma source(%dma_start3A_74 : memref<512xi32, #tpu.memory_space<hbm>>) target(%dma_start3A_73 : memref<512xi32, #tpu.memory_space<vmem>>) target_semaphore(%run_scoped3A : memref<!tpu.dma_semaphore, #tpu.memory_space<semaphore_mem>>)
      %dma_wait3A = arith.constant 2048 : i32
      %dma_wait3A_75 = tpu.memref_slice %arg11[%dma_wait3A] : memref<2560xi32, #tpu.memory_space<vmem>> -> memref<512xi32, #tpu.memory_space<vmem>>
      %dma_wait3A_76 = tpu.memref_slice %arg4[%multiple_of3A_27] : memref<81920xi32, #tpu.memory_space<hbm>> -> memref<512xi32, #tpu.memory_space<hbm>>
      %dma_wait3A_77 = arith.constant 2048 : i32
      %dma_wait3A_78 = tpu.memref_slice %arg11[%dma_wait3A_77] : memref<2560xi32, #tpu.memory_space<vmem>> -> memref<512xi32, #tpu.memory_space<vmem>>
      %dma_wait3A_79 = tpu.memref_slice %arg4[%multiple_of3A_27] : memref<81920xi32, #tpu.memory_space<hbm>> -> memref<512xi32, #tpu.memory_space<hbm>>
      tpu.wait_dma2 semaphore(%run_scoped3A : memref<!tpu.dma_semaphore, #tpu.memory_space<semaphore_mem>>) src(%dma_wait3A_79 : memref<512xi32, #tpu.memory_space<hbm>>) dst(%dma_wait3A_78 : memref<512xi32, #tpu.memory_space<vmem>>)
      tpu.yield
    }) : () -> ()
    %scan3A = arith.constant 0 : i32
    %scan3A_28 = arith.constant 0 : i32
    %scan3A_29 = arith.constant 192 : i32
    %scan3A_30 = arith.addi %scan3A_28, %scan3A_29 : i32
    %scan3A_31 = arith.constant 1 : i32
    %scan3A_32 = scf.for %scan3A_69 = %scan3A_28 to %scan3A_30 step %scan3A_31 iter_args(%scan3A_70 = %scan3A) -> (i32)  : i32 {
      %jit3A = arith.constant 32 : i32
      %div3A = arith.divsi %scan3A_69, %jit3A : i32
      %sign3A = arith.constant 0 : i32
      %sign3A_71 = arith.cmpi sgt, %scan3A_69, %sign3A : i32
      %sign3A_72 = arith.extui %sign3A_71 : i1 to i32
      %sign3A_73 = arith.constant 0 : i32
      %sign3A_74 = arith.cmpi slt, %scan3A_69, %sign3A_73 : i32
      %sign3A_75 = arith.extui %sign3A_74 : i1 to i32
      %sign3A_76 = arith.subi %sign3A_72, %sign3A_75 : i32
      %sign3A_77 = arith.constant 0 : i32
      %sign3A_78 = arith.cmpi sgt, %jit3A, %sign3A_77 : i32
      %sign3A_79 = arith.extui %sign3A_78 : i1 to i32
      %sign3A_80 = arith.constant 0 : i32
      %sign3A_81 = arith.cmpi slt, %jit3A, %sign3A_80 : i32
      %sign3A_82 = arith.extui %sign3A_81 : i1 to i32
      %sign3A_83 = arith.subi %sign3A_79, %sign3A_82 : i32
      %ne3A = arith.cmpi ne, %sign3A_76, %sign3A_83 : i32
      %rem3A = arith.remsi %scan3A_69, %jit3A : i32
      %ne3A_84 = arith.constant 0 : i32
      %ne3A_85 = arith.cmpi ne, %rem3A, %ne3A_84 : i32
      %and3A = arith.andi %ne3A, %ne3A_85 : i1
      %sub3A = arith.constant 1 : i32
      %sub3A_86 = arith.subi %div3A, %sub3A : i32
      %select_n3A = arith.select %and3A, %sub3A_86, %div3A : i32
      %mul3A_87 = arith.constant 16 : i32
      %mul3A_88 = arith.muli %scan3A_69, %mul3A_87 : i32
      %mul3A_89 = arith.constant 512 : i32
      %mul3A_90 = arith.muli %select_n3A, %mul3A_89 : i32
      %sub3A_91 = arith.subi %mul3A_88, %mul3A_90 : i32
      %add3A_92 = vector.broadcast %sub3A_91 : i32 to vector<16xi32>
      %add3A_93 = arith.addi %add3A_92, %iota3A : vector<16xi32>
      %gather3A = tpu.vector_load_idx %arg9[%add3A_93, %broadcast_in_dim3A_6] : memref<512x3xi32, #tpu.memory_space<vmem>>[vector<16xi32>, vector<16xi32>], vector<16xi32>,
      %gather3A_94 = tpu.vector_load_idx %arg9[%add3A_93, %add3A_9] : memref<512x3xi32, #tpu.memory_space<vmem>>[vector<16xi32>, vector<16xi32>], vector<16xi32>,
      %gather3A_95 = tpu.vector_load_idx %arg9[%add3A_93, %add3A_12] : memref<512x3xi32, #tpu.memory_space<vmem>>[vector<16xi32>, vector<16xi32>], vector<16xi32>,
      %mul3A_96 = arith.constant 16 : i32
      %mul3A_97 = arith.muli %scan3A_69, %mul3A_96 : i32
      %sub3A_98 = arith.constant 512 : i32
      %sub3A_99 = arith.subi %mul3A_97, %sub3A_98 : i32
      %max3A = arith.constant 0 : i32
      %max3A_100 = arith.maxsi %sub3A_99, %max3A : i32
      %get3A = arith.index_cast %max3A_100 : i32 to index
      %get3A_101 = tpu.vector_load %arg10[%get3A] {strides = array<i32>} : memref<2560xi32, #tpu.memory_space<vmem>>, vector<16xi32>,
      %get3A_102 = arith.index_cast %max3A_100 : i32 to index
      %get3A_103 = tpu.vector_load %arg11[%get3A_102] {strides = array<i32>} : memref<2560xi32, #tpu.memory_space<vmem>>, vector<16xi32>,
      %ne3A_104 = arith.constant 0 : i32
      %ne3A_105 = vector.broadcast %ne3A_104 : i32 to vector<16xi32>
      %ne3A_106 = arith.cmpi ne, %get3A_103, %ne3A_105 : vector<16xi32>
      %add3A_107 = vector.broadcast %select_n3A : i32 to vector<16xi32>
      %add3A_108 = arith.addi %broadcast_in_dim3A_6, %add3A_107 : vector<16xi32>
      %gt3A = arith.constant 0 : i32
      %gt3A_109 = vector.broadcast %gt3A : i32 to vector<16xi32>
      %gt3A_110 = arith.cmpi sgt, %add3A_108, %gt3A_109 : vector<16xi32>
      %and3A_111 = arith.andi %ne3A_106, %gt3A_110 : vector<16xi1>
      %not3A = arith.constant dense<true> : vector<16xi1>
      %not3A_112 = arith.xori %gt3A_110, %not3A : vector<16xi1>
      %or3A = arith.ori %ne3A_106, %not3A_112 : vector<16xi1>
      %mul3A_113 = arith.constant 16 : i32
      %mul3A_114 = arith.muli %scan3A_69, %mul3A_113 : i32
      %select_n3A_115 = arith.select %and3A_111, %get3A_101, %gather3A : vector<16xi1>, vector<16xi32>
      %swap3A = arith.index_cast %mul3A_114 : i32 to index
      %swap3A_116 = tpu.vector_load %arg12[%swap3A] {strides = array<i32>} : memref<3072xi32, #tpu.memory_space<vmem>>, vector<16xi32>,
      tpu.vector_store %arg12[%swap3A], %select_n3A_115 {strides = array<i32>} : memref<3072xi32, #tpu.memory_space<vmem>>, vector<16xi32>,
      %swap3A_117 = arith.index_cast %mul3A_114 : i32 to index
      %swap3A_118 = tpu.vector_load %arg13[%swap3A_117] {strides = array<i32>} : memref<3072xi32, #tpu.memory_space<vmem>>, vector<16xi32>,
      tpu.vector_store %arg13[%swap3A_117], %gather3A_94 {strides = array<i32>} : memref<3072xi32, #tpu.memory_space<vmem>>, vector<16xi32>,
      %select_n3A_119 = arith.select %or3A, %gather3A_95, %get3A_101 : vector<16xi1>, vector<16xi32>
      %swap3A_120 = arith.index_cast %mul3A_114 : i32 to index
      %swap3A_121 = tpu.vector_load %arg14[%swap3A_120] {strides = array<i32>} : memref<3072xi32, #tpu.memory_space<vmem>>, vector<16xi32>,
      tpu.vector_store %arg14[%swap3A_120], %select_n3A_119 {strides = array<i32>} : memref<3072xi32, #tpu.memory_space<vmem>>, vector<16xi32>,
      %scan3A_122 = arith.constant 0 : i32
      scf.yield %scan3A_122 : i32
    }
    %scan3A_33 = arith.constant 192 : i32
    %multiple_of3A_34 = arith.constant 0 : i32
    %multiple_of3A_35 = tpu.assume_multiple %multiple_of3A_34, 128 : i32
    %dma_start3A = tpu.memref_slice %arg12[%multiple_of3A_35] : memref<3072xi32, #tpu.memory_space<vmem>> -> memref<128xi32, #tpu.memory_space<vmem>>
    %dma_start3A_36 = arith.constant 0 : i32
    %dma_start3A_37 = arith.constant 0 : i32
    %dma_start3A_38 = tpu.memref_slice %arg5[%dma_start3A_36, %dma_start3A_37] : memref<1000000x128xf32, #tpu.memory_space<hbm>> -> memref<1000000x128xf32, #tpu.memory_space<hbm>>
    tpu.enqueue_indirect_dma source(%dma_start3A_38 : memref<1000000x128xf32, #tpu.memory_space<hbm>>) target(%arg16 : memref<128x128xf32, #tpu.memory_space<vmem>>) offsets(%dma_start3A : memref<128xi32, #tpu.memory_space<vmem>>) semaphore(%arg22 : memref<!tpu.dma_semaphore, #tpu.memory_space<semaphore_mem>>)
    %dma_start3A_39 = tpu.memref_slice %arg13[%multiple_of3A_35] : memref<3072xi32, #tpu.memory_space<vmem>> -> memref<128xi32, #tpu.memory_space<vmem>>
    %dma_start3A_40 = arith.constant 0 : i32
    %dma_start3A_41 = arith.constant 0 : i32
    %dma_start3A_42 = tpu.memref_slice %arg6[%dma_start3A_40, %dma_start3A_41] : memref<1000x128xf32, #tpu.memory_space<hbm>> -> memref<1000x128xf32, #tpu.memory_space<hbm>>
    tpu.enqueue_indirect_dma source(%dma_start3A_42 : memref<1000x128xf32, #tpu.memory_space<hbm>>) target(%arg18 : memref<128x128xf32, #tpu.memory_space<vmem>>) offsets(%dma_start3A_39 : memref<128xi32, #tpu.memory_space<vmem>>) semaphore(%arg24 : memref<!tpu.dma_semaphore, #tpu.memory_space<semaphore_mem>>)
    %dma_start3A_43 = tpu.memref_slice %arg14[%multiple_of3A_35] : memref<3072xi32, #tpu.memory_space<vmem>> -> memref<128xi32, #tpu.memory_space<vmem>>
    %dma_start3A_44 = arith.constant 0 : i32
    %dma_start3A_45 = arith.constant 0 : i32
    %dma_start3A_46 = tpu.memref_slice %arg5[%dma_start3A_44, %dma_start3A_45] : memref<1000000x128xf32, #tpu.memory_space<hbm>> -> memref<1000000x128xf32, #tpu.memory_space<hbm>>
    tpu.enqueue_indirect_dma source(%dma_start3A_46 : memref<1000000x128xf32, #tpu.memory_space<hbm>>) target(%arg20 : memref<128x128xf32, #tpu.memory_space<vmem>>) offsets(%dma_start3A_43 : memref<128xi32, #tpu.memory_space<vmem>>) semaphore(%arg26 : memref<!tpu.dma_semaphore, #tpu.memory_space<semaphore_mem>>)
    %scan3A_47 = arith.constant 0 : i32
    %scan3A_48 = arith.constant 0 : i32
    %scan3A_49 = arith.constant 12 : i32
    %scan3A_50 = arith.addi %scan3A_48, %scan3A_49 : i32
    %scan3A_51 = arith.constant 1 : i32
    %scan3A_52 = scf.for %scan3A_69 = %scan3A_48 to %scan3A_50 step %scan3A_51 iter_args(%scan3A_70 = %scan3A_47) -> (i32)  : i32 {
      %mul3A_71 = arith.constant 2 : i32
      %mul3A_72 = arith.muli %scan3A_69, %mul3A_71 : i32
      %add3A_73 = arith.constant 1 : i32
      %add3A_74 = arith.addi %mul3A_72, %add3A_73 : i32
      %mul3A_75 = arith.constant 128 : i32
      %mul3A_76 = arith.muli %add3A_74, %mul3A_75 : i32
      %multiple_of3A_77 = tpu.assume_multiple %mul3A_76, 128 : i32
      %dma_start3A_78 = tpu.memref_slice %arg12[%multiple_of3A_77] : memref<3072xi32, #tpu.memory_space<vmem>> -> memref<128xi32, #tpu.memory_space<vmem>>
      %dma_start3A_79 = arith.constant 0 : i32
      %dma_start3A_80 = arith.constant 0 : i32
      %dma_start3A_81 = tpu.memref_slice %arg5[%dma_start3A_79, %dma_start3A_80] : memref<1000000x128xf32, #tpu.memory_space<hbm>> -> memref<1000000x128xf32, #tpu.memory_space<hbm>>
      tpu.enqueue_indirect_dma source(%dma_start3A_81 : memref<1000000x128xf32, #tpu.memory_space<hbm>>) target(%arg17 : memref<128x128xf32, #tpu.memory_space<vmem>>) offsets(%dma_start3A_78 : memref<128xi32, #tpu.memory_space<vmem>>) semaphore(%arg23 : memref<!tpu.dma_semaphore, #tpu.memory_space<semaphore_mem>>)
      %dma_start3A_82 = tpu.memref_slice %arg13[%multiple_of3A_77] : memref<3072xi32, #tpu.memory_space<vmem>> -> memref<128xi32, #tpu.memory_space<vmem>>
      %dma_start3A_83 = arith.constant 0 : i32
      %dma_start3A_84 = arith.constant 0 : i32
      %dma_start3A_85 = tpu.memref_slice %arg6[%dma_start3A_83, %dma_start3A_84] : memref<1000x128xf32, #tpu.memory_space<hbm>> -> memref<1000x128xf32, #tpu.memory_space<hbm>>
      tpu.enqueue_indirect_dma source(%dma_start3A_85 : memref<1000x128xf32, #tpu.memory_space<hbm>>) target(%arg19 : memref<128x128xf32, #tpu.memory_space<vmem>>) offsets(%dma_start3A_82 : memref<128xi32, #tpu.memory_space<vmem>>) semaphore(%arg25 : memref<!tpu.dma_semaphore, #tpu.memory_space<semaphore_mem>>)
      %dma_start3A_86 = tpu.memref_slice %arg14[%multiple_of3A_77] : memref<3072xi32, #tpu.memory_space<vmem>> -> memref<128xi32, #tpu.memory_space<vmem>>
      %dma_start3A_87 = arith.constant 0 : i32
      %dma_start3A_88 = arith.constant 0 : i32
      %dma_start3A_89 = tpu.memref_slice %arg5[%dma_start3A_87, %dma_start3A_88] : memref<1000000x128xf32, #tpu.memory_space<hbm>> -> memref<1000000x128xf32, #tpu.memory_space<hbm>>
      tpu.enqueue_indirect_dma source(%dma_start3A_89 : memref<1000000x128xf32, #tpu.memory_space<hbm>>) target(%arg21 : memref<128x128xf32, #tpu.memory_space<vmem>>) offsets(%dma_start3A_86 : memref<128xi32, #tpu.memory_space<vmem>>) semaphore(%arg27 : memref<!tpu.dma_semaphore, #tpu.memory_space<semaphore_mem>>)
      %mul3A_90 = arith.constant 128 : i32
      %mul3A_91 = arith.muli %mul3A_72, %mul3A_90 : i32
      %multiple_of3A_92 = tpu.assume_multiple %mul3A_91, 128 : i32
      %dma_wait3A = tpu.memref_slice %arg12[%multiple_of3A_92] : memref<3072xi32, #tpu.memory_space<vmem>> -> memref<128xi32, #tpu.memory_space<vmem>>
      %dma_wait3A_93 = arith.constant 0 : i32
      %dma_wait3A_94 = arith.constant 0 : i32
      %dma_wait3A_95 = tpu.memref_slice %arg5[%dma_wait3A_93, %dma_wait3A_94] : memref<1000000x128xf32, #tpu.memory_space<hbm>> -> memref<1000000x128xf32, #tpu.memory_space<hbm>>
      tpu.wait_indirect_dma semaphore(%arg22 : memref<!tpu.dma_semaphore, #tpu.memory_space<semaphore_mem>>) src(%dma_wait3A_95 : memref<1000000x128xf32, #tpu.memory_space<hbm>>) dst(%arg16 : memref<128x128xf32, #tpu.memory_space<vmem>>)
      %dma_wait3A_96 = tpu.memref_slice %arg13[%multiple_of3A_92] : memref<3072xi32, #tpu.memory_space<vmem>> -> memref<128xi32, #tpu.memory_space<vmem>>
      %dma_wait3A_97 = arith.constant 0 : i32
      %dma_wait3A_98 = arith.constant 0 : i32
      %dma_wait3A_99 = tpu.memref_slice %arg6[%dma_wait3A_97, %dma_wait3A_98] : memref<1000x128xf32, #tpu.memory_space<hbm>> -> memref<1000x128xf32, #tpu.memory_space<hbm>>
      tpu.wait_indirect_dma semaphore(%arg24 : memref<!tpu.dma_semaphore, #tpu.memory_space<semaphore_mem>>) src(%dma_wait3A_99 : memref<1000x128xf32, #tpu.memory_space<hbm>>) dst(%arg18 : memref<128x128xf32, #tpu.memory_space<vmem>>)
      %dma_wait3A_100 = tpu.memref_slice %arg14[%multiple_of3A_92] : memref<3072xi32, #tpu.memory_space<vmem>> -> memref<128xi32, #tpu.memory_space<vmem>>
      %dma_wait3A_101 = arith.constant 0 : i32
      %dma_wait3A_102 = arith.constant 0 : i32
      %dma_wait3A_103 = tpu.memref_slice %arg5[%dma_wait3A_101, %dma_wait3A_102] : memref<1000000x128xf32, #tpu.memory_space<hbm>> -> memref<1000000x128xf32, #tpu.memory_space<hbm>>
      tpu.wait_indirect_dma semaphore(%arg26 : memref<!tpu.dma_semaphore, #tpu.memory_space<semaphore_mem>>) src(%dma_wait3A_103 : memref<1000000x128xf32, #tpu.memory_space<hbm>>) dst(%arg20 : memref<128x128xf32, #tpu.memory_space<vmem>>)
      %scan3A_104 = arith.constant 0 : i32
      %scan3A_105 = arith.constant 0 : i32
      %scan3A_106 = arith.constant 8 : i32
      %scan3A_107 = arith.addi %scan3A_105, %scan3A_106 : i32
      %scan3A_108 = arith.constant 1 : i32
      %scan3A_109 = scf.for %scan3A_138 = %scan3A_105 to %scan3A_107 step %scan3A_108 iter_args(%scan3A_139 = %scan3A_104) -> (i32)  : i32 {
        %mul3A_140 = arith.constant 16 : i32
        %mul3A_141 = arith.muli %scan3A_138, %mul3A_140 : i32
        %add3A_142 = vector.broadcast %mul3A_141 : i32 to vector<16xi32>
        %add3A_143 = arith.addi %add3A_142, %iota3A : vector<16xi32>
        %broadcast_in_dim3A_144 = arith.constant 0.000000e+00 : f32
        %broadcast_in_dim3A_145 = vector.broadcast %broadcast_in_dim3A_144 : f32 to vector<16xf32>
        %add3A_146 = arith.constant 0 : i32
        %add3A_147 = vector.broadcast %add3A_146 : i32 to vector<16xi32>
        %add3A_148 = arith.addi %iota3A, %add3A_147 : vector<16xi32>
        %and3A = arith.constant 63 : i32
        %and3A_149 = vector.broadcast %and3A : i32 to vector<16xi32>
        %and3A_150 = arith.andi %add3A_148, %and3A_149 : vector<16xi32>
        %gather3A = tpu.vector_load_idx %arg16[%add3A_143, %and3A_150] : memref<128x128xf32, #tpu.memory_space<vmem>>[vector<16xi32>, vector<16xi32>], vector<16xf32>,
        %gather3A_151 = tpu.vector_load_idx %arg18[%add3A_143, %and3A_150] : memref<128x128xf32, #tpu.memory_space<vmem>>[vector<16xi32>, vector<16xi32>], vector<16xf32>,
        %gather3A_152 = tpu.vector_load_idx %arg20[%add3A_143, %and3A_150] : memref<128x128xf32, #tpu.memory_space<vmem>>[vector<16xi32>, vector<16xi32>], vector<16xf32>,
        %mul3A_153 = arith.mulf %gather3A, %gather3A_151 : vector<16xf32>
        %mul3A_154 = arith.mulf %mul3A_153, %gather3A_152 : vector<16xf32>
        %add3A_155 = arith.addf %broadcast_in_dim3A_145, %mul3A_154 : vector<16xf32>
        %add3A_156 = arith.constant 1 : i32
        %add3A_157 = vector.broadcast %add3A_156 : i32 to vector<16xi32>
        %add3A_158 = arith.addi %iota3A, %add3A_157 : vector<16xi32>
        %and3A_159 = arith.constant 63 : i32
        %and3A_160 = vector.broadcast %and3A_159 : i32 to vector<16xi32>
        %and3A_161 = arith.andi %add3A_158, %and3A_160 : vector<16xi32>
        %gather3A_162 = tpu.vector_load_idx %arg16[%add3A_143, %and3A_161] : memref<128x128xf32, #tpu.memory_space<vmem>>[vector<16xi32>, vector<16xi32>], vector<16xf32>,
        %gather3A_163 = tpu.vector_load_idx %arg18[%add3A_143, %and3A_161] : memref<128x128xf32, #tpu.memory_space<vmem>>[vector<16xi32>, vector<16xi32>], vector<16xf32>,
        %gather3A_164 = tpu.vector_load_idx %arg20[%add3A_143, %and3A_161] : memref<128x128xf32, #tpu.memory_space<vmem>>[vector<16xi32>, vector<16xi32>], vector<16xf32>,
        %mul3A_165 = arith.mulf %gather3A_162, %gather3A_163 : vector<16xf32>
        %mul3A_166 = arith.mulf %mul3A_165, %gather3A_164 : vector<16xf32>
        %add3A_167 = arith.addf %add3A_155, %mul3A_166 : vector<16xf32>
        %add3A_168 = arith.constant 2 : i32
        %add3A_169 = vector.broadcast %add3A_168 : i32 to vector<16xi32>
        %add3A_170 = arith.addi %iota3A, %add3A_169 : vector<16xi32>
        %and3A_171 = arith.constant 63 : i32
        %and3A_172 = vector.broadcast %and3A_171 : i32 to vector<16xi32>
        %and3A_173 = arith.andi %add3A_170, %and3A_172 : vector<16xi32>
        %gather3A_174 = tpu.vector_load_idx %arg16[%add3A_143, %and3A_173] : memref<128x128xf32, #tpu.memory_space<vmem>>[vector<16xi32>, vector<16xi32>], vector<16xf32>,
        %gather3A_175 = tpu.vector_load_idx %arg18[%add3A_143, %and3A_173] : memref<128x128xf32, #tpu.memory_space<vmem>>[vector<16xi32>, vector<16xi32>], vector<16xf32>,
        %gather3A_176 = tpu.vector_load_idx %arg20[%add3A_143, %and3A_173] : memref<128x128xf32, #tpu.memory_space<vmem>>[vector<16xi32>, vector<16xi32>], vector<16xf32>,
        %mul3A_177 = arith.mulf %gather3A_174, %gather3A_175 : vector<16xf32>
        %mul3A_178 = arith.mulf %mul3A_177, %gather3A_176 : vector<16xf32>
        %add3A_179 = arith.addf %add3A_167, %mul3A_178 : vector<16xf32>
        %add3A_180 = arith.constant 3 : i32
        %add3A_181 = vector.broadcast %add3A_180 : i32 to vector<16xi32>
        %add3A_182 = arith.addi %iota3A, %add3A_181 : vector<16xi32>
        %and3A_183 = arith.constant 63 : i32
        %and3A_184 = vector.broadcast %and3A_183 : i32 to vector<16xi32>
        %and3A_185 = arith.andi %add3A_182, %and3A_184 : vector<16xi32>
        %gather3A_186 = tpu.vector_load_idx %arg16[%add3A_143, %and3A_185] : memref<128x128xf32, #tpu.memory_space<vmem>>[vector<16xi32>, vector<16xi32>], vector<16xf32>,
        %gather3A_187 = tpu.vector_load_idx %arg18[%add3A_143, %and3A_185] : memref<128x128xf32, #tpu.memory_space<vmem>>[vector<16xi32>, vector<16xi32>], vector<16xf32>,
        %gather3A_188 = tpu.vector_load_idx %arg20[%add3A_143, %and3A_185] : memref<128x128xf32, #tpu.memory_space<vmem>>[vector<16xi32>, vector<16xi32>], vector<16xf32>,
        %mul3A_189 = arith.mulf %gather3A_186, %gather3A_187 : vector<16xf32>
        %mul3A_190 = arith.mulf %mul3A_189, %gather3A_188 : vector<16xf32>
        %add3A_191 = arith.addf %add3A_179, %mul3A_190 : vector<16xf32>
        %add3A_192 = arith.constant 4 : i32
        %add3A_193 = vector.broadcast %add3A_192 : i32 to vector<16xi32>
        %add3A_194 = arith.addi %iota3A, %add3A_193 : vector<16xi32>
        %and3A_195 = arith.constant 63 : i32
        %and3A_196 = vector.broadcast %and3A_195 : i32 to vector<16xi32>
        %and3A_197 = arith.andi %add3A_194, %and3A_196 : vector<16xi32>
        %gather3A_198 = tpu.vector_load_idx %arg16[%add3A_143, %and3A_197] : memref<128x128xf32, #tpu.memory_space<vmem>>[vector<16xi32>, vector<16xi32>], vector<16xf32>,
        %gather3A_199 = tpu.vector_load_idx %arg18[%add3A_143, %and3A_197] : memref<128x128xf32, #tpu.memory_space<vmem>>[vector<16xi32>, vector<16xi32>], vector<16xf32>,
        %gather3A_200 = tpu.vector_load_idx %arg20[%add3A_143, %and3A_197] : memref<128x128xf32, #tpu.memory_space<vmem>>[vector<16xi32>, vector<16xi32>], vector<16xf32>,
        %mul3A_201 = arith.mulf %gather3A_198, %gather3A_199 : vector<16xf32>
        %mul3A_202 = arith.mulf %mul3A_201, %gather3A_200 : vector<16xf32>
        %add3A_203 = arith.addf %add3A_191, %mul3A_202 : vector<16xf32>
        %add3A_204 = arith.constant 5 : i32
        %add3A_205 = vector.broadcast %add3A_204 : i32 to vector<16xi32>
        %add3A_206 = arith.addi %iota3A, %add3A_205 : vector<16xi32>
        %and3A_207 = arith.constant 63 : i32
        %and3A_208 = vector.broadcast %and3A_207 : i32 to vector<16xi32>
        %and3A_209 = arith.andi %add3A_206, %and3A_208 : vector<16xi32>
        %gather3A_210 = tpu.vector_load_idx %arg16[%add3A_143, %and3A_209] : memref<128x128xf32, #tpu.memory_space<vmem>>[vector<16xi32>, vector<16xi32>], vector<16xf32>,
        %gather3A_211 = tpu.vector_load_idx %arg18[%add3A_143, %and3A_209] : memref<128x128xf32, #tpu.memory_space<vmem>>[vector<16xi32>, vector<16xi32>], vector<16xf32>,
        %gather3A_212 = tpu.vector_load_idx %arg20[%add3A_143, %and3A_209] : memref<128x128xf32, #tpu.memory_space<vmem>>[vector<16xi32>, vector<16xi32>], vector<16xf32>,
        %mul3A_213 = arith.mulf %gather3A_210, %gather3A_211 : vector<16xf32>
        %mul3A_214 = arith.mulf %mul3A_213, %gather3A_212 : vector<16xf32>
        %add3A_215 = arith.addf %add3A_203, %mul3A_214 : vector<16xf32>
        %add3A_216 = arith.constant 6 : i32
        %add3A_217 = vector.broadcast %add3A_216 : i32 to vector<16xi32>
        %add3A_218 = arith.addi %iota3A, %add3A_217 : vector<16xi32>
        %and3A_219 = arith.constant 63 : i32
        %and3A_220 = vector.broadcast %and3A_219 : i32 to vector<16xi32>
        %and3A_221 = arith.andi %add3A_218, %and3A_220 : vector<16xi32>
        %gather3A_222 = tpu.vector_load_idx %arg16[%add3A_143, %and3A_221] : memref<128x128xf32, #tpu.memory_space<vmem>>[vector<16xi32>, vector<16xi32>], vector<16xf32>,
        %gather3A_223 = tpu.vector_load_idx %arg18[%add3A_143, %and3A_221] : memref<128x128xf32, #tpu.memory_space<vmem>>[vector<16xi32>, vector<16xi32>], vector<16xf32>,
        %gather3A_224 = tpu.vector_load_idx %arg20[%add3A_143, %and3A_221] : memref<128x128xf32, #tpu.memory_space<vmem>>[vector<16xi32>, vector<16xi32>], vector<16xf32>,
        %mul3A_225 = arith.mulf %gather3A_222, %gather3A_223 : vector<16xf32>
        %mul3A_226 = arith.mulf %mul3A_225, %gather3A_224 : vector<16xf32>
        %add3A_227 = arith.addf %add3A_215, %mul3A_226 : vector<16xf32>
        %add3A_228 = arith.constant 7 : i32
        %add3A_229 = vector.broadcast %add3A_228 : i32 to vector<16xi32>
        %add3A_230 = arith.addi %iota3A, %add3A_229 : vector<16xi32>
        %and3A_231 = arith.constant 63 : i32
        %and3A_232 = vector.broadcast %and3A_231 : i32 to vector<16xi32>
        %and3A_233 = arith.andi %add3A_230, %and3A_232 : vector<16xi32>
        %gather3A_234 = tpu.vector_load_idx %arg16[%add3A_143, %and3A_233] : memref<128x128xf32, #tpu.memory_space<vmem>>[vector<16xi32>, vector<16xi32>], vector<16xf32>,
        %gather3A_235 = tpu.vector_load_idx %arg18[%add3A_143, %and3A_233] : memref<128x128xf32, #tpu.memory_space<vmem>>[vector<16xi32>, vector<16xi32>], vector<16xf32>,
        %gather3A_236 = tpu.vector_load_idx %arg20[%add3A_143, %and3A_233] : memref<128x128xf32, #tpu.memory_space<vmem>>[vector<16xi32>, vector<16xi32>], vector<16xf32>,
        %mul3A_237 = arith.mulf %gather3A_234, %gather3A_235 : vector<16xf32>
        %mul3A_238 = arith.mulf %mul3A_237, %gather3A_236 : vector<16xf32>
        %add3A_239 = arith.addf %add3A_227, %mul3A_238 : vector<16xf32>
        %add3A_240 = arith.constant 8 : i32
        %add3A_241 = vector.broadcast %add3A_240 : i32 to vector<16xi32>
        %add3A_242 = arith.addi %iota3A, %add3A_241 : vector<16xi32>
        %and3A_243 = arith.constant 63 : i32
        %and3A_244 = vector.broadcast %and3A_243 : i32 to vector<16xi32>
        %and3A_245 = arith.andi %add3A_242, %and3A_244 : vector<16xi32>
        %gather3A_246 = tpu.vector_load_idx %arg16[%add3A_143, %and3A_245] : memref<128x128xf32, #tpu.memory_space<vmem>>[vector<16xi32>, vector<16xi32>], vector<16xf32>,
        %gather3A_247 = tpu.vector_load_idx %arg18[%add3A_143, %and3A_245] : memref<128x128xf32, #tpu.memory_space<vmem>>[vector<16xi32>, vector<16xi32>], vector<16xf32>,
        %gather3A_248 = tpu.vector_load_idx %arg20[%add3A_143, %and3A_245] : memref<128x128xf32, #tpu.memory_space<vmem>>[vector<16xi32>, vector<16xi32>], vector<16xf32>,
        %mul3A_249 = arith.mulf %gather3A_246, %gather3A_247 : vector<16xf32>
        %mul3A_250 = arith.mulf %mul3A_249, %gather3A_248 : vector<16xf32>
        %add3A_251 = arith.addf %add3A_239, %mul3A_250 : vector<16xf32>
        %add3A_252 = arith.constant 9 : i32
        %add3A_253 = vector.broadcast %add3A_252 : i32 to vector<16xi32>
        %add3A_254 = arith.addi %iota3A, %add3A_253 : vector<16xi32>
        %and3A_255 = arith.constant 63 : i32
        %and3A_256 = vector.broadcast %and3A_255 : i32 to vector<16xi32>
        %and3A_257 = arith.andi %add3A_254, %and3A_256 : vector<16xi32>
        %gather3A_258 = tpu.vector_load_idx %arg16[%add3A_143, %and3A_257] : memref<128x128xf32, #tpu.memory_space<vmem>>[vector<16xi32>, vector<16xi32>], vector<16xf32>,
        %gather3A_259 = tpu.vector_load_idx %arg18[%add3A_143, %and3A_257] : memref<128x128xf32, #tpu.memory_space<vmem>>[vector<16xi32>, vector<16xi32>], vector<16xf32>,
        %gather3A_260 = tpu.vector_load_idx %arg20[%add3A_143, %and3A_257] : memref<128x128xf32, #tpu.memory_space<vmem>>[vector<16xi32>, vector<16xi32>], vector<16xf32>,
        %mul3A_261 = arith.mulf %gather3A_258, %gather3A_259 : vector<16xf32>
        %mul3A_262 = arith.mulf %mul3A_261, %gather3A_260 : vector<16xf32>
        %add3A_263 = arith.addf %add3A_251, %mul3A_262 : vector<16xf32>
        %add3A_264 = arith.constant 10 : i32
        %add3A_265 = vector.broadcast %add3A_264 : i32 to vector<16xi32>
        %add3A_266 = arith.addi %iota3A, %add3A_265 : vector<16xi32>
        %and3A_267 = arith.constant 63 : i32
        %and3A_268 = vector.broadcast %and3A_267 : i32 to vector<16xi32>
        %and3A_269 = arith.andi %add3A_266, %and3A_268 : vector<16xi32>
        %gather3A_270 = tpu.vector_load_idx %arg16[%add3A_143, %and3A_269] : memref<128x128xf32, #tpu.memory_space<vmem>>[vector<16xi32>, vector<16xi32>], vector<16xf32>,
        %gather3A_271 = tpu.vector_load_idx %arg18[%add3A_143, %and3A_269] : memref<128x128xf32, #tpu.memory_space<vmem>>[vector<16xi32>, vector<16xi32>], vector<16xf32>,
        %gather3A_272 = tpu.vector_load_idx %arg20[%add3A_143, %and3A_269] : memref<128x128xf32, #tpu.memory_space<vmem>>[vector<16xi32>, vector<16xi32>], vector<16xf32>,
        %mul3A_273 = arith.mulf %gather3A_270, %gather3A_271 : vector<16xf32>
        %mul3A_274 = arith.mulf %mul3A_273, %gather3A_272 : vector<16xf32>
        %add3A_275 = arith.addf %add3A_263, %mul3A_274 : vector<16xf32>
        %add3A_276 = arith.constant 11 : i32
        %add3A_277 = vector.broadcast %add3A_276 : i32 to vector<16xi32>
        %add3A_278 = arith.addi %iota3A, %add3A_277 : vector<16xi32>
        %and3A_279 = arith.constant 63 : i32
        %and3A_280 = vector.broadcast %and3A_279 : i32 to vector<16xi32>
        %and3A_281 = arith.andi %add3A_278, %and3A_280 : vector<16xi32>
        %gather3A_282 = tpu.vector_load_idx %arg16[%add3A_143, %and3A_281] : memref<128x128xf32, #tpu.memory_space<vmem>>[vector<16xi32>, vector<16xi32>], vector<16xf32>,
        %gather3A_283 = tpu.vector_load_idx %arg18[%add3A_143, %and3A_281] : memref<128x128xf32, #tpu.memory_space<vmem>>[vector<16xi32>, vector<16xi32>], vector<16xf32>,
        %gather3A_284 = tpu.vector_load_idx %arg20[%add3A_143, %and3A_281] : memref<128x128xf32, #tpu.memory_space<vmem>>[vector<16xi32>, vector<16xi32>], vector<16xf32>,
        %mul3A_285 = arith.mulf %gather3A_282, %gather3A_283 : vector<16xf32>
        %mul3A_286 = arith.mulf %mul3A_285, %gather3A_284 : vector<16xf32>
        %add3A_287 = arith.addf %add3A_275, %mul3A_286 : vector<16xf32>
        %add3A_288 = arith.constant 12 : i32
        %add3A_289 = vector.broadcast %add3A_288 : i32 to vector<16xi32>
        %add3A_290 = arith.addi %iota3A, %add3A_289 : vector<16xi32>
        %and3A_291 = arith.constant 63 : i32
        %and3A_292 = vector.broadcast %and3A_291 : i32 to vector<16xi32>
        %and3A_293 = arith.andi %add3A_290, %and3A_292 : vector<16xi32>
        %gather3A_294 = tpu.vector_load_idx %arg16[%add3A_143, %and3A_293] : memref<128x128xf32, #tpu.memory_space<vmem>>[vector<16xi32>, vector<16xi32>], vector<16xf32>,
        %gather3A_295 = tpu.vector_load_idx %arg18[%add3A_143, %and3A_293] : memref<128x128xf32, #tpu.memory_space<vmem>>[vector<16xi32>, vector<16xi32>], vector<16xf32>,
        %gather3A_296 = tpu.vector_load_idx %arg20[%add3A_143, %and3A_293] : memref<128x128xf32, #tpu.memory_space<vmem>>[vector<16xi32>, vector<16xi32>], vector<16xf32>,
        %mul3A_297 = arith.mulf %gather3A_294, %gather3A_295 : vector<16xf32>
        %mul3A_298 = arith.mulf %mul3A_297, %gather3A_296 : vector<16xf32>
        %add3A_299 = arith.addf %add3A_287, %mul3A_298 : vector<16xf32>
        %add3A_300 = arith.constant 13 : i32
        %add3A_301 = vector.broadcast %add3A_300 : i32 to vector<16xi32>
        %add3A_302 = arith.addi %iota3A, %add3A_301 : vector<16xi32>
        %and3A_303 = arith.constant 63 : i32
        %and3A_304 = vector.broadcast %and3A_303 : i32 to vector<16xi32>
        %and3A_305 = arith.andi %add3A_302, %and3A_304 : vector<16xi32>
        %gather3A_306 = tpu.vector_load_idx %arg16[%add3A_143, %and3A_305] : memref<128x128xf32, #tpu.memory_space<vmem>>[vector<16xi32>, vector<16xi32>], vector<16xf32>,
        %gather3A_307 = tpu.vector_load_idx %arg18[%add3A_143, %and3A_305] : memref<128x128xf32, #tpu.memory_space<vmem>>[vector<16xi32>, vector<16xi32>], vector<16xf32>,
        %gather3A_308 = tpu.vector_load_idx %arg20[%add3A_143, %and3A_305] : memref<128x128xf32, #tpu.memory_space<vmem>>[vector<16xi32>, vector<16xi32>], vector<16xf32>,
        %mul3A_309 = arith.mulf %gather3A_306, %gather3A_307 : vector<16xf32>
        %mul3A_310 = arith.mulf %mul3A_309, %gather3A_308 : vector<16xf32>
        %add3A_311 = arith.addf %add3A_299, %mul3A_310 : vector<16xf32>
        %add3A_312 = arith.constant 14 : i32
        %add3A_313 = vector.broadcast %add3A_312 : i32 to vector<16xi32>
        %add3A_314 = arith.addi %iota3A, %add3A_313 : vector<16xi32>
        %and3A_315 = arith.constant 63 : i32
        %and3A_316 = vector.broadcast %and3A_315 : i32 to vector<16xi32>
        %and3A_317 = arith.andi %add3A_314, %and3A_316 : vector<16xi32>
        %gather3A_318 = tpu.vector_load_idx %arg16[%add3A_143, %and3A_317] : memref<128x128xf32, #tpu.memory_space<vmem>>[vector<16xi32>, vector<16xi32>], vector<16xf32>,
        %gather3A_319 = tpu.vector_load_idx %arg18[%add3A_143, %and3A_317] : memref<128x128xf32, #tpu.memory_space<vmem>>[vector<16xi32>, vector<16xi32>], vector<16xf32>,
        %gather3A_320 = tpu.vector_load_idx %arg20[%add3A_143, %and3A_317] : memref<128x128xf32, #tpu.memory_space<vmem>>[vector<16xi32>, vector<16xi32>], vector<16xf32>,
        %mul3A_321 = arith.mulf %gather3A_318, %gather3A_319 : vector<16xf32>
        %mul3A_322 = arith.mulf %mul3A_321, %gather3A_320 : vector<16xf32>
        %add3A_323 = arith.addf %add3A_311, %mul3A_322 : vector<16xf32>
        %add3A_324 = arith.constant 15 : i32
        %add3A_325 = vector.broadcast %add3A_324 : i32 to vector<16xi32>
        %add3A_326 = arith.addi %iota3A, %add3A_325 : vector<16xi32>
        %and3A_327 = arith.constant 63 : i32
        %and3A_328 = vector.broadcast %and3A_327 : i32 to vector<16xi32>
        %and3A_329 = arith.andi %add3A_326, %and3A_328 : vector<16xi32>
        %gather3A_330 = tpu.vector_load_idx %arg16[%add3A_143, %and3A_329] : memref<128x128xf32, #tpu.memory_space<vmem>>[vector<16xi32>, vector<16xi32>], vector<16xf32>,
        %gather3A_331 = tpu.vector_load_idx %arg18[%add3A_143, %and3A_329] : memref<128x128xf32, #tpu.memory_space<vmem>>[vector<16xi32>, vector<16xi32>], vector<16xf32>,
        %gather3A_332 = tpu.vector_load_idx %arg20[%add3A_143, %and3A_329] : memref<128x128xf32, #tpu.memory_space<vmem>>[vector<16xi32>, vector<16xi32>], vector<16xf32>,
        %mul3A_333 = arith.mulf %gather3A_330, %gather3A_331 : vector<16xf32>
        %mul3A_334 = arith.mulf %mul3A_333, %gather3A_332 : vector<16xf32>
        %add3A_335 = arith.addf %add3A_323, %mul3A_334 : vector<16xf32>
        %add3A_336 = arith.constant 16 : i32
        %add3A_337 = vector.broadcast %add3A_336 : i32 to vector<16xi32>
        %add3A_338 = arith.addi %iota3A, %add3A_337 : vector<16xi32>
        %and3A_339 = arith.constant 63 : i32
        %and3A_340 = vector.broadcast %and3A_339 : i32 to vector<16xi32>
        %and3A_341 = arith.andi %add3A_338, %and3A_340 : vector<16xi32>
        %gather3A_342 = tpu.vector_load_idx %arg16[%add3A_143, %and3A_341] : memref<128x128xf32, #tpu.memory_space<vmem>>[vector<16xi32>, vector<16xi32>], vector<16xf32>,
        %gather3A_343 = tpu.vector_load_idx %arg18[%add3A_143, %and3A_341] : memref<128x128xf32, #tpu.memory_space<vmem>>[vector<16xi32>, vector<16xi32>], vector<16xf32>,
        %gather3A_344 = tpu.vector_load_idx %arg20[%add3A_143, %and3A_341] : memref<128x128xf32, #tpu.memory_space<vmem>>[vector<16xi32>, vector<16xi32>], vector<16xf32>,
        %mul3A_345 = arith.mulf %gather3A_342, %gather3A_343 : vector<16xf32>
        %mul3A_346 = arith.mulf %mul3A_345, %gather3A_344 : vector<16xf32>
        %add3A_347 = arith.addf %add3A_335, %mul3A_346 : vector<16xf32>
        %add3A_348 = arith.constant 17 : i32
        %add3A_349 = vector.broadcast %add3A_348 : i32 to vector<16xi32>
        %add3A_350 = arith.addi %iota3A, %add3A_349 : vector<16xi32>
        %and3A_351 = arith.constant 63 : i32
        %and3A_352 = vector.broadcast %and3A_351 : i32 to vector<16xi32>
        %and3A_353 = arith.andi %add3A_350, %and3A_352 : vector<16xi32>
        %gather3A_354 = tpu.vector_load_idx %arg16[%add3A_143, %and3A_353] : memref<128x128xf32, #tpu.memory_space<vmem>>[vector<16xi32>, vector<16xi32>], vector<16xf32>,
        %gather3A_355 = tpu.vector_load_idx %arg18[%add3A_143, %and3A_353] : memref<128x128xf32, #tpu.memory_space<vmem>>[vector<16xi32>, vector<16xi32>], vector<16xf32>,
        %gather3A_356 = tpu.vector_load_idx %arg20[%add3A_143, %and3A_353] : memref<128x128xf32, #tpu.memory_space<vmem>>[vector<16xi32>, vector<16xi32>], vector<16xf32>,
        %mul3A_357 = arith.mulf %gather3A_354, %gather3A_355 : vector<16xf32>
        %mul3A_358 = arith.mulf %mul3A_357, %gather3A_356 : vector<16xf32>
        %add3A_359 = arith.addf %add3A_347, %mul3A_358 : vector<16xf32>
        %add3A_360 = arith.constant 18 : i32
        %add3A_361 = vector.broadcast %add3A_360 : i32 to vector<16xi32>
        %add3A_362 = arith.addi %iota3A, %add3A_361 : vector<16xi32>
        %and3A_363 = arith.constant 63 : i32
        %and3A_364 = vector.broadcast %and3A_363 : i32 to vector<16xi32>
        %and3A_365 = arith.andi %add3A_362, %and3A_364 : vector<16xi32>
        %gather3A_366 = tpu.vector_load_idx %arg16[%add3A_143, %and3A_365] : memref<128x128xf32, #tpu.memory_space<vmem>>[vector<16xi32>, vector<16xi32>], vector<16xf32>,
        %gather3A_367 = tpu.vector_load_idx %arg18[%add3A_143, %and3A_365] : memref<128x128xf32, #tpu.memory_space<vmem>>[vector<16xi32>, vector<16xi32>], vector<16xf32>,
        %gather3A_368 = tpu.vector_load_idx %arg20[%add3A_143, %and3A_365] : memref<128x128xf32, #tpu.memory_space<vmem>>[vector<16xi32>, vector<16xi32>], vector<16xf32>,
        %mul3A_369 = arith.mulf %gather3A_366, %gather3A_367 : vector<16xf32>
        %mul3A_370 = arith.mulf %mul3A_369, %gather3A_368 : vector<16xf32>
        %add3A_371 = arith.addf %add3A_359, %mul3A_370 : vector<16xf32>
        %add3A_372 = arith.constant 19 : i32
        %add3A_373 = vector.broadcast %add3A_372 : i32 to vector<16xi32>
        %add3A_374 = arith.addi %iota3A, %add3A_373 : vector<16xi32>
        %and3A_375 = arith.constant 63 : i32
        %and3A_376 = vector.broadcast %and3A_375 : i32 to vector<16xi32>
        %and3A_377 = arith.andi %add3A_374, %and3A_376 : vector<16xi32>
        %gather3A_378 = tpu.vector_load_idx %arg16[%add3A_143, %and3A_377] : memref<128x128xf32, #tpu.memory_space<vmem>>[vector<16xi32>, vector<16xi32>], vector<16xf32>,
        %gather3A_379 = tpu.vector_load_idx %arg18[%add3A_143, %and3A_377] : memref<128x128xf32, #tpu.memory_space<vmem>>[vector<16xi32>, vector<16xi32>], vector<16xf32>,
        %gather3A_380 = tpu.vector_load_idx %arg20[%add3A_143, %and3A_377] : memref<128x128xf32, #tpu.memory_space<vmem>>[vector<16xi32>, vector<16xi32>], vector<16xf32>,
        %mul3A_381 = arith.mulf %gather3A_378, %gather3A_379 : vector<16xf32>
        %mul3A_382 = arith.mulf %mul3A_381, %gather3A_380 : vector<16xf32>
        %add3A_383 = arith.addf %add3A_371, %mul3A_382 : vector<16xf32>
        %add3A_384 = arith.constant 20 : i32
        %add3A_385 = vector.broadcast %add3A_384 : i32 to vector<16xi32>
        %add3A_386 = arith.addi %iota3A, %add3A_385 : vector<16xi32>
        %and3A_387 = arith.constant 63 : i32
        %and3A_388 = vector.broadcast %and3A_387 : i32 to vector<16xi32>
        %and3A_389 = arith.andi %add3A_386, %and3A_388 : vector<16xi32>
        %gather3A_390 = tpu.vector_load_idx %arg16[%add3A_143, %and3A_389] : memref<128x128xf32, #tpu.memory_space<vmem>>[vector<16xi32>, vector<16xi32>], vector<16xf32>,
        %gather3A_391 = tpu.vector_load_idx %arg18[%add3A_143, %and3A_389] : memref<128x128xf32, #tpu.memory_space<vmem>>[vector<16xi32>, vector<16xi32>], vector<16xf32>,
        %gather3A_392 = tpu.vector_load_idx %arg20[%add3A_143, %and3A_389] : memref<128x128xf32, #tpu.memory_space<vmem>>[vector<16xi32>, vector<16xi32>], vector<16xf32>,
        %mul3A_393 = arith.mulf %gather3A_390, %gather3A_391 : vector<16xf32>
        %mul3A_394 = arith.mulf %mul3A_393, %gather3A_392 : vector<16xf32>
        %add3A_395 = arith.addf %add3A_383, %mul3A_394 : vector<16xf32>
        %add3A_396 = arith.constant 21 : i32
        %add3A_397 = vector.broadcast %add3A_396 : i32 to vector<16xi32>
        %add3A_398 = arith.addi %iota3A, %add3A_397 : vector<16xi32>
        %and3A_399 = arith.constant 63 : i32
        %and3A_400 = vector.broadcast %and3A_399 : i32 to vector<16xi32>
        %and3A_401 = arith.andi %add3A_398, %and3A_400 : vector<16xi32>
        %gather3A_402 = tpu.vector_load_idx %arg16[%add3A_143, %and3A_401] : memref<128x128xf32, #tpu.memory_space<vmem>>[vector<16xi32>, vector<16xi32>], vector<16xf32>,
        %gather3A_403 = tpu.vector_load_idx %arg18[%add3A_143, %and3A_401] : memref<128x128xf32, #tpu.memory_space<vmem>>[vector<16xi32>, vector<16xi32>], vector<16xf32>,
        %gather3A_404 = tpu.vector_load_idx %arg20[%add3A_143, %and3A_401] : memref<128x128xf32, #tpu.memory_space<vmem>>[vector<16xi32>, vector<16xi32>], vector<16xf32>,
        %mul3A_405 = arith.mulf %gather3A_402, %gather3A_403 : vector<16xf32>
        %mul3A_406 = arith.mulf %mul3A_405, %gather3A_404 : vector<16xf32>
        %add3A_407 = arith.addf %add3A_395, %mul3A_406 : vector<16xf32>
        %add3A_408 = arith.constant 22 : i32
        %add3A_409 = vector.broadcast %add3A_408 : i32 to vector<16xi32>
        %add3A_410 = arith.addi %iota3A, %add3A_409 : vector<16xi32>
        %and3A_411 = arith.constant 63 : i32
        %and3A_412 = vector.broadcast %and3A_411 : i32 to vector<16xi32>
        %and3A_413 = arith.andi %add3A_410, %and3A_412 : vector<16xi32>
        %gather3A_414 = tpu.vector_load_idx %arg16[%add3A_143, %and3A_413] : memref<128x128xf32, #tpu.memory_space<vmem>>[vector<16xi32>, vector<16xi32>], vector<16xf32>,
        %gather3A_415 = tpu.vector_load_idx %arg18[%add3A_143, %and3A_413] : memref<128x128xf32, #tpu.memory_space<vmem>>[vector<16xi32>, vector<16xi32>], vector<16xf32>,
        %gather3A_416 = tpu.vector_load_idx %arg20[%add3A_143, %and3A_413] : memref<128x128xf32, #tpu.memory_space<vmem>>[vector<16xi32>, vector<16xi32>], vector<16xf32>,
        %mul3A_417 = arith.mulf %gather3A_414, %gather3A_415 : vector<16xf32>
        %mul3A_418 = arith.mulf %mul3A_417, %gather3A_416 : vector<16xf32>
        %add3A_419 = arith.addf %add3A_407, %mul3A_418 : vector<16xf32>
        %add3A_420 = arith.constant 23 : i32
        %add3A_421 = vector.broadcast %add3A_420 : i32 to vector<16xi32>
        %add3A_422 = arith.addi %iota3A, %add3A_421 : vector<16xi32>
        %and3A_423 = arith.constant 63 : i32
        %and3A_424 = vector.broadcast %and3A_423 : i32 to vector<16xi32>
        %and3A_425 = arith.andi %add3A_422, %and3A_424 : vector<16xi32>
        %gather3A_426 = tpu.vector_load_idx %arg16[%add3A_143, %and3A_425] : memref<128x128xf32, #tpu.memory_space<vmem>>[vector<16xi32>, vector<16xi32>], vector<16xf32>,
        %gather3A_427 = tpu.vector_load_idx %arg18[%add3A_143, %and3A_425] : memref<128x128xf32, #tpu.memory_space<vmem>>[vector<16xi32>, vector<16xi32>], vector<16xf32>,
        %gather3A_428 = tpu.vector_load_idx %arg20[%add3A_143, %and3A_425] : memref<128x128xf32, #tpu.memory_space<vmem>>[vector<16xi32>, vector<16xi32>], vector<16xf32>,
        %mul3A_429 = arith.mulf %gather3A_426, %gather3A_427 : vector<16xf32>
        %mul3A_430 = arith.mulf %mul3A_429, %gather3A_428 : vector<16xf32>
        %add3A_431 = arith.addf %add3A_419, %mul3A_430 : vector<16xf32>
        %add3A_432 = arith.constant 24 : i32
        %add3A_433 = vector.broadcast %add3A_432 : i32 to vector<16xi32>
        %add3A_434 = arith.addi %iota3A, %add3A_433 : vector<16xi32>
        %and3A_435 = arith.constant 63 : i32
        %and3A_436 = vector.broadcast %and3A_435 : i32 to vector<16xi32>
        %and3A_437 = arith.andi %add3A_434, %and3A_436 : vector<16xi32>
        %gather3A_438 = tpu.vector_load_idx %arg16[%add3A_143, %and3A_437] : memref<128x128xf32, #tpu.memory_space<vmem>>[vector<16xi32>, vector<16xi32>], vector<16xf32>,
        %gather3A_439 = tpu.vector_load_idx %arg18[%add3A_143, %and3A_437] : memref<128x128xf32, #tpu.memory_space<vmem>>[vector<16xi32>, vector<16xi32>], vector<16xf32>,
        %gather3A_440 = tpu.vector_load_idx %arg20[%add3A_143, %and3A_437] : memref<128x128xf32, #tpu.memory_space<vmem>>[vector<16xi32>, vector<16xi32>], vector<16xf32>,
        %mul3A_441 = arith.mulf %gather3A_438, %gather3A_439 : vector<16xf32>
        %mul3A_442 = arith.mulf %mul3A_441, %gather3A_440 : vector<16xf32>
        %add3A_443 = arith.addf %add3A_431, %mul3A_442 : vector<16xf32>
        %add3A_444 = arith.constant 25 : i32
        %add3A_445 = vector.broadcast %add3A_444 : i32 to vector<16xi32>
        %add3A_446 = arith.addi %iota3A, %add3A_445 : vector<16xi32>
        %and3A_447 = arith.constant 63 : i32
        %and3A_448 = vector.broadcast %and3A_447 : i32 to vector<16xi32>
        %and3A_449 = arith.andi %add3A_446, %and3A_448 : vector<16xi32>
        %gather3A_450 = tpu.vector_load_idx %arg16[%add3A_143, %and3A_449] : memref<128x128xf32, #tpu.memory_space<vmem>>[vector<16xi32>, vector<16xi32>], vector<16xf32>,
        %gather3A_451 = tpu.vector_load_idx %arg18[%add3A_143, %and3A_449] : memref<128x128xf32, #tpu.memory_space<vmem>>[vector<16xi32>, vector<16xi32>], vector<16xf32>,
        %gather3A_452 = tpu.vector_load_idx %arg20[%add3A_143, %and3A_449] : memref<128x128xf32, #tpu.memory_space<vmem>>[vector<16xi32>, vector<16xi32>], vector<16xf32>,
        %mul3A_453 = arith.mulf %gather3A_450, %gather3A_451 : vector<16xf32>
        %mul3A_454 = arith.mulf %mul3A_453, %gather3A_452 : vector<16xf32>
        %add3A_455 = arith.addf %add3A_443, %mul3A_454 : vector<16xf32>
        %add3A_456 = arith.constant 26 : i32
        %add3A_457 = vector.broadcast %add3A_456 : i32 to vector<16xi32>
        %add3A_458 = arith.addi %iota3A, %add3A_457 : vector<16xi32>
        %and3A_459 = arith.constant 63 : i32
        %and3A_460 = vector.broadcast %and3A_459 : i32 to vector<16xi32>
        %and3A_461 = arith.andi %add3A_458, %and3A_460 : vector<16xi32>
        %gather3A_462 = tpu.vector_load_idx %arg16[%add3A_143, %and3A_461] : memref<128x128xf32, #tpu.memory_space<vmem>>[vector<16xi32>, vector<16xi32>], vector<16xf32>,
        %gather3A_463 = tpu.vector_load_idx %arg18[%add3A_143, %and3A_461] : memref<128x128xf32, #tpu.memory_space<vmem>>[vector<16xi32>, vector<16xi32>], vector<16xf32>,
        %gather3A_464 = tpu.vector_load_idx %arg20[%add3A_143, %and3A_461] : memref<128x128xf32, #tpu.memory_space<vmem>>[vector<16xi32>, vector<16xi32>], vector<16xf32>,
        %mul3A_465 = arith.mulf %gather3A_462, %gather3A_463 : vector<16xf32>
        %mul3A_466 = arith.mulf %mul3A_465, %gather3A_464 : vector<16xf32>
        %add3A_467 = arith.addf %add3A_455, %mul3A_466 : vector<16xf32>
        %add3A_468 = arith.constant 27 : i32
        %add3A_469 = vector.broadcast %add3A_468 : i32 to vector<16xi32>
        %add3A_470 = arith.addi %iota3A, %add3A_469 : vector<16xi32>
        %and3A_471 = arith.constant 63 : i32
        %and3A_472 = vector.broadcast %and3A_471 : i32 to vector<16xi32>
        %and3A_473 = arith.andi %add3A_470, %and3A_472 : vector<16xi32>
        %gather3A_474 = tpu.vector_load_idx %arg16[%add3A_143, %and3A_473] : memref<128x128xf32, #tpu.memory_space<vmem>>[vector<16xi32>, vector<16xi32>], vector<16xf32>,
        %gather3A_475 = tpu.vector_load_idx %arg18[%add3A_143, %and3A_473] : memref<128x128xf32, #tpu.memory_space<vmem>>[vector<16xi32>, vector<16xi32>], vector<16xf32>,
        %gather3A_476 = tpu.vector_load_idx %arg20[%add3A_143, %and3A_473] : memref<128x128xf32, #tpu.memory_space<vmem>>[vector<16xi32>, vector<16xi32>], vector<16xf32>,
        %mul3A_477 = arith.mulf %gather3A_474, %gather3A_475 : vector<16xf32>
        %mul3A_478 = arith.mulf %mul3A_477, %gather3A_476 : vector<16xf32>
        %add3A_479 = arith.addf %add3A_467, %mul3A_478 : vector<16xf32>
        %add3A_480 = arith.constant 28 : i32
        %add3A_481 = vector.broadcast %add3A_480 : i32 to vector<16xi32>
        %add3A_482 = arith.addi %iota3A, %add3A_481 : vector<16xi32>
        %and3A_483 = arith.constant 63 : i32
        %and3A_484 = vector.broadcast %and3A_483 : i32 to vector<16xi32>
        %and3A_485 = arith.andi %add3A_482, %and3A_484 : vector<16xi32>
        %gather3A_486 = tpu.vector_load_idx %arg16[%add3A_143, %and3A_485] : memref<128x128xf32, #tpu.memory_space<vmem>>[vector<16xi32>, vector<16xi32>], vector<16xf32>,
        %gather3A_487 = tpu.vector_load_idx %arg18[%add3A_143, %and3A_485] : memref<128x128xf32, #tpu.memory_space<vmem>>[vector<16xi32>, vector<16xi32>], vector<16xf32>,
        %gather3A_488 = tpu.vector_load_idx %arg20[%add3A_143, %and3A_485] : memref<128x128xf32, #tpu.memory_space<vmem>>[vector<16xi32>, vector<16xi32>], vector<16xf32>,
        %mul3A_489 = arith.mulf %gather3A_486, %gather3A_487 : vector<16xf32>
        %mul3A_490 = arith.mulf %mul3A_489, %gather3A_488 : vector<16xf32>
        %add3A_491 = arith.addf %add3A_479, %mul3A_490 : vector<16xf32>
        %add3A_492 = arith.constant 29 : i32
        %add3A_493 = vector.broadcast %add3A_492 : i32 to vector<16xi32>
        %add3A_494 = arith.addi %iota3A, %add3A_493 : vector<16xi32>
        %and3A_495 = arith.constant 63 : i32
        %and3A_496 = vector.broadcast %and3A_495 : i32 to vector<16xi32>
        %and3A_497 = arith.andi %add3A_494, %and3A_496 : vector<16xi32>
        %gather3A_498 = tpu.vector_load_idx %arg16[%add3A_143, %and3A_497] : memref<128x128xf32, #tpu.memory_space<vmem>>[vector<16xi32>, vector<16xi32>], vector<16xf32>,
        %gather3A_499 = tpu.vector_load_idx %arg18[%add3A_143, %and3A_497] : memref<128x128xf32, #tpu.memory_space<vmem>>[vector<16xi32>, vector<16xi32>], vector<16xf32>,
        %gather3A_500 = tpu.vector_load_idx %arg20[%add3A_143, %and3A_497] : memref<128x128xf32, #tpu.memory_space<vmem>>[vector<16xi32>, vector<16xi32>], vector<16xf32>,
        %mul3A_501 = arith.mulf %gather3A_498, %gather3A_499 : vector<16xf32>
        %mul3A_502 = arith.mulf %mul3A_501, %gather3A_500 : vector<16xf32>
        %add3A_503 = arith.addf %add3A_491, %mul3A_502 : vector<16xf32>
        %add3A_504 = arith.constant 30 : i32
        %add3A_505 = vector.broadcast %add3A_504 : i32 to vector<16xi32>
        %add3A_506 = arith.addi %iota3A, %add3A_505 : vector<16xi32>
        %and3A_507 = arith.constant 63 : i32
        %and3A_508 = vector.broadcast %and3A_507 : i32 to vector<16xi32>
        %and3A_509 = arith.andi %add3A_506, %and3A_508 : vector<16xi32>
        %gather3A_510 = tpu.vector_load_idx %arg16[%add3A_143, %and3A_509] : memref<128x128xf32, #tpu.memory_space<vmem>>[vector<16xi32>, vector<16xi32>], vector<16xf32>,
        %gather3A_511 = tpu.vector_load_idx %arg18[%add3A_143, %and3A_509] : memref<128x128xf32, #tpu.memory_space<vmem>>[vector<16xi32>, vector<16xi32>], vector<16xf32>,
        %gather3A_512 = tpu.vector_load_idx %arg20[%add3A_143, %and3A_509] : memref<128x128xf32, #tpu.memory_space<vmem>>[vector<16xi32>, vector<16xi32>], vector<16xf32>,
        %mul3A_513 = arith.mulf %gather3A_510, %gather3A_511 : vector<16xf32>
        %mul3A_514 = arith.mulf %mul3A_513, %gather3A_512 : vector<16xf32>
        %add3A_515 = arith.addf %add3A_503, %mul3A_514 : vector<16xf32>
        %add3A_516 = arith.constant 31 : i32
        %add3A_517 = vector.broadcast %add3A_516 : i32 to vector<16xi32>
        %add3A_518 = arith.addi %iota3A, %add3A_517 : vector<16xi32>
        %and3A_519 = arith.constant 63 : i32
        %and3A_520 = vector.broadcast %and3A_519 : i32 to vector<16xi32>
        %and3A_521 = arith.andi %add3A_518, %and3A_520 : vector<16xi32>
        %gather3A_522 = tpu.vector_load_idx %arg16[%add3A_143, %and3A_521] : memref<128x128xf32, #tpu.memory_space<vmem>>[vector<16xi32>, vector<16xi32>], vector<16xf32>,
        %gather3A_523 = tpu.vector_load_idx %arg18[%add3A_143, %and3A_521] : memref<128x128xf32, #tpu.memory_space<vmem>>[vector<16xi32>, vector<16xi32>], vector<16xf32>,
        %gather3A_524 = tpu.vector_load_idx %arg20[%add3A_143, %and3A_521] : memref<128x128xf32, #tpu.memory_space<vmem>>[vector<16xi32>, vector<16xi32>], vector<16xf32>,
        %mul3A_525 = arith.mulf %gather3A_522, %gather3A_523 : vector<16xf32>
        %mul3A_526 = arith.mulf %mul3A_525, %gather3A_524 : vector<16xf32>
        %add3A_527 = arith.addf %add3A_515, %mul3A_526 : vector<16xf32>
        %add3A_528 = arith.constant 32 : i32
        %add3A_529 = vector.broadcast %add3A_528 : i32 to vector<16xi32>
        %add3A_530 = arith.addi %iota3A, %add3A_529 : vector<16xi32>
        %and3A_531 = arith.constant 63 : i32
        %and3A_532 = vector.broadcast %and3A_531 : i32 to vector<16xi32>
        %and3A_533 = arith.andi %add3A_530, %and3A_532 : vector<16xi32>
        %gather3A_534 = tpu.vector_load_idx %arg16[%add3A_143, %and3A_533] : memref<128x128xf32, #tpu.memory_space<vmem>>[vector<16xi32>, vector<16xi32>], vector<16xf32>,
        %gather3A_535 = tpu.vector_load_idx %arg18[%add3A_143, %and3A_533] : memref<128x128xf32, #tpu.memory_space<vmem>>[vector<16xi32>, vector<16xi32>], vector<16xf32>,
        %gather3A_536 = tpu.vector_load_idx %arg20[%add3A_143, %and3A_533] : memref<128x128xf32, #tpu.memory_space<vmem>>[vector<16xi32>, vector<16xi32>], vector<16xf32>,
        %mul3A_537 = arith.mulf %gather3A_534, %gather3A_535 : vector<16xf32>
        %mul3A_538 = arith.mulf %mul3A_537, %gather3A_536 : vector<16xf32>
        %add3A_539 = arith.addf %add3A_527, %mul3A_538 : vector<16xf32>
        %add3A_540 = arith.constant 33 : i32
        %add3A_541 = vector.broadcast %add3A_540 : i32 to vector<16xi32>
        %add3A_542 = arith.addi %iota3A, %add3A_541 : vector<16xi32>
        %and3A_543 = arith.constant 63 : i32
        %and3A_544 = vector.broadcast %and3A_543 : i32 to vector<16xi32>
        %and3A_545 = arith.andi %add3A_542, %and3A_544 : vector<16xi32>
        %gather3A_546 = tpu.vector_load_idx %arg16[%add3A_143, %and3A_545] : memref<128x128xf32, #tpu.memory_space<vmem>>[vector<16xi32>, vector<16xi32>], vector<16xf32>,
        %gather3A_547 = tpu.vector_load_idx %arg18[%add3A_143, %and3A_545] : memref<128x128xf32, #tpu.memory_space<vmem>>[vector<16xi32>, vector<16xi32>], vector<16xf32>,
        %gather3A_548 = tpu.vector_load_idx %arg20[%add3A_143, %and3A_545] : memref<128x128xf32, #tpu.memory_space<vmem>>[vector<16xi32>, vector<16xi32>], vector<16xf32>,
        %mul3A_549 = arith.mulf %gather3A_546, %gather3A_547 : vector<16xf32>
        %mul3A_550 = arith.mulf %mul3A_549, %gather3A_548 : vector<16xf32>
        %add3A_551 = arith.addf %add3A_539, %mul3A_550 : vector<16xf32>
        %add3A_552 = arith.constant 34 : i32
        %add3A_553 = vector.broadcast %add3A_552 : i32 to vector<16xi32>
        %add3A_554 = arith.addi %iota3A, %add3A_553 : vector<16xi32>
        %and3A_555 = arith.constant 63 : i32
        %and3A_556 = vector.broadcast %and3A_555 : i32 to vector<16xi32>
        %and3A_557 = arith.andi %add3A_554, %and3A_556 : vector<16xi32>
        %gather3A_558 = tpu.vector_load_idx %arg16[%add3A_143, %and3A_557] : memref<128x128xf32, #tpu.memory_space<vmem>>[vector<16xi32>, vector<16xi32>], vector<16xf32>,
        %gather3A_559 = tpu.vector_load_idx %arg18[%add3A_143, %and3A_557] : memref<128x128xf32, #tpu.memory_space<vmem>>[vector<16xi32>, vector<16xi32>], vector<16xf32>,
        %gather3A_560 = tpu.vector_load_idx %arg20[%add3A_143, %and3A_557] : memref<128x128xf32, #tpu.memory_space<vmem>>[vector<16xi32>, vector<16xi32>], vector<16xf32>,
        %mul3A_561 = arith.mulf %gather3A_558, %gather3A_559 : vector<16xf32>
        %mul3A_562 = arith.mulf %mul3A_561, %gather3A_560 : vector<16xf32>
        %add3A_563 = arith.addf %add3A_551, %mul3A_562 : vector<16xf32>
        %add3A_564 = arith.constant 35 : i32
        %add3A_565 = vector.broadcast %add3A_564 : i32 to vector<16xi32>
        %add3A_566 = arith.addi %iota3A, %add3A_565 : vector<16xi32>
        %and3A_567 = arith.constant 63 : i32
        %and3A_568 = vector.broadcast %and3A_567 : i32 to vector<16xi32>
        %and3A_569 = arith.andi %add3A_566, %and3A_568 : vector<16xi32>
        %gather3A_570 = tpu.vector_load_idx %arg16[%add3A_143, %and3A_569] : memref<128x128xf32, #tpu.memory_space<vmem>>[vector<16xi32>, vector<16xi32>], vector<16xf32>,
        %gather3A_571 = tpu.vector_load_idx %arg18[%add3A_143, %and3A_569] : memref<128x128xf32, #tpu.memory_space<vmem>>[vector<16xi32>, vector<16xi32>], vector<16xf32>,
        %gather3A_572 = tpu.vector_load_idx %arg20[%add3A_143, %and3A_569] : memref<128x128xf32, #tpu.memory_space<vmem>>[vector<16xi32>, vector<16xi32>], vector<16xf32>,
        %mul3A_573 = arith.mulf %gather3A_570, %gather3A_571 : vector<16xf32>
        %mul3A_574 = arith.mulf %mul3A_573, %gather3A_572 : vector<16xf32>
        %add3A_575 = arith.addf %add3A_563, %mul3A_574 : vector<16xf32>
        %add3A_576 = arith.constant 36 : i32
        %add3A_577 = vector.broadcast %add3A_576 : i32 to vector<16xi32>
        %add3A_578 = arith.addi %iota3A, %add3A_577 : vector<16xi32>
        %and3A_579 = arith.constant 63 : i32
        %and3A_580 = vector.broadcast %and3A_579 : i32 to vector<16xi32>
        %and3A_581 = arith.andi %add3A_578, %and3A_580 : vector<16xi32>
        %gather3A_582 = tpu.vector_load_idx %arg16[%add3A_143, %and3A_581] : memref<128x128xf32, #tpu.memory_space<vmem>>[vector<16xi32>, vector<16xi32>], vector<16xf32>,
        %gather3A_583 = tpu.vector_load_idx %arg18[%add3A_143, %and3A_581] : memref<128x128xf32, #tpu.memory_space<vmem>>[vector<16xi32>, vector<16xi32>], vector<16xf32>,
        %gather3A_584 = tpu.vector_load_idx %arg20[%add3A_143, %and3A_581] : memref<128x128xf32, #tpu.memory_space<vmem>>[vector<16xi32>, vector<16xi32>], vector<16xf32>,
        %mul3A_585 = arith.mulf %gather3A_582, %gather3A_583 : vector<16xf32>
        %mul3A_586 = arith.mulf %mul3A_585, %gather3A_584 : vector<16xf32>
        %add3A_587 = arith.addf %add3A_575, %mul3A_586 : vector<16xf32>
        %add3A_588 = arith.constant 37 : i32
        %add3A_589 = vector.broadcast %add3A_588 : i32 to vector<16xi32>
        %add3A_590 = arith.addi %iota3A, %add3A_589 : vector<16xi32>
        %and3A_591 = arith.constant 63 : i32
        %and3A_592 = vector.broadcast %and3A_591 : i32 to vector<16xi32>
        %and3A_593 = arith.andi %add3A_590, %and3A_592 : vector<16xi32>
        %gather3A_594 = tpu.vector_load_idx %arg16[%add3A_143, %and3A_593] : memref<128x128xf32, #tpu.memory_space<vmem>>[vector<16xi32>, vector<16xi32>], vector<16xf32>,
        %gather3A_595 = tpu.vector_load_idx %arg18[%add3A_143, %and3A_593] : memref<128x128xf32, #tpu.memory_space<vmem>>[vector<16xi32>, vector<16xi32>], vector<16xf32>,
        %gather3A_596 = tpu.vector_load_idx %arg20[%add3A_143, %and3A_593] : memref<128x128xf32, #tpu.memory_space<vmem>>[vector<16xi32>, vector<16xi32>], vector<16xf32>,
        %mul3A_597 = arith.mulf %gather3A_594, %gather3A_595 : vector<16xf32>
        %mul3A_598 = arith.mulf %mul3A_597, %gather3A_596 : vector<16xf32>
        %add3A_599 = arith.addf %add3A_587, %mul3A_598 : vector<16xf32>
        %add3A_600 = arith.constant 38 : i32
        %add3A_601 = vector.broadcast %add3A_600 : i32 to vector<16xi32>
        %add3A_602 = arith.addi %iota3A, %add3A_601 : vector<16xi32>
        %and3A_603 = arith.constant 63 : i32
        %and3A_604 = vector.broadcast %and3A_603 : i32 to vector<16xi32>
        %and3A_605 = arith.andi %add3A_602, %and3A_604 : vector<16xi32>
        %gather3A_606 = tpu.vector_load_idx %arg16[%add3A_143, %and3A_605] : memref<128x128xf32, #tpu.memory_space<vmem>>[vector<16xi32>, vector<16xi32>], vector<16xf32>,
        %gather3A_607 = tpu.vector_load_idx %arg18[%add3A_143, %and3A_605] : memref<128x128xf32, #tpu.memory_space<vmem>>[vector<16xi32>, vector<16xi32>], vector<16xf32>,
        %gather3A_608 = tpu.vector_load_idx %arg20[%add3A_143, %and3A_605] : memref<128x128xf32, #tpu.memory_space<vmem>>[vector<16xi32>, vector<16xi32>], vector<16xf32>,
        %mul3A_609 = arith.mulf %gather3A_606, %gather3A_607 : vector<16xf32>
        %mul3A_610 = arith.mulf %mul3A_609, %gather3A_608 : vector<16xf32>
        %add3A_611 = arith.addf %add3A_599, %mul3A_610 : vector<16xf32>
        %add3A_612 = arith.constant 39 : i32
        %add3A_613 = vector.broadcast %add3A_612 : i32 to vector<16xi32>
        %add3A_614 = arith.addi %iota3A, %add3A_613 : vector<16xi32>
        %and3A_615 = arith.constant 63 : i32
        %and3A_616 = vector.broadcast %and3A_615 : i32 to vector<16xi32>
        %and3A_617 = arith.andi %add3A_614, %and3A_616 : vector<16xi32>
        %gather3A_618 = tpu.vector_load_idx %arg16[%add3A_143, %and3A_617] : memref<128x128xf32, #tpu.memory_space<vmem>>[vector<16xi32>, vector<16xi32>], vector<16xf32>,
        %gather3A_619 = tpu.vector_load_idx %arg18[%add3A_143, %and3A_617] : memref<128x128xf32, #tpu.memory_space<vmem>>[vector<16xi32>, vector<16xi32>], vector<16xf32>,
        %gather3A_620 = tpu.vector_load_idx %arg20[%add3A_143, %and3A_617] : memref<128x128xf32, #tpu.memory_space<vmem>>[vector<16xi32>, vector<16xi32>], vector<16xf32>,
        %mul3A_621 = arith.mulf %gather3A_618, %gather3A_619 : vector<16xf32>
        %mul3A_622 = arith.mulf %mul3A_621, %gather3A_620 : vector<16xf32>
        %add3A_623 = arith.addf %add3A_611, %mul3A_622 : vector<16xf32>
        %add3A_624 = arith.constant 40 : i32
        %add3A_625 = vector.broadcast %add3A_624 : i32 to vector<16xi32>
        %add3A_626 = arith.addi %iota3A, %add3A_625 : vector<16xi32>
        %and3A_627 = arith.constant 63 : i32
        %and3A_628 = vector.broadcast %and3A_627 : i32 to vector<16xi32>
        %and3A_629 = arith.andi %add3A_626, %and3A_628 : vector<16xi32>
        %gather3A_630 = tpu.vector_load_idx %arg16[%add3A_143, %and3A_629] : memref<128x128xf32, #tpu.memory_space<vmem>>[vector<16xi32>, vector<16xi32>], vector<16xf32>,
        %gather3A_631 = tpu.vector_load_idx %arg18[%add3A_143, %and3A_629] : memref<128x128xf32, #tpu.memory_space<vmem>>[vector<16xi32>, vector<16xi32>], vector<16xf32>,
        %gather3A_632 = tpu.vector_load_idx %arg20[%add3A_143, %and3A_629] : memref<128x128xf32, #tpu.memory_space<vmem>>[vector<16xi32>, vector<16xi32>], vector<16xf32>,
        %mul3A_633 = arith.mulf %gather3A_630, %gather3A_631 : vector<16xf32>
        %mul3A_634 = arith.mulf %mul3A_633, %gather3A_632 : vector<16xf32>
        %add3A_635 = arith.addf %add3A_623, %mul3A_634 : vector<16xf32>
        %add3A_636 = arith.constant 41 : i32
        %add3A_637 = vector.broadcast %add3A_636 : i32 to vector<16xi32>
        %add3A_638 = arith.addi %iota3A, %add3A_637 : vector<16xi32>
        %and3A_639 = arith.constant 63 : i32
        %and3A_640 = vector.broadcast %and3A_639 : i32 to vector<16xi32>
        %and3A_641 = arith.andi %add3A_638, %and3A_640 : vector<16xi32>
        %gather3A_642 = tpu.vector_load_idx %arg16[%add3A_143, %and3A_641] : memref<128x128xf32, #tpu.memory_space<vmem>>[vector<16xi32>, vector<16xi32>], vector<16xf32>,
        %gather3A_643 = tpu.vector_load_idx %arg18[%add3A_143, %and3A_641] : memref<128x128xf32, #tpu.memory_space<vmem>>[vector<16xi32>, vector<16xi32>], vector<16xf32>,
        %gather3A_644 = tpu.vector_load_idx %arg20[%add3A_143, %and3A_641] : memref<128x128xf32, #tpu.memory_space<vmem>>[vector<16xi32>, vector<16xi32>], vector<16xf32>,
        %mul3A_645 = arith.mulf %gather3A_642, %gather3A_643 : vector<16xf32>
        %mul3A_646 = arith.mulf %mul3A_645, %gather3A_644 : vector<16xf32>
        %add3A_647 = arith.addf %add3A_635, %mul3A_646 : vector<16xf32>
        %add3A_648 = arith.constant 42 : i32
        %add3A_649 = vector.broadcast %add3A_648 : i32 to vector<16xi32>
        %add3A_650 = arith.addi %iota3A, %add3A_649 : vector<16xi32>
        %and3A_651 = arith.constant 63 : i32
        %and3A_652 = vector.broadcast %and3A_651 : i32 to vector<16xi32>
        %and3A_653 = arith.andi %add3A_650, %and3A_652 : vector<16xi32>
        %gather3A_654 = tpu.vector_load_idx %arg16[%add3A_143, %and3A_653] : memref<128x128xf32, #tpu.memory_space<vmem>>[vector<16xi32>, vector<16xi32>], vector<16xf32>,
        %gather3A_655 = tpu.vector_load_idx %arg18[%add3A_143, %and3A_653] : memref<128x128xf32, #tpu.memory_space<vmem>>[vector<16xi32>, vector<16xi32>], vector<16xf32>,
        %gather3A_656 = tpu.vector_load_idx %arg20[%add3A_143, %and3A_653] : memref<128x128xf32, #tpu.memory_space<vmem>>[vector<16xi32>, vector<16xi32>], vector<16xf32>,
        %mul3A_657 = arith.mulf %gather3A_654, %gather3A_655 : vector<16xf32>
        %mul3A_658 = arith.mulf %mul3A_657, %gather3A_656 : vector<16xf32>
        %add3A_659 = arith.addf %add3A_647, %mul3A_658 : vector<16xf32>
        %add3A_660 = arith.constant 43 : i32
        %add3A_661 = vector.broadcast %add3A_660 : i32 to vector<16xi32>
        %add3A_662 = arith.addi %iota3A, %add3A_661 : vector<16xi32>
        %and3A_663 = arith.constant 63 : i32
        %and3A_664 = vector.broadcast %and3A_663 : i32 to vector<16xi32>
        %and3A_665 = arith.andi %add3A_662, %and3A_664 : vector<16xi32>
        %gather3A_666 = tpu.vector_load_idx %arg16[%add3A_143, %and3A_665] : memref<128x128xf32, #tpu.memory_space<vmem>>[vector<16xi32>, vector<16xi32>], vector<16xf32>,
        %gather3A_667 = tpu.vector_load_idx %arg18[%add3A_143, %and3A_665] : memref<128x128xf32, #tpu.memory_space<vmem>>[vector<16xi32>, vector<16xi32>], vector<16xf32>,
        %gather3A_668 = tpu.vector_load_idx %arg20[%add3A_143, %and3A_665] : memref<128x128xf32, #tpu.memory_space<vmem>>[vector<16xi32>, vector<16xi32>], vector<16xf32>,
        %mul3A_669 = arith.mulf %gather3A_666, %gather3A_667 : vector<16xf32>
        %mul3A_670 = arith.mulf %mul3A_669, %gather3A_668 : vector<16xf32>
        %add3A_671 = arith.addf %add3A_659, %mul3A_670 : vector<16xf32>
        %add3A_672 = arith.constant 44 : i32
        %add3A_673 = vector.broadcast %add3A_672 : i32 to vector<16xi32>
        %add3A_674 = arith.addi %iota3A, %add3A_673 : vector<16xi32>
        %and3A_675 = arith.constant 63 : i32
        %and3A_676 = vector.broadcast %and3A_675 : i32 to vector<16xi32>
        %and3A_677 = arith.andi %add3A_674, %and3A_676 : vector<16xi32>
        %gather3A_678 = tpu.vector_load_idx %arg16[%add3A_143, %and3A_677] : memref<128x128xf32, #tpu.memory_space<vmem>>[vector<16xi32>, vector<16xi32>], vector<16xf32>,
        %gather3A_679 = tpu.vector_load_idx %arg18[%add3A_143, %and3A_677] : memref<128x128xf32, #tpu.memory_space<vmem>>[vector<16xi32>, vector<16xi32>], vector<16xf32>,
        %gather3A_680 = tpu.vector_load_idx %arg20[%add3A_143, %and3A_677] : memref<128x128xf32, #tpu.memory_space<vmem>>[vector<16xi32>, vector<16xi32>], vector<16xf32>,
        %mul3A_681 = arith.mulf %gather3A_678, %gather3A_679 : vector<16xf32>
        %mul3A_682 = arith.mulf %mul3A_681, %gather3A_680 : vector<16xf32>
        %add3A_683 = arith.addf %add3A_671, %mul3A_682 : vector<16xf32>
        %add3A_684 = arith.constant 45 : i32
        %add3A_685 = vector.broadcast %add3A_684 : i32 to vector<16xi32>
        %add3A_686 = arith.addi %iota3A, %add3A_685 : vector<16xi32>
        %and3A_687 = arith.constant 63 : i32
        %and3A_688 = vector.broadcast %and3A_687 : i32 to vector<16xi32>
        %and3A_689 = arith.andi %add3A_686, %and3A_688 : vector<16xi32>
        %gather3A_690 = tpu.vector_load_idx %arg16[%add3A_143, %and3A_689] : memref<128x128xf32, #tpu.memory_space<vmem>>[vector<16xi32>, vector<16xi32>], vector<16xf32>,
        %gather3A_691 = tpu.vector_load_idx %arg18[%add3A_143, %and3A_689] : memref<128x128xf32, #tpu.memory_space<vmem>>[vector<16xi32>, vector<16xi32>], vector<16xf32>,
        %gather3A_692 = tpu.vector_load_idx %arg20[%add3A_143, %and3A_689] : memref<128x128xf32, #tpu.memory_space<vmem>>[vector<16xi32>, vector<16xi32>], vector<16xf32>,
        %mul3A_693 = arith.mulf %gather3A_690, %gather3A_691 : vector<16xf32>
        %mul3A_694 = arith.mulf %mul3A_693, %gather3A_692 : vector<16xf32>
        %add3A_695 = arith.addf %add3A_683, %mul3A_694 : vector<16xf32>
        %add3A_696 = arith.constant 46 : i32
        %add3A_697 = vector.broadcast %add3A_696 : i32 to vector<16xi32>
        %add3A_698 = arith.addi %iota3A, %add3A_697 : vector<16xi32>
        %and3A_699 = arith.constant 63 : i32
        %and3A_700 = vector.broadcast %and3A_699 : i32 to vector<16xi32>
        %and3A_701 = arith.andi %add3A_698, %and3A_700 : vector<16xi32>
        %gather3A_702 = tpu.vector_load_idx %arg16[%add3A_143, %and3A_701] : memref<128x128xf32, #tpu.memory_space<vmem>>[vector<16xi32>, vector<16xi32>], vector<16xf32>,
        %gather3A_703 = tpu.vector_load_idx %arg18[%add3A_143, %and3A_701] : memref<128x128xf32, #tpu.memory_space<vmem>>[vector<16xi32>, vector<16xi32>], vector<16xf32>,
        %gather3A_704 = tpu.vector_load_idx %arg20[%add3A_143, %and3A_701] : memref<128x128xf32, #tpu.memory_space<vmem>>[vector<16xi32>, vector<16xi32>], vector<16xf32>,
        %mul3A_705 = arith.mulf %gather3A_702, %gather3A_703 : vector<16xf32>
        %mul3A_706 = arith.mulf %mul3A_705, %gather3A_704 : vector<16xf32>
        %add3A_707 = arith.addf %add3A_695, %mul3A_706 : vector<16xf32>
        %add3A_708 = arith.constant 47 : i32
        %add3A_709 = vector.broadcast %add3A_708 : i32 to vector<16xi32>
        %add3A_710 = arith.addi %iota3A, %add3A_709 : vector<16xi32>
        %and3A_711 = arith.constant 63 : i32
        %and3A_712 = vector.broadcast %and3A_711 : i32 to vector<16xi32>
        %and3A_713 = arith.andi %add3A_710, %and3A_712 : vector<16xi32>
        %gather3A_714 = tpu.vector_load_idx %arg16[%add3A_143, %and3A_713] : memref<128x128xf32, #tpu.memory_space<vmem>>[vector<16xi32>, vector<16xi32>], vector<16xf32>,
        %gather3A_715 = tpu.vector_load_idx %arg18[%add3A_143, %and3A_713] : memref<128x128xf32, #tpu.memory_space<vmem>>[vector<16xi32>, vector<16xi32>], vector<16xf32>,
        %gather3A_716 = tpu.vector_load_idx %arg20[%add3A_143, %and3A_713] : memref<128x128xf32, #tpu.memory_space<vmem>>[vector<16xi32>, vector<16xi32>], vector<16xf32>,
        %mul3A_717 = arith.mulf %gather3A_714, %gather3A_715 : vector<16xf32>
        %mul3A_718 = arith.mulf %mul3A_717, %gather3A_716 : vector<16xf32>
        %add3A_719 = arith.addf %add3A_707, %mul3A_718 : vector<16xf32>
        %add3A_720 = arith.constant 48 : i32
        %add3A_721 = vector.broadcast %add3A_720 : i32 to vector<16xi32>
        %add3A_722 = arith.addi %iota3A, %add3A_721 : vector<16xi32>
        %and3A_723 = arith.constant 63 : i32
        %and3A_724 = vector.broadcast %and3A_723 : i32 to vector<16xi32>
        %and3A_725 = arith.andi %add3A_722, %and3A_724 : vector<16xi32>
        %gather3A_726 = tpu.vector_load_idx %arg16[%add3A_143, %and3A_725] : memref<128x128xf32, #tpu.memory_space<vmem>>[vector<16xi32>, vector<16xi32>], vector<16xf32>,
        %gather3A_727 = tpu.vector_load_idx %arg18[%add3A_143, %and3A_725] : memref<128x128xf32, #tpu.memory_space<vmem>>[vector<16xi32>, vector<16xi32>], vector<16xf32>,
        %gather3A_728 = tpu.vector_load_idx %arg20[%add3A_143, %and3A_725] : memref<128x128xf32, #tpu.memory_space<vmem>>[vector<16xi32>, vector<16xi32>], vector<16xf32>,
        %mul3A_729 = arith.mulf %gather3A_726, %gather3A_727 : vector<16xf32>
        %mul3A_730 = arith.mulf %mul3A_729, %gather3A_728 : vector<16xf32>
        %add3A_731 = arith.addf %add3A_719, %mul3A_730 : vector<16xf32>
        %add3A_732 = arith.constant 49 : i32
        %add3A_733 = vector.broadcast %add3A_732 : i32 to vector<16xi32>
        %add3A_734 = arith.addi %iota3A, %add3A_733 : vector<16xi32>
        %and3A_735 = arith.constant 63 : i32
        %and3A_736 = vector.broadcast %and3A_735 : i32 to vector<16xi32>
        %and3A_737 = arith.andi %add3A_734, %and3A_736 : vector<16xi32>
        %gather3A_738 = tpu.vector_load_idx %arg16[%add3A_143, %and3A_737] : memref<128x128xf32, #tpu.memory_space<vmem>>[vector<16xi32>, vector<16xi32>], vector<16xf32>,
        %gather3A_739 = tpu.vector_load_idx %arg18[%add3A_143, %and3A_737] : memref<128x128xf32, #tpu.memory_space<vmem>>[vector<16xi32>, vector<16xi32>], vector<16xf32>,
        %gather3A_740 = tpu.vector_load_idx %arg20[%add3A_143, %and3A_737] : memref<128x128xf32, #tpu.memory_space<vmem>>[vector<16xi32>, vector<16xi32>], vector<16xf32>,
        %mul3A_741 = arith.mulf %gather3A_738, %gather3A_739 : vector<16xf32>
        %mul3A_742 = arith.mulf %mul3A_741, %gather3A_740 : vector<16xf32>
        %add3A_743 = arith.addf %add3A_731, %mul3A_742 : vector<16xf32>
        %add3A_744 = arith.constant 50 : i32
        %add3A_745 = vector.broadcast %add3A_744 : i32 to vector<16xi32>
        %add3A_746 = arith.addi %iota3A, %add3A_745 : vector<16xi32>
        %and3A_747 = arith.constant 63 : i32
        %and3A_748 = vector.broadcast %and3A_747 : i32 to vector<16xi32>
        %and3A_749 = arith.andi %add3A_746, %and3A_748 : vector<16xi32>
        %gather3A_750 = tpu.vector_load_idx %arg16[%add3A_143, %and3A_749] : memref<128x128xf32, #tpu.memory_space<vmem>>[vector<16xi32>, vector<16xi32>], vector<16xf32>,
        %gather3A_751 = tpu.vector_load_idx %arg18[%add3A_143, %and3A_749] : memref<128x128xf32, #tpu.memory_space<vmem>>[vector<16xi32>, vector<16xi32>], vector<16xf32>,
        %gather3A_752 = tpu.vector_load_idx %arg20[%add3A_143, %and3A_749] : memref<128x128xf32, #tpu.memory_space<vmem>>[vector<16xi32>, vector<16xi32>], vector<16xf32>,
        %mul3A_753 = arith.mulf %gather3A_750, %gather3A_751 : vector<16xf32>
        %mul3A_754 = arith.mulf %mul3A_753, %gather3A_752 : vector<16xf32>
        %add3A_755 = arith.addf %add3A_743, %mul3A_754 : vector<16xf32>
        %add3A_756 = arith.constant 51 : i32
        %add3A_757 = vector.broadcast %add3A_756 : i32 to vector<16xi32>
        %add3A_758 = arith.addi %iota3A, %add3A_757 : vector<16xi32>
        %and3A_759 = arith.constant 63 : i32
        %and3A_760 = vector.broadcast %and3A_759 : i32 to vector<16xi32>
        %and3A_761 = arith.andi %add3A_758, %and3A_760 : vector<16xi32>
        %gather3A_762 = tpu.vector_load_idx %arg16[%add3A_143, %and3A_761] : memref<128x128xf32, #tpu.memory_space<vmem>>[vector<16xi32>, vector<16xi32>], vector<16xf32>,
        %gather3A_763 = tpu.vector_load_idx %arg18[%add3A_143, %and3A_761] : memref<128x128xf32, #tpu.memory_space<vmem>>[vector<16xi32>, vector<16xi32>], vector<16xf32>,
        %gather3A_764 = tpu.vector_load_idx %arg20[%add3A_143, %and3A_761] : memref<128x128xf32, #tpu.memory_space<vmem>>[vector<16xi32>, vector<16xi32>], vector<16xf32>,
        %mul3A_765 = arith.mulf %gather3A_762, %gather3A_763 : vector<16xf32>
        %mul3A_766 = arith.mulf %mul3A_765, %gather3A_764 : vector<16xf32>
        %add3A_767 = arith.addf %add3A_755, %mul3A_766 : vector<16xf32>
        %add3A_768 = arith.constant 52 : i32
        %add3A_769 = vector.broadcast %add3A_768 : i32 to vector<16xi32>
        %add3A_770 = arith.addi %iota3A, %add3A_769 : vector<16xi32>
        %and3A_771 = arith.constant 63 : i32
        %and3A_772 = vector.broadcast %and3A_771 : i32 to vector<16xi32>
        %and3A_773 = arith.andi %add3A_770, %and3A_772 : vector<16xi32>
        %gather3A_774 = tpu.vector_load_idx %arg16[%add3A_143, %and3A_773] : memref<128x128xf32, #tpu.memory_space<vmem>>[vector<16xi32>, vector<16xi32>], vector<16xf32>,
        %gather3A_775 = tpu.vector_load_idx %arg18[%add3A_143, %and3A_773] : memref<128x128xf32, #tpu.memory_space<vmem>>[vector<16xi32>, vector<16xi32>], vector<16xf32>,
        %gather3A_776 = tpu.vector_load_idx %arg20[%add3A_143, %and3A_773] : memref<128x128xf32, #tpu.memory_space<vmem>>[vector<16xi32>, vector<16xi32>], vector<16xf32>,
        %mul3A_777 = arith.mulf %gather3A_774, %gather3A_775 : vector<16xf32>
        %mul3A_778 = arith.mulf %mul3A_777, %gather3A_776 : vector<16xf32>
        %add3A_779 = arith.addf %add3A_767, %mul3A_778 : vector<16xf32>
        %add3A_780 = arith.constant 53 : i32
        %add3A_781 = vector.broadcast %add3A_780 : i32 to vector<16xi32>
        %add3A_782 = arith.addi %iota3A, %add3A_781 : vector<16xi32>
        %and3A_783 = arith.constant 63 : i32
        %and3A_784 = vector.broadcast %and3A_783 : i32 to vector<16xi32>
        %and3A_785 = arith.andi %add3A_782, %and3A_784 : vector<16xi32>
        %gather3A_786 = tpu.vector_load_idx %arg16[%add3A_143, %and3A_785] : memref<128x128xf32, #tpu.memory_space<vmem>>[vector<16xi32>, vector<16xi32>], vector<16xf32>,
        %gather3A_787 = tpu.vector_load_idx %arg18[%add3A_143, %and3A_785] : memref<128x128xf32, #tpu.memory_space<vmem>>[vector<16xi32>, vector<16xi32>], vector<16xf32>,
        %gather3A_788 = tpu.vector_load_idx %arg20[%add3A_143, %and3A_785] : memref<128x128xf32, #tpu.memory_space<vmem>>[vector<16xi32>, vector<16xi32>], vector<16xf32>,
        %mul3A_789 = arith.mulf %gather3A_786, %gather3A_787 : vector<16xf32>
        %mul3A_790 = arith.mulf %mul3A_789, %gather3A_788 : vector<16xf32>
        %add3A_791 = arith.addf %add3A_779, %mul3A_790 : vector<16xf32>
        %add3A_792 = arith.constant 54 : i32
        %add3A_793 = vector.broadcast %add3A_792 : i32 to vector<16xi32>
        %add3A_794 = arith.addi %iota3A, %add3A_793 : vector<16xi32>
        %and3A_795 = arith.constant 63 : i32
        %and3A_796 = vector.broadcast %and3A_795 : i32 to vector<16xi32>
        %and3A_797 = arith.andi %add3A_794, %and3A_796 : vector<16xi32>
        %gather3A_798 = tpu.vector_load_idx %arg16[%add3A_143, %and3A_797] : memref<128x128xf32, #tpu.memory_space<vmem>>[vector<16xi32>, vector<16xi32>], vector<16xf32>,
        %gather3A_799 = tpu.vector_load_idx %arg18[%add3A_143, %and3A_797] : memref<128x128xf32, #tpu.memory_space<vmem>>[vector<16xi32>, vector<16xi32>], vector<16xf32>,
        %gather3A_800 = tpu.vector_load_idx %arg20[%add3A_143, %and3A_797] : memref<128x128xf32, #tpu.memory_space<vmem>>[vector<16xi32>, vector<16xi32>], vector<16xf32>,
        %mul3A_801 = arith.mulf %gather3A_798, %gather3A_799 : vector<16xf32>
        %mul3A_802 = arith.mulf %mul3A_801, %gather3A_800 : vector<16xf32>
        %add3A_803 = arith.addf %add3A_791, %mul3A_802 : vector<16xf32>
        %add3A_804 = arith.constant 55 : i32
        %add3A_805 = vector.broadcast %add3A_804 : i32 to vector<16xi32>
        %add3A_806 = arith.addi %iota3A, %add3A_805 : vector<16xi32>
        %and3A_807 = arith.constant 63 : i32
        %and3A_808 = vector.broadcast %and3A_807 : i32 to vector<16xi32>
        %and3A_809 = arith.andi %add3A_806, %and3A_808 : vector<16xi32>
        %gather3A_810 = tpu.vector_load_idx %arg16[%add3A_143, %and3A_809] : memref<128x128xf32, #tpu.memory_space<vmem>>[vector<16xi32>, vector<16xi32>], vector<16xf32>,
        %gather3A_811 = tpu.vector_load_idx %arg18[%add3A_143, %and3A_809] : memref<128x128xf32, #tpu.memory_space<vmem>>[vector<16xi32>, vector<16xi32>], vector<16xf32>,
        %gather3A_812 = tpu.vector_load_idx %arg20[%add3A_143, %and3A_809] : memref<128x128xf32, #tpu.memory_space<vmem>>[vector<16xi32>, vector<16xi32>], vector<16xf32>,
        %mul3A_813 = arith.mulf %gather3A_810, %gather3A_811 : vector<16xf32>
        %mul3A_814 = arith.mulf %mul3A_813, %gather3A_812 : vector<16xf32>
        %add3A_815 = arith.addf %add3A_803, %mul3A_814 : vector<16xf32>
        %add3A_816 = arith.constant 56 : i32
        %add3A_817 = vector.broadcast %add3A_816 : i32 to vector<16xi32>
        %add3A_818 = arith.addi %iota3A, %add3A_817 : vector<16xi32>
        %and3A_819 = arith.constant 63 : i32
        %and3A_820 = vector.broadcast %and3A_819 : i32 to vector<16xi32>
        %and3A_821 = arith.andi %add3A_818, %and3A_820 : vector<16xi32>
        %gather3A_822 = tpu.vector_load_idx %arg16[%add3A_143, %and3A_821] : memref<128x128xf32, #tpu.memory_space<vmem>>[vector<16xi32>, vector<16xi32>], vector<16xf32>,
        %gather3A_823 = tpu.vector_load_idx %arg18[%add3A_143, %and3A_821] : memref<128x128xf32, #tpu.memory_space<vmem>>[vector<16xi32>, vector<16xi32>], vector<16xf32>,
        %gather3A_824 = tpu.vector_load_idx %arg20[%add3A_143, %and3A_821] : memref<128x128xf32, #tpu.memory_space<vmem>>[vector<16xi32>, vector<16xi32>], vector<16xf32>,
        %mul3A_825 = arith.mulf %gather3A_822, %gather3A_823 : vector<16xf32>
        %mul3A_826 = arith.mulf %mul3A_825, %gather3A_824 : vector<16xf32>
        %add3A_827 = arith.addf %add3A_815, %mul3A_826 : vector<16xf32>
        %add3A_828 = arith.constant 57 : i32
        %add3A_829 = vector.broadcast %add3A_828 : i32 to vector<16xi32>
        %add3A_830 = arith.addi %iota3A, %add3A_829 : vector<16xi32>
        %and3A_831 = arith.constant 63 : i32
        %and3A_832 = vector.broadcast %and3A_831 : i32 to vector<16xi32>
        %and3A_833 = arith.andi %add3A_830, %and3A_832 : vector<16xi32>
        %gather3A_834 = tpu.vector_load_idx %arg16[%add3A_143, %and3A_833] : memref<128x128xf32, #tpu.memory_space<vmem>>[vector<16xi32>, vector<16xi32>], vector<16xf32>,
        %gather3A_835 = tpu.vector_load_idx %arg18[%add3A_143, %and3A_833] : memref<128x128xf32, #tpu.memory_space<vmem>>[vector<16xi32>, vector<16xi32>], vector<16xf32>,
        %gather3A_836 = tpu.vector_load_idx %arg20[%add3A_143, %and3A_833] : memref<128x128xf32, #tpu.memory_space<vmem>>[vector<16xi32>, vector<16xi32>], vector<16xf32>,
        %mul3A_837 = arith.mulf %gather3A_834, %gather3A_835 : vector<16xf32>
        %mul3A_838 = arith.mulf %mul3A_837, %gather3A_836 : vector<16xf32>
        %add3A_839 = arith.addf %add3A_827, %mul3A_838 : vector<16xf32>
        %add3A_840 = arith.constant 58 : i32
        %add3A_841 = vector.broadcast %add3A_840 : i32 to vector<16xi32>
        %add3A_842 = arith.addi %iota3A, %add3A_841 : vector<16xi32>
        %and3A_843 = arith.constant 63 : i32
        %and3A_844 = vector.broadcast %and3A_843 : i32 to vector<16xi32>
        %and3A_845 = arith.andi %add3A_842, %and3A_844 : vector<16xi32>
        %gather3A_846 = tpu.vector_load_idx %arg16[%add3A_143, %and3A_845] : memref<128x128xf32, #tpu.memory_space<vmem>>[vector<16xi32>, vector<16xi32>], vector<16xf32>,
        %gather3A_847 = tpu.vector_load_idx %arg18[%add3A_143, %and3A_845] : memref<128x128xf32, #tpu.memory_space<vmem>>[vector<16xi32>, vector<16xi32>], vector<16xf32>,
        %gather3A_848 = tpu.vector_load_idx %arg20[%add3A_143, %and3A_845] : memref<128x128xf32, #tpu.memory_space<vmem>>[vector<16xi32>, vector<16xi32>], vector<16xf32>,
        %mul3A_849 = arith.mulf %gather3A_846, %gather3A_847 : vector<16xf32>
        %mul3A_850 = arith.mulf %mul3A_849, %gather3A_848 : vector<16xf32>
        %add3A_851 = arith.addf %add3A_839, %mul3A_850 : vector<16xf32>
        %add3A_852 = arith.constant 59 : i32
        %add3A_853 = vector.broadcast %add3A_852 : i32 to vector<16xi32>
        %add3A_854 = arith.addi %iota3A, %add3A_853 : vector<16xi32>
        %and3A_855 = arith.constant 63 : i32
        %and3A_856 = vector.broadcast %and3A_855 : i32 to vector<16xi32>
        %and3A_857 = arith.andi %add3A_854, %and3A_856 : vector<16xi32>
        %gather3A_858 = tpu.vector_load_idx %arg16[%add3A_143, %and3A_857] : memref<128x128xf32, #tpu.memory_space<vmem>>[vector<16xi32>, vector<16xi32>], vector<16xf32>,
        %gather3A_859 = tpu.vector_load_idx %arg18[%add3A_143, %and3A_857] : memref<128x128xf32, #tpu.memory_space<vmem>>[vector<16xi32>, vector<16xi32>], vector<16xf32>,
        %gather3A_860 = tpu.vector_load_idx %arg20[%add3A_143, %and3A_857] : memref<128x128xf32, #tpu.memory_space<vmem>>[vector<16xi32>, vector<16xi32>], vector<16xf32>,
        %mul3A_861 = arith.mulf %gather3A_858, %gather3A_859 : vector<16xf32>
        %mul3A_862 = arith.mulf %mul3A_861, %gather3A_860 : vector<16xf32>
        %add3A_863 = arith.addf %add3A_851, %mul3A_862 : vector<16xf32>
        %add3A_864 = arith.constant 60 : i32
        %add3A_865 = vector.broadcast %add3A_864 : i32 to vector<16xi32>
        %add3A_866 = arith.addi %iota3A, %add3A_865 : vector<16xi32>
        %and3A_867 = arith.constant 63 : i32
        %and3A_868 = vector.broadcast %and3A_867 : i32 to vector<16xi32>
        %and3A_869 = arith.andi %add3A_866, %and3A_868 : vector<16xi32>
        %gather3A_870 = tpu.vector_load_idx %arg16[%add3A_143, %and3A_869] : memref<128x128xf32, #tpu.memory_space<vmem>>[vector<16xi32>, vector<16xi32>], vector<16xf32>,
        %gather3A_871 = tpu.vector_load_idx %arg18[%add3A_143, %and3A_869] : memref<128x128xf32, #tpu.memory_space<vmem>>[vector<16xi32>, vector<16xi32>], vector<16xf32>,
        %gather3A_872 = tpu.vector_load_idx %arg20[%add3A_143, %and3A_869] : memref<128x128xf32, #tpu.memory_space<vmem>>[vector<16xi32>, vector<16xi32>], vector<16xf32>,
        %mul3A_873 = arith.mulf %gather3A_870, %gather3A_871 : vector<16xf32>
        %mul3A_874 = arith.mulf %mul3A_873, %gather3A_872 : vector<16xf32>
        %add3A_875 = arith.addf %add3A_863, %mul3A_874 : vector<16xf32>
        %add3A_876 = arith.constant 61 : i32
        %add3A_877 = vector.broadcast %add3A_876 : i32 to vector<16xi32>
        %add3A_878 = arith.addi %iota3A, %add3A_877 : vector<16xi32>
        %and3A_879 = arith.constant 63 : i32
        %and3A_880 = vector.broadcast %and3A_879 : i32 to vector<16xi32>
        %and3A_881 = arith.andi %add3A_878, %and3A_880 : vector<16xi32>
        %gather3A_882 = tpu.vector_load_idx %arg16[%add3A_143, %and3A_881] : memref<128x128xf32, #tpu.memory_space<vmem>>[vector<16xi32>, vector<16xi32>], vector<16xf32>,
        %gather3A_883 = tpu.vector_load_idx %arg18[%add3A_143, %and3A_881] : memref<128x128xf32, #tpu.memory_space<vmem>>[vector<16xi32>, vector<16xi32>], vector<16xf32>,
        %gather3A_884 = tpu.vector_load_idx %arg20[%add3A_143, %and3A_881] : memref<128x128xf32, #tpu.memory_space<vmem>>[vector<16xi32>, vector<16xi32>], vector<16xf32>,
        %mul3A_885 = arith.mulf %gather3A_882, %gather3A_883 : vector<16xf32>
        %mul3A_886 = arith.mulf %mul3A_885, %gather3A_884 : vector<16xf32>
        %add3A_887 = arith.addf %add3A_875, %mul3A_886 : vector<16xf32>
        %add3A_888 = arith.constant 62 : i32
        %add3A_889 = vector.broadcast %add3A_888 : i32 to vector<16xi32>
        %add3A_890 = arith.addi %iota3A, %add3A_889 : vector<16xi32>
        %and3A_891 = arith.constant 63 : i32
        %and3A_892 = vector.broadcast %and3A_891 : i32 to vector<16xi32>
        %and3A_893 = arith.andi %add3A_890, %and3A_892 : vector<16xi32>
        %gather3A_894 = tpu.vector_load_idx %arg16[%add3A_143, %and3A_893] : memref<128x128xf32, #tpu.memory_space<vmem>>[vector<16xi32>, vector<16xi32>], vector<16xf32>,
        %gather3A_895 = tpu.vector_load_idx %arg18[%add3A_143, %and3A_893] : memref<128x128xf32, #tpu.memory_space<vmem>>[vector<16xi32>, vector<16xi32>], vector<16xf32>,
        %gather3A_896 = tpu.vector_load_idx %arg20[%add3A_143, %and3A_893] : memref<128x128xf32, #tpu.memory_space<vmem>>[vector<16xi32>, vector<16xi32>], vector<16xf32>,
        %mul3A_897 = arith.mulf %gather3A_894, %gather3A_895 : vector<16xf32>
        %mul3A_898 = arith.mulf %mul3A_897, %gather3A_896 : vector<16xf32>
        %add3A_899 = arith.addf %add3A_887, %mul3A_898 : vector<16xf32>
        %add3A_900 = arith.constant 63 : i32
        %add3A_901 = vector.broadcast %add3A_900 : i32 to vector<16xi32>
        %add3A_902 = arith.addi %iota3A, %add3A_901 : vector<16xi32>
        %and3A_903 = arith.constant 63 : i32
        %and3A_904 = vector.broadcast %and3A_903 : i32 to vector<16xi32>
        %and3A_905 = arith.andi %add3A_902, %and3A_904 : vector<16xi32>
        %gather3A_906 = tpu.vector_load_idx %arg16[%add3A_143, %and3A_905] : memref<128x128xf32, #tpu.memory_space<vmem>>[vector<16xi32>, vector<16xi32>], vector<16xf32>,
        %gather3A_907 = tpu.vector_load_idx %arg18[%add3A_143, %and3A_905] : memref<128x128xf32, #tpu.memory_space<vmem>>[vector<16xi32>, vector<16xi32>], vector<16xf32>,
        %gather3A_908 = tpu.vector_load_idx %arg20[%add3A_143, %and3A_905] : memref<128x128xf32, #tpu.memory_space<vmem>>[vector<16xi32>, vector<16xi32>], vector<16xf32>,
        %mul3A_909 = arith.mulf %gather3A_906, %gather3A_907 : vector<16xf32>
        %mul3A_910 = arith.mulf %mul3A_909, %gather3A_908 : vector<16xf32>
        %add3A_911 = arith.addf %add3A_899, %mul3A_910 : vector<16xf32>
        %mul3A_912 = arith.constant 16 : i32
        %mul3A_913 = arith.muli %scan3A_138, %mul3A_912 : i32
        %add3A_914 = arith.addi %multiple_of3A_92, %mul3A_913 : i32
        %swap3A = arith.index_cast %add3A_914 : i32 to index
        %swap3A_915 = tpu.vector_load %arg15[%swap3A] {strides = array<i32>} : memref<3072xf32, #tpu.memory_space<vmem>>, vector<16xf32>,
        tpu.vector_store %arg15[%swap3A], %add3A_911 {strides = array<i32>} : memref<3072xf32, #tpu.memory_space<vmem>>, vector<16xf32>,
        %scan3A_916 = arith.constant 0 : i32
        scf.yield %scan3A_916 : i32
      }
      %scan3A_110 = arith.constant 8 : i32
      %lt3A = arith.constant 11 : i32
      %lt3A_111 = arith.cmpi slt, %scan3A_69, %lt3A : i32
      %convert_element_type3A = arith.extui %lt3A_111 : i1 to i32
      %cond3A = arith.constant 0 : i32
      %cond3A_112 = arith.cmpi ne, %convert_element_type3A, %cond3A : i32
      scf.if %cond3A_112 {
        %add3A_138 = arith.constant 2 : i32
        %add3A_139 = arith.addi %mul3A_72, %add3A_138 : i32
        %mul3A_140 = arith.constant 128 : i32
        %mul3A_141 = arith.muli %add3A_139, %mul3A_140 : i32
        %multiple_of3A_142 = tpu.assume_multiple %mul3A_141, 128 : i32
        %dma_start3A_143 = tpu.memref_slice %arg12[%multiple_of3A_142] : memref<3072xi32, #tpu.memory_space<vmem>> -> memref<128xi32, #tpu.memory_space<vmem>>
        %dma_start3A_144 = arith.constant 0 : i32
        %dma_start3A_145 = arith.constant 0 : i32
        %dma_start3A_146 = tpu.memref_slice %arg5[%dma_start3A_144, %dma_start3A_145] : memref<1000000x128xf32, #tpu.memory_space<hbm>> -> memref<1000000x128xf32, #tpu.memory_space<hbm>>
        tpu.enqueue_indirect_dma source(%dma_start3A_146 : memref<1000000x128xf32, #tpu.memory_space<hbm>>) target(%arg16 : memref<128x128xf32, #tpu.memory_space<vmem>>) offsets(%dma_start3A_143 : memref<128xi32, #tpu.memory_space<vmem>>) semaphore(%arg22 : memref<!tpu.dma_semaphore, #tpu.memory_space<semaphore_mem>>)
        %dma_start3A_147 = tpu.memref_slice %arg13[%multiple_of3A_142] : memref<3072xi32, #tpu.memory_space<vmem>> -> memref<128xi32, #tpu.memory_space<vmem>>
        %dma_start3A_148 = arith.constant 0 : i32
        %dma_start3A_149 = arith.constant 0 : i32
        %dma_start3A_150 = tpu.memref_slice %arg6[%dma_start3A_148, %dma_start3A_149] : memref<1000x128xf32, #tpu.memory_space<hbm>> -> memref<1000x128xf32, #tpu.memory_space<hbm>>
        tpu.enqueue_indirect_dma source(%dma_start3A_150 : memref<1000x128xf32, #tpu.memory_space<hbm>>) target(%arg18 : memref<128x128xf32, #tpu.memory_space<vmem>>) offsets(%dma_start3A_147 : memref<128xi32, #tpu.memory_space<vmem>>) semaphore(%arg24 : memref<!tpu.dma_semaphore, #tpu.memory_space<semaphore_mem>>)
        %dma_start3A_151 = tpu.memref_slice %arg14[%multiple_of3A_142] : memref<3072xi32, #tpu.memory_space<vmem>> -> memref<128xi32, #tpu.memory_space<vmem>>
        %dma_start3A_152 = arith.constant 0 : i32
        %dma_start3A_153 = arith.constant 0 : i32
        %dma_start3A_154 = tpu.memref_slice %arg5[%dma_start3A_152, %dma_start3A_153] : memref<1000000x128xf32, #tpu.memory_space<hbm>> -> memref<1000000x128xf32, #tpu.memory_space<hbm>>
        tpu.enqueue_indirect_dma source(%dma_start3A_154 : memref<1000000x128xf32, #tpu.memory_space<hbm>>) target(%arg20 : memref<128x128xf32, #tpu.memory_space<vmem>>) offsets(%dma_start3A_151 : memref<128xi32, #tpu.memory_space<vmem>>) semaphore(%arg26 : memref<!tpu.dma_semaphore, #tpu.memory_space<semaphore_mem>>)
      } else {
      }
      %add3A_113 = arith.constant 1 : i32
      %add3A_114 = arith.addi %mul3A_72, %add3A_113 : i32
      %mul3A_115 = arith.constant 128 : i32
      %mul3A_116 = arith.muli %add3A_114, %mul3A_115 : i32
      %multiple_of3A_117 = tpu.assume_multiple %mul3A_116, 128 : i32
      %dma_wait3A_118 = tpu.memref_slice %arg12[%multiple_of3A_117] : memref<3072xi32, #tpu.memory_space<vmem>> -> memref<128xi32, #tpu.memory_space<vmem>>
      %dma_wait3A_119 = arith.constant 0 : i32
      %dma_wait3A_120 = arith.constant 0 : i32
      %dma_wait3A_121 = tpu.memref_slice %arg5[%dma_wait3A_119, %dma_wait3A_120] : memref<1000000x128xf32, #tpu.memory_space<hbm>> -> memref<1000000x128xf32, #tpu.memory_space<hbm>>
      tpu.wait_indirect_dma semaphore(%arg23 : memref<!tpu.dma_semaphore, #tpu.memory_space<semaphore_mem>>) src(%dma_wait3A_121 : memref<1000000x128xf32, #tpu.memory_space<hbm>>) dst(%arg17 : memref<128x128xf32, #tpu.memory_space<vmem>>)
      %dma_wait3A_122 = tpu.memref_slice %arg13[%multiple_of3A_117] : memref<3072xi32, #tpu.memory_space<vmem>> -> memref<128xi32, #tpu.memory_space<vmem>>
      %dma_wait3A_123 = arith.constant 0 : i32
      %dma_wait3A_124 = arith.constant 0 : i32
      %dma_wait3A_125 = tpu.memref_slice %arg6[%dma_wait3A_123, %dma_wait3A_124] : memref<1000x128xf32, #tpu.memory_space<hbm>> -> memref<1000x128xf32, #tpu.memory_space<hbm>>
      tpu.wait_indirect_dma semaphore(%arg25 : memref<!tpu.dma_semaphore, #tpu.memory_space<semaphore_mem>>) src(%dma_wait3A_125 : memref<1000x128xf32, #tpu.memory_space<hbm>>) dst(%arg19 : memref<128x128xf32, #tpu.memory_space<vmem>>)
      %dma_wait3A_126 = tpu.memref_slice %arg14[%multiple_of3A_117] : memref<3072xi32, #tpu.memory_space<vmem>> -> memref<128xi32, #tpu.memory_space<vmem>>
      %dma_wait3A_127 = arith.constant 0 : i32
      %dma_wait3A_128 = arith.constant 0 : i32
      %dma_wait3A_129 = tpu.memref_slice %arg5[%dma_wait3A_127, %dma_wait3A_128] : memref<1000000x128xf32, #tpu.memory_space<hbm>> -> memref<1000000x128xf32, #tpu.memory_space<hbm>>
      tpu.wait_indirect_dma semaphore(%arg27 : memref<!tpu.dma_semaphore, #tpu.memory_space<semaphore_mem>>) src(%dma_wait3A_129 : memref<1000000x128xf32, #tpu.memory_space<hbm>>) dst(%arg21 : memref<128x128xf32, #tpu.memory_space<vmem>>)
      %scan3A_130 = arith.constant 0 : i32
      %scan3A_131 = arith.constant 0 : i32
      %scan3A_132 = arith.constant 8 : i32
      %scan3A_133 = arith.addi %scan3A_131, %scan3A_132 : i32
      %scan3A_134 = arith.constant 1 : i32
      %scan3A_135 = scf.for %scan3A_138 = %scan3A_131 to %scan3A_133 step %scan3A_134 iter_args(%scan3A_139 = %scan3A_130) -> (i32)  : i32 {
        %mul3A_140 = arith.constant 16 : i32
        %mul3A_141 = arith.muli %scan3A_138, %mul3A_140 : i32
        %add3A_142 = vector.broadcast %mul3A_141 : i32 to vector<16xi32>
        %add3A_143 = arith.addi %add3A_142, %iota3A : vector<16xi32>
        %broadcast_in_dim3A_144 = arith.constant 0.000000e+00 : f32
        %broadcast_in_dim3A_145 = vector.broadcast %broadcast_in_dim3A_144 : f32 to vector<16xf32>
        %add3A_146 = arith.constant 0 : i32
        %add3A_147 = vector.broadcast %add3A_146 : i32 to vector<16xi32>
        %add3A_148 = arith.addi %iota3A, %add3A_147 : vector<16xi32>
        %and3A = arith.constant 63 : i32
        %and3A_149 = vector.broadcast %and3A : i32 to vector<16xi32>
        %and3A_150 = arith.andi %add3A_148, %and3A_149 : vector<16xi32>
        %gather3A = tpu.vector_load_idx %arg17[%add3A_143, %and3A_150] : memref<128x128xf32, #tpu.memory_space<vmem>>[vector<16xi32>, vector<16xi32>], vector<16xf32>,
        %gather3A_151 = tpu.vector_load_idx %arg19[%add3A_143, %and3A_150] : memref<128x128xf32, #tpu.memory_space<vmem>>[vector<16xi32>, vector<16xi32>], vector<16xf32>,
        %gather3A_152 = tpu.vector_load_idx %arg21[%add3A_143, %and3A_150] : memref<128x128xf32, #tpu.memory_space<vmem>>[vector<16xi32>, vector<16xi32>], vector<16xf32>,
        %mul3A_153 = arith.mulf %gather3A, %gather3A_151 : vector<16xf32>
        %mul3A_154 = arith.mulf %mul3A_153, %gather3A_152 : vector<16xf32>
        %add3A_155 = arith.addf %broadcast_in_dim3A_145, %mul3A_154 : vector<16xf32>
        %add3A_156 = arith.constant 1 : i32
        %add3A_157 = vector.broadcast %add3A_156 : i32 to vector<16xi32>
        %add3A_158 = arith.addi %iota3A, %add3A_157 : vector<16xi32>
        %and3A_159 = arith.constant 63 : i32
        %and3A_160 = vector.broadcast %and3A_159 : i32 to vector<16xi32>
        %and3A_161 = arith.andi %add3A_158, %and3A_160 : vector<16xi32>
        %gather3A_162 = tpu.vector_load_idx %arg17[%add3A_143, %and3A_161] : memref<128x128xf32, #tpu.memory_space<vmem>>[vector<16xi32>, vector<16xi32>], vector<16xf32>,
        %gather3A_163 = tpu.vector_load_idx %arg19[%add3A_143, %and3A_161] : memref<128x128xf32, #tpu.memory_space<vmem>>[vector<16xi32>, vector<16xi32>], vector<16xf32>,
        %gather3A_164 = tpu.vector_load_idx %arg21[%add3A_143, %and3A_161] : memref<128x128xf32, #tpu.memory_space<vmem>>[vector<16xi32>, vector<16xi32>], vector<16xf32>,
        %mul3A_165 = arith.mulf %gather3A_162, %gather3A_163 : vector<16xf32>
        %mul3A_166 = arith.mulf %mul3A_165, %gather3A_164 : vector<16xf32>
        %add3A_167 = arith.addf %add3A_155, %mul3A_166 : vector<16xf32>
        %add3A_168 = arith.constant 2 : i32
        %add3A_169 = vector.broadcast %add3A_168 : i32 to vector<16xi32>
        %add3A_170 = arith.addi %iota3A, %add3A_169 : vector<16xi32>
        %and3A_171 = arith.constant 63 : i32
        %and3A_172 = vector.broadcast %and3A_171 : i32 to vector<16xi32>
        %and3A_173 = arith.andi %add3A_170, %and3A_172 : vector<16xi32>
        %gather3A_174 = tpu.vector_load_idx %arg17[%add3A_143, %and3A_173] : memref<128x128xf32, #tpu.memory_space<vmem>>[vector<16xi32>, vector<16xi32>], vector<16xf32>,
        %gather3A_175 = tpu.vector_load_idx %arg19[%add3A_143, %and3A_173] : memref<128x128xf32, #tpu.memory_space<vmem>>[vector<16xi32>, vector<16xi32>], vector<16xf32>,
        %gather3A_176 = tpu.vector_load_idx %arg21[%add3A_143, %and3A_173] : memref<128x128xf32, #tpu.memory_space<vmem>>[vector<16xi32>, vector<16xi32>], vector<16xf32>,
        %mul3A_177 = arith.mulf %gather3A_174, %gather3A_175 : vector<16xf32>
        %mul3A_178 = arith.mulf %mul3A_177, %gather3A_176 : vector<16xf32>
        %add3A_179 = arith.addf %add3A_167, %mul3A_178 : vector<16xf32>
        %add3A_180 = arith.constant 3 : i32
        %add3A_181 = vector.broadcast %add3A_180 : i32 to vector<16xi32>
        %add3A_182 = arith.addi %iota3A, %add3A_181 : vector<16xi32>
        %and3A_183 = arith.constant 63 : i32
        %and3A_184 = vector.broadcast %and3A_183 : i32 to vector<16xi32>
        %and3A_185 = arith.andi %add3A_182, %and3A_184 : vector<16xi32>
        %gather3A_186 = tpu.vector_load_idx %arg17[%add3A_143, %and3A_185] : memref<128x128xf32, #tpu.memory_space<vmem>>[vector<16xi32>, vector<16xi32>], vector<16xf32>,
        %gather3A_187 = tpu.vector_load_idx %arg19[%add3A_143, %and3A_185] : memref<128x128xf32, #tpu.memory_space<vmem>>[vector<16xi32>, vector<16xi32>], vector<16xf32>,
        %gather3A_188 = tpu.vector_load_idx %arg21[%add3A_143, %and3A_185] : memref<128x128xf32, #tpu.memory_space<vmem>>[vector<16xi32>, vector<16xi32>], vector<16xf32>,
        %mul3A_189 = arith.mulf %gather3A_186, %gather3A_187 : vector<16xf32>
        %mul3A_190 = arith.mulf %mul3A_189, %gather3A_188 : vector<16xf32>
        %add3A_191 = arith.addf %add3A_179, %mul3A_190 : vector<16xf32>
        %add3A_192 = arith.constant 4 : i32
        %add3A_193 = vector.broadcast %add3A_192 : i32 to vector<16xi32>
        %add3A_194 = arith.addi %iota3A, %add3A_193 : vector<16xi32>
        %and3A_195 = arith.constant 63 : i32
        %and3A_196 = vector.broadcast %and3A_195 : i32 to vector<16xi32>
        %and3A_197 = arith.andi %add3A_194, %and3A_196 : vector<16xi32>
        %gather3A_198 = tpu.vector_load_idx %arg17[%add3A_143, %and3A_197] : memref<128x128xf32, #tpu.memory_space<vmem>>[vector<16xi32>, vector<16xi32>], vector<16xf32>,
        %gather3A_199 = tpu.vector_load_idx %arg19[%add3A_143, %and3A_197] : memref<128x128xf32, #tpu.memory_space<vmem>>[vector<16xi32>, vector<16xi32>], vector<16xf32>,
        %gather3A_200 = tpu.vector_load_idx %arg21[%add3A_143, %and3A_197] : memref<128x128xf32, #tpu.memory_space<vmem>>[vector<16xi32>, vector<16xi32>], vector<16xf32>,
        %mul3A_201 = arith.mulf %gather3A_198, %gather3A_199 : vector<16xf32>
        %mul3A_202 = arith.mulf %mul3A_201, %gather3A_200 : vector<16xf32>
        %add3A_203 = arith.addf %add3A_191, %mul3A_202 : vector<16xf32>
        %add3A_204 = arith.constant 5 : i32
        %add3A_205 = vector.broadcast %add3A_204 : i32 to vector<16xi32>
        %add3A_206 = arith.addi %iota3A, %add3A_205 : vector<16xi32>
        %and3A_207 = arith.constant 63 : i32
        %and3A_208 = vector.broadcast %and3A_207 : i32 to vector<16xi32>
        %and3A_209 = arith.andi %add3A_206, %and3A_208 : vector<16xi32>
        %gather3A_210 = tpu.vector_load_idx %arg17[%add3A_143, %and3A_209] : memref<128x128xf32, #tpu.memory_space<vmem>>[vector<16xi32>, vector<16xi32>], vector<16xf32>,
        %gather3A_211 = tpu.vector_load_idx %arg19[%add3A_143, %and3A_209] : memref<128x128xf32, #tpu.memory_space<vmem>>[vector<16xi32>, vector<16xi32>], vector<16xf32>,
        %gather3A_212 = tpu.vector_load_idx %arg21[%add3A_143, %and3A_209] : memref<128x128xf32, #tpu.memory_space<vmem>>[vector<16xi32>, vector<16xi32>], vector<16xf32>,
        %mul3A_213 = arith.mulf %gather3A_210, %gather3A_211 : vector<16xf32>
        %mul3A_214 = arith.mulf %mul3A_213, %gather3A_212 : vector<16xf32>
        %add3A_215 = arith.addf %add3A_203, %mul3A_214 : vector<16xf32>
        %add3A_216 = arith.constant 6 : i32
        %add3A_217 = vector.broadcast %add3A_216 : i32 to vector<16xi32>
        %add3A_218 = arith.addi %iota3A, %add3A_217 : vector<16xi32>
        %and3A_219 = arith.constant 63 : i32
        %and3A_220 = vector.broadcast %and3A_219 : i32 to vector<16xi32>
        %and3A_221 = arith.andi %add3A_218, %and3A_220 : vector<16xi32>
        %gather3A_222 = tpu.vector_load_idx %arg17[%add3A_143, %and3A_221] : memref<128x128xf32, #tpu.memory_space<vmem>>[vector<16xi32>, vector<16xi32>], vector<16xf32>,
        %gather3A_223 = tpu.vector_load_idx %arg19[%add3A_143, %and3A_221] : memref<128x128xf32, #tpu.memory_space<vmem>>[vector<16xi32>, vector<16xi32>], vector<16xf32>,
        %gather3A_224 = tpu.vector_load_idx %arg21[%add3A_143, %and3A_221] : memref<128x128xf32, #tpu.memory_space<vmem>>[vector<16xi32>, vector<16xi32>], vector<16xf32>,
        %mul3A_225 = arith.mulf %gather3A_222, %gather3A_223 : vector<16xf32>
        %mul3A_226 = arith.mulf %mul3A_225, %gather3A_224 : vector<16xf32>
        %add3A_227 = arith.addf %add3A_215, %mul3A_226 : vector<16xf32>
        %add3A_228 = arith.constant 7 : i32
        %add3A_229 = vector.broadcast %add3A_228 : i32 to vector<16xi32>
        %add3A_230 = arith.addi %iota3A, %add3A_229 : vector<16xi32>
        %and3A_231 = arith.constant 63 : i32
        %and3A_232 = vector.broadcast %and3A_231 : i32 to vector<16xi32>
        %and3A_233 = arith.andi %add3A_230, %and3A_232 : vector<16xi32>
        %gather3A_234 = tpu.vector_load_idx %arg17[%add3A_143, %and3A_233] : memref<128x128xf32, #tpu.memory_space<vmem>>[vector<16xi32>, vector<16xi32>], vector<16xf32>,
        %gather3A_235 = tpu.vector_load_idx %arg19[%add3A_143, %and3A_233] : memref<128x128xf32, #tpu.memory_space<vmem>>[vector<16xi32>, vector<16xi32>], vector<16xf32>,
        %gather3A_236 = tpu.vector_load_idx %arg21[%add3A_143, %and3A_233] : memref<128x128xf32, #tpu.memory_space<vmem>>[vector<16xi32>, vector<16xi32>], vector<16xf32>,
        %mul3A_237 = arith.mulf %gather3A_234, %gather3A_235 : vector<16xf32>
        %mul3A_238 = arith.mulf %mul3A_237, %gather3A_236 : vector<16xf32>
        %add3A_239 = arith.addf %add3A_227, %mul3A_238 : vector<16xf32>
        %add3A_240 = arith.constant 8 : i32
        %add3A_241 = vector.broadcast %add3A_240 : i32 to vector<16xi32>
        %add3A_242 = arith.addi %iota3A, %add3A_241 : vector<16xi32>
        %and3A_243 = arith.constant 63 : i32
        %and3A_244 = vector.broadcast %and3A_243 : i32 to vector<16xi32>
        %and3A_245 = arith.andi %add3A_242, %and3A_244 : vector<16xi32>
        %gather3A_246 = tpu.vector_load_idx %arg17[%add3A_143, %and3A_245] : memref<128x128xf32, #tpu.memory_space<vmem>>[vector<16xi32>, vector<16xi32>], vector<16xf32>,
        %gather3A_247 = tpu.vector_load_idx %arg19[%add3A_143, %and3A_245] : memref<128x128xf32, #tpu.memory_space<vmem>>[vector<16xi32>, vector<16xi32>], vector<16xf32>,
        %gather3A_248 = tpu.vector_load_idx %arg21[%add3A_143, %and3A_245] : memref<128x128xf32, #tpu.memory_space<vmem>>[vector<16xi32>, vector<16xi32>], vector<16xf32>,
        %mul3A_249 = arith.mulf %gather3A_246, %gather3A_247 : vector<16xf32>
        %mul3A_250 = arith.mulf %mul3A_249, %gather3A_248 : vector<16xf32>
        %add3A_251 = arith.addf %add3A_239, %mul3A_250 : vector<16xf32>
        %add3A_252 = arith.constant 9 : i32
        %add3A_253 = vector.broadcast %add3A_252 : i32 to vector<16xi32>
        %add3A_254 = arith.addi %iota3A, %add3A_253 : vector<16xi32>
        %and3A_255 = arith.constant 63 : i32
        %and3A_256 = vector.broadcast %and3A_255 : i32 to vector<16xi32>
        %and3A_257 = arith.andi %add3A_254, %and3A_256 : vector<16xi32>
        %gather3A_258 = tpu.vector_load_idx %arg17[%add3A_143, %and3A_257] : memref<128x128xf32, #tpu.memory_space<vmem>>[vector<16xi32>, vector<16xi32>], vector<16xf32>,
        %gather3A_259 = tpu.vector_load_idx %arg19[%add3A_143, %and3A_257] : memref<128x128xf32, #tpu.memory_space<vmem>>[vector<16xi32>, vector<16xi32>], vector<16xf32>,
        %gather3A_260 = tpu.vector_load_idx %arg21[%add3A_143, %and3A_257] : memref<128x128xf32, #tpu.memory_space<vmem>>[vector<16xi32>, vector<16xi32>], vector<16xf32>,
        %mul3A_261 = arith.mulf %gather3A_258, %gather3A_259 : vector<16xf32>
        %mul3A_262 = arith.mulf %mul3A_261, %gather3A_260 : vector<16xf32>
        %add3A_263 = arith.addf %add3A_251, %mul3A_262 : vector<16xf32>
        %add3A_264 = arith.constant 10 : i32
        %add3A_265 = vector.broadcast %add3A_264 : i32 to vector<16xi32>
        %add3A_266 = arith.addi %iota3A, %add3A_265 : vector<16xi32>
        %and3A_267 = arith.constant 63 : i32
        %and3A_268 = vector.broadcast %and3A_267 : i32 to vector<16xi32>
        %and3A_269 = arith.andi %add3A_266, %and3A_268 : vector<16xi32>
        %gather3A_270 = tpu.vector_load_idx %arg17[%add3A_143, %and3A_269] : memref<128x128xf32, #tpu.memory_space<vmem>>[vector<16xi32>, vector<16xi32>], vector<16xf32>,
        %gather3A_271 = tpu.vector_load_idx %arg19[%add3A_143, %and3A_269] : memref<128x128xf32, #tpu.memory_space<vmem>>[vector<16xi32>, vector<16xi32>], vector<16xf32>,
        %gather3A_272 = tpu.vector_load_idx %arg21[%add3A_143, %and3A_269] : memref<128x128xf32, #tpu.memory_space<vmem>>[vector<16xi32>, vector<16xi32>], vector<16xf32>,
        %mul3A_273 = arith.mulf %gather3A_270, %gather3A_271 : vector<16xf32>
        %mul3A_274 = arith.mulf %mul3A_273, %gather3A_272 : vector<16xf32>
        %add3A_275 = arith.addf %add3A_263, %mul3A_274 : vector<16xf32>
        %add3A_276 = arith.constant 11 : i32
        %add3A_277 = vector.broadcast %add3A_276 : i32 to vector<16xi32>
        %add3A_278 = arith.addi %iota3A, %add3A_277 : vector<16xi32>
        %and3A_279 = arith.constant 63 : i32
        %and3A_280 = vector.broadcast %and3A_279 : i32 to vector<16xi32>
        %and3A_281 = arith.andi %add3A_278, %and3A_280 : vector<16xi32>
        %gather3A_282 = tpu.vector_load_idx %arg17[%add3A_143, %and3A_281] : memref<128x128xf32, #tpu.memory_space<vmem>>[vector<16xi32>, vector<16xi32>], vector<16xf32>,
        %gather3A_283 = tpu.vector_load_idx %arg19[%add3A_143, %and3A_281] : memref<128x128xf32, #tpu.memory_space<vmem>>[vector<16xi32>, vector<16xi32>], vector<16xf32>,
        %gather3A_284 = tpu.vector_load_idx %arg21[%add3A_143, %and3A_281] : memref<128x128xf32, #tpu.memory_space<vmem>>[vector<16xi32>, vector<16xi32>], vector<16xf32>,
        %mul3A_285 = arith.mulf %gather3A_282, %gather3A_283 : vector<16xf32>
        %mul3A_286 = arith.mulf %mul3A_285, %gather3A_284 : vector<16xf32>
        %add3A_287 = arith.addf %add3A_275, %mul3A_286 : vector<16xf32>
        %add3A_288 = arith.constant 12 : i32
        %add3A_289 = vector.broadcast %add3A_288 : i32 to vector<16xi32>
        %add3A_290 = arith.addi %iota3A, %add3A_289 : vector<16xi32>
        %and3A_291 = arith.constant 63 : i32
        %and3A_292 = vector.broadcast %and3A_291 : i32 to vector<16xi32>
        %and3A_293 = arith.andi %add3A_290, %and3A_292 : vector<16xi32>
        %gather3A_294 = tpu.vector_load_idx %arg17[%add3A_143, %and3A_293] : memref<128x128xf32, #tpu.memory_space<vmem>>[vector<16xi32>, vector<16xi32>], vector<16xf32>,
        %gather3A_295 = tpu.vector_load_idx %arg19[%add3A_143, %and3A_293] : memref<128x128xf32, #tpu.memory_space<vmem>>[vector<16xi32>, vector<16xi32>], vector<16xf32>,
        %gather3A_296 = tpu.vector_load_idx %arg21[%add3A_143, %and3A_293] : memref<128x128xf32, #tpu.memory_space<vmem>>[vector<16xi32>, vector<16xi32>], vector<16xf32>,
        %mul3A_297 = arith.mulf %gather3A_294, %gather3A_295 : vector<16xf32>
        %mul3A_298 = arith.mulf %mul3A_297, %gather3A_296 : vector<16xf32>
        %add3A_299 = arith.addf %add3A_287, %mul3A_298 : vector<16xf32>
        %add3A_300 = arith.constant 13 : i32
        %add3A_301 = vector.broadcast %add3A_300 : i32 to vector<16xi32>
        %add3A_302 = arith.addi %iota3A, %add3A_301 : vector<16xi32>
        %and3A_303 = arith.constant 63 : i32
        %and3A_304 = vector.broadcast %and3A_303 : i32 to vector<16xi32>
        %and3A_305 = arith.andi %add3A_302, %and3A_304 : vector<16xi32>
        %gather3A_306 = tpu.vector_load_idx %arg17[%add3A_143, %and3A_305] : memref<128x128xf32, #tpu.memory_space<vmem>>[vector<16xi32>, vector<16xi32>], vector<16xf32>,
        %gather3A_307 = tpu.vector_load_idx %arg19[%add3A_143, %and3A_305] : memref<128x128xf32, #tpu.memory_space<vmem>>[vector<16xi32>, vector<16xi32>], vector<16xf32>,
        %gather3A_308 = tpu.vector_load_idx %arg21[%add3A_143, %and3A_305] : memref<128x128xf32, #tpu.memory_space<vmem>>[vector<16xi32>, vector<16xi32>], vector<16xf32>,
        %mul3A_309 = arith.mulf %gather3A_306, %gather3A_307 : vector<16xf32>
        %mul3A_310 = arith.mulf %mul3A_309, %gather3A_308 : vector<16xf32>
        %add3A_311 = arith.addf %add3A_299, %mul3A_310 : vector<16xf32>
        %add3A_312 = arith.constant 14 : i32
        %add3A_313 = vector.broadcast %add3A_312 : i32 to vector<16xi32>
        %add3A_314 = arith.addi %iota3A, %add3A_313 : vector<16xi32>
        %and3A_315 = arith.constant 63 : i32
        %and3A_316 = vector.broadcast %and3A_315 : i32 to vector<16xi32>
        %and3A_317 = arith.andi %add3A_314, %and3A_316 : vector<16xi32>
        %gather3A_318 = tpu.vector_load_idx %arg17[%add3A_143, %and3A_317] : memref<128x128xf32, #tpu.memory_space<vmem>>[vector<16xi32>, vector<16xi32>], vector<16xf32>,
        %gather3A_319 = tpu.vector_load_idx %arg19[%add3A_143, %and3A_317] : memref<128x128xf32, #tpu.memory_space<vmem>>[vector<16xi32>, vector<16xi32>], vector<16xf32>,
        %gather3A_320 = tpu.vector_load_idx %arg21[%add3A_143, %and3A_317] : memref<128x128xf32, #tpu.memory_space<vmem>>[vector<16xi32>, vector<16xi32>], vector<16xf32>,
        %mul3A_321 = arith.mulf %gather3A_318, %gather3A_319 : vector<16xf32>
        %mul3A_322 = arith.mulf %mul3A_321, %gather3A_320 : vector<16xf32>
        %add3A_323 = arith.addf %add3A_311, %mul3A_322 : vector<16xf32>
        %add3A_324 = arith.constant 15 : i32
        %add3A_325 = vector.broadcast %add3A_324 : i32 to vector<16xi32>
        %add3A_326 = arith.addi %iota3A, %add3A_325 : vector<16xi32>
        %and3A_327 = arith.constant 63 : i32
        %and3A_328 = vector.broadcast %and3A_327 : i32 to vector<16xi32>
        %and3A_329 = arith.andi %add3A_326, %and3A_328 : vector<16xi32>
        %gather3A_330 = tpu.vector_load_idx %arg17[%add3A_143, %and3A_329] : memref<128x128xf32, #tpu.memory_space<vmem>>[vector<16xi32>, vector<16xi32>], vector<16xf32>,
        %gather3A_331 = tpu.vector_load_idx %arg19[%add3A_143, %and3A_329] : memref<128x128xf32, #tpu.memory_space<vmem>>[vector<16xi32>, vector<16xi32>], vector<16xf32>,
        %gather3A_332 = tpu.vector_load_idx %arg21[%add3A_143, %and3A_329] : memref<128x128xf32, #tpu.memory_space<vmem>>[vector<16xi32>, vector<16xi32>], vector<16xf32>,
        %mul3A_333 = arith.mulf %gather3A_330, %gather3A_331 : vector<16xf32>
        %mul3A_334 = arith.mulf %mul3A_333, %gather3A_332 : vector<16xf32>
        %add3A_335 = arith.addf %add3A_323, %mul3A_334 : vector<16xf32>
        %add3A_336 = arith.constant 16 : i32
        %add3A_337 = vector.broadcast %add3A_336 : i32 to vector<16xi32>
        %add3A_338 = arith.addi %iota3A, %add3A_337 : vector<16xi32>
        %and3A_339 = arith.constant 63 : i32
        %and3A_340 = vector.broadcast %and3A_339 : i32 to vector<16xi32>
        %and3A_341 = arith.andi %add3A_338, %and3A_340 : vector<16xi32>
        %gather3A_342 = tpu.vector_load_idx %arg17[%add3A_143, %and3A_341] : memref<128x128xf32, #tpu.memory_space<vmem>>[vector<16xi32>, vector<16xi32>], vector<16xf32>,
        %gather3A_343 = tpu.vector_load_idx %arg19[%add3A_143, %and3A_341] : memref<128x128xf32, #tpu.memory_space<vmem>>[vector<16xi32>, vector<16xi32>], vector<16xf32>,
        %gather3A_344 = tpu.vector_load_idx %arg21[%add3A_143, %and3A_341] : memref<128x128xf32, #tpu.memory_space<vmem>>[vector<16xi32>, vector<16xi32>], vector<16xf32>,
        %mul3A_345 = arith.mulf %gather3A_342, %gather3A_343 : vector<16xf32>
        %mul3A_346 = arith.mulf %mul3A_345, %gather3A_344 : vector<16xf32>
        %add3A_347 = arith.addf %add3A_335, %mul3A_346 : vector<16xf32>
        %add3A_348 = arith.constant 17 : i32
        %add3A_349 = vector.broadcast %add3A_348 : i32 to vector<16xi32>
        %add3A_350 = arith.addi %iota3A, %add3A_349 : vector<16xi32>
        %and3A_351 = arith.constant 63 : i32
        %and3A_352 = vector.broadcast %and3A_351 : i32 to vector<16xi32>
        %and3A_353 = arith.andi %add3A_350, %and3A_352 : vector<16xi32>
        %gather3A_354 = tpu.vector_load_idx %arg17[%add3A_143, %and3A_353] : memref<128x128xf32, #tpu.memory_space<vmem>>[vector<16xi32>, vector<16xi32>], vector<16xf32>,
        %gather3A_355 = tpu.vector_load_idx %arg19[%add3A_143, %and3A_353] : memref<128x128xf32, #tpu.memory_space<vmem>>[vector<16xi32>, vector<16xi32>], vector<16xf32>,
        %gather3A_356 = tpu.vector_load_idx %arg21[%add3A_143, %and3A_353] : memref<128x128xf32, #tpu.memory_space<vmem>>[vector<16xi32>, vector<16xi32>], vector<16xf32>,
        %mul3A_357 = arith.mulf %gather3A_354, %gather3A_355 : vector<16xf32>
        %mul3A_358 = arith.mulf %mul3A_357, %gather3A_356 : vector<16xf32>
        %add3A_359 = arith.addf %add3A_347, %mul3A_358 : vector<16xf32>
        %add3A_360 = arith.constant 18 : i32
        %add3A_361 = vector.broadcast %add3A_360 : i32 to vector<16xi32>
        %add3A_362 = arith.addi %iota3A, %add3A_361 : vector<16xi32>
        %and3A_363 = arith.constant 63 : i32
        %and3A_364 = vector.broadcast %and3A_363 : i32 to vector<16xi32>
        %and3A_365 = arith.andi %add3A_362, %and3A_364 : vector<16xi32>
        %gather3A_366 = tpu.vector_load_idx %arg17[%add3A_143, %and3A_365] : memref<128x128xf32, #tpu.memory_space<vmem>>[vector<16xi32>, vector<16xi32>], vector<16xf32>,
        %gather3A_367 = tpu.vector_load_idx %arg19[%add3A_143, %and3A_365] : memref<128x128xf32, #tpu.memory_space<vmem>>[vector<16xi32>, vector<16xi32>], vector<16xf32>,
        %gather3A_368 = tpu.vector_load_idx %arg21[%add3A_143, %and3A_365] : memref<128x128xf32, #tpu.memory_space<vmem>>[vector<16xi32>, vector<16xi32>], vector<16xf32>,
        %mul3A_369 = arith.mulf %gather3A_366, %gather3A_367 : vector<16xf32>
        %mul3A_370 = arith.mulf %mul3A_369, %gather3A_368 : vector<16xf32>
        %add3A_371 = arith.addf %add3A_359, %mul3A_370 : vector<16xf32>
        %add3A_372 = arith.constant 19 : i32
        %add3A_373 = vector.broadcast %add3A_372 : i32 to vector<16xi32>
        %add3A_374 = arith.addi %iota3A, %add3A_373 : vector<16xi32>
        %and3A_375 = arith.constant 63 : i32
        %and3A_376 = vector.broadcast %and3A_375 : i32 to vector<16xi32>
        %and3A_377 = arith.andi %add3A_374, %and3A_376 : vector<16xi32>
        %gather3A_378 = tpu.vector_load_idx %arg17[%add3A_143, %and3A_377] : memref<128x128xf32, #tpu.memory_space<vmem>>[vector<16xi32>, vector<16xi32>], vector<16xf32>,
        %gather3A_379 = tpu.vector_load_idx %arg19[%add3A_143, %and3A_377] : memref<128x128xf32, #tpu.memory_space<vmem>>[vector<16xi32>, vector<16xi32>], vector<16xf32>,
        %gather3A_380 = tpu.vector_load_idx %arg21[%add3A_143, %and3A_377] : memref<128x128xf32, #tpu.memory_space<vmem>>[vector<16xi32>, vector<16xi32>], vector<16xf32>,
        %mul3A_381 = arith.mulf %gather3A_378, %gather3A_379 : vector<16xf32>
        %mul3A_382 = arith.mulf %mul3A_381, %gather3A_380 : vector<16xf32>
        %add3A_383 = arith.addf %add3A_371, %mul3A_382 : vector<16xf32>
        %add3A_384 = arith.constant 20 : i32
        %add3A_385 = vector.broadcast %add3A_384 : i32 to vector<16xi32>
        %add3A_386 = arith.addi %iota3A, %add3A_385 : vector<16xi32>
        %and3A_387 = arith.constant 63 : i32
        %and3A_388 = vector.broadcast %and3A_387 : i32 to vector<16xi32>
        %and3A_389 = arith.andi %add3A_386, %and3A_388 : vector<16xi32>
        %gather3A_390 = tpu.vector_load_idx %arg17[%add3A_143, %and3A_389] : memref<128x128xf32, #tpu.memory_space<vmem>>[vector<16xi32>, vector<16xi32>], vector<16xf32>,
        %gather3A_391 = tpu.vector_load_idx %arg19[%add3A_143, %and3A_389] : memref<128x128xf32, #tpu.memory_space<vmem>>[vector<16xi32>, vector<16xi32>], vector<16xf32>,
        %gather3A_392 = tpu.vector_load_idx %arg21[%add3A_143, %and3A_389] : memref<128x128xf32, #tpu.memory_space<vmem>>[vector<16xi32>, vector<16xi32>], vector<16xf32>,
        %mul3A_393 = arith.mulf %gather3A_390, %gather3A_391 : vector<16xf32>
        %mul3A_394 = arith.mulf %mul3A_393, %gather3A_392 : vector<16xf32>
        %add3A_395 = arith.addf %add3A_383, %mul3A_394 : vector<16xf32>
        %add3A_396 = arith.constant 21 : i32
        %add3A_397 = vector.broadcast %add3A_396 : i32 to vector<16xi32>
        %add3A_398 = arith.addi %iota3A, %add3A_397 : vector<16xi32>
        %and3A_399 = arith.constant 63 : i32
        %and3A_400 = vector.broadcast %and3A_399 : i32 to vector<16xi32>
        %and3A_401 = arith.andi %add3A_398, %and3A_400 : vector<16xi32>
        %gather3A_402 = tpu.vector_load_idx %arg17[%add3A_143, %and3A_401] : memref<128x128xf32, #tpu.memory_space<vmem>>[vector<16xi32>, vector<16xi32>], vector<16xf32>,
        %gather3A_403 = tpu.vector_load_idx %arg19[%add3A_143, %and3A_401] : memref<128x128xf32, #tpu.memory_space<vmem>>[vector<16xi32>, vector<16xi32>], vector<16xf32>,
        %gather3A_404 = tpu.vector_load_idx %arg21[%add3A_143, %and3A_401] : memref<128x128xf32, #tpu.memory_space<vmem>>[vector<16xi32>, vector<16xi32>], vector<16xf32>,
        %mul3A_405 = arith.mulf %gather3A_402, %gather3A_403 : vector<16xf32>
        %mul3A_406 = arith.mulf %mul3A_405, %gather3A_404 : vector<16xf32>
        %add3A_407 = arith.addf %add3A_395, %mul3A_406 : vector<16xf32>
        %add3A_408 = arith.constant 22 : i32
        %add3A_409 = vector.broadcast %add3A_408 : i32 to vector<16xi32>
        %add3A_410 = arith.addi %iota3A, %add3A_409 : vector<16xi32>
        %and3A_411 = arith.constant 63 : i32
        %and3A_412 = vector.broadcast %and3A_411 : i32 to vector<16xi32>
        %and3A_413 = arith.andi %add3A_410, %and3A_412 : vector<16xi32>
        %gather3A_414 = tpu.vector_load_idx %arg17[%add3A_143, %and3A_413] : memref<128x128xf32, #tpu.memory_space<vmem>>[vector<16xi32>, vector<16xi32>], vector<16xf32>,
        %gather3A_415 = tpu.vector_load_idx %arg19[%add3A_143, %and3A_413] : memref<128x128xf32, #tpu.memory_space<vmem>>[vector<16xi32>, vector<16xi32>], vector<16xf32>,
        %gather3A_416 = tpu.vector_load_idx %arg21[%add3A_143, %and3A_413] : memref<128x128xf32, #tpu.memory_space<vmem>>[vector<16xi32>, vector<16xi32>], vector<16xf32>,
        %mul3A_417 = arith.mulf %gather3A_414, %gather3A_415 : vector<16xf32>
        %mul3A_418 = arith.mulf %mul3A_417, %gather3A_416 : vector<16xf32>
        %add3A_419 = arith.addf %add3A_407, %mul3A_418 : vector<16xf32>
        %add3A_420 = arith.constant 23 : i32
        %add3A_421 = vector.broadcast %add3A_420 : i32 to vector<16xi32>
        %add3A_422 = arith.addi %iota3A, %add3A_421 : vector<16xi32>
        %and3A_423 = arith.constant 63 : i32
        %and3A_424 = vector.broadcast %and3A_423 : i32 to vector<16xi32>
        %and3A_425 = arith.andi %add3A_422, %and3A_424 : vector<16xi32>
        %gather3A_426 = tpu.vector_load_idx %arg17[%add3A_143, %and3A_425] : memref<128x128xf32, #tpu.memory_space<vmem>>[vector<16xi32>, vector<16xi32>], vector<16xf32>,
        %gather3A_427 = tpu.vector_load_idx %arg19[%add3A_143, %and3A_425] : memref<128x128xf32, #tpu.memory_space<vmem>>[vector<16xi32>, vector<16xi32>], vector<16xf32>,
        %gather3A_428 = tpu.vector_load_idx %arg21[%add3A_143, %and3A_425] : memref<128x128xf32, #tpu.memory_space<vmem>>[vector<16xi32>, vector<16xi32>], vector<16xf32>,
        %mul3A_429 = arith.mulf %gather3A_426, %gather3A_427 : vector<16xf32>
        %mul3A_430 = arith.mulf %mul3A_429, %gather3A_428 : vector<16xf32>
        %add3A_431 = arith.addf %add3A_419, %mul3A_430 : vector<16xf32>
        %add3A_432 = arith.constant 24 : i32
        %add3A_433 = vector.broadcast %add3A_432 : i32 to vector<16xi32>
        %add3A_434 = arith.addi %iota3A, %add3A_433 : vector<16xi32>
        %and3A_435 = arith.constant 63 : i32
        %and3A_436 = vector.broadcast %and3A_435 : i32 to vector<16xi32>
        %and3A_437 = arith.andi %add3A_434, %and3A_436 : vector<16xi32>
        %gather3A_438 = tpu.vector_load_idx %arg17[%add3A_143, %and3A_437] : memref<128x128xf32, #tpu.memory_space<vmem>>[vector<16xi32>, vector<16xi32>], vector<16xf32>,
        %gather3A_439 = tpu.vector_load_idx %arg19[%add3A_143, %and3A_437] : memref<128x128xf32, #tpu.memory_space<vmem>>[vector<16xi32>, vector<16xi32>], vector<16xf32>,
        %gather3A_440 = tpu.vector_load_idx %arg21[%add3A_143, %and3A_437] : memref<128x128xf32, #tpu.memory_space<vmem>>[vector<16xi32>, vector<16xi32>], vector<16xf32>,
        %mul3A_441 = arith.mulf %gather3A_438, %gather3A_439 : vector<16xf32>
        %mul3A_442 = arith.mulf %mul3A_441, %gather3A_440 : vector<16xf32>
        %add3A_443 = arith.addf %add3A_431, %mul3A_442 : vector<16xf32>
        %add3A_444 = arith.constant 25 : i32
        %add3A_445 = vector.broadcast %add3A_444 : i32 to vector<16xi32>
        %add3A_446 = arith.addi %iota3A, %add3A_445 : vector<16xi32>
        %and3A_447 = arith.constant 63 : i32
        %and3A_448 = vector.broadcast %and3A_447 : i32 to vector<16xi32>
        %and3A_449 = arith.andi %add3A_446, %and3A_448 : vector<16xi32>
        %gather3A_450 = tpu.vector_load_idx %arg17[%add3A_143, %and3A_449] : memref<128x128xf32, #tpu.memory_space<vmem>>[vector<16xi32>, vector<16xi32>], vector<16xf32>,
        %gather3A_451 = tpu.vector_load_idx %arg19[%add3A_143, %and3A_449] : memref<128x128xf32, #tpu.memory_space<vmem>>[vector<16xi32>, vector<16xi32>], vector<16xf32>,
        %gather3A_452 = tpu.vector_load_idx %arg21[%add3A_143, %and3A_449] : memref<128x128xf32, #tpu.memory_space<vmem>>[vector<16xi32>, vector<16xi32>], vector<16xf32>,
        %mul3A_453 = arith.mulf %gather3A_450, %gather3A_451 : vector<16xf32>
        %mul3A_454 = arith.mulf %mul3A_453, %gather3A_452 : vector<16xf32>
        %add3A_455 = arith.addf %add3A_443, %mul3A_454 : vector<16xf32>
        %add3A_456 = arith.constant 26 : i32
        %add3A_457 = vector.broadcast %add3A_456 : i32 to vector<16xi32>
        %add3A_458 = arith.addi %iota3A, %add3A_457 : vector<16xi32>
        %and3A_459 = arith.constant 63 : i32
        %and3A_460 = vector.broadcast %and3A_459 : i32 to vector<16xi32>
        %and3A_461 = arith.andi %add3A_458, %and3A_460 : vector<16xi32>
        %gather3A_462 = tpu.vector_load_idx %arg17[%add3A_143, %and3A_461] : memref<128x128xf32, #tpu.memory_space<vmem>>[vector<16xi32>, vector<16xi32>], vector<16xf32>,
        %gather3A_463 = tpu.vector_load_idx %arg19[%add3A_143, %and3A_461] : memref<128x128xf32, #tpu.memory_space<vmem>>[vector<16xi32>, vector<16xi32>], vector<16xf32>,
        %gather3A_464 = tpu.vector_load_idx %arg21[%add3A_143, %and3A_461] : memref<128x128xf32, #tpu.memory_space<vmem>>[vector<16xi32>, vector<16xi32>], vector<16xf32>,
        %mul3A_465 = arith.mulf %gather3A_462, %gather3A_463 : vector<16xf32>
        %mul3A_466 = arith.mulf %mul3A_465, %gather3A_464 : vector<16xf32>
        %add3A_467 = arith.addf %add3A_455, %mul3A_466 : vector<16xf32>
        %add3A_468 = arith.constant 27 : i32
        %add3A_469 = vector.broadcast %add3A_468 : i32 to vector<16xi32>
        %add3A_470 = arith.addi %iota3A, %add3A_469 : vector<16xi32>
        %and3A_471 = arith.constant 63 : i32
        %and3A_472 = vector.broadcast %and3A_471 : i32 to vector<16xi32>
        %and3A_473 = arith.andi %add3A_470, %and3A_472 : vector<16xi32>
        %gather3A_474 = tpu.vector_load_idx %arg17[%add3A_143, %and3A_473] : memref<128x128xf32, #tpu.memory_space<vmem>>[vector<16xi32>, vector<16xi32>], vector<16xf32>,
        %gather3A_475 = tpu.vector_load_idx %arg19[%add3A_143, %and3A_473] : memref<128x128xf32, #tpu.memory_space<vmem>>[vector<16xi32>, vector<16xi32>], vector<16xf32>,
        %gather3A_476 = tpu.vector_load_idx %arg21[%add3A_143, %and3A_473] : memref<128x128xf32, #tpu.memory_space<vmem>>[vector<16xi32>, vector<16xi32>], vector<16xf32>,
        %mul3A_477 = arith.mulf %gather3A_474, %gather3A_475 : vector<16xf32>
        %mul3A_478 = arith.mulf %mul3A_477, %gather3A_476 : vector<16xf32>
        %add3A_479 = arith.addf %add3A_467, %mul3A_478 : vector<16xf32>
        %add3A_480 = arith.constant 28 : i32
        %add3A_481 = vector.broadcast %add3A_480 : i32 to vector<16xi32>
        %add3A_482 = arith.addi %iota3A, %add3A_481 : vector<16xi32>
        %and3A_483 = arith.constant 63 : i32
        %and3A_484 = vector.broadcast %and3A_483 : i32 to vector<16xi32>
        %and3A_485 = arith.andi %add3A_482, %and3A_484 : vector<16xi32>
        %gather3A_486 = tpu.vector_load_idx %arg17[%add3A_143, %and3A_485] : memref<128x128xf32, #tpu.memory_space<vmem>>[vector<16xi32>, vector<16xi32>], vector<16xf32>,
        %gather3A_487 = tpu.vector_load_idx %arg19[%add3A_143, %and3A_485] : memref<128x128xf32, #tpu.memory_space<vmem>>[vector<16xi32>, vector<16xi32>], vector<16xf32>,
        %gather3A_488 = tpu.vector_load_idx %arg21[%add3A_143, %and3A_485] : memref<128x128xf32, #tpu.memory_space<vmem>>[vector<16xi32>, vector<16xi32>], vector<16xf32>,
        %mul3A_489 = arith.mulf %gather3A_486, %gather3A_487 : vector<16xf32>
        %mul3A_490 = arith.mulf %mul3A_489, %gather3A_488 : vector<16xf32>
        %add3A_491 = arith.addf %add3A_479, %mul3A_490 : vector<16xf32>
        %add3A_492 = arith.constant 29 : i32
        %add3A_493 = vector.broadcast %add3A_492 : i32 to vector<16xi32>
        %add3A_494 = arith.addi %iota3A, %add3A_493 : vector<16xi32>
        %and3A_495 = arith.constant 63 : i32
        %and3A_496 = vector.broadcast %and3A_495 : i32 to vector<16xi32>
        %and3A_497 = arith.andi %add3A_494, %and3A_496 : vector<16xi32>
        %gather3A_498 = tpu.vector_load_idx %arg17[%add3A_143, %and3A_497] : memref<128x128xf32, #tpu.memory_space<vmem>>[vector<16xi32>, vector<16xi32>], vector<16xf32>,
        %gather3A_499 = tpu.vector_load_idx %arg19[%add3A_143, %and3A_497] : memref<128x128xf32, #tpu.memory_space<vmem>>[vector<16xi32>, vector<16xi32>], vector<16xf32>,
        %gather3A_500 = tpu.vector_load_idx %arg21[%add3A_143, %and3A_497] : memref<128x128xf32, #tpu.memory_space<vmem>>[vector<16xi32>, vector<16xi32>], vector<16xf32>,
        %mul3A_501 = arith.mulf %gather3A_498, %gather3A_499 : vector<16xf32>
        %mul3A_502 = arith.mulf %mul3A_501, %gather3A_500 : vector<16xf32>
        %add3A_503 = arith.addf %add3A_491, %mul3A_502 : vector<16xf32>
        %add3A_504 = arith.constant 30 : i32
        %add3A_505 = vector.broadcast %add3A_504 : i32 to vector<16xi32>
        %add3A_506 = arith.addi %iota3A, %add3A_505 : vector<16xi32>
        %and3A_507 = arith.constant 63 : i32
        %and3A_508 = vector.broadcast %and3A_507 : i32 to vector<16xi32>
        %and3A_509 = arith.andi %add3A_506, %and3A_508 : vector<16xi32>
        %gather3A_510 = tpu.vector_load_idx %arg17[%add3A_143, %and3A_509] : memref<128x128xf32, #tpu.memory_space<vmem>>[vector<16xi32>, vector<16xi32>], vector<16xf32>,
        %gather3A_511 = tpu.vector_load_idx %arg19[%add3A_143, %and3A_509] : memref<128x128xf32, #tpu.memory_space<vmem>>[vector<16xi32>, vector<16xi32>], vector<16xf32>,
        %gather3A_512 = tpu.vector_load_idx %arg21[%add3A_143, %and3A_509] : memref<128x128xf32, #tpu.memory_space<vmem>>[vector<16xi32>, vector<16xi32>], vector<16xf32>,
        %mul3A_513 = arith.mulf %gather3A_510, %gather3A_511 : vector<16xf32>
        %mul3A_514 = arith.mulf %mul3A_513, %gather3A_512 : vector<16xf32>
        %add3A_515 = arith.addf %add3A_503, %mul3A_514 : vector<16xf32>
        %add3A_516 = arith.constant 31 : i32
        %add3A_517 = vector.broadcast %add3A_516 : i32 to vector<16xi32>
        %add3A_518 = arith.addi %iota3A, %add3A_517 : vector<16xi32>
        %and3A_519 = arith.constant 63 : i32
        %and3A_520 = vector.broadcast %and3A_519 : i32 to vector<16xi32>
        %and3A_521 = arith.andi %add3A_518, %and3A_520 : vector<16xi32>
        %gather3A_522 = tpu.vector_load_idx %arg17[%add3A_143, %and3A_521] : memref<128x128xf32, #tpu.memory_space<vmem>>[vector<16xi32>, vector<16xi32>], vector<16xf32>,
        %gather3A_523 = tpu.vector_load_idx %arg19[%add3A_143, %and3A_521] : memref<128x128xf32, #tpu.memory_space<vmem>>[vector<16xi32>, vector<16xi32>], vector<16xf32>,
        %gather3A_524 = tpu.vector_load_idx %arg21[%add3A_143, %and3A_521] : memref<128x128xf32, #tpu.memory_space<vmem>>[vector<16xi32>, vector<16xi32>], vector<16xf32>,
        %mul3A_525 = arith.mulf %gather3A_522, %gather3A_523 : vector<16xf32>
        %mul3A_526 = arith.mulf %mul3A_525, %gather3A_524 : vector<16xf32>
        %add3A_527 = arith.addf %add3A_515, %mul3A_526 : vector<16xf32>
        %add3A_528 = arith.constant 32 : i32
        %add3A_529 = vector.broadcast %add3A_528 : i32 to vector<16xi32>
        %add3A_530 = arith.addi %iota3A, %add3A_529 : vector<16xi32>
        %and3A_531 = arith.constant 63 : i32
        %and3A_532 = vector.broadcast %and3A_531 : i32 to vector<16xi32>
        %and3A_533 = arith.andi %add3A_530, %and3A_532 : vector<16xi32>
        %gather3A_534 = tpu.vector_load_idx %arg17[%add3A_143, %and3A_533] : memref<128x128xf32, #tpu.memory_space<vmem>>[vector<16xi32>, vector<16xi32>], vector<16xf32>,
        %gather3A_535 = tpu.vector_load_idx %arg19[%add3A_143, %and3A_533] : memref<128x128xf32, #tpu.memory_space<vmem>>[vector<16xi32>, vector<16xi32>], vector<16xf32>,
        %gather3A_536 = tpu.vector_load_idx %arg21[%add3A_143, %and3A_533] : memref<128x128xf32, #tpu.memory_space<vmem>>[vector<16xi32>, vector<16xi32>], vector<16xf32>,
        %mul3A_537 = arith.mulf %gather3A_534, %gather3A_535 : vector<16xf32>
        %mul3A_538 = arith.mulf %mul3A_537, %gather3A_536 : vector<16xf32>
        %add3A_539 = arith.addf %add3A_527, %mul3A_538 : vector<16xf32>
        %add3A_540 = arith.constant 33 : i32
        %add3A_541 = vector.broadcast %add3A_540 : i32 to vector<16xi32>
        %add3A_542 = arith.addi %iota3A, %add3A_541 : vector<16xi32>
        %and3A_543 = arith.constant 63 : i32
        %and3A_544 = vector.broadcast %and3A_543 : i32 to vector<16xi32>
        %and3A_545 = arith.andi %add3A_542, %and3A_544 : vector<16xi32>
        %gather3A_546 = tpu.vector_load_idx %arg17[%add3A_143, %and3A_545] : memref<128x128xf32, #tpu.memory_space<vmem>>[vector<16xi32>, vector<16xi32>], vector<16xf32>,
        %gather3A_547 = tpu.vector_load_idx %arg19[%add3A_143, %and3A_545] : memref<128x128xf32, #tpu.memory_space<vmem>>[vector<16xi32>, vector<16xi32>], vector<16xf32>,
        %gather3A_548 = tpu.vector_load_idx %arg21[%add3A_143, %and3A_545] : memref<128x128xf32, #tpu.memory_space<vmem>>[vector<16xi32>, vector<16xi32>], vector<16xf32>,
        %mul3A_549 = arith.mulf %gather3A_546, %gather3A_547 : vector<16xf32>
        %mul3A_550 = arith.mulf %mul3A_549, %gather3A_548 : vector<16xf32>
        %add3A_551 = arith.addf %add3A_539, %mul3A_550 : vector<16xf32>
        %add3A_552 = arith.constant 34 : i32
        %add3A_553 = vector.broadcast %add3A_552 : i32 to vector<16xi32>
        %add3A_554 = arith.addi %iota3A, %add3A_553 : vector<16xi32>
        %and3A_555 = arith.constant 63 : i32
        %and3A_556 = vector.broadcast %and3A_555 : i32 to vector<16xi32>
        %and3A_557 = arith.andi %add3A_554, %and3A_556 : vector<16xi32>
        %gather3A_558 = tpu.vector_load_idx %arg17[%add3A_143, %and3A_557] : memref<128x128xf32, #tpu.memory_space<vmem>>[vector<16xi32>, vector<16xi32>], vector<16xf32>,
        %gather3A_559 = tpu.vector_load_idx %arg19[%add3A_143, %and3A_557] : memref<128x128xf32, #tpu.memory_space<vmem>>[vector<16xi32>, vector<16xi32>], vector<16xf32>,
        %gather3A_560 = tpu.vector_load_idx %arg21[%add3A_143, %and3A_557] : memref<128x128xf32, #tpu.memory_space<vmem>>[vector<16xi32>, vector<16xi32>], vector<16xf32>,
        %mul3A_561 = arith.mulf %gather3A_558, %gather3A_559 : vector<16xf32>
        %mul3A_562 = arith.mulf %mul3A_561, %gather3A_560 : vector<16xf32>
        %add3A_563 = arith.addf %add3A_551, %mul3A_562 : vector<16xf32>
        %add3A_564 = arith.constant 35 : i32
        %add3A_565 = vector.broadcast %add3A_564 : i32 to vector<16xi32>
        %add3A_566 = arith.addi %iota3A, %add3A_565 : vector<16xi32>
        %and3A_567 = arith.constant 63 : i32
        %and3A_568 = vector.broadcast %and3A_567 : i32 to vector<16xi32>
        %and3A_569 = arith.andi %add3A_566, %and3A_568 : vector<16xi32>
        %gather3A_570 = tpu.vector_load_idx %arg17[%add3A_143, %and3A_569] : memref<128x128xf32, #tpu.memory_space<vmem>>[vector<16xi32>, vector<16xi32>], vector<16xf32>,
        %gather3A_571 = tpu.vector_load_idx %arg19[%add3A_143, %and3A_569] : memref<128x128xf32, #tpu.memory_space<vmem>>[vector<16xi32>, vector<16xi32>], vector<16xf32>,
        %gather3A_572 = tpu.vector_load_idx %arg21[%add3A_143, %and3A_569] : memref<128x128xf32, #tpu.memory_space<vmem>>[vector<16xi32>, vector<16xi32>], vector<16xf32>,
        %mul3A_573 = arith.mulf %gather3A_570, %gather3A_571 : vector<16xf32>
        %mul3A_574 = arith.mulf %mul3A_573, %gather3A_572 : vector<16xf32>
        %add3A_575 = arith.addf %add3A_563, %mul3A_574 : vector<16xf32>
        %add3A_576 = arith.constant 36 : i32
        %add3A_577 = vector.broadcast %add3A_576 : i32 to vector<16xi32>
        %add3A_578 = arith.addi %iota3A, %add3A_577 : vector<16xi32>
        %and3A_579 = arith.constant 63 : i32
        %and3A_580 = vector.broadcast %and3A_579 : i32 to vector<16xi32>
        %and3A_581 = arith.andi %add3A_578, %and3A_580 : vector<16xi32>
        %gather3A_582 = tpu.vector_load_idx %arg17[%add3A_143, %and3A_581] : memref<128x128xf32, #tpu.memory_space<vmem>>[vector<16xi32>, vector<16xi32>], vector<16xf32>,
        %gather3A_583 = tpu.vector_load_idx %arg19[%add3A_143, %and3A_581] : memref<128x128xf32, #tpu.memory_space<vmem>>[vector<16xi32>, vector<16xi32>], vector<16xf32>,
        %gather3A_584 = tpu.vector_load_idx %arg21[%add3A_143, %and3A_581] : memref<128x128xf32, #tpu.memory_space<vmem>>[vector<16xi32>, vector<16xi32>], vector<16xf32>,
        %mul3A_585 = arith.mulf %gather3A_582, %gather3A_583 : vector<16xf32>
        %mul3A_586 = arith.mulf %mul3A_585, %gather3A_584 : vector<16xf32>
        %add3A_587 = arith.addf %add3A_575, %mul3A_586 : vector<16xf32>
        %add3A_588 = arith.constant 37 : i32
        %add3A_589 = vector.broadcast %add3A_588 : i32 to vector<16xi32>
        %add3A_590 = arith.addi %iota3A, %add3A_589 : vector<16xi32>
        %and3A_591 = arith.constant 63 : i32
        %and3A_592 = vector.broadcast %and3A_591 : i32 to vector<16xi32>
        %and3A_593 = arith.andi %add3A_590, %and3A_592 : vector<16xi32>
        %gather3A_594 = tpu.vector_load_idx %arg17[%add3A_143, %and3A_593] : memref<128x128xf32, #tpu.memory_space<vmem>>[vector<16xi32>, vector<16xi32>], vector<16xf32>,
        %gather3A_595 = tpu.vector_load_idx %arg19[%add3A_143, %and3A_593] : memref<128x128xf32, #tpu.memory_space<vmem>>[vector<16xi32>, vector<16xi32>], vector<16xf32>,
        %gather3A_596 = tpu.vector_load_idx %arg21[%add3A_143, %and3A_593] : memref<128x128xf32, #tpu.memory_space<vmem>>[vector<16xi32>, vector<16xi32>], vector<16xf32>,
        %mul3A_597 = arith.mulf %gather3A_594, %gather3A_595 : vector<16xf32>
        %mul3A_598 = arith.mulf %mul3A_597, %gather3A_596 : vector<16xf32>
        %add3A_599 = arith.addf %add3A_587, %mul3A_598 : vector<16xf32>
        %add3A_600 = arith.constant 38 : i32
        %add3A_601 = vector.broadcast %add3A_600 : i32 to vector<16xi32>
        %add3A_602 = arith.addi %iota3A, %add3A_601 : vector<16xi32>
        %and3A_603 = arith.constant 63 : i32
        %and3A_604 = vector.broadcast %and3A_603 : i32 to vector<16xi32>
        %and3A_605 = arith.andi %add3A_602, %and3A_604 : vector<16xi32>
        %gather3A_606 = tpu.vector_load_idx %arg17[%add3A_143, %and3A_605] : memref<128x128xf32, #tpu.memory_space<vmem>>[vector<16xi32>, vector<16xi32>], vector<16xf32>,
        %gather3A_607 = tpu.vector_load_idx %arg19[%add3A_143, %and3A_605] : memref<128x128xf32, #tpu.memory_space<vmem>>[vector<16xi32>, vector<16xi32>], vector<16xf32>,
        %gather3A_608 = tpu.vector_load_idx %arg21[%add3A_143, %and3A_605] : memref<128x128xf32, #tpu.memory_space<vmem>>[vector<16xi32>, vector<16xi32>], vector<16xf32>,
        %mul3A_609 = arith.mulf %gather3A_606, %gather3A_607 : vector<16xf32>
        %mul3A_610 = arith.mulf %mul3A_609, %gather3A_608 : vector<16xf32>
        %add3A_611 = arith.addf %add3A_599, %mul3A_610 : vector<16xf32>
        %add3A_612 = arith.constant 39 : i32
        %add3A_613 = vector.broadcast %add3A_612 : i32 to vector<16xi32>
        %add3A_614 = arith.addi %iota3A, %add3A_613 : vector<16xi32>
        %and3A_615 = arith.constant 63 : i32
        %and3A_616 = vector.broadcast %and3A_615 : i32 to vector<16xi32>
        %and3A_617 = arith.andi %add3A_614, %and3A_616 : vector<16xi32>
        %gather3A_618 = tpu.vector_load_idx %arg17[%add3A_143, %and3A_617] : memref<128x128xf32, #tpu.memory_space<vmem>>[vector<16xi32>, vector<16xi32>], vector<16xf32>,
        %gather3A_619 = tpu.vector_load_idx %arg19[%add3A_143, %and3A_617] : memref<128x128xf32, #tpu.memory_space<vmem>>[vector<16xi32>, vector<16xi32>], vector<16xf32>,
        %gather3A_620 = tpu.vector_load_idx %arg21[%add3A_143, %and3A_617] : memref<128x128xf32, #tpu.memory_space<vmem>>[vector<16xi32>, vector<16xi32>], vector<16xf32>,
        %mul3A_621 = arith.mulf %gather3A_618, %gather3A_619 : vector<16xf32>
        %mul3A_622 = arith.mulf %mul3A_621, %gather3A_620 : vector<16xf32>
        %add3A_623 = arith.addf %add3A_611, %mul3A_622 : vector<16xf32>
        %add3A_624 = arith.constant 40 : i32
        %add3A_625 = vector.broadcast %add3A_624 : i32 to vector<16xi32>
        %add3A_626 = arith.addi %iota3A, %add3A_625 : vector<16xi32>
        %and3A_627 = arith.constant 63 : i32
        %and3A_628 = vector.broadcast %and3A_627 : i32 to vector<16xi32>
        %and3A_629 = arith.andi %add3A_626, %and3A_628 : vector<16xi32>
        %gather3A_630 = tpu.vector_load_idx %arg17[%add3A_143, %and3A_629] : memref<128x128xf32, #tpu.memory_space<vmem>>[vector<16xi32>, vector<16xi32>], vector<16xf32>,
        %gather3A_631 = tpu.vector_load_idx %arg19[%add3A_143, %and3A_629] : memref<128x128xf32, #tpu.memory_space<vmem>>[vector<16xi32>, vector<16xi32>], vector<16xf32>,
        %gather3A_632 = tpu.vector_load_idx %arg21[%add3A_143, %and3A_629] : memref<128x128xf32, #tpu.memory_space<vmem>>[vector<16xi32>, vector<16xi32>], vector<16xf32>,
        %mul3A_633 = arith.mulf %gather3A_630, %gather3A_631 : vector<16xf32>
        %mul3A_634 = arith.mulf %mul3A_633, %gather3A_632 : vector<16xf32>
        %add3A_635 = arith.addf %add3A_623, %mul3A_634 : vector<16xf32>
        %add3A_636 = arith.constant 41 : i32
        %add3A_637 = vector.broadcast %add3A_636 : i32 to vector<16xi32>
        %add3A_638 = arith.addi %iota3A, %add3A_637 : vector<16xi32>
        %and3A_639 = arith.constant 63 : i32
        %and3A_640 = vector.broadcast %and3A_639 : i32 to vector<16xi32>
        %and3A_641 = arith.andi %add3A_638, %and3A_640 : vector<16xi32>
        %gather3A_642 = tpu.vector_load_idx %arg17[%add3A_143, %and3A_641] : memref<128x128xf32, #tpu.memory_space<vmem>>[vector<16xi32>, vector<16xi32>], vector<16xf32>,
        %gather3A_643 = tpu.vector_load_idx %arg19[%add3A_143, %and3A_641] : memref<128x128xf32, #tpu.memory_space<vmem>>[vector<16xi32>, vector<16xi32>], vector<16xf32>,
        %gather3A_644 = tpu.vector_load_idx %arg21[%add3A_143, %and3A_641] : memref<128x128xf32, #tpu.memory_space<vmem>>[vector<16xi32>, vector<16xi32>], vector<16xf32>,
        %mul3A_645 = arith.mulf %gather3A_642, %gather3A_643 : vector<16xf32>
        %mul3A_646 = arith.mulf %mul3A_645, %gather3A_644 : vector<16xf32>
        %add3A_647 = arith.addf %add3A_635, %mul3A_646 : vector<16xf32>
        %add3A_648 = arith.constant 42 : i32
        %add3A_649 = vector.broadcast %add3A_648 : i32 to vector<16xi32>
        %add3A_650 = arith.addi %iota3A, %add3A_649 : vector<16xi32>
        %and3A_651 = arith.constant 63 : i32
        %and3A_652 = vector.broadcast %and3A_651 : i32 to vector<16xi32>
        %and3A_653 = arith.andi %add3A_650, %and3A_652 : vector<16xi32>
        %gather3A_654 = tpu.vector_load_idx %arg17[%add3A_143, %and3A_653] : memref<128x128xf32, #tpu.memory_space<vmem>>[vector<16xi32>, vector<16xi32>], vector<16xf32>,
        %gather3A_655 = tpu.vector_load_idx %arg19[%add3A_143, %and3A_653] : memref<128x128xf32, #tpu.memory_space<vmem>>[vector<16xi32>, vector<16xi32>], vector<16xf32>,
        %gather3A_656 = tpu.vector_load_idx %arg21[%add3A_143, %and3A_653] : memref<128x128xf32, #tpu.memory_space<vmem>>[vector<16xi32>, vector<16xi32>], vector<16xf32>,
        %mul3A_657 = arith.mulf %gather3A_654, %gather3A_655 : vector<16xf32>
        %mul3A_658 = arith.mulf %mul3A_657, %gather3A_656 : vector<16xf32>
        %add3A_659 = arith.addf %add3A_647, %mul3A_658 : vector<16xf32>
        %add3A_660 = arith.constant 43 : i32
        %add3A_661 = vector.broadcast %add3A_660 : i32 to vector<16xi32>
        %add3A_662 = arith.addi %iota3A, %add3A_661 : vector<16xi32>
        %and3A_663 = arith.constant 63 : i32
        %and3A_664 = vector.broadcast %and3A_663 : i32 to vector<16xi32>
        %and3A_665 = arith.andi %add3A_662, %and3A_664 : vector<16xi32>
        %gather3A_666 = tpu.vector_load_idx %arg17[%add3A_143, %and3A_665] : memref<128x128xf32, #tpu.memory_space<vmem>>[vector<16xi32>, vector<16xi32>], vector<16xf32>,
        %gather3A_667 = tpu.vector_load_idx %arg19[%add3A_143, %and3A_665] : memref<128x128xf32, #tpu.memory_space<vmem>>[vector<16xi32>, vector<16xi32>], vector<16xf32>,
        %gather3A_668 = tpu.vector_load_idx %arg21[%add3A_143, %and3A_665] : memref<128x128xf32, #tpu.memory_space<vmem>>[vector<16xi32>, vector<16xi32>], vector<16xf32>,
        %mul3A_669 = arith.mulf %gather3A_666, %gather3A_667 : vector<16xf32>
        %mul3A_670 = arith.mulf %mul3A_669, %gather3A_668 : vector<16xf32>
        %add3A_671 = arith.addf %add3A_659, %mul3A_670 : vector<16xf32>
        %add3A_672 = arith.constant 44 : i32
        %add3A_673 = vector.broadcast %add3A_672 : i32 to vector<16xi32>
        %add3A_674 = arith.addi %iota3A, %add3A_673 : vector<16xi32>
        %and3A_675 = arith.constant 63 : i32
        %and3A_676 = vector.broadcast %and3A_675 : i32 to vector<16xi32>
        %and3A_677 = arith.andi %add3A_674, %and3A_676 : vector<16xi32>
        %gather3A_678 = tpu.vector_load_idx %arg17[%add3A_143, %and3A_677] : memref<128x128xf32, #tpu.memory_space<vmem>>[vector<16xi32>, vector<16xi32>], vector<16xf32>,
        %gather3A_679 = tpu.vector_load_idx %arg19[%add3A_143, %and3A_677] : memref<128x128xf32, #tpu.memory_space<vmem>>[vector<16xi32>, vector<16xi32>], vector<16xf32>,
        %gather3A_680 = tpu.vector_load_idx %arg21[%add3A_143, %and3A_677] : memref<128x128xf32, #tpu.memory_space<vmem>>[vector<16xi32>, vector<16xi32>], vector<16xf32>,
        %mul3A_681 = arith.mulf %gather3A_678, %gather3A_679 : vector<16xf32>
        %mul3A_682 = arith.mulf %mul3A_681, %gather3A_680 : vector<16xf32>
        %add3A_683 = arith.addf %add3A_671, %mul3A_682 : vector<16xf32>
        %add3A_684 = arith.constant 45 : i32
        %add3A_685 = vector.broadcast %add3A_684 : i32 to vector<16xi32>
        %add3A_686 = arith.addi %iota3A, %add3A_685 : vector<16xi32>
        %and3A_687 = arith.constant 63 : i32
        %and3A_688 = vector.broadcast %and3A_687 : i32 to vector<16xi32>
        %and3A_689 = arith.andi %add3A_686, %and3A_688 : vector<16xi32>
        %gather3A_690 = tpu.vector_load_idx %arg17[%add3A_143, %and3A_689] : memref<128x128xf32, #tpu.memory_space<vmem>>[vector<16xi32>, vector<16xi32>], vector<16xf32>,
        %gather3A_691 = tpu.vector_load_idx %arg19[%add3A_143, %and3A_689] : memref<128x128xf32, #tpu.memory_space<vmem>>[vector<16xi32>, vector<16xi32>], vector<16xf32>,
        %gather3A_692 = tpu.vector_load_idx %arg21[%add3A_143, %and3A_689] : memref<128x128xf32, #tpu.memory_space<vmem>>[vector<16xi32>, vector<16xi32>], vector<16xf32>,
        %mul3A_693 = arith.mulf %gather3A_690, %gather3A_691 : vector<16xf32>
        %mul3A_694 = arith.mulf %mul3A_693, %gather3A_692 : vector<16xf32>
        %add3A_695 = arith.addf %add3A_683, %mul3A_694 : vector<16xf32>
        %add3A_696 = arith.constant 46 : i32
        %add3A_697 = vector.broadcast %add3A_696 : i32 to vector<16xi32>
        %add3A_698 = arith.addi %iota3A, %add3A_697 : vector<16xi32>
        %and3A_699 = arith.constant 63 : i32
        %and3A_700 = vector.broadcast %and3A_699 : i32 to vector<16xi32>
        %and3A_701 = arith.andi %add3A_698, %and3A_700 : vector<16xi32>
        %gather3A_702 = tpu.vector_load_idx %arg17[%add3A_143, %and3A_701] : memref<128x128xf32, #tpu.memory_space<vmem>>[vector<16xi32>, vector<16xi32>], vector<16xf32>,
        %gather3A_703 = tpu.vector_load_idx %arg19[%add3A_143, %and3A_701] : memref<128x128xf32, #tpu.memory_space<vmem>>[vector<16xi32>, vector<16xi32>], vector<16xf32>,
        %gather3A_704 = tpu.vector_load_idx %arg21[%add3A_143, %and3A_701] : memref<128x128xf32, #tpu.memory_space<vmem>>[vector<16xi32>, vector<16xi32>], vector<16xf32>,
        %mul3A_705 = arith.mulf %gather3A_702, %gather3A_703 : vector<16xf32>
        %mul3A_706 = arith.mulf %mul3A_705, %gather3A_704 : vector<16xf32>
        %add3A_707 = arith.addf %add3A_695, %mul3A_706 : vector<16xf32>
        %add3A_708 = arith.constant 47 : i32
        %add3A_709 = vector.broadcast %add3A_708 : i32 to vector<16xi32>
        %add3A_710 = arith.addi %iota3A, %add3A_709 : vector<16xi32>
        %and3A_711 = arith.constant 63 : i32
        %and3A_712 = vector.broadcast %and3A_711 : i32 to vector<16xi32>
        %and3A_713 = arith.andi %add3A_710, %and3A_712 : vector<16xi32>
        %gather3A_714 = tpu.vector_load_idx %arg17[%add3A_143, %and3A_713] : memref<128x128xf32, #tpu.memory_space<vmem>>[vector<16xi32>, vector<16xi32>], vector<16xf32>,
        %gather3A_715 = tpu.vector_load_idx %arg19[%add3A_143, %and3A_713] : memref<128x128xf32, #tpu.memory_space<vmem>>[vector<16xi32>, vector<16xi32>], vector<16xf32>,
        %gather3A_716 = tpu.vector_load_idx %arg21[%add3A_143, %and3A_713] : memref<128x128xf32, #tpu.memory_space<vmem>>[vector<16xi32>, vector<16xi32>], vector<16xf32>,
        %mul3A_717 = arith.mulf %gather3A_714, %gather3A_715 : vector<16xf32>
        %mul3A_718 = arith.mulf %mul3A_717, %gather3A_716 : vector<16xf32>
        %add3A_719 = arith.addf %add3A_707, %mul3A_718 : vector<16xf32>
        %add3A_720 = arith.constant 48 : i32
        %add3A_721 = vector.broadcast %add3A_720 : i32 to vector<16xi32>
        %add3A_722 = arith.addi %iota3A, %add3A_721 : vector<16xi32>
        %and3A_723 = arith.constant 63 : i32
        %and3A_724 = vector.broadcast %and3A_723 : i32 to vector<16xi32>
        %and3A_725 = arith.andi %add3A_722, %and3A_724 : vector<16xi32>
        %gather3A_726 = tpu.vector_load_idx %arg17[%add3A_143, %and3A_725] : memref<128x128xf32, #tpu.memory_space<vmem>>[vector<16xi32>, vector<16xi32>], vector<16xf32>,
        %gather3A_727 = tpu.vector_load_idx %arg19[%add3A_143, %and3A_725] : memref<128x128xf32, #tpu.memory_space<vmem>>[vector<16xi32>, vector<16xi32>], vector<16xf32>,
        %gather3A_728 = tpu.vector_load_idx %arg21[%add3A_143, %and3A_725] : memref<128x128xf32, #tpu.memory_space<vmem>>[vector<16xi32>, vector<16xi32>], vector<16xf32>,
        %mul3A_729 = arith.mulf %gather3A_726, %gather3A_727 : vector<16xf32>
        %mul3A_730 = arith.mulf %mul3A_729, %gather3A_728 : vector<16xf32>
        %add3A_731 = arith.addf %add3A_719, %mul3A_730 : vector<16xf32>
        %add3A_732 = arith.constant 49 : i32
        %add3A_733 = vector.broadcast %add3A_732 : i32 to vector<16xi32>
        %add3A_734 = arith.addi %iota3A, %add3A_733 : vector<16xi32>
        %and3A_735 = arith.constant 63 : i32
        %and3A_736 = vector.broadcast %and3A_735 : i32 to vector<16xi32>
        %and3A_737 = arith.andi %add3A_734, %and3A_736 : vector<16xi32>
        %gather3A_738 = tpu.vector_load_idx %arg17[%add3A_143, %and3A_737] : memref<128x128xf32, #tpu.memory_space<vmem>>[vector<16xi32>, vector<16xi32>], vector<16xf32>,
        %gather3A_739 = tpu.vector_load_idx %arg19[%add3A_143, %and3A_737] : memref<128x128xf32, #tpu.memory_space<vmem>>[vector<16xi32>, vector<16xi32>], vector<16xf32>,
        %gather3A_740 = tpu.vector_load_idx %arg21[%add3A_143, %and3A_737] : memref<128x128xf32, #tpu.memory_space<vmem>>[vector<16xi32>, vector<16xi32>], vector<16xf32>,
        %mul3A_741 = arith.mulf %gather3A_738, %gather3A_739 : vector<16xf32>
        %mul3A_742 = arith.mulf %mul3A_741, %gather3A_740 : vector<16xf32>
        %add3A_743 = arith.addf %add3A_731, %mul3A_742 : vector<16xf32>
        %add3A_744 = arith.constant 50 : i32
        %add3A_745 = vector.broadcast %add3A_744 : i32 to vector<16xi32>
        %add3A_746 = arith.addi %iota3A, %add3A_745 : vector<16xi32>
        %and3A_747 = arith.constant 63 : i32
        %and3A_748 = vector.broadcast %and3A_747 : i32 to vector<16xi32>
        %and3A_749 = arith.andi %add3A_746, %and3A_748 : vector<16xi32>
        %gather3A_750 = tpu.vector_load_idx %arg17[%add3A_143, %and3A_749] : memref<128x128xf32, #tpu.memory_space<vmem>>[vector<16xi32>, vector<16xi32>], vector<16xf32>,
        %gather3A_751 = tpu.vector_load_idx %arg19[%add3A_143, %and3A_749] : memref<128x128xf32, #tpu.memory_space<vmem>>[vector<16xi32>, vector<16xi32>], vector<16xf32>,
        %gather3A_752 = tpu.vector_load_idx %arg21[%add3A_143, %and3A_749] : memref<128x128xf32, #tpu.memory_space<vmem>>[vector<16xi32>, vector<16xi32>], vector<16xf32>,
        %mul3A_753 = arith.mulf %gather3A_750, %gather3A_751 : vector<16xf32>
        %mul3A_754 = arith.mulf %mul3A_753, %gather3A_752 : vector<16xf32>
        %add3A_755 = arith.addf %add3A_743, %mul3A_754 : vector<16xf32>
        %add3A_756 = arith.constant 51 : i32
        %add3A_757 = vector.broadcast %add3A_756 : i32 to vector<16xi32>
        %add3A_758 = arith.addi %iota3A, %add3A_757 : vector<16xi32>
        %and3A_759 = arith.constant 63 : i32
        %and3A_760 = vector.broadcast %and3A_759 : i32 to vector<16xi32>
        %and3A_761 = arith.andi %add3A_758, %and3A_760 : vector<16xi32>
        %gather3A_762 = tpu.vector_load_idx %arg17[%add3A_143, %and3A_761] : memref<128x128xf32, #tpu.memory_space<vmem>>[vector<16xi32>, vector<16xi32>], vector<16xf32>,
        %gather3A_763 = tpu.vector_load_idx %arg19[%add3A_143, %and3A_761] : memref<128x128xf32, #tpu.memory_space<vmem>>[vector<16xi32>, vector<16xi32>], vector<16xf32>,
        %gather3A_764 = tpu.vector_load_idx %arg21[%add3A_143, %and3A_761] : memref<128x128xf32, #tpu.memory_space<vmem>>[vector<16xi32>, vector<16xi32>], vector<16xf32>,
        %mul3A_765 = arith.mulf %gather3A_762, %gather3A_763 : vector<16xf32>
        %mul3A_766 = arith.mulf %mul3A_765, %gather3A_764 : vector<16xf32>
        %add3A_767 = arith.addf %add3A_755, %mul3A_766 : vector<16xf32>
        %add3A_768 = arith.constant 52 : i32
        %add3A_769 = vector.broadcast %add3A_768 : i32 to vector<16xi32>
        %add3A_770 = arith.addi %iota3A, %add3A_769 : vector<16xi32>
        %and3A_771 = arith.constant 63 : i32
        %and3A_772 = vector.broadcast %and3A_771 : i32 to vector<16xi32>
        %and3A_773 = arith.andi %add3A_770, %and3A_772 : vector<16xi32>
        %gather3A_774 = tpu.vector_load_idx %arg17[%add3A_143, %and3A_773] : memref<128x128xf32, #tpu.memory_space<vmem>>[vector<16xi32>, vector<16xi32>], vector<16xf32>,
        %gather3A_775 = tpu.vector_load_idx %arg19[%add3A_143, %and3A_773] : memref<128x128xf32, #tpu.memory_space<vmem>>[vector<16xi32>, vector<16xi32>], vector<16xf32>,
        %gather3A_776 = tpu.vector_load_idx %arg21[%add3A_143, %and3A_773] : memref<128x128xf32, #tpu.memory_space<vmem>>[vector<16xi32>, vector<16xi32>], vector<16xf32>,
        %mul3A_777 = arith.mulf %gather3A_774, %gather3A_775 : vector<16xf32>
        %mul3A_778 = arith.mulf %mul3A_777, %gather3A_776 : vector<16xf32>
        %add3A_779 = arith.addf %add3A_767, %mul3A_778 : vector<16xf32>
        %add3A_780 = arith.constant 53 : i32
        %add3A_781 = vector.broadcast %add3A_780 : i32 to vector<16xi32>
        %add3A_782 = arith.addi %iota3A, %add3A_781 : vector<16xi32>
        %and3A_783 = arith.constant 63 : i32
        %and3A_784 = vector.broadcast %and3A_783 : i32 to vector<16xi32>
        %and3A_785 = arith.andi %add3A_782, %and3A_784 : vector<16xi32>
        %gather3A_786 = tpu.vector_load_idx %arg17[%add3A_143, %and3A_785] : memref<128x128xf32, #tpu.memory_space<vmem>>[vector<16xi32>, vector<16xi32>], vector<16xf32>,
        %gather3A_787 = tpu.vector_load_idx %arg19[%add3A_143, %and3A_785] : memref<128x128xf32, #tpu.memory_space<vmem>>[vector<16xi32>, vector<16xi32>], vector<16xf32>,
        %gather3A_788 = tpu.vector_load_idx %arg21[%add3A_143, %and3A_785] : memref<128x128xf32, #tpu.memory_space<vmem>>[vector<16xi32>, vector<16xi32>], vector<16xf32>,
        %mul3A_789 = arith.mulf %gather3A_786, %gather3A_787 : vector<16xf32>
        %mul3A_790 = arith.mulf %mul3A_789, %gather3A_788 : vector<16xf32>
        %add3A_791 = arith.addf %add3A_779, %mul3A_790 : vector<16xf32>
        %add3A_792 = arith.constant 54 : i32
        %add3A_793 = vector.broadcast %add3A_792 : i32 to vector<16xi32>
        %add3A_794 = arith.addi %iota3A, %add3A_793 : vector<16xi32>
        %and3A_795 = arith.constant 63 : i32
        %and3A_796 = vector.broadcast %and3A_795 : i32 to vector<16xi32>
        %and3A_797 = arith.andi %add3A_794, %and3A_796 : vector<16xi32>
        %gather3A_798 = tpu.vector_load_idx %arg17[%add3A_143, %and3A_797] : memref<128x128xf32, #tpu.memory_space<vmem>>[vector<16xi32>, vector<16xi32>], vector<16xf32>,
        %gather3A_799 = tpu.vector_load_idx %arg19[%add3A_143, %and3A_797] : memref<128x128xf32, #tpu.memory_space<vmem>>[vector<16xi32>, vector<16xi32>], vector<16xf32>,
        %gather3A_800 = tpu.vector_load_idx %arg21[%add3A_143, %and3A_797] : memref<128x128xf32, #tpu.memory_space<vmem>>[vector<16xi32>, vector<16xi32>], vector<16xf32>,
        %mul3A_801 = arith.mulf %gather3A_798, %gather3A_799 : vector<16xf32>
        %mul3A_802 = arith.mulf %mul3A_801, %gather3A_800 : vector<16xf32>
        %add3A_803 = arith.addf %add3A_791, %mul3A_802 : vector<16xf32>
        %add3A_804 = arith.constant 55 : i32
        %add3A_805 = vector.broadcast %add3A_804 : i32 to vector<16xi32>
        %add3A_806 = arith.addi %iota3A, %add3A_805 : vector<16xi32>
        %and3A_807 = arith.constant 63 : i32
        %and3A_808 = vector.broadcast %and3A_807 : i32 to vector<16xi32>
        %and3A_809 = arith.andi %add3A_806, %and3A_808 : vector<16xi32>
        %gather3A_810 = tpu.vector_load_idx %arg17[%add3A_143, %and3A_809] : memref<128x128xf32, #tpu.memory_space<vmem>>[vector<16xi32>, vector<16xi32>], vector<16xf32>,
        %gather3A_811 = tpu.vector_load_idx %arg19[%add3A_143, %and3A_809] : memref<128x128xf32, #tpu.memory_space<vmem>>[vector<16xi32>, vector<16xi32>], vector<16xf32>,
        %gather3A_812 = tpu.vector_load_idx %arg21[%add3A_143, %and3A_809] : memref<128x128xf32, #tpu.memory_space<vmem>>[vector<16xi32>, vector<16xi32>], vector<16xf32>,
        %mul3A_813 = arith.mulf %gather3A_810, %gather3A_811 : vector<16xf32>
        %mul3A_814 = arith.mulf %mul3A_813, %gather3A_812 : vector<16xf32>
        %add3A_815 = arith.addf %add3A_803, %mul3A_814 : vector<16xf32>
        %add3A_816 = arith.constant 56 : i32
        %add3A_817 = vector.broadcast %add3A_816 : i32 to vector<16xi32>
        %add3A_818 = arith.addi %iota3A, %add3A_817 : vector<16xi32>
        %and3A_819 = arith.constant 63 : i32
        %and3A_820 = vector.broadcast %and3A_819 : i32 to vector<16xi32>
        %and3A_821 = arith.andi %add3A_818, %and3A_820 : vector<16xi32>
        %gather3A_822 = tpu.vector_load_idx %arg17[%add3A_143, %and3A_821] : memref<128x128xf32, #tpu.memory_space<vmem>>[vector<16xi32>, vector<16xi32>], vector<16xf32>,
        %gather3A_823 = tpu.vector_load_idx %arg19[%add3A_143, %and3A_821] : memref<128x128xf32, #tpu.memory_space<vmem>>[vector<16xi32>, vector<16xi32>], vector<16xf32>,
        %gather3A_824 = tpu.vector_load_idx %arg21[%add3A_143, %and3A_821] : memref<128x128xf32, #tpu.memory_space<vmem>>[vector<16xi32>, vector<16xi32>], vector<16xf32>,
        %mul3A_825 = arith.mulf %gather3A_822, %gather3A_823 : vector<16xf32>
        %mul3A_826 = arith.mulf %mul3A_825, %gather3A_824 : vector<16xf32>
        %add3A_827 = arith.addf %add3A_815, %mul3A_826 : vector<16xf32>
        %add3A_828 = arith.constant 57 : i32
        %add3A_829 = vector.broadcast %add3A_828 : i32 to vector<16xi32>
        %add3A_830 = arith.addi %iota3A, %add3A_829 : vector<16xi32>
        %and3A_831 = arith.constant 63 : i32
        %and3A_832 = vector.broadcast %and3A_831 : i32 to vector<16xi32>
        %and3A_833 = arith.andi %add3A_830, %and3A_832 : vector<16xi32>
        %gather3A_834 = tpu.vector_load_idx %arg17[%add3A_143, %and3A_833] : memref<128x128xf32, #tpu.memory_space<vmem>>[vector<16xi32>, vector<16xi32>], vector<16xf32>,
        %gather3A_835 = tpu.vector_load_idx %arg19[%add3A_143, %and3A_833] : memref<128x128xf32, #tpu.memory_space<vmem>>[vector<16xi32>, vector<16xi32>], vector<16xf32>,
        %gather3A_836 = tpu.vector_load_idx %arg21[%add3A_143, %and3A_833] : memref<128x128xf32, #tpu.memory_space<vmem>>[vector<16xi32>, vector<16xi32>], vector<16xf32>,
        %mul3A_837 = arith.mulf %gather3A_834, %gather3A_835 : vector<16xf32>
        %mul3A_838 = arith.mulf %mul3A_837, %gather3A_836 : vector<16xf32>
        %add3A_839 = arith.addf %add3A_827, %mul3A_838 : vector<16xf32>
        %add3A_840 = arith.constant 58 : i32
        %add3A_841 = vector.broadcast %add3A_840 : i32 to vector<16xi32>
        %add3A_842 = arith.addi %iota3A, %add3A_841 : vector<16xi32>
        %and3A_843 = arith.constant 63 : i32
        %and3A_844 = vector.broadcast %and3A_843 : i32 to vector<16xi32>
        %and3A_845 = arith.andi %add3A_842, %and3A_844 : vector<16xi32>
        %gather3A_846 = tpu.vector_load_idx %arg17[%add3A_143, %and3A_845] : memref<128x128xf32, #tpu.memory_space<vmem>>[vector<16xi32>, vector<16xi32>], vector<16xf32>,
        %gather3A_847 = tpu.vector_load_idx %arg19[%add3A_143, %and3A_845] : memref<128x128xf32, #tpu.memory_space<vmem>>[vector<16xi32>, vector<16xi32>], vector<16xf32>,
        %gather3A_848 = tpu.vector_load_idx %arg21[%add3A_143, %and3A_845] : memref<128x128xf32, #tpu.memory_space<vmem>>[vector<16xi32>, vector<16xi32>], vector<16xf32>,
        %mul3A_849 = arith.mulf %gather3A_846, %gather3A_847 : vector<16xf32>
        %mul3A_850 = arith.mulf %mul3A_849, %gather3A_848 : vector<16xf32>
        %add3A_851 = arith.addf %add3A_839, %mul3A_850 : vector<16xf32>
        %add3A_852 = arith.constant 59 : i32
        %add3A_853 = vector.broadcast %add3A_852 : i32 to vector<16xi32>
        %add3A_854 = arith.addi %iota3A, %add3A_853 : vector<16xi32>
        %and3A_855 = arith.constant 63 : i32
        %and3A_856 = vector.broadcast %and3A_855 : i32 to vector<16xi32>
        %and3A_857 = arith.andi %add3A_854, %and3A_856 : vector<16xi32>
        %gather3A_858 = tpu.vector_load_idx %arg17[%add3A_143, %and3A_857] : memref<128x128xf32, #tpu.memory_space<vmem>>[vector<16xi32>, vector<16xi32>], vector<16xf32>,
        %gather3A_859 = tpu.vector_load_idx %arg19[%add3A_143, %and3A_857] : memref<128x128xf32, #tpu.memory_space<vmem>>[vector<16xi32>, vector<16xi32>], vector<16xf32>,
        %gather3A_860 = tpu.vector_load_idx %arg21[%add3A_143, %and3A_857] : memref<128x128xf32, #tpu.memory_space<vmem>>[vector<16xi32>, vector<16xi32>], vector<16xf32>,
        %mul3A_861 = arith.mulf %gather3A_858, %gather3A_859 : vector<16xf32>
        %mul3A_862 = arith.mulf %mul3A_861, %gather3A_860 : vector<16xf32>
        %add3A_863 = arith.addf %add3A_851, %mul3A_862 : vector<16xf32>
        %add3A_864 = arith.constant 60 : i32
        %add3A_865 = vector.broadcast %add3A_864 : i32 to vector<16xi32>
        %add3A_866 = arith.addi %iota3A, %add3A_865 : vector<16xi32>
        %and3A_867 = arith.constant 63 : i32
        %and3A_868 = vector.broadcast %and3A_867 : i32 to vector<16xi32>
        %and3A_869 = arith.andi %add3A_866, %and3A_868 : vector<16xi32>
        %gather3A_870 = tpu.vector_load_idx %arg17[%add3A_143, %and3A_869] : memref<128x128xf32, #tpu.memory_space<vmem>>[vector<16xi32>, vector<16xi32>], vector<16xf32>,
        %gather3A_871 = tpu.vector_load_idx %arg19[%add3A_143, %and3A_869] : memref<128x128xf32, #tpu.memory_space<vmem>>[vector<16xi32>, vector<16xi32>], vector<16xf32>,
        %gather3A_872 = tpu.vector_load_idx %arg21[%add3A_143, %and3A_869] : memref<128x128xf32, #tpu.memory_space<vmem>>[vector<16xi32>, vector<16xi32>], vector<16xf32>,
        %mul3A_873 = arith.mulf %gather3A_870, %gather3A_871 : vector<16xf32>
        %mul3A_874 = arith.mulf %mul3A_873, %gather3A_872 : vector<16xf32>
        %add3A_875 = arith.addf %add3A_863, %mul3A_874 : vector<16xf32>
        %add3A_876 = arith.constant 61 : i32
        %add3A_877 = vector.broadcast %add3A_876 : i32 to vector<16xi32>
        %add3A_878 = arith.addi %iota3A, %add3A_877 : vector<16xi32>
        %and3A_879 = arith.constant 63 : i32
        %and3A_880 = vector.broadcast %and3A_879 : i32 to vector<16xi32>
        %and3A_881 = arith.andi %add3A_878, %and3A_880 : vector<16xi32>
        %gather3A_882 = tpu.vector_load_idx %arg17[%add3A_143, %and3A_881] : memref<128x128xf32, #tpu.memory_space<vmem>>[vector<16xi32>, vector<16xi32>], vector<16xf32>,
        %gather3A_883 = tpu.vector_load_idx %arg19[%add3A_143, %and3A_881] : memref<128x128xf32, #tpu.memory_space<vmem>>[vector<16xi32>, vector<16xi32>], vector<16xf32>,
        %gather3A_884 = tpu.vector_load_idx %arg21[%add3A_143, %and3A_881] : memref<128x128xf32, #tpu.memory_space<vmem>>[vector<16xi32>, vector<16xi32>], vector<16xf32>,
        %mul3A_885 = arith.mulf %gather3A_882, %gather3A_883 : vector<16xf32>
        %mul3A_886 = arith.mulf %mul3A_885, %gather3A_884 : vector<16xf32>
        %add3A_887 = arith.addf %add3A_875, %mul3A_886 : vector<16xf32>
        %add3A_888 = arith.constant 62 : i32
        %add3A_889 = vector.broadcast %add3A_888 : i32 to vector<16xi32>
        %add3A_890 = arith.addi %iota3A, %add3A_889 : vector<16xi32>
        %and3A_891 = arith.constant 63 : i32
        %and3A_892 = vector.broadcast %and3A_891 : i32 to vector<16xi32>
        %and3A_893 = arith.andi %add3A_890, %and3A_892 : vector<16xi32>
        %gather3A_894 = tpu.vector_load_idx %arg17[%add3A_143, %and3A_893] : memref<128x128xf32, #tpu.memory_space<vmem>>[vector<16xi32>, vector<16xi32>], vector<16xf32>,
        %gather3A_895 = tpu.vector_load_idx %arg19[%add3A_143, %and3A_893] : memref<128x128xf32, #tpu.memory_space<vmem>>[vector<16xi32>, vector<16xi32>], vector<16xf32>,
        %gather3A_896 = tpu.vector_load_idx %arg21[%add3A_143, %and3A_893] : memref<128x128xf32, #tpu.memory_space<vmem>>[vector<16xi32>, vector<16xi32>], vector<16xf32>,
        %mul3A_897 = arith.mulf %gather3A_894, %gather3A_895 : vector<16xf32>
        %mul3A_898 = arith.mulf %mul3A_897, %gather3A_896 : vector<16xf32>
        %add3A_899 = arith.addf %add3A_887, %mul3A_898 : vector<16xf32>
        %add3A_900 = arith.constant 63 : i32
        %add3A_901 = vector.broadcast %add3A_900 : i32 to vector<16xi32>
        %add3A_902 = arith.addi %iota3A, %add3A_901 : vector<16xi32>
        %and3A_903 = arith.constant 63 : i32
        %and3A_904 = vector.broadcast %and3A_903 : i32 to vector<16xi32>
        %and3A_905 = arith.andi %add3A_902, %and3A_904 : vector<16xi32>
        %gather3A_906 = tpu.vector_load_idx %arg17[%add3A_143, %and3A_905] : memref<128x128xf32, #tpu.memory_space<vmem>>[vector<16xi32>, vector<16xi32>], vector<16xf32>,
        %gather3A_907 = tpu.vector_load_idx %arg19[%add3A_143, %and3A_905] : memref<128x128xf32, #tpu.memory_space<vmem>>[vector<16xi32>, vector<16xi32>], vector<16xf32>,
        %gather3A_908 = tpu.vector_load_idx %arg21[%add3A_143, %and3A_905] : memref<128x128xf32, #tpu.memory_space<vmem>>[vector<16xi32>, vector<16xi32>], vector<16xf32>,
        %mul3A_909 = arith.mulf %gather3A_906, %gather3A_907 : vector<16xf32>
        %mul3A_910 = arith.mulf %mul3A_909, %gather3A_908 : vector<16xf32>
        %add3A_911 = arith.addf %add3A_899, %mul3A_910 : vector<16xf32>
        %mul3A_912 = arith.constant 16 : i32
        %mul3A_913 = arith.muli %scan3A_138, %mul3A_912 : i32
        %add3A_914 = arith.addi %multiple_of3A_117, %mul3A_913 : i32
        %swap3A = arith.index_cast %add3A_914 : i32 to index
        %swap3A_915 = tpu.vector_load %arg15[%swap3A] {strides = array<i32>} : memref<3072xf32, #tpu.memory_space<vmem>>, vector<16xf32>,
        tpu.vector_store %arg15[%swap3A], %add3A_911 {strides = array<i32>} : memref<3072xf32, #tpu.memory_space<vmem>>, vector<16xf32>,
        %scan3A_916 = arith.constant 0 : i32
        scf.yield %scan3A_916 : i32
      }
      %scan3A_136 = arith.constant 8 : i32
      %scan3A_137 = arith.constant 0 : i32
      scf.yield %scan3A_137 : i32
    }
    %scan3A_53 = arith.constant 12 : i32
    "tpu.region"() ({
      %run_scoped3A = tpu.sem_alloc : memref<!tpu.dma_semaphore, #tpu.memory_space<semaphore_mem>>
      %dma_start3A_69 = arith.constant 0 : i32
      %dma_start3A_70 = tpu.memref_slice %arg15[%dma_start3A_69] : memref<3072xf32, #tpu.memory_space<vmem>> -> memref<512xf32, #tpu.memory_space<vmem>>
      %dma_start3A_71 = tpu.memref_slice %arg7[%multiple_of3A] : memref<16384xf32, #tpu.memory_space<hbm>> -> memref<512xf32, #tpu.memory_space<hbm>>
      %dma_start3A_72 = tpu.memref_slice %arg7[%multiple_of3A] : memref<16384xf32, #tpu.memory_space<hbm>> -> memref<512xf32, #tpu.memory_space<hbm>>
      %dma_start3A_73 = arith.constant 0 : i32
      %dma_start3A_74 = tpu.memref_slice %arg15[%dma_start3A_73] : memref<3072xf32, #tpu.memory_space<vmem>> -> memref<512xf32, #tpu.memory_space<vmem>>
      tpu.enqueue_dma source(%dma_start3A_74 : memref<512xf32, #tpu.memory_space<vmem>>) target(%dma_start3A_72 : memref<512xf32, #tpu.memory_space<hbm>>) target_semaphore(%run_scoped3A : memref<!tpu.dma_semaphore, #tpu.memory_space<semaphore_mem>>)
      %dma_wait3A = arith.constant 0 : i32
      %dma_wait3A_75 = tpu.memref_slice %arg15[%dma_wait3A] : memref<3072xf32, #tpu.memory_space<vmem>> -> memref<512xf32, #tpu.memory_space<vmem>>
      %dma_wait3A_76 = tpu.memref_slice %arg7[%multiple_of3A] : memref<16384xf32, #tpu.memory_space<hbm>> -> memref<512xf32, #tpu.memory_space<hbm>>
      %dma_wait3A_77 = tpu.memref_slice %arg7[%multiple_of3A] : memref<16384xf32, #tpu.memory_space<hbm>> -> memref<512xf32, #tpu.memory_space<hbm>>
      %dma_wait3A_78 = arith.constant 0 : i32
      %dma_wait3A_79 = tpu.memref_slice %arg15[%dma_wait3A_78] : memref<3072xf32, #tpu.memory_space<vmem>> -> memref<512xf32, #tpu.memory_space<vmem>>
      tpu.wait_dma2 semaphore(%run_scoped3A : memref<!tpu.dma_semaphore, #tpu.memory_space<semaphore_mem>>) src(%dma_wait3A_79 : memref<512xf32, #tpu.memory_space<vmem>>) dst(%dma_wait3A_77 : memref<512xf32, #tpu.memory_space<hbm>>)
      tpu.yield
    }) : () -> ()
    %add3A_54 = arith.constant 0 : i32
    %add3A_55 = arith.addi %add3A_54, %multiple_of3A_5 : i32
    %multiple_of3A_56 = tpu.assume_multiple %add3A_55, 512 : i32
    "tpu.region"() ({
      %run_scoped3A = tpu.sem_alloc : memref<!tpu.dma_semaphore, #tpu.memory_space<semaphore_mem>>
      %dma_start3A_69 = arith.constant 512 : i32
      %dma_start3A_70 = tpu.memref_slice %arg15[%dma_start3A_69] : memref<3072xf32, #tpu.memory_space<vmem>> -> memref<512xf32, #tpu.memory_space<vmem>>
      %dma_start3A_71 = tpu.memref_slice %arg8[%multiple_of3A_56] : memref<81920xf32, #tpu.memory_space<hbm>> -> memref<512xf32, #tpu.memory_space<hbm>>
      %dma_start3A_72 = tpu.memref_slice %arg8[%multiple_of3A_56] : memref<81920xf32, #tpu.memory_space<hbm>> -> memref<512xf32, #tpu.memory_space<hbm>>
      %dma_start3A_73 = arith.constant 512 : i32
      %dma_start3A_74 = tpu.memref_slice %arg15[%dma_start3A_73] : memref<3072xf32, #tpu.memory_space<vmem>> -> memref<512xf32, #tpu.memory_space<vmem>>
      tpu.enqueue_dma source(%dma_start3A_74 : memref<512xf32, #tpu.memory_space<vmem>>) target(%dma_start3A_72 : memref<512xf32, #tpu.memory_space<hbm>>) target_semaphore(%run_scoped3A : memref<!tpu.dma_semaphore, #tpu.memory_space<semaphore_mem>>)
      %dma_wait3A = arith.constant 512 : i32
      %dma_wait3A_75 = tpu.memref_slice %arg15[%dma_wait3A] : memref<3072xf32, #tpu.memory_space<vmem>> -> memref<512xf32, #tpu.memory_space<vmem>>
      %dma_wait3A_76 = tpu.memref_slice %arg8[%multiple_of3A_56] : memref<81920xf32, #tpu.memory_space<hbm>> -> memref<512xf32, #tpu.memory_space<hbm>>
      %dma_wait3A_77 = tpu.memref_slice %arg8[%multiple_of3A_56] : memref<81920xf32, #tpu.memory_space<hbm>> -> memref<512xf32, #tpu.memory_space<hbm>>
      %dma_wait3A_78 = arith.constant 512 : i32
      %dma_wait3A_79 = tpu.memref_slice %arg15[%dma_wait3A_78] : memref<3072xf32, #tpu.memory_space<vmem>> -> memref<512xf32, #tpu.memory_space<vmem>>
      tpu.wait_dma2 semaphore(%run_scoped3A : memref<!tpu.dma_semaphore, #tpu.memory_space<semaphore_mem>>) src(%dma_wait3A_79 : memref<512xf32, #tpu.memory_space<vmem>>) dst(%dma_wait3A_77 : memref<512xf32, #tpu.memory_space<hbm>>)
      tpu.yield
    }) : () -> ()
    %add3A_57 = arith.constant 16384 : i32
    %add3A_58 = arith.addi %add3A_57, %multiple_of3A_5 : i32
    %multiple_of3A_59 = tpu.assume_multiple %add3A_58, 512 : i32
    "tpu.region"() ({
      %run_scoped3A = tpu.sem_alloc : memref<!tpu.dma_semaphore, #tpu.memory_space<semaphore_mem>>
      %dma_start3A_69 = arith.constant 1024 : i32
      %dma_start3A_70 = tpu.memref_slice %arg15[%dma_start3A_69] : memref<3072xf32, #tpu.memory_space<vmem>> -> memref<512xf32, #tpu.memory_space<vmem>>
      %dma_start3A_71 = tpu.memref_slice %arg8[%multiple_of3A_59] : memref<81920xf32, #tpu.memory_space<hbm>> -> memref<512xf32, #tpu.memory_space<hbm>>
      %dma_start3A_72 = tpu.memref_slice %arg8[%multiple_of3A_59] : memref<81920xf32, #tpu.memory_space<hbm>> -> memref<512xf32, #tpu.memory_space<hbm>>
      %dma_start3A_73 = arith.constant 1024 : i32
      %dma_start3A_74 = tpu.memref_slice %arg15[%dma_start3A_73] : memref<3072xf32, #tpu.memory_space<vmem>> -> memref<512xf32, #tpu.memory_space<vmem>>
      tpu.enqueue_dma source(%dma_start3A_74 : memref<512xf32, #tpu.memory_space<vmem>>) target(%dma_start3A_72 : memref<512xf32, #tpu.memory_space<hbm>>) target_semaphore(%run_scoped3A : memref<!tpu.dma_semaphore, #tpu.memory_space<semaphore_mem>>)
      %dma_wait3A = arith.constant 1024 : i32
      %dma_wait3A_75 = tpu.memref_slice %arg15[%dma_wait3A] : memref<3072xf32, #tpu.memory_space<vmem>> -> memref<512xf32, #tpu.memory_space<vmem>>
      %dma_wait3A_76 = tpu.memref_slice %arg8[%multiple_of3A_59] : memref<81920xf32, #tpu.memory_space<hbm>> -> memref<512xf32, #tpu.memory_space<hbm>>
      %dma_wait3A_77 = tpu.memref_slice %arg8[%multiple_of3A_59] : memref<81920xf32, #tpu.memory_space<hbm>> -> memref<512xf32, #tpu.memory_space<hbm>>
      %dma_wait3A_78 = arith.constant 1024 : i32
      %dma_wait3A_79 = tpu.memref_slice %arg15[%dma_wait3A_78] : memref<3072xf32, #tpu.memory_space<vmem>> -> memref<512xf32, #tpu.memory_space<vmem>>
      tpu.wait_dma2 semaphore(%run_scoped3A : memref<!tpu.dma_semaphore, #tpu.memory_space<semaphore_mem>>) src(%dma_wait3A_79 : memref<512xf32, #tpu.memory_space<vmem>>) dst(%dma_wait3A_77 : memref<512xf32, #tpu.memory_space<hbm>>)
      tpu.yield
    }) : () -> ()
    %add3A_60 = arith.constant 32768 : i32
    %add3A_61 = arith.addi %add3A_60, %multiple_of3A_5 : i32
    %multiple_of3A_62 = tpu.assume_multiple %add3A_61, 512 : i32
    "tpu.region"() ({
      %run_scoped3A = tpu.sem_alloc : memref<!tpu.dma_semaphore, #tpu.memory_space<semaphore_mem>>
      %dma_start3A_69 = arith.constant 1536 : i32
      %dma_start3A_70 = tpu.memref_slice %arg15[%dma_start3A_69] : memref<3072xf32, #tpu.memory_space<vmem>> -> memref<512xf32, #tpu.memory_space<vmem>>
      %dma_start3A_71 = tpu.memref_slice %arg8[%multiple_of3A_62] : memref<81920xf32, #tpu.memory_space<hbm>> -> memref<512xf32, #tpu.memory_space<hbm>>
      %dma_start3A_72 = tpu.memref_slice %arg8[%multiple_of3A_62] : memref<81920xf32, #tpu.memory_space<hbm>> -> memref<512xf32, #tpu.memory_space<hbm>>
      %dma_start3A_73 = arith.constant 1536 : i32
      %dma_start3A_74 = tpu.memref_slice %arg15[%dma_start3A_73] : memref<3072xf32, #tpu.memory_space<vmem>> -> memref<512xf32, #tpu.memory_space<vmem>>
      tpu.enqueue_dma source(%dma_start3A_74 : memref<512xf32, #tpu.memory_space<vmem>>) target(%dma_start3A_72 : memref<512xf32, #tpu.memory_space<hbm>>) target_semaphore(%run_scoped3A : memref<!tpu.dma_semaphore, #tpu.memory_space<semaphore_mem>>)
      %dma_wait3A = arith.constant 1536 : i32
      %dma_wait3A_75 = tpu.memref_slice %arg15[%dma_wait3A] : memref<3072xf32, #tpu.memory_space<vmem>> -> memref<512xf32, #tpu.memory_space<vmem>>
      %dma_wait3A_76 = tpu.memref_slice %arg8[%multiple_of3A_62] : memref<81920xf32, #tpu.memory_space<hbm>> -> memref<512xf32, #tpu.memory_space<hbm>>
      %dma_wait3A_77 = tpu.memref_slice %arg8[%multiple_of3A_62] : memref<81920xf32, #tpu.memory_space<hbm>> -> memref<512xf32, #tpu.memory_space<hbm>>
      %dma_wait3A_78 = arith.constant 1536 : i32
      %dma_wait3A_79 = tpu.memref_slice %arg15[%dma_wait3A_78] : memref<3072xf32, #tpu.memory_space<vmem>> -> memref<512xf32, #tpu.memory_space<vmem>>
      tpu.wait_dma2 semaphore(%run_scoped3A : memref<!tpu.dma_semaphore, #tpu.memory_space<semaphore_mem>>) src(%dma_wait3A_79 : memref<512xf32, #tpu.memory_space<vmem>>) dst(%dma_wait3A_77 : memref<512xf32, #tpu.memory_space<hbm>>)
      tpu.yield
    }) : () -> ()
    %add3A_63 = arith.constant 49152 : i32
    %add3A_64 = arith.addi %add3A_63, %multiple_of3A_5 : i32
    %multiple_of3A_65 = tpu.assume_multiple %add3A_64, 512 : i32
    "tpu.region"() ({
      %run_scoped3A = tpu.sem_alloc : memref<!tpu.dma_semaphore, #tpu.memory_space<semaphore_mem>>
      %dma_start3A_69 = arith.constant 2048 : i32
      %dma_start3A_70 = tpu.memref_slice %arg15[%dma_start3A_69] : memref<3072xf32, #tpu.memory_space<vmem>> -> memref<512xf32, #tpu.memory_space<vmem>>
      %dma_start3A_71 = tpu.memref_slice %arg8[%multiple_of3A_65] : memref<81920xf32, #tpu.memory_space<hbm>> -> memref<512xf32, #tpu.memory_space<hbm>>
      %dma_start3A_72 = tpu.memref_slice %arg8[%multiple_of3A_65] : memref<81920xf32, #tpu.memory_space<hbm>> -> memref<512xf32, #tpu.memory_space<hbm>>
      %dma_start3A_73 = arith.constant 2048 : i32
      %dma_start3A_74 = tpu.memref_slice %arg15[%dma_start3A_73] : memref<3072xf32, #tpu.memory_space<vmem>> -> memref<512xf32, #tpu.memory_space<vmem>>
      tpu.enqueue_dma source(%dma_start3A_74 : memref<512xf32, #tpu.memory_space<vmem>>) target(%dma_start3A_72 : memref<512xf32, #tpu.memory_space<hbm>>) target_semaphore(%run_scoped3A : memref<!tpu.dma_semaphore, #tpu.memory_space<semaphore_mem>>)
      %dma_wait3A = arith.constant 2048 : i32
      %dma_wait3A_75 = tpu.memref_slice %arg15[%dma_wait3A] : memref<3072xf32, #tpu.memory_space<vmem>> -> memref<512xf32, #tpu.memory_space<vmem>>
      %dma_wait3A_76 = tpu.memref_slice %arg8[%multiple_of3A_65] : memref<81920xf32, #tpu.memory_space<hbm>> -> memref<512xf32, #tpu.memory_space<hbm>>
      %dma_wait3A_77 = tpu.memref_slice %arg8[%multiple_of3A_65] : memref<81920xf32, #tpu.memory_space<hbm>> -> memref<512xf32, #tpu.memory_space<hbm>>
      %dma_wait3A_78 = arith.constant 2048 : i32
      %dma_wait3A_79 = tpu.memref_slice %arg15[%dma_wait3A_78] : memref<3072xf32, #tpu.memory_space<vmem>> -> memref<512xf32, #tpu.memory_space<vmem>>
      tpu.wait_dma2 semaphore(%run_scoped3A : memref<!tpu.dma_semaphore, #tpu.memory_space<semaphore_mem>>) src(%dma_wait3A_79 : memref<512xf32, #tpu.memory_space<vmem>>) dst(%dma_wait3A_77 : memref<512xf32, #tpu.memory_space<hbm>>)
      tpu.yield
    }) : () -> ()
    %add3A_66 = arith.constant 65536 : i32
    %add3A_67 = arith.addi %add3A_66, %multiple_of3A_5 : i32
    %multiple_of3A_68 = tpu.assume_multiple %add3A_67, 512 : i32
    "tpu.region"() ({
      %run_scoped3A = tpu.sem_alloc : memref<!tpu.dma_semaphore, #tpu.memory_space<semaphore_mem>>
      %dma_start3A_69 = arith.constant 2560 : i32
      %dma_start3A_70 = tpu.memref_slice %arg15[%dma_start3A_69] : memref<3072xf32, #tpu.memory_space<vmem>> -> memref<512xf32, #tpu.memory_space<vmem>>
      %dma_start3A_71 = tpu.memref_slice %arg8[%multiple_of3A_68] : memref<81920xf32, #tpu.memory_space<hbm>> -> memref<512xf32, #tpu.memory_space<hbm>>
      %dma_start3A_72 = tpu.memref_slice %arg8[%multiple_of3A_68] : memref<81920xf32, #tpu.memory_space<hbm>> -> memref<512xf32, #tpu.memory_space<hbm>>
      %dma_start3A_73 = arith.constant 2560 : i32
      %dma_start3A_74 = tpu.memref_slice %arg15[%dma_start3A_73] : memref<3072xf32, #tpu.memory_space<vmem>> -> memref<512xf32, #tpu.memory_space<vmem>>
      tpu.enqueue_dma source(%dma_start3A_74 : memref<512xf32, #tpu.memory_space<vmem>>) target(%dma_start3A_72 : memref<512xf32, #tpu.memory_space<hbm>>) target_semaphore(%run_scoped3A : memref<!tpu.dma_semaphore, #tpu.memory_space<semaphore_mem>>)
      %dma_wait3A = arith.constant 2560 : i32
      %dma_wait3A_75 = tpu.memref_slice %arg15[%dma_wait3A] : memref<3072xf32, #tpu.memory_space<vmem>> -> memref<512xf32, #tpu.memory_space<vmem>>
      %dma_wait3A_76 = tpu.memref_slice %arg8[%multiple_of3A_68] : memref<81920xf32, #tpu.memory_space<hbm>> -> memref<512xf32, #tpu.memory_space<hbm>>
      %dma_wait3A_77 = tpu.memref_slice %arg8[%multiple_of3A_68] : memref<81920xf32, #tpu.memory_space<hbm>> -> memref<512xf32, #tpu.memory_space<hbm>>
      %dma_wait3A_78 = arith.constant 2560 : i32
      %dma_wait3A_79 = tpu.memref_slice %arg15[%dma_wait3A_78] : memref<3072xf32, #tpu.memory_space<vmem>> -> memref<512xf32, #tpu.memory_space<vmem>>
      tpu.wait_dma2 semaphore(%run_scoped3A : memref<!tpu.dma_semaphore, #tpu.memory_space<semaphore_mem>>) src(%dma_wait3A_79 : memref<512xf32, #tpu.memory_space<vmem>>) dst(%dma_wait3A_77 : memref<512xf32, #tpu.memory_space<hbm>>)
      tpu.yield
    }) : () -> ()
    return
  }
}

</mosaic_0001>

<sc_bundles>
// kernel: kernel.3.cloned.1.call-start
scs
__scs_entry_jumppad:
0x0: {  	(pc) =	sbr.rel $0x88, $3  }
0x1: {  	(tag) =	ssettag $0x0;
	lr =	simm.s32 $0x1  }
0x2: {  	[smem:$0x3F9C] =	sst lr;
	_ =	strace $0xD0000000  }
0x3: {  	_ = 	snop  }
0x4: {  	_ = 	snop  }
0x5: {  	_ = 	snop  }
0x6: {  	_ = 	snop  }
0x7: {  	_ = 	snop  }
__scs_overlays_trampoline_lowered:
0x8: {  	[smem:$0x3FAB] =	sst s0  }
0x9: {  	[smem:$0x3FAC] =	sst s1  }
0xa: {  	[smem:$0x3FAD] =	sst s2  }
0xb: {  	[smem:$0x3FAE] =	sst s3  }
0xc: {  	[smem:$0x3FAF] =	sst s4  }
0xd: {  	[smem:$0x3FB0] =	sst s5  }
0xe: {  	[smem:$0x3FB1] =	sst s6  }
0xf: {  	[smem:$0x3FB2] =	sst s7  }
0x10: {  	[smem:$0x3FB3] =	sst s8  }
0x11: {  	[smem:$0x3FB4] =	sst s9;
	s0 =	simm.s32 @!p0 $0x0  }
0x12: {  	s1 =	sld [smem:$0x3F9A];
	s0 =	simm.s32 @p0 $0x1  }
0x13: {  	[smem:$0x3FB5] =	sst s0;
	s0 =	simm.s32 @!p1 $0x0  }
0x14: {  	s2 =	sld [smem:$0x3F99];
	s0 =	simm.s32 @p1 $0x1  }
0x15: {  	[smem:$0x3FB6] =	sst s0;
	s0 =	simm.s32 @!p2 $0x0  }
0x16: {  	s3 =	sld [smem:$0x3FDB];
	s0 =	simm.s32 @p2 $0x1  }
0x17: {  	s4 =	simm.s32 $0x1BF5;
	[smem:$0x3FB8] =	sst s0  }
0x18: {  	s0 =	sld [smem:$0x3F9B];
	_ =	swait.ge [sflag:s4], $0x0  }
0x19: {  	s7 =	sld [smem:$0x3F9C]  }
0x1a: {  	s8 =	sadd.s32 $0xFFFFE003, lr  }
0x1b: {  	s9 =	sadd.s32 $0xFFFFFEF7, lr;
	s5 =	simm.s32 $0xFFFFFFFF;
	p2 =	slt.u32 s8, $0xFFFFF086  }
0x1c: {  	p1 =	slt.u32 s9, $0xF7A;
	s5 =	simm.s32 @!p2 $0x0  }
0x1d: {  	s5 =	simm.s32 @p1 $0x1;
	p0 =	seq.s32 s7, s2  }
0x1e: {  	s7 =	smul.u32 @!p0 $0xF7A, s2;
	p2 =	seq.s32 @!p0 s5, $0x0  }
0x1f: {  	s9 =	smul.u32 $0xF7A, s1;
	s8 =	simm.s32 @!p0 $0x1BF5;
	p2 =	por !p2, p0  }
0x20: {  	[sflag:s8] =	ssyncset.s32 @!p0 $0xFFFFF086;
	s6 =	sadd.s32 @!p0 s3, s7;
	s7 =	simm.s32 @!p0 $0x108  }
0x21: {  	s3 =	sadd.s32 s3, s9;
	s6 =	sadd.s32 @!p0 $0x88, s6;
	s7 =	simm.s32 @p2 $0x1082  }
0x22: {  	[simem:s7], [sflag:s8] =	dma.local @!p0 [hbm:s6], $0xF7A  }
0x23: {  	s9 =	sor.u32 $0xD0000000, s2;
	s6 =	simm.s32 $0x108;
	_ =	swait.ge @!p0 [sflag:s8], $0x0  }
0x24: {  	s3 =	sadd.s32 $0x88, s3;
	s6 =	simm.s32 @!p1 $0x1082;
	[sflag:s4] =	ssyncset.s32 $0xFFFFF086  }
0x25: {  	[simem:s6], [sflag:s4] =	dma.local [hbm:s3], $0xF7A  }
0x26: {  	[smem:$0x3F9C] =	sst s1;
	(tag) =	ssettag s2;
	_ =	strace s9  }
0x27: {  	s1 =	sld [smem:$0x3FAC]  }
0x28: {  	s2 =	sld [smem:$0x3FAD]  }
0x29: {  	s4 =	sld [smem:$0x3FAF]  }
0x2a: {  	p0 =	seq.s32 s5, $0x0;
	s5 =	sld [smem:$0x3FB0]  }
0x2b: {  	s6 =	sld [smem:$0x3FB1]  }
0x2c: {  	s7 =	sld [smem:$0x3FB2]  }
0x2d: {  	s3 =	simm.s32 $0x108;
	s8 =	sld [smem:$0x3FB3]  }
0x2e: {  	s3 =	simm.s32 @!p0 $0x1082;
	s9 =	sld [smem:$0x3FB4]  }
0x2f: {  	lr =	sadd.s32 s0, s3;
	s0 =	sld [smem:$0x3FAB]  }
0x30: {  	s3 =	sld [smem:$0x3FAE]  }
0x31: {  	[smem:$0x3FB7] =	sst s10  }
0x32: {  	s10 =	sld [smem:$0x3FB5];
	_ =	sdelay $0x3  }
0x33: {  	p0 =	seq.s32 s10, $0x1;
	s10 =	sld [smem:$0x3FB7];
	_ =	sdelay $0x3  }
0x34: {  	[smem:$0x3FB7] =	sst s10  }
0x35: {  	s10 =	sld [smem:$0x3FB6];
	_ =	sdelay $0x3  }
0x36: {  	p1 =	seq.s32 s10, $0x1;
	s10 =	sld [smem:$0x3FB7];
	_ =	sdelay $0x3  }
0x37: {  	[smem:$0x3FB7] =	sst s10  }
0x38: {  	s10 =	sld [smem:$0x3FB8]  }
0x39: {  	_ = 	snop;
	(pc) =	sbr.ind lr, $3  }
0x3a: {  	_ = 	snop  }
0x3b: {  	_ = 	snop  }
0x3c: {  	p2 =	seq.s32 s10, $0x1;
	s10 =	sld [smem:$0x3FB7]  }
0x3d: {  	_ =	shalt  }
0x3e: {  	_ =	shalt  }
0x3f: {  	_ =	shalt  }
0x40: {  	_ =	shalt  }
0x41: {  	_ =	shalt  }
0x42: {  	_ =	shalt  }
0x43: {  	_ =	shalt  }
0x44: {  	_ =	shalt  }
0x45: {  	_ =	shalt  }
0x46: {  	_ =	shalt  }
0x47: {  	_ =	shalt  }
0x48: {  	_ =	shalt  }
0x49: {  	_ =	shalt  }
0x4a: {  	_ =	shalt  }
0x4b: {  	_ =	shalt  }
0x4c: {  	_ =	shalt  }
0x4d: {  	_ =	shalt  }
0x4e: {  	_ =	shalt  }
0x4f: {  	_ =	shalt  }
0x50: {  	_ =	shalt  }
0x51: {  	_ =	shalt  }
0x52: {  	_ =	shalt  }
0x53: {  	_ =	shalt  }
0x54: {  	_ =	shalt  }
0x55: {  	_ =	shalt  }
0x56: {  	_ =	shalt  }
0x57: {  	_ =	shalt  }
0x58: {  	_ =	shalt  }
0x59: {  	_ =	shalt  }
0x5a: {  	_ =	shalt  }
0x5b: {  	_ =	shalt  }
0x5c: {  	_ =	shalt  }
0x5d: {  	_ =	shalt  }
0x5e: {  	_ =	shalt  }
0x5f: {  	_ =	shalt  }
0x60: {  	_ =	shalt  }
0x61: {  	_ =	shalt  }
0x62: {  	_ =	shalt  }
0x63: {  	_ =	shalt  }
0x64: {  	_ =	shalt  }
0x65: {  	_ =	shalt  }
0x66: {  	_ =	shalt  }
0x67: {  	_ =	shalt  }
0x68: {  	_ =	shalt  }
0x69: {  	_ =	shalt  }
0x6a: {  	_ =	shalt  }
0x6b: {  	_ =	shalt  }
0x6c: {  	_ =	shalt  }
0x6d: {  	_ =	shalt  }
0x6e: {  	_ =	shalt  }
0x6f: {  	_ =	shalt  }
0x70: {  	_ =	shalt  }
0x71: {  	_ =	shalt  }
0x72: {  	_ =	shalt  }
0x73: {  	_ =	shalt  }
0x74: {  	_ =	shalt  }
0x75: {  	_ =	shalt  }
0x76: {  	_ =	shalt  }
0x77: {  	_ =	shalt  }
0x78: {  	_ =	shalt  }
0x79: {  	_ =	shalt  }
0x7a: {  	_ =	shalt  }
0x7b: {  	_ =	shalt  }
0x7c: {  	_ =	shalt  }
0x7d: {  	_ =	shalt  }
0x7e: {  	_ =	shalt  }
0x7f: {  	_ =	shalt  }
0x80: {  	_ =	shalt  }
0x81: {  	_ =	shalt  }
0x82: {  	_ =	shalt  }
0x83: {  	_ =	shalt  }
0x84: {  	_ =	shalt  }
0x85: {  	_ =	shalt  }
0x86: {  	_ =	shalt  }
0x87: {  	_ =	shalt  }
.Lfunc_end0:
.L_simem_size_0:
called_computation_lowered:
.L_overlay_start_0:
0x88: {  	s2 =	sld [smem:$0x3FD9]  }
0x89: {  	s3 =	sld [smem:$0x3FFE];
	_ =	sdelay $0x1  }
0x8a: {  	s1 =	srdreg.scid  }
0x8b: {  	s0 =	sand.u32 $0x1, s1  }
0x8c: {  	s14 =	sshll.u32 s0, $0xA;
	s2 =	sadd.s32 s3, s2  }
0x8d: {  	s2 =	sadd.s32 s2, s14  }
0x8e: {  	[smem:$0x3FC3] =	sst s2  }
0x8f: {  	_ = 	snop  }
0x90: {  	s2 =	sld [smem:$0x3FD0];
	_ =	sdelay $0x2  }
0x91: {  	s4 =	simm.s32 $0xA;
	s5 =	simm.s32 $0x10;
	s15 =	sld [smem:$0x3FC6]  }
0x92: {  	[smem:s5], [sflag:s4] =	dma.local [hbm:s2], $0x1  }
0x93: {  	_ =	swait.eq [sflag:s4], $0x1  }
0x94: {  	[sflag:s4] =	ssyncset.done $0x0  }
0x95: {  	s16 =	sld [smem:$0x10];
	[sflag:s4] =	ssyncadd.s32 $0xFFFFFFFF  }
0x96: {  	s17 =	sld [smem:$0x11];
	(tm) =	ssettm $0x1  }
0x97: {  	s18 =	sld [smem:$0x3FFB];
	_ =	sdelay $0x3  }
0x98: {  	_ =	strace s18  }
0x99: {  	s5 =	sld [smem:$0x3FFC];
	_ =	sdelay $0x3  }
0x9a: {  	_ =	strace s5  }
0x9b: {  	s5 =	sld [smem:$0x3FFD];
	_ =	sdelay $0x3  }
0x9c: {  	_ =	strace s5  }
0x9d: {  	_ =	strace $0x8FFFFFFF  }
0x9e: {  	s19 =	sld [smem:$0x3FDB];
	_ =	sdelay $0x1  }
0x9f: {  	s6 =	simm.s32 $_scs_section_size  }
0xa0: {  	s7 =	simm.s32 $_size__tile_overlayer_lowered;
	s8 =	simm.s32 $_tile_overlayer_lowered  }
0xa1: {  	s22 =	simm.s32 $0x1BFF;
	s21 =	sshll.u32 s8, $0x1;
	s5 =	sadd.s32 s6, s19  }
0xa2: {  	s9 =	simm.s32 $0x0;
	s20 =	sshll.u32 s7, $0x1;
	s7 =	sadd.s32 s21, s5  }
0xa3: {  	[timem:s9], [sflag:s22] =	dma.local [hbm:s7], s20  }
0xa4: {  	_ =	swait.ge [sflag:s22], s20  }
0xa5: {  	s6 =	ssub.s32 $0x0, s20;
	[sflag:s22] =	ssyncset.done $0x0  }
0xa6: {  	[sflag:s22] =	ssyncadd.s32 s6;
	_ =	sdelay $0x1  }
0xa7: {  	s23 =	simm.s32 $0x1B8B  }
0xa8: {  	_ =	swait.ge [sflag:s23], $0x1  }
0xa9: {  	[sflag:s23] =	ssyncset.done $0x0  }
0xaa: {  	s25 =	simm.s32 $0x1B8E;
	s24 =	sld [smem:$0x3FFE];
	[sflag:s23] =	ssyncadd.s32 $0xFFFFFFFF  }
0xab: {  	s26 =	simm.s32 $execute0_lowered;
	[smem:$0x3FD2] =	sst s25  }
0xac: {  	s7 =	sshll.u32 s26, $0x1;
	_ =	strace $0x80000046;
	[dreg:$0x1] =	wrdreg $0xFFFFFFFF  }
0xad: {  	s28 =	simm.s32 $_size_execute0_lowered;
	s5 =	sadd.s32 s5, s7;
	[dreg:$0x0] =	wrdreg $0x0  }
0xae: {  	s7 =	sshll.u32 s28, $0x1;
	[dreg:$0x2] =	wrdreg s5  }
0xaf: {  	[dreg:$0x3] =	wrdreg s7  }
0xb0: {  	[dreg:$0x4] =	wrdreg $0xC0  }
0xb1: {  	_ =	task [dreg:s9], $0x5FFFF  }
0xb2: {  	[dreg:$0x1] =	wrdreg $0xFFFFFFFF  }
0xb3: {  	[dreg:$0x0] =	wrdreg $0x60  }
0xb4: {  	[dreg:$0x2] =	wrdreg s24  }
0xb5: {  	[dreg:$0x3] =	wrdreg s15  }
0xb6: {  	[dreg:$0x4] =	wrdreg s16  }
0xb7: {  	[dreg:$0x5] =	wrdreg s17  }
0xb8: {  	[dreg:$0x6] =	wrdreg $0x9  }
0xb9: {  	_ =	task.clear_ibuf [dreg:s9], $0x7FFFF;
	_ =	strace $0x90000046  }
0xba: {  	s29 =	simm.s32 $0x9;
	_ =	strace $0x80000048  }
0xbb: {  	_ =	swait.ge [sflag:s29], $0x1  }
0xbc: {  	[sflag:s29] =	ssyncadd.s32 $0xFFFFFFFF  }
0xbd: {  	_ =	strace $0x90000048  }
0xbe: {  	_ =	sfence  }
0xbf: {  	s30 =	sld [smem:$0x0];
	_ =	sdelay $0x2  }
0xc0: {  	s31 =	sshll.u32 s1, $0xD;
	s1 =	sshrl.u32 s1, $0x2  }
0xc1: {  	s3 =	sand.u32 $0x4000, s31;
	s1 =	sadd.s32 s1, s30  }
0xc2: {  	s0 =	sor.u32 s3, s0;
	s1 =	sshll.u32 s1, $0x11  }
0xc3: {  	s0 =	sor.u32 s1, s0  }
0xc4: {  	s0 =	sadd.s32 $0x8F2B, s0  }
0xc5: {  	[sflag:s0] =	ssyncadd.remote.s32 $0x1  }
0xc6: {  	_ =	sfence.sel $0xFFFF  }
0xc7: {  	[dreg:$0x0] =	wrdreg $0xFFFFFFFF;
	(pc) =	sbr.abs _section_cstart, $3  }
0xc8: {  	[dreg:$0x1] =	wrdreg $0xFFFFFFFF  }
0xc9: {  	_ =	task.clear_ibuf [dreg:s9], $0x2FFFF;
	_ =	strace $0x9FFFFFFF  }
0xca: {  	(tm) =	ssettm $0x7FFFFFFF  }
0xcb: {  	_ =	shalt  }
tec
execute0_lowered:
.L_overlay_start_1:
0x0: {  	(tag) =	ssettag $0x1  }
0x1: {  	v40 =	vlaneseq.u32  }
0x2: {  	v0 =	vadd.s32 $0x16, v40  }
0x3: {  	v33 =	vadd.s32 $0x17, v40;
	[tilespmem:$0x1FB60] =	vst v0  }
0x4: {  	v35 =	vadd.s32 $0x18, v40;
	[tilespmem:$0x1FB70] =	vst v33  }
0x5: {  	v37 =	vadd.s32 $0x19, v40;
	[tilespmem:$0x1FB80] =	vst v35  }
0x6: {  	v39 =	vadd.s32 $0x1A, v40;
	[tilespmem:$0x1FB90] =	vst v37  }
0x7: {  	v41 =	vadd.s32 $0x1B, v40;
	[tilespmem:$0x1FBA0] =	vst v39  }
0x8: {  	v42 =	vadd.s32 $0x1C, v40;
	[tilespmem:$0x1FBB0] =	vst v41  }
0x9: {  	v43 =	vadd.s32 $0x1D, v40;
	[tilespmem:$0x1FBC0] =	vst v42  }
0xa: {  	v44 =	vadd.s32 $0x1E, v40;
	[tilespmem:$0x1FBD0] =	vst v43  }
0xb: {  	v45 =	vadd.s32 $0x1F, v40;
	[tilespmem:$0x1FBE0] =	vst v44  }
0xc: {  	v46 =	vor.u32 $0x20, v40;
	[tilespmem:$0x1FBF0] =	vst v45  }
0xd: {  	v50 =	vimm.s32 $0x34333231;
	v1 =	vimm.s32 $0x38373635;
	v47 =	vadd.s32 $0x21, v40;
	[tilespmem:$0x1FC00] =	vst v46  }
0xe: {  	vm1 =	vcmask $0x1F10;
	v51 =	vimm.s32 $0x3C3B3A39;
	v48 =	vadd.s32 $0x22, v40;
	[tilespmem:$0x1FC10] =	vst v47  }
0xf: {  	v2 =	vimm.s32 $0x3F3E3D;
	v4 =	vimm.s32 $0x3D3C3B3A;
	v49 =	vadd.s32 $0x23, v40;
	[tilespmem:$0x1FC20] =	vst v48  }
0x10: {  	v3 =	vimm.s32 $0x35343332;
	v9 =	vunpack.c.0.s8.s32 v4;
	v4 =	vadd.s32 $0x24, v40;
	[tilespmem:$0x1FC30] =	vst v49  }
0x11: {  	v54 =	vimm.s32 $0x39383736;
	v6 =	vunpack.c.0.s8.s32 v1;
	[tilespmem:$0x1FC40] =	vst v4;
	v4 =	vadd.s32 $0x25, v40  }
0x12: {  	v7 =	vunpack.c.0.s8.s32 v51;
	v52 =	vunpack.c.0.s8.s32 v2;
	v0 =	vunpack.c.0.s8.s32 v50;
	[tilespmem:$0x1FC50] =	vst v4  }
0x13: {  	v5 =	vimm.s32 $0x1003F3E;
	v53 =	vunpack.c.0.s8.s32 v3;
	v8 =	vunpack.c.0.s8.s32 v54;
	[tilespmem:$0x1FC60] =	vst v6  }
0x14: {  	v55 =	vunpack.c.0.s8.s32 v5;
	[tilespmem:$0x1FC70] =	vst v7;
	v4 =	vsel vm1, v52, v7;
	v0 =	vsel vm1, v6, v0  }
0x15: {  	v57 =	vimm.s32 $0x36353433;
	v58 =	vimm.s32 $0x3A393837;
	[tilespmem:$0x1FC80] =	vst v8;
	v0 =	vcombine.low v0, v4  }
0x16: {  	v2 =	vsel vm1, v8, v53;
	[tilespmem:$0x1FC90] =	vst v9;
	v5 =	vsel vm1, v55, v9;
	v8 =	vunpack.c.0.s8.s32 v58  }
0x17: {  	v56 =	vcombine.low v2, v5;
	v6 =	vimm.s32 $0x3020100;
	[tilespmem:$0x1FCA0] =	vst v0;
	v0 =	vunpack.c.0.s8.s32 v57  }
0x18: {  	s4 =	rddreg [dreg:$0x0];
	v7 =	vimm.s32 $0x3B3A3938;
	v59 =	vunpack.c.0.s8.s32 v6;
	[tilespmem:$0x1FCC0] =	vst v8  }
0x19: {  	s5 =	rddreg [dreg:$0x1];
	v6 =	vimm.s32 $0x3F3E3D3C;
	[tilespmem:$0x1FCB0] =	vst v56;
	v0 =	vsel vm1, v8, v0;
	v8 =	vunpack.c.0.s8.s32 v7  }
0x1a: {  	s2 =	rddreg [dreg:$0x2];
	s1 =	simm.s32 $0x0;
	v21 =	vunpack.c.0.s8.s32 v6;
	[tilespmem:$0x1FCD0] =	vst v0  }
0x1b: {  	[smem:$0x7FF] =	sst s1;
	[tilespmem:$0x1FCE0] =	vst v8  }
0x1c: {  	s0 =	rddreg [dreg:$0x3];
	v53 =	vadd.s32 $0x27, v40;
	_ =	strace $0x80000047;
	[tilespmem:$0x1FD40] =	vst v21  }
0x1d: {  	v54 =	vadd.s32 $0x28, v40;
	[tilespmem:$0x1FDD0] =	vst v53  }
0x1e: {  	v6 =	vimm.s32 $0x37363534;
	v57 =	vadd.s32 $0x2A, v40;
	[tilespmem:$0x1FDE0] =	vst v54  }
0x1f: {  	v58 =	vadd.s32 $0x2B, v40;
	v60 =	vunpack.c.0.s8.s32 v6;
	[tilespmem:$0x1FE00] =	vst v57  }
0x20: {  	v2 =	vsel vm1, v59, v21;
	v59 =	vadd.s32 $0x2C, v40;
	[tilespmem:$0x1FE10] =	vst v58  }
0x21: {  	v61 =	vimm.s32 $0x5040302;
	v0 =	vsel vm1, v8, v60;
	v60 =	vadd.s32 $0x2D, v40;
	[tilespmem:$0x1FE20] =	vst v59  }
0x22: {  	v12 =	vmul.u32 $0x8, v40;
	v9 =	vunpack.c.0.s8.s32 v61;
	v61 =	vadd.s32 $0x2E, v40;
	[tilespmem:$0x1FE30] =	vst v60  }
0x23: {  	[tilespmem:$0x1FE40] =	vst v61  }
0x24: {  	v17 =	vor.u32 $0x10, v40;
	[tilespmem:$0x1FE70] =	vst v12  }
0x25: {  	v19 =	vadd.s32 $0xF, v40;
	[tilespmem:$0x1FE90] =	vst v17  }
0x26: {  	v22 =	vadd.s32 $0xE, v40;
	[tilespmem:$0x1FEA0] =	vst v19  }
0x27: {  	v14 =	vadd.s32 $0xC, v40;
	[tilespmem:$0x1FEB0] =	vst v22  }
0x28: {  	v18 =	vadd.s32 $0xD, v40;
	[tilespmem:$0x1FEC0] =	vst v14  }
0x29: {  	v23 =	vadd.s32 $0x11, v40;
	[tilespmem:$0x1FED0] =	vst v18  }
0x2a: {  	v24 =	vadd.s32 $0x12, v40;
	[tilespmem:$0x1FEE0] =	vst v23  }
0x2b: {  	v16 =	vadd.s32 $0xB, v40;
	[tilespmem:$0x1FEF0] =	vst v24  }
0x2c: {  	v15 =	vadd.s32 $0xA, v40;
	[tilespmem:$0x1FF00] =	vst v16  }
0x2d: {  	v25 =	vadd.s32 $0x9, v40;
	[tilespmem:$0x1FF10] =	vst v15  }
0x2e: {  	v13 =	vmul.u32 $0x80, v40;
	v20 =	vadd.s32 $0x8, v40;
	[tilespmem:$0x1FF20] =	vst v25  }
0x2f: {  	[tilespmem:$0x1FF30] =	vst v20  }
0x30: {  	v27 =	vadd.s32 $0x7, v40;
	[tilespmem:$0x1FF40] =	vst v13  }
0x31: {  	v10 =	vimm.s32 $0x98765432;
	v11 =	vimm.s32 $0x32107654;
	v26 =	vadd.s32 $0x13, v40;
	[tilespmem:$0x1FF50] =	vst v27  }
0x32: {  	vm2 =	vcmask $0x2F10;
	vm3 =	vcmask $0x3F30;
	v28 =	vadd.s32 $0x6, v40;
	[tilespmem:$0x1FF60] =	vst v26  }
0x33: {  	v38 =	vadd.s32 $0x1, v40;
	v36 =	vadd.s32 $0x2, v40;
	v29 =	vadd.s32 $0x14, v40;
	[tilespmem:$0x1FF70] =	vst v28  }
0x34: {  	s3 =	srdreg.scid;
	s6 =	stileid.u32;
	s28 =	simm.s32 $0xD400;
	v34 =	vadd.s32 $0x3, v40;
	v32 =	vadd.s32 $0x4, v40;
	v30 =	vadd.s32 $0x5, v40;
	[tilespmem:$0x1FF80] =	vst v29  }
0x35: {  	s30 =	simm.s32 $0x15400;
	s31 =	simm.s32 $0x9400;
	v31 =	vadd.s32 $0x15, v40;
	s3 =	sand.u32 $0x1, s3;
	v10 =	vunpack.c.l.s4.s8 v10;
	v7 =	vimm.s32 $0x4030201;
	[tilespmem:$0x1FF90] =	vst v30  }
0x36: {  	s6 =	sshll.u32 s6, $0xA;
	v63 =	vunpack.c.l.s4.s8 v11;
	s7 =	sshll.u32 s3, $0x9;
	v7 =	vunpack.c.0.s8.s32 v7;
	v8 =	vimm.s32 $0x87654321;
	[tilespmem:$0x1FFA0] =	vst v31  }
0x37: {  	v35 =	vimm.s32 $0xB0A0908;
	v42 =	vimm.s32 $0xD0C0B0A;
	s6 =	sor.u32 s7, s6;
	v8 =	vunpack.c.l.s4.s8 v8;
	[tilespmem:$0x1FFB0] =	vst v32  }
0x38: {  	s29 =	simm.s32 $0x19400;
	s24 =	sadd.s32 $0x1000, s4;
	v44 =	vimm.s32 $0xA9876543;
	s9 =	sadd.s32 s6, s4;
	v0 =	vcombine.low v0, v2;
	v7 =	vsel vm1, v7, v52;
	[tilespmem:$0x1FFC0] =	vst v34  }
0x39: {  	v46 =	vunpack.c.l.s4.s8 v44;
	s6 =	sshrl.u32 s6, $0x3;
	s9 =	sadd.s32 $0xF43400, s9;
	v6 =	vimm.s32 $0x201003F;
	[tilespmem:$0x1FD00] =	vst v7;
	v62 =	vunpack.c.0.s8.s32 v8  }
0x3a: {  	s8 =	ssub.s32 $0x2, s3;
	s25 =	sadd.s32 s5, s6;
	v2 =	vunpack.c.0.s8.s32 v63;
	[dreg:$0x5] =	wrdreg s9;
	v63 =	vor.u32 $0x30, v40;
	v7 =	vsel vm1, v9, v55;
	[tilespmem:$0x1FCF0] =	vst v0  }
0x3b: {  	s26 =	sor.u32 $0x800, s6;
	s14 =	sadd.s32 s24, s6;
	[dreg:$0x6] =	wrdreg s25;
	[tilespmem:$0x1FD10] =	vst v7;
	v7 =	vunpack.c.0.s8.s32 v10;
	v8 =	vimm.s32 $0x6050403;
	v0 =	vand.u32 $0xF, v62  }
0x3c: {  	s3 =	sadd.s32 $0xF4B400, s4;
	s15 =	sadd.s32 s5, s26;
	[dreg:$0x7] =	wrdreg s14;
	[tilespmem:$0x1FFD0] =	vst v36;
	v2 =	vand.u32 $0xF, v2;
	v0 =	vcombine.low v4, v0;
	v4 =	vimm.s32 $0x43218765  }
0x3d: {  	s16 =	sor.u32 $0x1000, s6;
	s11 =	sadd.s32 s24, s26;
	[dreg:$0x8] =	wrdreg s15;
	[tilespmem:$0x1FFE0] =	vst v38;
	v33 =	vsel vm2, v2, v21;
	v11 =	vand.u32 $0xF, v7;
	v4 =	vunpack.c.l.s4.s8 v4  }
0x3e: {  	s10 =	sshrl.u32 s8, $0x1;
	s17 =	sadd.s32 s5, s16;
	[dreg:$0x9] =	wrdreg s11;
	v2 =	vunpack.c.0.s8.s32 v35;
	[tilespmem:$0x1FD20] =	vst v0;
	v0 =	vcombine.low v5, v11;
	v5 =	vimm.s32 $0x54329876  }
0x3f: {  	s18 =	sor.u32 $0x1800, s6;
	s12 =	sadd.s32 s24, s16;
	[dreg:$0xa] =	wrdreg s17;
	[tilespmem:$0x1FE60] =	vst v63;
	v47 =	vunpack.c.0.s8.s32 v8;
	v4 =	vunpack.c.0.s8.s32 v4;
	v5 =	vunpack.c.l.s4.s8 v5  }
0x40: {  	s7 =	simm.s32 $0x5;
	s19 =	sadd.s32 s5, s18;
	[dreg:$0xb] =	wrdreg s12;
	v7 =	vimm.s32 $0xC0B0A09;
	v62 =	vadd.s32 $0x2F, v40;
	[tilespmem:$0x1FD30] =	vst v0;
	v0 =	vsel vm3, v2, v33  }
0x41: {  	s20 =	sor.u32 $0x2000, s6;
	s13 =	sadd.s32 s24, s18;
	[dreg:$0xc] =	wrdreg s19;
	[tilespmem:$0x1FE50] =	vst v62;
	v37 =	vand.u32 $0xF, v4;
	v41 =	vunpack.c.0.s8.s32 v5;
	v5 =	vunpack.c.0.s8.s32 v6  }
0x42: {  	s4 =	sadd.s32 $0xF47400, s4;
	s5 =	sadd.s32 s5, s20;
	[dreg:$0xd] =	wrdreg s13;
	v39 =	vunpack.c.0.s8.s32 v7;
	[tilespmem:$0x1FD50] =	vst v0;
	v4 =	vimm.s32 $0x6543A987;
	v0 =	vsel vm2, v37, v52  }
0x43: {  	s8 =	ssub.s32 s8, s10;
	s21 =	sadd.s32 s24, s20;
	[dreg:$0xe] =	wrdreg s5;
	v43 =	vunpack.c.l.s4.s8 v4;
	v4 =	vimm.s32 $0x76543210;
	v52 =	vadd.s32 $0x26, v40;
	[tilespmem:$0x1FD80] =	vst v5  }
0x44: {  	s10 =	simm.s32 $0x0;
	s2 =	sadd.s32 s2, s6;
	[dreg:$0xf] =	wrdreg s21;
	v0 =	vsel vm3, v39, v0;
	v1 =	vand.u32 $0xF, v41;
	v4 =	vunpack.c.l.s4.s8 v4;
	[tilespmem:$0x1FDC0] =	vst v52  }
0x45: {  	s22 =	sadd.s32 s0, s6;
	s6 =	simm.s32 $0x3;
	[dreg:$0x10] =	wrdreg s2;
	v49 =	vsel vm1, v47, v5;
	[tilespmem:$0x1FD60] =	vst v0;
	v0 =	vunpack.c.0.s8.s32 v42;
	v1 =	vsel vm2, v1, v55  }
0x46: {  	s23 =	sadd.s32 s0, s26;
	s24 =	sadd.s32 s0, s16;
	[dreg:$0x11] =	wrdreg s22;
	v2 =	vunpack.c.0.s8.s32 v43;
	[tilespmem:$0x1FD90] =	vst v49;
	v55 =	vadd.s32 $0x29, v40;
	v50 =	vunpack.c.0.s8.s32 v4  }
0x47: {  	v45 =	vimm.s32 $0xE0D0C0B;
	s26 =	smax.u32 s8, $0x1;
	s8 =	simm.s32 $0x2;
	[dreg:$0x12] =	wrdreg s23;
	[tilespmem:$0x1FDF0] =	vst v55;
	v7 =	vsel vm3, v0, v1;
	v1 =	vunpack.c.0.s8.s32 v46  }
0x48: {  	[dreg:$0x13] =	wrdreg s24;
	s25 =	sadd.s32 s0, s18;
	s0 =	sadd.s32 s0, s20;
	v2 =	vand.u32 $0xF, v2;
	v0 =	vunpack.c.0.s8.s32 v45;
	[tilespmem:$0x1FDA0] =	vst v50  }
0x49: {  	v48 =	vimm.s32 $0x3E3D3C3B;
	[dreg:$0x16] =	wrdreg s26;
	s23 =	simm.s32 $0x7;
	s2 =	simm.s32 $0x80;
	v2 =	vsel vm2, v2, v5;
	[tilespmem:$0x1FE80] =	vst v7;
	v51 =	vand.u32 $0xF, v1  }
0x4a: {  	s19 =	simm.s32 $0x2400;
	s20 =	simm.s32 $0x3000;
	s5 =	simm.s32 $0x1;
	v56 =	vsel vm3, v0, v2;
	v0 =	vunpack.c.0.s8.s32 v48;
	[tilespmem:$0x1FDB0] =	vst v51  }
0x4b: {  	s24 =	simm.s32 $0x4;
	s9 =	simm.s32 $0x6;
	[dreg:$0x14] =	wrdreg s25;
	[tilespmem:$0x1FFF0] =	vst v56  }
0x4c: {  	vm0 =	vmxor vm0, vm0;
	[dreg:$0x15] =	wrdreg s0;
	s25 =	simm.s32 $0x5400;
	s0 =	simm.s32 $0x11400;
	[tilespmem:$0x1FD70] =	vst v0  }
.LBB2_1:
0x4d: {  	s11 =	rddreg [dreg:$0x5]  }
0x4e: {  	[tilespmem:s1], [sflag:$0x7] =	stream.linear.gather [hbm4b:s11+s1], $0x1000, $0x38;
	[tilespmem:$0x1D400] =	vst v63  }
0x4f: {  	_ =	swait.ge [sflag:s23], $0x1000  }
0x50: {  	[sflag:s23] =	ssyncset.done $0x0  }
0x51: {  	s15 =	simm.s32 $0x1000;
	s12 =	rddreg [dreg:$0x6];
	[sflag:s23] =	ssyncadd.s32 $0xFFFFF000  }
0x52: {  	[tilespmem:s15], [sflag:$0x7] =	stream.linear.gather [hbm4b:s12+s1], $0x200, $0x38;
	[tilespmem:$0x1D400] =	vst v63  }
0x53: {  	_ =	swait.ge [sflag:s23], $0x200  }
0x54: {  	[sflag:s23] =	ssyncset.done $0x0  }
0x55: {  	s11 =	simm.s32 $0x1A00;
	s16 =	rddreg [dreg:$0x7];
	[sflag:s23] =	ssyncadd.s32 $0xFFFFFE00  }
0x56: {  	[tilespmem:s11], [sflag:$0x7] =	stream.linear.gather [hbm4b:s16+s1], $0x200, $0x38;
	[tilespmem:$0x1D400] =	vst v63  }
0x57: {  	_ =	swait.ge [sflag:s23], $0x200  }
0x58: {  	[sflag:s23] =	ssyncset.done $0x0  }
0x59: {  	s13 =	simm.s32 $0x1200;
	s17 =	rddreg [dreg:$0x8];
	[sflag:s23] =	ssyncadd.s32 $0xFFFFFE00  }
0x5a: {  	[tilespmem:s13], [sflag:$0x7] =	stream.linear.gather [hbm4b:s17+s1], $0x200, $0x38;
	[tilespmem:$0x1D400] =	vst v63  }
0x5b: {  	_ =	swait.ge [sflag:s23], $0x200  }
0x5c: {  	[sflag:s23] =	ssyncset.done $0x0  }
0x5d: {  	s21 =	simm.s32 $0x1C00;
	s18 =	rddreg [dreg:$0x9];
	[sflag:s23] =	ssyncadd.s32 $0xFFFFFE00  }
0x5e: {  	[tilespmem:s21], [sflag:$0x7] =	stream.linear.gather [hbm4b:s18+s1], $0x200, $0x38;
	[tilespmem:$0x1D400] =	vst v63  }
0x5f: {  	_ =	swait.ge [sflag:s23], $0x200  }
0x60: {  	[sflag:s23] =	ssyncset.done $0x0  }
0x61: {  	s26 =	simm.s32 $0x1400;
	s22 =	rddreg [dreg:$0xa];
	[sflag:s23] =	ssyncadd.s32 $0xFFFFFE00  }
0x62: {  	[tilespmem:s26], [sflag:$0x7] =	stream.linear.gather [hbm4b:s22+s1], $0x200, $0x38;
	[tilespmem:$0x1D400] =	vst v63  }
0x63: {  	_ =	swait.ge [sflag:s23], $0x200  }
0x64: {  	[sflag:s23] =	ssyncset.done $0x0  }
0x65: {  	s15 =	simm.s32 $0x1E00;
	s14 =	rddreg [dreg:$0xb];
	[sflag:s23] =	ssyncadd.s32 $0xFFFFFE00  }
0x66: {  	[tilespmem:s15], [sflag:$0x7] =	stream.linear.gather [hbm4b:s14+s1], $0x200, $0x38;
	[tilespmem:$0x1D400] =	vst v63  }
0x67: {  	_ =	swait.ge [sflag:s23], $0x200  }
0x68: {  	[sflag:s23] =	ssyncset.done $0x0  }
0x69: {  	s17 =	simm.s32 $0x1600;
	s16 =	rddreg [dreg:$0xc];
	[sflag:s23] =	ssyncadd.s32 $0xFFFFFE00  }
0x6a: {  	[tilespmem:s17], [sflag:$0x7] =	stream.linear.gather [hbm4b:s16+s1], $0x200, $0x38;
	[tilespmem:$0x1D400] =	vst v63  }
0x6b: {  	_ =	swait.ge [sflag:s23], $0x200  }
0x6c: {  	[sflag:s23] =	ssyncset.done $0x0  }
0x6d: {  	s21 =	simm.s32 $0x2000;
	s18 =	rddreg [dreg:$0xd];
	[sflag:s23] =	ssyncadd.s32 $0xFFFFFE00  }
0x6e: {  	[tilespmem:s21], [sflag:$0x7] =	stream.linear.gather [hbm4b:s18+s1], $0x200, $0x38;
	[tilespmem:$0x1D400] =	vst v63  }
0x6f: {  	_ =	swait.ge [sflag:s23], $0x200  }
0x70: {  	[sflag:s23] =	ssyncset.done $0x0  }
0x71: {  	s26 =	simm.s32 $0x1800;
	s22 =	rddreg [dreg:$0xe];
	[sflag:s23] =	ssyncadd.s32 $0xFFFFFE00  }
0x72: {  	[tilespmem:s26], [sflag:$0x7] =	stream.linear.gather [hbm4b:s22+s1], $0x200, $0x38;
	[tilespmem:$0x1D400] =	vst v63  }
0x73: {  	s15 =	simm.s32 $0x2200;
	_ =	swait.ge [sflag:s23], $0x200  }
0x74: {  	s16 =	simm.s32 $0x0;
	s17 =	smin.u32 s1, $0x200;
	[sflag:s23] =	ssyncset.done $0x0  }
0x75: {  	v0 =	vmov s16;
	s18 =	sshll.u32 s17, $0x2;
	s14 =	rddreg [dreg:$0xf];
	[sflag:s23] =	ssyncadd.s32 $0xFFFFFE00  }
0x76: {  	v0 =	vshll.u32 v0, $0x3;
	[tilespmem:s15], [sflag:$0x7] =	stream.linear.gather [hbm4b:s14+s1], $0x200, $0x38;
	[tilespmem:$0x1D400] =	vst v63  }
0x77: {  	v0 =	vor.u32 v12, v0;
	s12 =	ssub.s32 $0x0, s18;
	_ =	swait.ge [sflag:s23], $0x200  }
0x78: {  	v1 =	vor.u32 $0x2, v0;
	s12 =	sshra.s32 s12, $0x2;
	[sflag:s23] =	ssyncset.done $0x0  }
0x79: {  	v2 =	vor.u32 $0x1, v0;
	s21 =	sadd.s32 $0x1A00, s12;
	[sflag:s23] =	ssyncadd.s32 $0xFFFFFE00  }
0x7a: {  	s12 =	sadd.s32 $0x1000, s12;
	v3 =	vld [tilespmem:s21+$0x0]  }
0x7b: {  	v4 =	vld [tilespmem:s12+$0x0]  }
0x7c: {  	v0 =	vld.idx.msk [tilespmem:v0+s1+$0x0], $0xffff  }
0x7d: {  	p0 =	por $0x0, $0x0;
	v5 =	vld.idx.msk [tilespmem:v1+s1+$0x0], $0xffff  }
0x7e: {  	vm2 =	vmmov vm0;
	p0 =	por p0, p0;
	v6 =	vld.idx.msk [tilespmem:v2+s1+$0x0], $0xffff  }
0x7f: {  	p6 =	por $0x0, $0x0;
	vm2 =	vmneg @p0 vm2;
	s13 =	simm.s32 $0x10;
	s22 =	simm.s32 $0x10;
	vm3 =	vne.s32 v3, $0x0  }
0x80: {  	p0 =	por p6, p6;
	s14 =	smin.u32 s13, $0x200;
	v1 =	vmov s22;
	vm4 =	vmand vm2, vm3  }
0x81: {  	s16 =	simm.s32 $0x1010;
	s18 =	simm.s32 $0x2;
	s26 =	sshll.u32 s14, $0x2;
	v1 =	vshll.u32 v1, $0x3;
	vm2 =	vmneg vm2;
	v2 =	vsel vm4, v4, v0  }
0x82: {  	s14 =	simm.s32 $0x3010;
	s15 =	ssub.s32 $0x0, s26;
	s26 =	simm.s32 $0x3C00;
	v0 =	vor.u32 v12, v1;
	vm2 =	vmor vm3, vm2;
	[tilespmem:s19+$0x0] =	vst v2  }
0x83: {  	s17 =	sshra.s32 s15, $0x2;
	s15 =	simm.s32 $0x2410;
	s12 =	simm.s32 $0x3C10;
	v1 =	vor.u32 $0x1, v0;
	v2 =	vor.u32 $0x2, v0;
	v3 =	vsel vm2, v5, v4;
	[tilespmem:s20+$0x0] =	vst v6  }
.LBB2_2:
0x84: {  	s19 =	sadd.s32 s17, s16;
	s11 =	sadd.s32 $0x10, s11;
	s20 =	smov.u32 s18  }
0x85: {  	[tilespmem:s26+$0x0] =	vst v3;
	s21 =	sadd.s32 $0x1, s18;
	s22 =	smov.u32 s14;
	s26 =	smov.u32 s12  }
0x86: {  	p1 =	sne.s32 s18, $0xBF;
	s17 =	sadd.s32 s17, s11;
	v3 =	vld [tilespmem:s19+$0x0]  }
0x87: {  	v4 =	vld [tilespmem:s17+$0x0]  }
0x88: {  	v0 =	vld.idx.msk [tilespmem:v0+s1+$0x0], $0xffff  }
0x89: {  	v5 =	vld.idx.msk [tilespmem:v2+s1+$0x0], $0xffff  }
0x8a: {  	s17 =	sshrl.u32 s20, $0x5;
	v6 =	vld.idx.msk [tilespmem:v1+s1+$0x0], $0xffff  }
0x8b: {  	s13 =	sadd.s32 $0x10, s13;
	vm3 =	vmmov vm0;
	s18 =	sshll.u32 s17, $0x9;
	p2 =	sgt.s32 s17, $0x0  }
.Ltmp0:
0x8c: {  	vm3 =	vmneg @p0 vm3;
	s17 =	ssub.s32 s13, s18;
	p0 =	por p2, p2;
	vm2 =	vne.s32 v4, $0x0;
	(pc) =	sbr.rel @p1 .LBB2_2-.Ltmp0, $4  }
0x8d: {  	s18 =	smin.u32 s13, $0x200;
	v1 =	vmov s17;
	vm4 =	vmand vm3, vm2  }
0x8e: {  	s14 =	sadd.s32 $0x10, s14;
	s17 =	sshll.u32 s18, $0x2;
	v1 =	vshll.u32 v1, $0x3;
	vm3 =	vmneg vm3;
	v2 =	vsel vm4, v3, v0  }
0x8f: {  	s12 =	sadd.s32 $0x10, s12;
	s16 =	sadd.s32 $0x10, s16;
	s17 =	ssub.s32 $0x0, s17;
	v0 =	vor.u32 v12, v1;
	vm2 =	vmor vm2, vm3;
	[tilespmem:s15+$0x0] =	vst v2  }
0x90: {  	s18 =	smov.u32 s21;
	s17 =	sshra.s32 s17, $0x2;
	v1 =	vor.u32 $0x1, v0;
	v2 =	vor.u32 $0x2, v0;
	v3 =	vsel vm2, v5, v3;
	s15 =	sadd.s32 $0x10, s15;
	[tilespmem:s22+$0x0] =	vst v6  }
0x91: {  	s11 =	sadd.s32 $0x10, s11  }
0x92: {  	[tilespmem:s26+$0x0] =	vst v3;
	s11 =	sadd.s32 s17, s11  }
0x93: {  	s13 =	sadd.s32 s17, s16;
	v3 =	vld [tilespmem:s11+$0x0]  }
0x94: {  	v4 =	vld [tilespmem:s13+$0x0]  }
0x95: {  	v0 =	vld.idx.msk [tilespmem:v0+s1+$0x0], $0xffff  }
0x96: {  	v2 =	vld.idx.msk [tilespmem:v2+s1+$0x0], $0xffff  }
0x97: {  	vm2 =	vmmov vm0;
	v1 =	vld.idx.msk [tilespmem:v1+s1+$0x0], $0xffff  }
0x98: {  	vm2 =	vmneg @p0 vm2;
	vm3 =	vne.s32 v3, $0x0  }
0x99: {  	vm4 =	vmand vm2, vm3  }
0x9a: {  	vm2 =	vmneg vm2;
	v0 =	vsel vm4, v4, v0  }
0x9b: {  	vm2 =	vmor vm3, vm2;
	[tilespmem:s15+$0x0] =	vst v0  }
0x9c: {  	v63 =	vsel vm2, v2, v4;
	[tilespmem:s14+$0x0] =	vst v1  }
0x9d: {  	s19 =	simm.s32 $0x2400;
	[tilespmem:s12+$0x0] =	vst v63  }
0x9e: {  	[tilespmem:s25], [sflag:$0x1] =	stream.indirect.gather [hbm4b:s3+s2], $0x80, s19, s2, $0xb8;
	[tilespmem:$0x1D400] =	vst v63  }
0x9f: {  	s20 =	simm.s32 $0x3000  }
0xa0: {  	[tilespmem:s28], [sflag:$0x3] =	stream.indirect.gather [hbm4b:s4+s2], $0x80, s20, s2, $0xb8;
	[tilespmem:$0x1D400] =	vst v63  }
0xa1: {  	s26 =	simm.s32 $0x3C00;
	s13 =	simm.s32 $0x0  }
0xa2: {  	[tilespmem:s30], [sflag:$0x5] =	stream.indirect.gather [hbm4b:s3+s2], $0x80, s26, s2, $0xb8;
	[tilespmem:$0x1D400] =	vst v63  }
0xa3: {  	s15 =	simm.s32 $0x4800;
	s12 =	simm.s32 $0x4880;
	s26 =	simm.s32 $0x0  }
.LBB2_4:
0xa4: {  	s14 =	sshll.u32 s13, $0x8  }
0xa5: {  	s11 =	sadd.s32 $0x2480, s14  }
0xa6: {  	[tilespmem:s31], [sflag:$0x2] =	stream.indirect.gather [hbm4b:s3+s2], $0x80, s11, s2, $0xb8;
	[tilespmem:$0x1D400] =	vst v63  }
0xa7: {  	s18 =	sadd.s32 $0x3080, s14  }
0xa8: {  	[tilespmem:s0], [sflag:$0x4] =	stream.indirect.gather [hbm4b:s4+s2], $0x80, s18, s2, $0xb8;
	[tilespmem:$0x1D400] =	vst v63  }
0xa9: {  	s21 =	sadd.s32 $0x3C80, s14  }
0xaa: {  	[tilespmem:s29], [sflag:$0x6] =	stream.indirect.gather [hbm4b:s3+s2], $0x80, s21, s2, $0xb8;
	[tilespmem:$0x1D400] =	vst v63  }
0xab: {  	_ =	swait.ge [sflag:s5], $0x4000  }
0xac: {  	v0 =	vmov s26;
	[sflag:s5] =	ssyncset.done $0x0  }
0xad: {  	v0 =	vshll.u32 v0, $0x7;
	[sflag:s5] =	ssyncadd.s32 $0xFFFFC000  }
0xae: {  	v2 =	vor.u32 v13, v0;
	_ =	swait.ge [sflag:s6], $0x4000  }
0xaf: {  	v0 =	vor.u32 v7, v2;
	[sflag:s6] =	ssyncset.done $0x0  }
0xb0: {  	v5 =	vor.u32 v26, v2;
	[tilespmem:$0x1F670] =	vst v0;
	[sflag:s6] =	ssyncadd.s32 $0xFFFFC000  }
0xb1: {  	v6 =	vor.u32 v24, v2;
	_ =	swait.ge [sflag:s7], $0x4000  }
0xb2: {  	v7 =	vor.u32 v23, v2;
	[sflag:s7] =	ssyncset.done $0x0  }
0xb3: {  	v8 =	vor.u32 v17, v2;
	v11 =	vor.u32 v18, v2;
	v18 =	vld [tilespmem:$0x1FD60];
	[sflag:s7] =	ssyncadd.s32 $0xFFFFC000  }
0xb4: {  	v9 =	vor.u32 v19, v2;
	v0 =	vld.idx.msk [tilespmem:v0+s30+$0x0], $0xffff  }
0xb5: {  	v10 =	vor.u32 v22, v2;
	v21 =	vld.idx.msk [tilespmem:v5+s30+$0x0], $0xffff  }
0xb6: {  	v22 =	vld.idx.msk [tilespmem:v6+s30+$0x0], $0xffff  }
0xb7: {  	v14 =	vor.u32 v14, v2;
	v19 =	vld.idx.msk [tilespmem:v7+s30+$0x0], $0xffff  }
0xb8: {  	v16 =	vor.u32 v16, v2;
	v23 =	vld.idx.msk [tilespmem:v8+s30+$0x0], $0xffff  }
0xb9: {  	v24 =	vor.u32 v15, v2;
	v17 =	vld.idx.msk [tilespmem:v9+s30+$0x0], $0xffff  }
0xba: {  	v30 =	vor.u32 v30, v2;
	v15 =	vld.idx.msk [tilespmem:v10+s30+$0x0], $0xffff  }
0xbb: {  	v26 =	vor.u32 v20, v2;
	v32 =	vor.u32 v32, v2;
	v20 =	vld.idx.msk [tilespmem:v11+s30+$0x0], $0xffff  }
0xbc: {  	v34 =	vor.u32 v34, v2;
	v12 =	vld.idx.msk [tilespmem:v14+s30+$0x0], $0xffff  }
0xbd: {  	v4 =	vor.u32 v29, v2;
	v36 =	vor.u32 v36, v2;
	v29 =	vld.idx.msk [tilespmem:v16+s30+$0x0], $0xffff  }
0xbe: {  	v3 =	vor.u32 v31, v2;
	v38 =	vor.u32 v38, v2;
	v31 =	vld.idx.msk [tilespmem:v24+s30+$0x0], $0xffff  }
0xbf: {  	v40 =	vor.u32 v40, v2;
	v41 =	vld.idx.msk [tilespmem:v30+s30+$0x0], $0xffff  }
0xc0: {  	v42 =	vld.idx.msk [tilespmem:v32+s30+$0x0], $0xffff  }
0xc1: {  	v43 =	vld.idx.msk [tilespmem:v34+s30+$0x0], $0xffff  }
0xc2: {  	v44 =	vld.idx.msk [tilespmem:v36+s30+$0x0], $0xffff  }
0xc3: {  	v45 =	vld.idx.msk [tilespmem:v38+s30+$0x0], $0xffff  }
0xc4: {  	v46 =	vld.idx.msk [tilespmem:v40+s30+$0x0], $0xffff  }
0xc5: {  	v47 =	vld.idx.msk [tilespmem:v40+s28+$0x0], $0xffff  }
0xc6: {  	v40 =	vld.idx.msk [tilespmem:v40+s25+$0x0], $0xffff  }
0xc7: {  	v48 =	vld.idx.msk [tilespmem:v38+s25+$0x0], $0xffff  }
0xc8: {  	v38 =	vld.idx.msk [tilespmem:v38+s28+$0x0], $0xffff  }
0xc9: {  	v49 =	vld.idx.msk [tilespmem:v36+s25+$0x0], $0xffff  }
0xca: {  	[tilespmem:$0x1F6C0] =	vst v0;
	v0 =	vld.idx.msk [tilespmem:v3+s30+$0x0], $0xffff  }
0xcb: {  	v36 =	vld.idx.msk [tilespmem:v36+s28+$0x0], $0xffff  }
0xcc: {  	v50 =	vld.idx.msk [tilespmem:v34+s25+$0x0], $0xffff  }
0xcd: {  	v34 =	vld.idx.msk [tilespmem:v34+s28+$0x0], $0xffff  }
0xce: {  	v62 =	vld.idx.msk [tilespmem:v11+s25+$0x0], $0xffff  }
0xcf: {  	[tilespmem:$0x1F5C0] =	vst v0;
	v0 =	vld.idx.msk [tilespmem:v4+s30+$0x0], $0xffff  }
0xd0: {  	v63 =	vld.idx.msk [tilespmem:v11+s28+$0x0], $0xffff  }
0xd1: {  	v11 =	vmul.f32 v47, v40;
	v40 =	vld.idx.msk [tilespmem:v7+s25+$0x0], $0xffff  }
0xd2: {  	v47 =	vld.idx.msk [tilespmem:v7+s28+$0x0], $0xffff  }
0xd3: {  	v7 =	vmul.f32 v46, v11;
	v11 =	vmul.f32 v38, v48;
	v38 =	vld.idx.msk [tilespmem:v6+s25+$0x0], $0xffff  }
0xd4: {  	[tilespmem:$0x1F5B0] =	vst v0;
	v0 =	vld [tilespmem:$0x1FB60]  }
0xd5: {  	v46 =	vld.idx.msk [tilespmem:v6+s28+$0x0], $0xffff  }
0xd6: {  	v48 =	vld.idx.msk [tilespmem:v5+s28+$0x0], $0xffff;
	v6 =	vadd.f32 $0.0e+00, v7;
	v7 =	vmul.f32 v45, v11  }
0xd7: {  	v45 =	vld.idx.msk [tilespmem:v5+s25+$0x0], $0xffff  }
0xd8: {  	v5 =	vadd.f32 v7, v6;
	v6 =	vld [tilespmem:$0x1FD80]  }
0xd9: {  	v11 =	vor.u32 v0, v2;
	v0 =	vld [tilespmem:$0x1FD70]  }
0xda: {  	v51 =	vld.idx.msk [tilespmem:v32+s25+$0x0], $0xffff  }
0xdb: {  	v32 =	vld.idx.msk [tilespmem:v32+s28+$0x0], $0xffff  }
0xdc: {  	v52 =	vld.idx.msk [tilespmem:v30+s25+$0x0], $0xffff;
	v36 =	vmul.f32 v36, v49  }
0xdd: {  	v58 =	vld.idx.msk [tilespmem:v24+s25+$0x0], $0xffff;
	v7 =	vmul.f32 v34, v50  }
0xde: {  	v25 =	vor.u32 v25, v2;
	v59 =	vld.idx.msk [tilespmem:v24+s28+$0x0], $0xffff;
	v24 =	vsel vm1, v6, v0;
	v6 =	vmul.f32 v44, v36  }
0xdf: {  	v7 =	vmul.f32 v43, v7;
	v43 =	vld.idx.msk [tilespmem:v3+s28+$0x0], $0xffff  }
0xe0: {  	v27 =	vor.u32 v27, v2;
	v44 =	vld.idx.msk [tilespmem:v3+s25+$0x0], $0xffff;
	v3 =	vmul.f32 v32, v51;
	v5 =	vadd.f32 v6, v5  }
0xe1: {  	v30 =	vld.idx.msk [tilespmem:v30+s28+$0x0], $0xffff  }
0xe2: {  	v34 =	vor.u32 v18, v2;
	v5 =	vadd.f32 v7, v5;
	v7 =	vmul.f32 v42, v3;
	v3 =	vld [tilespmem:$0x1FBA0]  }
0xe3: {  	v28 =	vor.u32 v28, v2;
	v33 =	vld.idx.msk [tilespmem:v25+s30+$0x0], $0xffff  }
0xe4: {  	v35 =	vld.idx.msk [tilespmem:v26+s30+$0x0], $0xffff  }
0xe5: {  	v37 =	vld.idx.msk [tilespmem:v27+s30+$0x0], $0xffff  }
0xe6: {  	v6 =	vld [tilespmem:$0x1FD50]  }
0xe7: {  	v30 =	vmul.f32 v30, v52;
	v52 =	vor.u32 v3, v2;
	v3 =	vld.idx.msk [tilespmem:v34+s30+$0x0], $0xffff  }
0xe8: {  	v39 =	vld.idx.msk [tilespmem:v28+s30+$0x0], $0xffff  }
0xe9: {  	v53 =	vld.idx.msk [tilespmem:v28+s25+$0x0], $0xffff  }
0xea: {  	v49 =	vld.idx.msk [tilespmem:v4+s25+$0x0], $0xffff  }
0xeb: {  	v36 =	vld.idx.msk [tilespmem:v4+s28+$0x0], $0xffff  }
0xec: {  	v6 =	vor.u32 v6, v2;
	[tilespmem:$0x1F6B0] =	vst v3;
	v3 =	vld [tilespmem:$0x1FB90]  }
0xed: {  	v4 =	vld [tilespmem:$0x1FDB0]  }
0xee: {  	v50 =	vld.idx.msk [tilespmem:v11+s30+$0x0], $0xffff  }
0xef: {  	v51 =	vld.idx.msk [tilespmem:v11+s25+$0x0], $0xffff  }
0xf0: {  	v42 =	vld.idx.msk [tilespmem:v11+s28+$0x0], $0xffff  }
0xf1: {  	v11 =	vor.u32 v3, v2;
	v3 =	vld.idx.msk [tilespmem:v6+s30+$0x0], $0xffff  }
0xf2: {  	v28 =	vld.idx.msk [tilespmem:v28+s28+$0x0], $0xffff  }
0xf3: {  	v54 =	vld.idx.msk [tilespmem:v27+s25+$0x0], $0xffff;
	v4 =	vcombine.low v24, v4  }
0xf4: {  	v27 =	vld.idx.msk [tilespmem:v27+s28+$0x0], $0xffff  }
0xf5: {  	[tilespmem:$0x1F6D0] =	vst v4;
	v32 =	vor.u32 v4, v2;
	v4 =	vld [tilespmem:$0x1FD30]  }
0xf6: {  	[tilespmem:$0x1F6A0] =	vst v3;
	v3 =	vld [tilespmem:$0x1FB70]  }
0xf7: {  	v55 =	vld.idx.msk [tilespmem:v26+s25+$0x0], $0xffff  }
0xf8: {  	v56 =	vld.idx.msk [tilespmem:v26+s28+$0x0], $0xffff  }
0xf9: {  	v57 =	vld.idx.msk [tilespmem:v25+s25+$0x0], $0xffff  }
0xfa: {  	v25 =	vld.idx.msk [tilespmem:v25+s28+$0x0], $0xffff  }
0xfb: {  	v5 =	vadd.f32 v7, v5;
	v4 =	vor.u32 v4, v2;
	v7 =	vor.u32 v3, v2;
	v3 =	vld.idx.msk [tilespmem:v32+s30+$0x0], $0xffff  }
0xfc: {  	v60 =	vld.idx.msk [tilespmem:v16+s25+$0x0], $0xffff  }
0xfd: {  	v16 =	vld.idx.msk [tilespmem:v16+s28+$0x0], $0xffff;
	v28 =	vmul.f32 v28, v53;
	v30 =	vmul.f32 v41, v30  }
0xfe: {  	v61 =	vld.idx.msk [tilespmem:v14+s25+$0x0], $0xffff  }
0xff: {  	v14 =	vld.idx.msk [tilespmem:v14+s28+$0x0], $0xffff;
	v27 =	vmul.f32 v27, v54;
	v39 =	vmul.f32 v39, v28;
	v30 =	vadd.f32 v30, v5  }
0x100: {  	[tilespmem:$0x1F690] =	vst v3;
	v3 =	vld.idx.msk [tilespmem:v4+s30+$0x0], $0xffff  }
0x101: {  	v27 =	vmul.f32 v37, v27;
	[tilespmem:$0x1F610] =	vst v32;
	v30 =	vadd.f32 v39, v30;
	v32 =	vmul.f32 v56, v55  }
0x102: {  	v1 =	vld.idx.msk [tilespmem:v10+s25+$0x0], $0xffff  }
0x103: {  	v25 =	vmul.f32 v25, v57;
	v41 =	vld [tilespmem:$0x1FCC0];
	v27 =	vadd.f32 v27, v30;
	v30 =	vmul.f32 v35, v32  }
0x104: {  	[tilespmem:$0x1F5F0] =	vst v4;
	v4 =	vld [tilespmem:$0x1FBB0]  }
0x105: {  	v25 =	vmul.f32 v33, v25;
	v27 =	vadd.f32 v30, v27;
	v30 =	vmul.f32 v59, v58;
	[tilespmem:$0x1F680] =	vst v3;
	v3 =	vld [tilespmem:$0x1FB80]  }
0x106: {  	[tilespmem:$0x1F650] =	vst v34;
	v34 =	vld [tilespmem:$0x1FCE0]  }
0x107: {  	v25 =	vadd.f32 v25, v27;
	v27 =	vmul.f32 v31, v30;
	v30 =	vld.idx.msk [tilespmem:v11+s25+$0x0], $0xffff  }
0x108: {  	v31 =	vld.idx.msk [tilespmem:v11+s28+$0x0], $0xffff  }
0x109: {  	v37 =	vor.u32 v4, v2;
	v4 =	vld [tilespmem:$0x1FD20]  }
0x10a: {  	v54 =	vor.u32 v3, v2;
	v3 =	vld.idx.msk [tilespmem:v11+s30+$0x0], $0xffff  }
0x10b: {  	v11 =	vld [tilespmem:$0x1FD40]  }
0x10c: {  	v16 =	vmul.f32 v16, v60;
	v28 =	vld.idx.msk [tilespmem:v52+s30+$0x0], $0xffff  }
0x10d: {  	v57 =	vld.idx.msk [tilespmem:v52+s25+$0x0], $0xffff  }
0x10e: {  	v16 =	vmul.f32 v29, v16;
	v29 =	vld.idx.msk [tilespmem:v52+s28+$0x0], $0xffff  }
0x10f: {  	v52 =	vsel vm1, v0, v41;
	v0 =	vld [tilespmem:$0x1FDA0]  }
0x110: {  	v56 =	vsel vm1, v11, v34;
	v11 =	vor.u32 v4, v2;
	v4 =	vld [tilespmem:$0x1FBC0]  }
0x111: {  	v10 =	vld.idx.msk [tilespmem:v10+s28+$0x0], $0xffff  }
0x112: {  	v13 =	vld.idx.msk [tilespmem:v9+s25+$0x0], $0xffff  }
0x113: {  	v9 =	vld.idx.msk [tilespmem:v9+s28+$0x0], $0xffff  }
0x114: {  	v26 =	vld.idx.msk [tilespmem:v8+s25+$0x0], $0xffff  }
0x115: {  	v25 =	vadd.f32 v27, v25;
	v27 =	vor.u32 v4, v2;
	v4 =	vcombine.low v56, v0;
	v0 =	vld [tilespmem:$0x1FD90]  }
0x116: {  	v8 =	vld.idx.msk [tilespmem:v8+s28+$0x0], $0xffff  }
0x117: {  	v32 =	vld [tilespmem:$0x1FCF0]  }
0x118: {  	v14 =	vmul.f32 v14, v61;
	v39 =	vld.idx.msk [tilespmem:v7+s30+$0x0], $0xffff  }
0x119: {  	v55 =	vld.idx.msk [tilespmem:v7+s25+$0x0], $0xffff  }
0x11a: {  	v12 =	vmul.f32 v12, v14;
	v7 =	vld.idx.msk [tilespmem:v7+s28+$0x0], $0xffff;
	v16 =	vadd.f32 v16, v25;
	v0 =	vcombine.low v52, v0  }
0x11b: {  	v25 =	vmul.f32 v63, v62;
	v63 =	vld [tilespmem:$0x1FDC0];
	v14 =	vor.u32 v4, v2  }
0x11c: {  	v53 =	vadd.f32 v12, v16;
	[tilespmem:$0x1F730] =	vst v0;
	v16 =	vor.u32 v0, v2;
	v0 =	vld.idx.msk [tilespmem:v11+s30+$0x0], $0xffff  }
0x11d: {  	v62 =	vld [tilespmem:$0x1FC50]  }
0x11e: {  	v20 =	vmul.f32 v20, v25;
	v25 =	vld [tilespmem:$0x1FC90]  }
0x11f: {  	v12 =	vld [tilespmem:$0x1FDF0]  }
0x120: {  	[tilespmem:$0x1F700] =	vst v4;
	v4 =	vld.idx.msk [tilespmem:v14+s30+$0x0], $0xffff  }
0x121: {  	[tilespmem:$0x1F660] =	vst v0;
	v0 =	vmul.f32 v10, v1;
	v1 =	vld [tilespmem:$0x1FBD0]  }
0x122: {  	v20 =	vadd.f32 v20, v53;
	v53 =	vld [tilespmem:$0x1FC40]  }
0x123: {  	v35 =	vld.idx.msk [tilespmem:v54+s30+$0x0], $0xffff  }
0x124: {  	v5 =	vld.idx.msk [tilespmem:v16+s30+$0x0], $0xffff  }
0x125: {  	[tilespmem:$0x1F640] =	vst v4;
	v4 =	vld [tilespmem:$0x1FBE0]  }
0x126: {  	v10 =	vor.u32 v1, v2;
	v1 =	vmul.f32 v9, v13;
	v13 =	vld [tilespmem:$0x1FC80]  }
0x127: {  	v0 =	vmul.f32 v15, v0;
	v15 =	vld [tilespmem:$0x1FD10]  }
0x128: {  	v33 =	vld.idx.msk [tilespmem:v54+s25+$0x0], $0xffff  }
0x129: {  	[tilespmem:$0x1F620] =	vst v5;
	v5 =	vld [tilespmem:$0x1FBF0]  }
0x12a: {  	v59 =	vld.idx.msk [tilespmem:v27+s30+$0x0], $0xffff  }
0x12b: {  	v60 =	vld.idx.msk [tilespmem:v27+s25+$0x0], $0xffff;
	v25 =	vsel vm1, v25, v13  }
0x12c: {  	v9 =	vld.idx.msk [tilespmem:v27+s28+$0x0], $0xffff;
	v27 =	vor.u32 v4, v2;
	v4 =	vcombine.low v25, v15  }
0x12d: {  	v8 =	vmul.f32 v8, v26;
	v54 =	vld.idx.msk [tilespmem:v54+s28+$0x0], $0xffff;
	v0 =	vadd.f32 v0, v20  }
0x12e: {  	v1 =	vmul.f32 v17, v1;
	v25 =	vor.u32 v5, v2;
	v5 =	vld [tilespmem:$0x1FC30];
	[tilespmem:$0x1F760] =	vst v4;
	v4 =	vor.u32 v4, v2  }
0x12f: {  	v56 =	vld.idx.msk [tilespmem:v37+s30+$0x0], $0xffff  }
0x130: {  	v8 =	vmul.f32 v23, v8;
	v52 =	vld.idx.msk [tilespmem:v37+s25+$0x0], $0xffff;
	v0 =	vadd.f32 v1, v0  }
0x131: {  	v23 =	vmul.f32 v47, v40;
	v37 =	vld.idx.msk [tilespmem:v37+s28+$0x0], $0xffff  }
0x132: {  	v20 =	vld [tilespmem:$0x1FE30];
	v0 =	vadd.f32 v8, v0  }
0x133: {  	v8 =	vmul.f32 v19, v23;
	v23 =	vmul.f32 v46, v38;
	v46 =	vor.u32 v5, v2;
	v5 =	vld.idx.msk [tilespmem:v4+s30+$0x0], $0xffff  }
0x134: {  	v26 =	vld.idx.msk [tilespmem:v10+s30+$0x0], $0xffff  }
0x135: {  	v1 =	vld.idx.msk [tilespmem:v10+s25+$0x0], $0xffff  }
0x136: {  	v10 =	vld.idx.msk [tilespmem:v10+s28+$0x0], $0xffff  }
0x137: {  	v40 =	vld.idx.msk [tilespmem:v27+s30+$0x0], $0xffff  }
0x138: {  	[tilespmem:$0x1F600] =	vst v5;
	v5 =	vld [tilespmem:$0x1FC20]  }
0x139: {  	v47 =	vld.idx.msk [tilespmem:v27+s25+$0x0], $0xffff  }
0x13a: {  	v9 =	vmul.f32 v9, v60;
	v60 =	vld [tilespmem:$0x1FCA0]  }
0x13b: {  	v13 =	vld [tilespmem:$0x1FE00]  }
0x13c: {  	v38 =	vld.idx.msk [tilespmem:v27+s28+$0x0], $0xffff  }
0x13d: {  	v0 =	vadd.f32 v8, v0;
	v8 =	vor.u32 v5, v2;
	v5 =	vld [tilespmem:$0x1FC00]  }
0x13e: {  	v22 =	vmul.f32 v22, v23;
	v23 =	vmul.f32 v48, v45;
	v45 =	vld.idx.msk [tilespmem:v25+s30+$0x0], $0xffff  }
0x13f: {  	v48 =	vld.idx.msk [tilespmem:v25+s25+$0x0], $0xffff  }
0x140: {  	v0 =	vadd.f32 v22, v0;
	v22 =	vmul.f32 v36, v49;
	v36 =	vld.idx.msk [tilespmem:v25+s28+$0x0], $0xffff  }
0x141: {  	v25 =	vld [tilespmem:$0x1FCB0]  }
0x142: {  	v27 =	vor.u32 v5, v2;
	v5 =	vld [tilespmem:$0x1FC10]  }
0x143: {  	v49 =	vld.idx.msk [tilespmem:v46+s30+$0x0], $0xffff  }
0x144: {  	v58 =	vld.idx.msk [tilespmem:v8+s30+$0x0], $0xffff  }
0x145: {  	v61 =	vld.idx.msk [tilespmem:v8+s25+$0x0], $0xffff  }
0x146: {  	v8 =	vld.idx.msk [tilespmem:v8+s28+$0x0], $0xffff  }
0x147: {  	v21 =	vmul.f32 v21, v23;
	v23 =	vor.u32 v5, v2;
	v5 =	vld [tilespmem:$0x1F5B0]  }
0x148: {  	v36 =	vmul.f32 v36, v48;
	v48 =	vld [tilespmem:$0x1FE40]  }
0x149: {  	v0 =	vadd.f32 v21, v0;
	v21 =	vmul.f32 v43, v44;
	v43 =	vld.idx.msk [tilespmem:v27+s30+$0x0], $0xffff  }
0x14a: {  	v44 =	vld.idx.msk [tilespmem:v27+s25+$0x0], $0xffff  }
0x14b: {  	v8 =	vmul.f32 v8, v61;
	v61 =	vld [tilespmem:$0x1FDE0]  }
0x14c: {  	v19 =	vmul.f32 v5, v22;
	v5 =	vld [tilespmem:$0x1F5C0]  }
0x14d: {  	v22 =	vld [tilespmem:$0x1FC70]  }
0x14e: {  	v7 =	vmul.f32 v7, v55;
	v55 =	vld.idx.msk [tilespmem:v23+s28+$0x0], $0xffff  }
0x14f: {  	v0 =	vadd.f32 v19, v0;
	v19 =	vmul.f32 v42, v51;
	v42 =	vld.idx.msk [tilespmem:v27+s28+$0x0], $0xffff  }
0x150: {  	v51 =	vld.idx.msk [tilespmem:v23+s30+$0x0], $0xffff;
	v27 =	vor.u32 v25, v2  }
0x151: {  	v17 =	vmul.f32 v5, v21;
	v21 =	vld [tilespmem:$0x1FC60]  }
0x152: {  	v5 =	vld [tilespmem:$0x1FDD0]  }
0x153: {  	v0 =	vadd.f32 v17, v0;
	v17 =	vmul.f32 v50, v19;
	v50 =	vld.idx.msk [tilespmem:v23+s25+$0x0], $0xffff  }
0x154: {  	v19 =	vld [tilespmem:$0x1FCD0]  }
0x155: {  	[tilespmem:$0x1F630] =	vst v6;
	v23 =	vmul.f32 v31, v30;
	v6 =	vld.idx.msk [tilespmem:v27+s30+$0x0], $0xffff  }
0x156: {  	v31 =	vor.u32 v53, v2;
	v0 =	vadd.f32 v17, v0;
	v17 =	vmul.f32 v54, v33;
	v33 =	vld.idx.msk [tilespmem:v46+s25+$0x0], $0xffff  }
0x157: {  	v7 =	vmul.f32 v39, v7;
	v3 =	vmul.f32 v3, v23;
	v23 =	vld [tilespmem:$0x1FE60]  }
0x158: {  	v21 =	vsel vm1, v22, v21;
	v22 =	vld [tilespmem:$0x1FD00];
	v39 =	vor.u32 v5, v2  }
0x159: {  	v30 =	vor.u32 v63, v2;
	v0 =	vadd.f32 v7, v0;
	v7 =	vmul.f32 v35, v17;
	v35 =	vld.idx.msk [tilespmem:v46+s28+$0x0], $0xffff  }
0x15a: {  	v29 =	vmul.f32 v29, v57;
	v17 =	vld [tilespmem:$0x1FE10]  }
0x15b: {  	v36 =	vmul.f32 v45, v36;
	v45 =	vor.u32 v20, v2;
	v46 =	vld.idx.msk [tilespmem:v31+s30+$0x0], $0xffff;
	v0 =	vadd.f32 v7, v0  }
0x15c: {  	v1 =	vmul.f32 v10, v1;
	v10 =	vld.idx.msk [tilespmem:v31+s28+$0x0], $0xffff;
	v7 =	vor.u32 v62, v2  }
0x15d: {  	v0 =	vadd.f32 v3, v0;
	v3 =	vmul.f32 v28, v29;
	v29 =	vld.idx.msk [tilespmem:v39+s30+$0x0], $0xffff  }
0x15e: {  	v28 =	vmul.f32 v37, v52;
	v37 =	vld.idx.msk [tilespmem:v30+s30+$0x0], $0xffff  }
0x15f: {  	v42 =	vmul.f32 v42, v44;
	v41 =	vcombine.low v21, v22;
	v21 =	vld [tilespmem:$0x1FE50]  }
0x160: {  	v0 =	vadd.f32 v3, v0;
	v3 =	vmul.f32 v56, v28;
	v56 =	vld.idx.msk [tilespmem:v45+s30+$0x0], $0xffff  }
0x161: {  	v57 =	vmul.f32 v43, v42;
	v42 =	vor.u32 v17, v2;
	v28 =	vld.idx.msk [tilespmem:v7+s30+$0x0], $0xffff  }
0x162: {  	v1 =	vmul.f32 v26, v1;
	v26 =	vld.idx.msk [tilespmem:v7+s25+$0x0], $0xffff  }
0x163: {  	v34 =	vcombine.low v19, v24;
	v19 =	vor.u32 v41, v2;
	v7 =	vld.idx.msk [tilespmem:v7+s28+$0x0], $0xffff  }
0x164: {  	v50 =	vmul.f32 v55, v50;
	v0 =	vadd.f32 v3, v0;
	v3 =	vmul.f32 v59, v9;
	v9 =	vld.idx.msk [tilespmem:v31+s25+$0x0], $0xffff  }
0x165: {  	v59 =	vmov v18;
	v18 =	vld [tilespmem:$0x1FE20]  }
0x166: {  	v50 =	vmul.f32 v51, v50;
	v51 =	vor.u32 v61, v2;
	v33 =	vmul.f32 v35, v33;
	v35 =	vld.idx.msk [tilespmem:v42+s30+$0x0], $0xffff  }
0x167: {  	v8 =	vmul.f32 v58, v8;
	v0 =	vadd.f32 v3, v0;
	v3 =	vmul.f32 v38, v47;
	v58 =	vld.idx.msk [tilespmem:v42+s25+$0x0], $0xffff  }
0x168: {  	v5 =	vld.idx.msk [tilespmem:v19+s30+$0x0], $0xffff  }
0x169: {  	v38 =	vor.u32 v23, v2;
	v0 =	vadd.f32 v1, v0;
	v1 =	vmul.f32 v40, v3;
	v3 =	vld.idx.msk [tilespmem:v30+s25+$0x0], $0xffff  }
0x16a: {  	v47 =	vor.u32 v48, v2;
	v30 =	vld.idx.msk [tilespmem:v30+s28+$0x0], $0xffff  }
0x16b: {  	v22 =	vor.u32 v32, v2;
	v7 =	vmul.f32 v7, v26;
	v26 =	vld.idx.msk [tilespmem:v51+s28+$0x0], $0xffff;
	v0 =	vadd.f32 v1, v0  }
0x16c: {  	v40 =	vor.u32 v21, v2;
	v1 =	vld.idx.msk [tilespmem:v39+s25+$0x0], $0xffff  }
0x16d: {  	v52 =	vor.u32 v13, v2;
	v39 =	vld.idx.msk [tilespmem:v39+s28+$0x0], $0xffff;
	v0 =	vadd.f32 v36, v0  }
0x16e: {  	v44 =	vor.u32 v18, v2;
	v43 =	vld.idx.msk [tilespmem:v38+s30+$0x0], $0xffff  }
0x16f: {  	v55 =	vld.idx.msk [tilespmem:v47+s30+$0x0], $0xffff;
	v0 =	vadd.f32 v57, v0  }
0x170: {  	[tilespmem:$0x1F5E0] =	vst v5;
	v5 =	vld.idx.msk [tilespmem:v22+s30+$0x0], $0xffff;
	v36 =	vor.u32 v12, v2  }
0x171: {  	v54 =	vld.idx.msk [tilespmem:v40+s30+$0x0], $0xffff;
	v0 =	vadd.f32 v50, v0  }
0x172: {  	v3 =	vmul.f32 v30, v3;
	v30 =	vld.idx.msk [tilespmem:v52+s25+$0x0], $0xffff  }
0x173: {  	v9 =	vmul.f32 v10, v9;
	v57 =	vld.idx.msk [tilespmem:v44+s30+$0x0], $0xffff;
	v0 =	vadd.f32 v8, v0;
	v8 =	vmul.f32 v49, v33  }
0x174: {  	v50 =	vld.idx.msk [tilespmem:v52+s30+$0x0], $0xffff  }
0x175: {  	v7 =	vmul.f32 v28, v7;
	v28 =	vld.idx.msk [tilespmem:v36+s28+$0x0], $0xffff;
	v0 =	vadd.f32 v8, v0;
	v8 =	vmul.f32 v46, v9  }
0x176: {  	v31 =	vor.u32 v60, v2;
	v9 =	vld.idx.msk [tilespmem:v51+s25+$0x0], $0xffff  }
0x177: {  	v49 =	vld.idx.msk [tilespmem:v51+s30+$0x0], $0xffff;
	v0 =	vadd.f32 v8, v0  }
0x178: {  	v8 =	vld.idx.msk [tilespmem:v36+s25+$0x0], $0xffff  }
0x179: {  	v3 =	vmul.f32 v37, v3;
	v1 =	vmul.f32 v39, v1;
	v10 =	vld.idx.msk [tilespmem:v36+s30+$0x0], $0xffff;
	v0 =	vadd.f32 v7, v0  }
0x17a: {  	[tilespmem:$0x1F5D0] =	vst v5;
	v7 =	vld.idx.msk [tilespmem:v52+s28+$0x0], $0xffff  }
0x17b: {  	v5 =	vld.idx.msk [tilespmem:v31+s30+$0x0], $0xffff;
	v1 =	vmul.f32 v29, v1;
	v0 =	vadd.f32 v3, v0;
	v3 =	vmul.f32 v26, v9  }
0x17c: {  	v9 =	vld.idx.msk [tilespmem:v42+s28+$0x0], $0xffff  }
0x17d: {  	v26 =	vld.idx.msk [tilespmem:v44+s25+$0x0], $0xffff;
	v0 =	vadd.f32 v1, v0;
	v1 =	vmul.f32 v49, v3;
	v3 =	vmul.f32 v28, v8  }
0x17e: {  	v8 =	vld.idx.msk [tilespmem:v44+s28+$0x0], $0xffff  }
0x17f: {  	v28 =	vld.idx.msk [tilespmem:v45+s25+$0x0], $0xffff;
	v0 =	vadd.f32 v1, v0;
	v1 =	vmul.f32 v10, v3;
	v3 =	vmul.f32 v7, v30  }
0x180: {  	v7 =	vld.idx.msk [tilespmem:v45+s28+$0x0], $0xffff  }
0x181: {  	v10 =	vld.idx.msk [tilespmem:v47+s25+$0x0], $0xffff;
	v0 =	vadd.f32 v1, v0;
	v1 =	vmul.f32 v50, v3;
	v3 =	vmul.f32 v9, v58  }
0x182: {  	v9 =	vld.idx.msk [tilespmem:v47+s28+$0x0], $0xffff  }
0x183: {  	v29 =	vld.idx.msk [tilespmem:v40+s25+$0x0], $0xffff;
	v0 =	vadd.f32 v1, v0;
	v1 =	vmul.f32 v35, v3;
	v3 =	vmul.f32 v8, v26  }
0x184: {  	v8 =	vld.idx.msk [tilespmem:v40+s28+$0x0], $0xffff  }
0x185: {  	v26 =	vld.idx.msk [tilespmem:v38+s25+$0x0], $0xffff;
	v0 =	vadd.f32 v1, v0;
	v1 =	vmul.f32 v57, v3;
	v3 =	vmul.f32 v7, v28  }
0x186: {  	v24 =	vor.u32 v34, v2;
	v7 =	vld.idx.msk [tilespmem:v38+s28+$0x0], $0xffff  }
0x187: {  	v28 =	vld.idx.msk [tilespmem:v31+s25+$0x0], $0xffff;
	v0 =	vadd.f32 v1, v0;
	v1 =	vmul.f32 v56, v3;
	v3 =	vmul.f32 v9, v10  }
0x188: {  	v9 =	vld.idx.msk [tilespmem:v31+s28+$0x0], $0xffff  }
0x189: {  	v10 =	vld.idx.msk [tilespmem:v27+s25+$0x0], $0xffff;
	v0 =	vadd.f32 v1, v0;
	v1 =	vmul.f32 v55, v3;
	v3 =	vmul.f32 v8, v29  }
0x18a: {  	v8 =	vld.idx.msk [tilespmem:v27+s28+$0x0], $0xffff  }
0x18b: {  	v27 =	vld.idx.msk [tilespmem:v24+s25+$0x0], $0xffff;
	v0 =	vadd.f32 v1, v0;
	v1 =	vmul.f32 v54, v3;
	v3 =	vmul.f32 v7, v26  }
0x18c: {  	v7 =	vld.idx.msk [tilespmem:v24+s28+$0x0], $0xffff  }
0x18d: {  	v0 =	vadd.f32 v1, v0;
	v1 =	vmul.f32 v43, v3;
	v3 =	vmul.f32 v9, v28  }
0x18e: {  	v15 =	vld.idx.msk [tilespmem:v24+s30+$0x0], $0xffff  }
0x18f: {  	v0 =	vadd.f32 v1, v0;
	v1 =	vmul.f32 v5, v3;
	v3 =	vmul.f32 v8, v10;
	_ =	sdelay $0x1  }
0x190: {  	v0 =	vadd.f32 v1, v0;
	v1 =	vmul.f32 v6, v3;
	v3 =	vmul.f32 v7, v27  }
0x191: {  	v24 =	vld.idx.msk [tilespmem:v22+s25+$0x0], $0xffff  }
0x192: {  	v9 =	vld.idx.msk [tilespmem:v22+s28+$0x0], $0xffff;
	v0 =	vadd.f32 v1, v0;
	v1 =	vmul.f32 v15, v3;
	_ =	sdelay $0x1  }
0x193: {  	v0 =	vadd.f32 v1, v0;
	v1 =	vld [tilespmem:$0x1F5D0];
	_ =	sdelay $0x2  }
0x194: {  	v3 =	vmul.f32 v9, v24  }
0x195: {  	v22 =	vld.idx.msk [tilespmem:v19+s25+$0x0], $0xffff  }
0x196: {  	v8 =	vld.idx.msk [tilespmem:v19+s28+$0x0], $0xffff;
	v1 =	vmul.f32 v1, v3;
	_ =	sdelay $0x1  }
0x197: {  	v0 =	vadd.f32 v1, v0;
	v1 =	vld [tilespmem:$0x1F5E0];
	_ =	sdelay $0x2  }
0x198: {  	v3 =	vmul.f32 v8, v22  }
0x199: {  	v10 =	vld.idx.msk [tilespmem:v4+s25+$0x0], $0xffff  }
0x19a: {  	v7 =	vld.idx.msk [tilespmem:v4+s28+$0x0], $0xffff;
	v1 =	vmul.f32 v1, v3;
	_ =	sdelay $0x1  }
0x19b: {  	v0 =	vadd.f32 v1, v0;
	v1 =	vld [tilespmem:$0x1F600];
	_ =	sdelay $0x2  }
0x19c: {  	v3 =	vmul.f32 v7, v10  }
0x19d: {  	v19 =	vld.idx.msk [tilespmem:v16+s25+$0x0], $0xffff  }
0x19e: {  	v9 =	vld.idx.msk [tilespmem:v16+s28+$0x0], $0xffff;
	v1 =	vmul.f32 v1, v3;
	_ =	sdelay $0x1  }
0x19f: {  	v0 =	vadd.f32 v1, v0;
	v1 =	vld [tilespmem:$0x1F620];
	_ =	sdelay $0x2  }
0x1a0: {  	v4 =	vld [tilespmem:$0x1F5F0];
	v3 =	vmul.f32 v9, v19  }
0x1a1: {  	v16 =	vld.idx.msk [tilespmem:v14+s25+$0x0], $0xffff  }
0x1a2: {  	v8 =	vld.idx.msk [tilespmem:v14+s28+$0x0], $0xffff;
	v1 =	vmul.f32 v1, v3;
	_ =	sdelay $0x1  }
0x1a3: {  	v0 =	vadd.f32 v1, v0;
	v1 =	vld [tilespmem:$0x1F640];
	_ =	sdelay $0x2  }
0x1a4: {  	v3 =	vmul.f32 v8, v16  }
0x1a5: {  	v14 =	vld.idx.msk [tilespmem:v11+s25+$0x0], $0xffff  }
0x1a6: {  	v7 =	vld.idx.msk [tilespmem:v11+s28+$0x0], $0xffff;
	v1 =	vmul.f32 v1, v3  }
0x1a7: {  	v10 =	vld.idx.msk [tilespmem:v4+s25+$0x0], $0xffff  }
0x1a8: {  	v0 =	vadd.f32 v1, v0;
	v1 =	vld [tilespmem:$0x1F660]  }
0x1a9: {  	v9 =	vld.idx.msk [tilespmem:v4+s28+$0x0], $0xffff  }
0x1aa: {  	v4 =	vld [tilespmem:$0x1F610]  }
0x1ab: {  	v3 =	vmul.f32 v7, v14;
	_ =	sdelay $0x1  }
0x1ac: {  	v1 =	vmul.f32 v1, v3;
	_ =	sdelay $0x1  }
0x1ad: {  	v0 =	vadd.f32 v1, v0;
	v1 =	vld [tilespmem:$0x1F680];
	_ =	sdelay $0x1  }
0x1ae: {  	v5 =	vld [tilespmem:$0x1F630]  }
0x1af: {  	v11 =	vld.idx.msk [tilespmem:v4+s25+$0x0], $0xffff;
	v3 =	vmul.f32 v9, v10  }
0x1b0: {  	v8 =	vld.idx.msk [tilespmem:v4+s28+$0x0], $0xffff  }
0x1b1: {  	v4 =	vld [tilespmem:$0x1FFF0];
	v1 =	vmul.f32 v1, v3;
	_ =	sdelay $0x1  }
0x1b2: {  	v0 =	vadd.f32 v1, v0;
	v1 =	vld [tilespmem:$0x1F690];
	_ =	sdelay $0x2  }
0x1b3: {  	v2 =	vor.u32 v4, v2;
	v4 =	vld [tilespmem:$0x1F650];
	v3 =	vmul.f32 v8, v11  }
0x1b4: {  	v15 =	vld.idx.msk [tilespmem:v5+s25+$0x0], $0xffff  }
0x1b5: {  	v6 =	vld.idx.msk [tilespmem:v5+s28+$0x0], $0xffff;
	v1 =	vmul.f32 v1, v3;
	_ =	sdelay $0x1  }
0x1b6: {  	v0 =	vadd.f32 v1, v0;
	v1 =	vld [tilespmem:$0x1F6A0]  }
0x1b7: {  	v5 =	vld [tilespmem:$0x1F670];
	_ =	sdelay $0x1  }
0x1b8: {  	v3 =	vmul.f32 v6, v15  }
0x1b9: {  	v7 =	vld.idx.msk [tilespmem:v4+s25+$0x0], $0xffff  }
0x1ba: {  	v4 =	vld.idx.msk [tilespmem:v4+s28+$0x0], $0xffff;
	v1 =	vmul.f32 v1, v3;
	_ =	sdelay $0x1  }
0x1bb: {  	v0 =	vadd.f32 v1, v0;
	v1 =	vld [tilespmem:$0x1F6B0];
	_ =	sdelay $0x1  }
0x1bc: {  	v9 =	vld.idx.msk [tilespmem:v5+s25+$0x0], $0xffff  }
0x1bd: {  	v5 =	vld.idx.msk [tilespmem:v5+s28+$0x0], $0xffff;
	v3 =	vmul.f32 v4, v7;
	_ =	sdelay $0x1  }
0x1be: {  	v8 =	vld.idx.msk [tilespmem:v2+s25+$0x0], $0xffff;
	v1 =	vmul.f32 v1, v3  }
0x1bf: {  	v6 =	vld.idx.msk [tilespmem:v2+s28+$0x0], $0xffff  }
0x1c0: {  	v0 =	vadd.f32 v1, v0;
	v1 =	vld [tilespmem:$0x1F6C0]  }
0x1c1: {  	v3 =	vmul.f32 v5, v9;
	v5 =	vld [tilespmem:$0x1FF40]  }
0x1c2: {  	v2 =	vld.idx.msk [tilespmem:v2+s30+$0x0], $0xffff  }
0x1c3: {  	s22 =	simm.s32 $0x10  }
0x1c4: {  	v4 =	vmov s22  }
0x1c5: {  	v4 =	vshll.u32 v4, $0x7;
	v1 =	vmul.f32 v1, v3;
	v3 =	vmul.f32 v6, v8  }
0x1c6: {  	v7 =	vor.u32 v5, v4;
	v4 =	vld [tilespmem:$0x1FE80]  }
0x1c7: {  	v0 =	vadd.f32 v1, v0;
	v1 =	vmul.f32 v2, v3;
	_ =	sdelay $0x1  }
0x1c8: {  	v0 =	vadd.f32 v1, v0;
	_ =	sdelay $0x1  }
0x1c9: {  	v4 =	vor.u32 v4, v7;
	[tilespmem:s15+$0x0] =	vst v0;
	v0 =	vld [tilespmem:$0x1FD20];
	_ =	sdelay $0x4  }
0x1ca: {  	v6 =	vor.u32 v0, v7;
	v0 =	vld.idx.msk [tilespmem:v4+s30+$0x0], $0xffff;
	_ =	sdelay $0x4  }
0x1cb: {  	v2 =	vor.u32 v59, v7;
	[tilespmem:$0x1F6F0] =	vst v0;
	v0 =	vld [tilespmem:$0x1F700];
	_ =	sdelay $0x3  }
0x1cc: {  	v3 =	vld [tilespmem:$0x1FD50]  }
0x1cd: {  	[tilespmem:$0x1F6E0] =	vst v4;
	v4 =	vor.u32 v0, v7;
	v0 =	vld.idx.msk [tilespmem:v2+s30+$0x0], $0xffff;
	_ =	sdelay $0x4  }
0x1ce: {  	v3 =	vor.u32 v3, v7;
	[tilespmem:$0x1F720] =	vst v0;
	v0 =	vld [tilespmem:$0x1F730];
	_ =	sdelay $0x3  }
0x1cf: {  	v1 =	vld [tilespmem:$0x1F6D0]  }
0x1d0: {  	[tilespmem:$0x1F710] =	vst v2;
	v2 =	vor.u32 v0, v7;
	v0 =	vld.idx.msk [tilespmem:v3+s30+$0x0], $0xffff;
	_ =	sdelay $0x3  }
0x1d1: {  	v5 =	vld [tilespmem:$0x1FD30]  }
0x1d2: {  	v1 =	vor.u32 v1, v7;
	[tilespmem:$0x1F750] =	vst v0;
	v0 =	vld [tilespmem:$0x1F760];
	_ =	sdelay $0x4  }
0x1d3: {  	v5 =	vor.u32 v5, v7;
	[tilespmem:$0x1F740] =	vst v3;
	v3 =	vor.u32 v0, v7;
	v0 =	vld.idx.msk [tilespmem:v1+s30+$0x0], $0xffff;
	_ =	sdelay $0x4  }
0x1d4: {  	[tilespmem:$0x1F780] =	vst v0;
	v0 =	vld.idx.msk [tilespmem:v5+s30+$0x0], $0xffff;
	_ =	sdelay $0x4  }
0x1d5: {  	[tilespmem:$0x1F7B0] =	vst v0;
	v0 =	vld.idx.msk [tilespmem:v6+s30+$0x0], $0xffff;
	_ =	sdelay $0x4  }
0x1d6: {  	[tilespmem:$0x1F7D0] =	vst v0;
	v0 =	vld.idx.msk [tilespmem:v4+s30+$0x0], $0xffff;
	_ =	sdelay $0x4  }
0x1d7: {  	[tilespmem:$0x1F800] =	vst v0;
	v0 =	vld.idx.msk [tilespmem:v2+s30+$0x0], $0xffff;
	_ =	sdelay $0x3  }
0x1d8: {  	[tilespmem:$0x1F770] =	vst v1  }
0x1d9: {  	v1 =	vor.u32 v41, v7;
	[tilespmem:$0x1F820] =	vst v0;
	v0 =	vld.idx.msk [tilespmem:v3+s30+$0x0], $0xffff;
	_ =	sdelay $0x3  }
0x1da: {  	[tilespmem:$0x1F7A0] =	vst v5  }
0x1db: {  	v5 =	vor.u32 v32, v7;
	[tilespmem:$0x1F840] =	vst v0;
	v0 =	vld.idx.msk [tilespmem:v1+s30+$0x0], $0xffff;
	_ =	sdelay $0x3  }
0x1dc: {  	[tilespmem:$0x1F7C0] =	vst v6  }
0x1dd: {  	v6 =	vor.u32 v34, v7;
	[tilespmem:$0x1F860] =	vst v0;
	v0 =	vld.idx.msk [tilespmem:v5+s30+$0x0], $0xffff;
	_ =	sdelay $0x3  }
0x1de: {  	[tilespmem:$0x1F7F0] =	vst v4  }
0x1df: {  	v4 =	vor.u32 v25, v7;
	[tilespmem:$0x1F880] =	vst v0;
	v0 =	vld.idx.msk [tilespmem:v6+s30+$0x0], $0xffff;
	_ =	sdelay $0x3  }
0x1e0: {  	[tilespmem:$0x1F810] =	vst v2  }
0x1e1: {  	v2 =	vor.u32 v60, v7;
	[tilespmem:$0x1F8A0] =	vst v0;
	v0 =	vld.idx.msk [tilespmem:v4+s30+$0x0], $0xffff;
	_ =	sdelay $0x3  }
0x1e2: {  	[tilespmem:$0x1F830] =	vst v3  }
0x1e3: {  	v3 =	vor.u32 v23, v7;
	[tilespmem:$0x1F8C0] =	vst v0;
	v0 =	vld.idx.msk [tilespmem:v2+s30+$0x0], $0xffff;
	_ =	sdelay $0x3  }
0x1e4: {  	[tilespmem:$0x1F850] =	vst v1  }
0x1e5: {  	v1 =	vor.u32 v21, v7;
	[tilespmem:$0x1F8E0] =	vst v0;
	v0 =	vld.idx.msk [tilespmem:v3+s30+$0x0], $0xffff;
	_ =	sdelay $0x3  }
0x1e6: {  	[tilespmem:$0x1F870] =	vst v5  }
0x1e7: {  	v5 =	vor.u32 v48, v7;
	[tilespmem:$0x1F900] =	vst v0;
	v0 =	vld.idx.msk [tilespmem:v1+s30+$0x0], $0xffff;
	_ =	sdelay $0x3  }
0x1e8: {  	[tilespmem:$0x1F890] =	vst v6  }
0x1e9: {  	v6 =	vor.u32 v20, v7;
	[tilespmem:$0x1F920] =	vst v0;
	v0 =	vld.idx.msk [tilespmem:v5+s30+$0x0], $0xffff;
	_ =	sdelay $0x4  }
0x1ea: {  	[tilespmem:$0x1F940] =	vst v0;
	v0 =	vld.idx.msk [tilespmem:v6+s30+$0x0], $0xffff;
	_ =	sdelay $0x3  }
0x1eb: {  	[tilespmem:$0x1F8B0] =	vst v4  }
0x1ec: {  	v4 =	vor.u32 v18, v7;
	[tilespmem:$0x1F960] =	vst v0;
	v0 =	vld [tilespmem:$0x1FDD0];
	_ =	sdelay $0x3  }
0x1ed: {  	[tilespmem:$0x1F8D0] =	vst v2  }
0x1ee: {  	[tilespmem:$0x1F950] =	vst v6;
	v2 =	vor.u32 v17, v7;
	v6 =	vor.u32 v0, v7;
	v0 =	vld.idx.msk [tilespmem:v4+s30+$0x0], $0xffff;
	_ =	sdelay $0x3  }
0x1ef: {  	[tilespmem:$0x1F8F0] =	vst v3  }
0x1f0: {  	v3 =	vor.u32 v13, v7;
	[tilespmem:$0x1F980] =	vst v0;
	v0 =	vld.idx.msk [tilespmem:v2+s30+$0x0], $0xffff;
	_ =	sdelay $0x3  }
0x1f1: {  	[tilespmem:$0x1F910] =	vst v1  }
0x1f2: {  	v1 =	vor.u32 v12, v7;
	[tilespmem:$0x1F9A0] =	vst v0;
	v0 =	vld.idx.msk [tilespmem:v3+s30+$0x0], $0xffff;
	_ =	sdelay $0x4  }
0x1f3: {  	[tilespmem:$0x1F9C0] =	vst v0;
	v0 =	vld.idx.msk [tilespmem:v1+s30+$0x0], $0xffff;
	_ =	sdelay $0x3  }
0x1f4: {  	[tilespmem:$0x1F930] =	vst v5  }
0x1f5: {  	v5 =	vor.u32 v61, v7;
	[tilespmem:$0x1F9E0] =	vst v0;
	v0 =	vld [tilespmem:$0x1FC30];
	_ =	sdelay $0x4  }
0x1f6: {  	v52 =	vor.u32 v0, v7;
	v0 =	vld.idx.msk [tilespmem:v5+s30+$0x0], $0xffff;
	_ =	sdelay $0x4  }
0x1f7: {  	[tilespmem:$0x1FA00] =	vst v0;
	v0 =	vld [tilespmem:$0x1FC20];
	_ =	sdelay $0x4  }
0x1f8: {  	v61 =	vor.u32 v0, v7;
	v0 =	vld.idx.msk [tilespmem:v6+s30+$0x0], $0xffff;
	_ =	sdelay $0x3  }
0x1f9: {  	[tilespmem:$0x1F970] =	vst v4  }
0x1fa: {  	v4 =	vor.u32 v63, v7;
	[tilespmem:$0x1FA20] =	vst v0;
	v0 =	vld [tilespmem:$0x1FC10];
	_ =	sdelay $0x4  }
0x1fb: {  	v63 =	vor.u32 v0, v7;
	v0 =	vld.idx.msk [tilespmem:v4+s30+$0x0], $0xffff;
	_ =	sdelay $0x3  }
0x1fc: {  	[tilespmem:$0x1F990] =	vst v2  }
0x1fd: {  	v2 =	vor.u32 v62, v7;
	[tilespmem:$0x1FA40] =	vst v0;
	v0 =	vld [tilespmem:$0x1FC00];
	_ =	sdelay $0x4  }
0x1fe: {  	[tilespmem:$0x1F9D0] =	vst v1;
	v1 =	vor.u32 v0, v7;
	v0 =	vld.idx.msk [tilespmem:v2+s30+$0x0], $0xffff;
	_ =	sdelay $0x3  }
0x1ff: {  	[tilespmem:$0x1F9B0] =	vst v3  }
0x200: {  	v3 =	vor.u32 v53, v7;
	[tilespmem:$0x1FA60] =	vst v0;
	v0 =	vld [tilespmem:$0x1FBF0];
	_ =	sdelay $0x4  }
0x201: {  	[tilespmem:$0x1FA50] =	vst v2;
	v2 =	vor.u32 v0, v7;
	v0 =	vld.idx.msk [tilespmem:v3+s30+$0x0], $0xffff;
	_ =	sdelay $0x4  }
0x202: {  	[tilespmem:$0x1FA80] =	vst v0;
	v0 =	vld [tilespmem:$0x1FBE0];
	_ =	sdelay $0x4  }
0x203: {  	[tilespmem:$0x1F9F0] =	vst v5;
	v5 =	vor.u32 v0, v7;
	v0 =	vld.idx.msk [tilespmem:v52+s30+$0x0], $0xffff;
	_ =	sdelay $0x4  }
0x204: {  	[tilespmem:$0x1FA90] =	vst v0;
	v0 =	vld [tilespmem:$0x1FBD0];
	_ =	sdelay $0x4  }
0x205: {  	v10 =	vor.u32 v0, v7;
	v0 =	vld.idx.msk [tilespmem:v61+s30+$0x0], $0xffff;
	_ =	sdelay $0x4  }
0x206: {  	[tilespmem:$0x1FAA0] =	vst v0;
	v0 =	vld [tilespmem:$0x1FBC0];
	_ =	sdelay $0x4  }
0x207: {  	v14 =	vor.u32 v0, v7;
	v0 =	vld.idx.msk [tilespmem:v63+s30+$0x0], $0xffff;
	_ =	sdelay $0x4  }
0x208: {  	[tilespmem:$0x1FAB0] =	vst v0;
	v0 =	vld [tilespmem:$0x1FBB0];
	_ =	sdelay $0x4  }
0x209: {  	v19 =	vor.u32 v0, v7;
	v0 =	vld.idx.msk [tilespmem:v1+s30+$0x0], $0xffff;
	_ =	sdelay $0x4  }
0x20a: {  	[tilespmem:$0x1FAC0] =	vst v0;
	v0 =	vld [tilespmem:$0x1FBA0];
	_ =	sdelay $0x4  }
0x20b: {  	v23 =	vor.u32 v0, v7;
	v0 =	vld.idx.msk [tilespmem:v2+s30+$0x0], $0xffff;
	_ =	sdelay $0x4  }
0x20c: {  	[tilespmem:$0x1FAD0] =	vst v0;
	v0 =	vld [tilespmem:$0x1FB90];
	_ =	sdelay $0x4  }
0x20d: {  	v27 =	vor.u32 v0, v7;
	v0 =	vld.idx.msk [tilespmem:v5+s30+$0x0], $0xffff;
	_ =	sdelay $0x4  }
0x20e: {  	[tilespmem:$0x1FAE0] =	vst v0;
	v0 =	vld [tilespmem:$0x1FB80];
	_ =	sdelay $0x4  }
0x20f: {  	v31 =	vor.u32 v0, v7;
	v0 =	vld.idx.msk [tilespmem:v10+s30+$0x0], $0xffff;
	_ =	sdelay $0x4  }
0x210: {  	[tilespmem:$0x1FAF0] =	vst v0;
	v0 =	vld [tilespmem:$0x1FB70];
	_ =	sdelay $0x4  }
0x211: {  	v35 =	vor.u32 v0, v7;
	v0 =	vld.idx.msk [tilespmem:v14+s30+$0x0], $0xffff;
	_ =	sdelay $0x4  }
0x212: {  	[tilespmem:$0x1FB00] =	vst v0;
	v0 =	vld [tilespmem:$0x1FB60];
	_ =	sdelay $0x4  }
0x213: {  	v43 =	vor.u32 v0, v7;
	v0 =	vld.idx.msk [tilespmem:v19+s30+$0x0], $0xffff;
	_ =	sdelay $0x4  }
0x214: {  	[tilespmem:$0x1FB10] =	vst v0;
	v0 =	vld [tilespmem:$0x1FFA0];
	_ =	sdelay $0x4  }
0x215: {  	v53 =	vor.u32 v0, v7;
	v0 =	vld.idx.msk [tilespmem:v23+s30+$0x0], $0xffff;
	_ =	sdelay $0x4  }
0x216: {  	[tilespmem:$0x1FB20] =	vst v0;
	v0 =	vld [tilespmem:$0x1FF80];
	_ =	sdelay $0x4  }
0x217: {  	v58 =	vor.u32 v0, v7;
	v0 =	vld.idx.msk [tilespmem:v27+s30+$0x0], $0xffff;
	_ =	sdelay $0x4  }
0x218: {  	[tilespmem:$0x1FB30] =	vst v0;
	v0 =	vld [tilespmem:$0x1FF60];
	_ =	sdelay $0x4  }
0x219: {  	v38 =	vor.u32 v0, v7;
	v0 =	vld.idx.msk [tilespmem:v31+s30+$0x0], $0xffff;
	_ =	sdelay $0x4  }
0x21a: {  	[tilespmem:$0x1FB40] =	vst v0;
	v0 =	vld [tilespmem:$0x1FEF0];
	_ =	sdelay $0x4  }
0x21b: {  	v9 =	vor.u32 v0, v7;
	v0 =	vld.idx.msk [tilespmem:v35+s30+$0x0], $0xffff;
	_ =	sdelay $0x4  }
0x21c: {  	[tilespmem:$0x1FB50] =	vst v0;
	v0 =	vld [tilespmem:$0x1FEE0];
	_ =	sdelay $0x4  }
0x21d: {  	v11 =	vor.u32 v0, v7;
	v0 =	vld [tilespmem:$0x1FE90];
	_ =	sdelay $0x4  }
0x21e: {  	v13 =	vor.u32 v0, v7;
	v0 =	vld [tilespmem:$0x1FEA0];
	_ =	sdelay $0x4  }
0x21f: {  	v47 =	vor.u32 v0, v7;
	v0 =	vld [tilespmem:$0x1FEB0];
	_ =	sdelay $0x4  }
0x220: {  	v51 =	vor.u32 v0, v7;
	v0 =	vld [tilespmem:$0x1FED0];
	_ =	sdelay $0x4  }
0x221: {  	v20 =	vor.u32 v0, v7;
	v0 =	vld [tilespmem:$0x1FEC0]  }
0x222: {  	v8 =	vld [tilespmem:$0x1FF90];
	_ =	sdelay $0x3  }
0x223: {  	v22 =	vor.u32 v0, v7;
	v0 =	vld [tilespmem:$0x1FF00]  }
0x224: {  	v42 =	vor.u32 v8, v7;
	v8 =	vld [tilespmem:$0x1FFB0];
	_ =	sdelay $0x3  }
0x225: {  	v24 =	vor.u32 v0, v7;
	v0 =	vld [tilespmem:$0x1FF10]  }
0x226: {  	v12 =	vor.u32 v8, v7;
	v8 =	vld [tilespmem:$0x1FFC0];
	_ =	sdelay $0x3  }
0x227: {  	v28 =	vor.u32 v0, v7;
	v0 =	vld [tilespmem:$0x1FF20]  }
0x228: {  	v44 =	vor.u32 v8, v7;
	v8 =	vld [tilespmem:$0x1FFD0];
	_ =	sdelay $0x3  }
0x229: {  	v30 =	vor.u32 v0, v7;
	v0 =	vld [tilespmem:$0x1FF30]  }
0x22a: {  	v17 =	vor.u32 v8, v7;
	v8 =	vld [tilespmem:$0x1FFE0]  }
0x22b: {  	v37 =	vld.idx.msk [tilespmem:v43+s30+$0x0], $0xffff  }
0x22c: {  	v45 =	vld.idx.msk [tilespmem:v53+s30+$0x0], $0xffff  }
0x22d: {  	v55 =	vld.idx.msk [tilespmem:v58+s30+$0x0], $0xffff  }
0x22e: {  	[tilespmem:$0x1FA30] =	vst v4;
	v4 =	vor.u32 v0, v7;
	v0 =	vld [tilespmem:$0x1FF50]  }
0x22f: {  	[tilespmem:$0x1FA70] =	vst v3;
	v3 =	vld.idx.msk [tilespmem:v38+s30+$0x0], $0xffff  }
0x230: {  	[tilespmem:$0x1FA10] =	vst v6;
	v6 =	vld.idx.msk [tilespmem:v9+s30+$0x0], $0xffff  }
0x231: {  	v40 =	vld.idx.msk [tilespmem:v11+s30+$0x0], $0xffff  }
0x232: {  	v46 =	vld.idx.msk [tilespmem:v13+s30+$0x0], $0xffff  }
0x233: {  	[tilespmem:$0x1F7E0] =	vst v34;
	v34 =	vor.u32 v0, v7;
	v0 =	vld [tilespmem:$0x1FF70]  }
0x234: {  	v15 =	vld.idx.msk [tilespmem:v47+s30+$0x0], $0xffff  }
0x235: {  	v16 =	vld.idx.msk [tilespmem:v51+s30+$0x0], $0xffff  }
0x236: {  	v18 =	vld.idx.msk [tilespmem:v20+s30+$0x0], $0xffff  }
0x237: {  	v57 =	vld.idx.msk [tilespmem:v22+s30+$0x0], $0xffff  }
0x238: {  	v62 =	vld.idx.msk [tilespmem:v24+s30+$0x0], $0xffff;
	v36 =	vor.u32 v0, v7  }
0x239: {  	v26 =	vld.idx.msk [tilespmem:v28+s30+$0x0], $0xffff  }
0x23a: {  	v60 =	vld.idx.msk [tilespmem:v30+s30+$0x0], $0xffff  }
0x23b: {  	v0 =	vld.idx.msk [tilespmem:v4+s30+$0x0], $0xffff  }
0x23c: {  	v32 =	vld.idx.msk [tilespmem:v34+s30+$0x0], $0xffff  }
0x23d: {  	s16 =	simm.s32 $0x20;
	s11 =	smov.u32 s15;
	[tilespmem:$0x1F790] =	vst v41;
	v50 =	vor.u32 v8, v7;
	v8 =	vld.idx.msk [tilespmem:v36+s30+$0x0], $0xffff  }
.LBB2_5:
0x23e: {  	_ =	sdelay $0x1  }
0x23f: {  	v21 =	vlaneseq.u32  }
0x240: {  	v56 =	vld.idx.msk [tilespmem:v12+s30+$0x0], $0xffff;
	v54 =	vor.u32 v21, v7  }
0x241: {  	v25 =	vld.idx.msk [tilespmem:v44+s30+$0x0], $0xffff  }
0x242: {  	v59 =	vld.idx.msk [tilespmem:v17+s30+$0x0], $0xffff  }
0x243: {  	v39 =	vld.idx.msk [tilespmem:v50+s30+$0x0], $0xffff  }
0x244: {  	v33 =	vld.idx.msk [tilespmem:v50+s25+$0x0], $0xffff  }
0x245: {  	v29 =	vld.idx.msk [tilespmem:v54+s30+$0x0], $0xffff  }
0x246: {  	v41 =	vld.idx.msk [tilespmem:v54+s28+$0x0], $0xffff  }
0x247: {  	v54 =	vld.idx.msk [tilespmem:v54+s25+$0x0], $0xffff  }
0x248: {  	v50 =	vld.idx.msk [tilespmem:v50+s28+$0x0], $0xffff  }
0x249: {  	v48 =	vld.idx.msk [tilespmem:v17+s25+$0x0], $0xffff  }
0x24a: {  	v17 =	vld.idx.msk [tilespmem:v17+s28+$0x0], $0xffff  }
0x24b: {  	v49 =	vld.idx.msk [tilespmem:v44+s25+$0x0], $0xffff  }
0x24c: {  	v44 =	vld.idx.msk [tilespmem:v44+s28+$0x0], $0xffff;
	v41 =	vmul.f32 v41, v54  }
0x24d: {  	v21 =	vld.idx.msk [tilespmem:v42+s30+$0x0], $0xffff  }
0x24e: {  	v33 =	vmul.f32 v50, v33;
	v54 =	vld.idx.msk [tilespmem:v12+s25+$0x0], $0xffff;
	v29 =	vmul.f32 v29, v41  }
0x24f: {  	v12 =	vld.idx.msk [tilespmem:v12+s28+$0x0], $0xffff  }
0x250: {  	v17 =	vmul.f32 v17, v48;
	v33 =	vmul.f32 v39, v33;
	v39 =	vld.idx.msk [tilespmem:v42+s28+$0x0], $0xffff;
	v29 =	vadd.f32 $0.0e+00, v29  }
0x251: {  	v41 =	vld.idx.msk [tilespmem:v42+s25+$0x0], $0xffff  }
0x252: {  	v48 =	vmul.f32 v44, v49;
	v49 =	vld.idx.msk [tilespmem:v36+s28+$0x0], $0xffff;
	v17 =	vmul.f32 v59, v17;
	v29 =	vadd.f32 v33, v29  }
0x253: {  	v42 =	vld.idx.msk [tilespmem:v36+s25+$0x0], $0xffff  }
0x254: {  	v50 =	vld.idx.msk [tilespmem:v34+s25+$0x0], $0xffff;
	v25 =	vmul.f32 v25, v48;
	v12 =	vmul.f32 v12, v54;
	v17 =	vadd.f32 v17, v29  }
0x255: {  	v29 =	vld.idx.msk [tilespmem:v34+s28+$0x0], $0xffff  }
0x256: {  	v54 =	vld.idx.msk [tilespmem:v4+s25+$0x0], $0xffff;
	v12 =	vmul.f32 v56, v12;
	v17 =	vadd.f32 v25, v17;
	v25 =	vmul.f32 v39, v41  }
0x257: {  	v4 =	vld.idx.msk [tilespmem:v4+s28+$0x0], $0xffff  }
0x258: {  	v56 =	vld.idx.msk [tilespmem:v30+s25+$0x0], $0xffff;
	v12 =	vadd.f32 v12, v17;
	v17 =	vmul.f32 v21, v25;
	v21 =	vmul.f32 v49, v42  }
0x259: {  	v25 =	vld.idx.msk [tilespmem:v30+s28+$0x0], $0xffff  }
0x25a: {  	v30 =	vld.idx.msk [tilespmem:v28+s25+$0x0], $0xffff;
	v12 =	vadd.f32 v17, v12;
	v8 =	vmul.f32 v8, v21;
	v17 =	vmul.f32 v29, v50  }
0x25b: {  	v21 =	vld.idx.msk [tilespmem:v28+s28+$0x0], $0xffff  }
0x25c: {  	v4 =	vmul.f32 v4, v54;
	v28 =	vld.idx.msk [tilespmem:v24+s25+$0x0], $0xffff;
	v8 =	vadd.f32 v8, v12;
	v12 =	vmul.f32 v32, v17  }
0x25d: {  	v17 =	vld.idx.msk [tilespmem:v24+s28+$0x0], $0xffff  }
0x25e: {  	v0 =	vmul.f32 v0, v4;
	v24 =	vld.idx.msk [tilespmem:v22+s25+$0x0], $0xffff;
	v4 =	vmul.f32 v25, v56;
	v8 =	vadd.f32 v12, v8  }
0x25f: {  	v12 =	vld.idx.msk [tilespmem:v22+s28+$0x0], $0xffff  }
0x260: {  	v22 =	vld.idx.msk [tilespmem:v20+s25+$0x0], $0xffff;
	v4 =	vmul.f32 v60, v4;
	v0 =	vadd.f32 v0, v8;
	v8 =	vmul.f32 v21, v30  }
0x261: {  	v20 =	vld.idx.msk [tilespmem:v20+s28+$0x0], $0xffff  }
0x262: {  	v21 =	vld.idx.msk [tilespmem:v51+s25+$0x0], $0xffff;
	v0 =	vadd.f32 v4, v0;
	v4 =	vmul.f32 v26, v8;
	v8 =	vmul.f32 v17, v28  }
0x263: {  	v17 =	vld.idx.msk [tilespmem:v51+s28+$0x0], $0xffff  }
0x264: {  	v25 =	vld.idx.msk [tilespmem:v47+s25+$0x0], $0xffff;
	v0 =	vadd.f32 v4, v0;
	v4 =	vmul.f32 v62, v8;
	v8 =	vmul.f32 v12, v24  }
0x265: {  	v12 =	vld.idx.msk [tilespmem:v47+s28+$0x0], $0xffff  }
0x266: {  	v24 =	vld.idx.msk [tilespmem:v13+s25+$0x0], $0xffff;
	v0 =	vadd.f32 v4, v0;
	v4 =	vmul.f32 v57, v8;
	v8 =	vmul.f32 v20, v22  }
0x267: {  	v13 =	vld.idx.msk [tilespmem:v13+s28+$0x0], $0xffff  }
0x268: {  	v20 =	vld.idx.msk [tilespmem:v11+s25+$0x0], $0xffff;
	v0 =	vadd.f32 v4, v0;
	v4 =	vmul.f32 v18, v8;
	v8 =	vmul.f32 v17, v21  }
0x269: {  	v11 =	vld.idx.msk [tilespmem:v11+s28+$0x0], $0xffff  }
0x26a: {  	v17 =	vld.idx.msk [tilespmem:v9+s25+$0x0], $0xffff;
	v0 =	vadd.f32 v4, v0;
	v4 =	vmul.f32 v16, v8;
	v8 =	vmul.f32 v12, v25  }
0x26b: {  	v9 =	vld.idx.msk [tilespmem:v9+s28+$0x0], $0xffff  }
0x26c: {  	v12 =	vld.idx.msk [tilespmem:v38+s25+$0x0], $0xffff;
	v0 =	vadd.f32 v4, v0;
	v4 =	vmul.f32 v15, v8;
	v8 =	vmul.f32 v13, v24  }
0x26d: {  	v13 =	vld.idx.msk [tilespmem:v38+s28+$0x0], $0xffff  }
0x26e: {  	v15 =	vld.idx.msk [tilespmem:v58+s25+$0x0], $0xffff;
	v0 =	vadd.f32 v4, v0;
	v4 =	vmul.f32 v46, v8;
	v8 =	vmul.f32 v11, v20  }
0x26f: {  	v11 =	vld.idx.msk [tilespmem:v58+s28+$0x0], $0xffff  }
0x270: {  	v16 =	vld.idx.msk [tilespmem:v53+s25+$0x0], $0xffff;
	v0 =	vadd.f32 v4, v0;
	v4 =	vmul.f32 v40, v8;
	v8 =	vmul.f32 v9, v17  }
0x271: {  	v9 =	vld.idx.msk [tilespmem:v53+s28+$0x0], $0xffff  }
0x272: {  	v17 =	vld.idx.msk [tilespmem:v43+s25+$0x0], $0xffff;
	v0 =	vadd.f32 v4, v0;
	v4 =	vmul.f32 v6, v8;
	v6 =	vmul.f32 v13, v12  }
0x273: {  	v8 =	vld.idx.msk [tilespmem:v43+s28+$0x0], $0xffff  }
0x274: {  	v0 =	vadd.f32 v4, v0;
	v3 =	vmul.f32 v3, v6;
	v4 =	vmul.f32 v11, v15;
	_ =	sdelay $0x1  }
0x275: {  	v0 =	vadd.f32 v3, v0;
	v3 =	vmul.f32 v55, v4;
	v4 =	vmul.f32 v9, v16;
	_ =	sdelay $0x1  }
0x276: {  	v0 =	vadd.f32 v3, v0;
	v3 =	vmul.f32 v45, v4;
	v4 =	vmul.f32 v8, v17  }
0x277: {  	v12 =	vld.idx.msk [tilespmem:v35+s25+$0x0], $0xffff  }
0x278: {  	v6 =	vld.idx.msk [tilespmem:v35+s28+$0x0], $0xffff;
	v0 =	vadd.f32 v3, v0;
	v3 =	vmul.f32 v37, v4;
	_ =	sdelay $0x1  }
0x279: {  	v0 =	vadd.f32 v3, v0;
	v3 =	vld [tilespmem:$0x1FB50];
	_ =	sdelay $0x2  }
0x27a: {  	v4 =	vmul.f32 v6, v12  }
0x27b: {  	v11 =	vld.idx.msk [tilespmem:v31+s25+$0x0], $0xffff  }
0x27c: {  	v9 =	vld.idx.msk [tilespmem:v31+s28+$0x0], $0xffff;
	v3 =	vmul.f32 v3, v4;
	_ =	sdelay $0x1  }
0x27d: {  	v0 =	vadd.f32 v3, v0;
	v3 =	vld [tilespmem:$0x1FB40];
	_ =	sdelay $0x2  }
0x27e: {  	v4 =	vmul.f32 v9, v11  }
0x27f: {  	v13 =	vld.idx.msk [tilespmem:v27+s25+$0x0], $0xffff  }
0x280: {  	v8 =	vld.idx.msk [tilespmem:v27+s28+$0x0], $0xffff;
	v3 =	vmul.f32 v3, v4;
	_ =	sdelay $0x1  }
0x281: {  	v0 =	vadd.f32 v3, v0;
	v3 =	vld [tilespmem:$0x1FB30];
	_ =	sdelay $0x2  }
0x282: {  	v4 =	vmul.f32 v8, v13  }
0x283: {  	v15 =	vld.idx.msk [tilespmem:v23+s25+$0x0], $0xffff  }
0x284: {  	v6 =	vld.idx.msk [tilespmem:v23+s28+$0x0], $0xffff;
	v3 =	vmul.f32 v3, v4;
	_ =	sdelay $0x1  }
0x285: {  	v0 =	vadd.f32 v3, v0;
	v3 =	vld [tilespmem:$0x1FB20];
	_ =	sdelay $0x2  }
0x286: {  	v4 =	vmul.f32 v6, v15  }
0x287: {  	v12 =	vld.idx.msk [tilespmem:v19+s25+$0x0], $0xffff  }
0x288: {  	v9 =	vld.idx.msk [tilespmem:v19+s28+$0x0], $0xffff;
	v3 =	vmul.f32 v3, v4;
	_ =	sdelay $0x1  }
0x289: {  	v0 =	vadd.f32 v3, v0;
	v3 =	vld [tilespmem:$0x1FB10];
	_ =	sdelay $0x2  }
0x28a: {  	v4 =	vmul.f32 v9, v12  }
0x28b: {  	v11 =	vld.idx.msk [tilespmem:v14+s25+$0x0], $0xffff  }
0x28c: {  	v8 =	vld.idx.msk [tilespmem:v14+s28+$0x0], $0xffff;
	v3 =	vmul.f32 v3, v4;
	_ =	sdelay $0x1  }
0x28d: {  	v0 =	vadd.f32 v3, v0;
	v3 =	vld [tilespmem:$0x1FB00];
	_ =	sdelay $0x2  }
0x28e: {  	v4 =	vmul.f32 v8, v11  }
0x28f: {  	v13 =	vld.idx.msk [tilespmem:v10+s25+$0x0], $0xffff  }
0x290: {  	v6 =	vld.idx.msk [tilespmem:v10+s28+$0x0], $0xffff;
	v3 =	vmul.f32 v3, v4;
	_ =	sdelay $0x1  }
0x291: {  	v0 =	vadd.f32 v3, v0;
	v3 =	vld [tilespmem:$0x1FAF0];
	_ =	sdelay $0x2  }
0x292: {  	v4 =	vmul.f32 v6, v13  }
0x293: {  	v10 =	vld.idx.msk [tilespmem:v5+s25+$0x0], $0xffff  }
0x294: {  	v5 =	vld.idx.msk [tilespmem:v5+s28+$0x0], $0xffff;
	v3 =	vmul.f32 v3, v4;
	_ =	sdelay $0x1  }
0x295: {  	v0 =	vadd.f32 v3, v0;
	v3 =	vld [tilespmem:$0x1FAE0];
	_ =	sdelay $0x2  }
0x296: {  	v4 =	vmul.f32 v5, v10  }
0x297: {  	v9 =	vld.idx.msk [tilespmem:v2+s25+$0x0], $0xffff  }
0x298: {  	v2 =	vld.idx.msk [tilespmem:v2+s28+$0x0], $0xffff;
	v3 =	vmul.f32 v3, v4;
	_ =	sdelay $0x1  }
0x299: {  	v0 =	vadd.f32 v3, v0;
	v3 =	vld [tilespmem:$0x1FAD0];
	_ =	sdelay $0x1  }
0x29a: {  	v8 =	vld.idx.msk [tilespmem:v1+s25+$0x0], $0xffff  }
0x29b: {  	v2 =	vmul.f32 v2, v9;
	v11 =	vld [tilespmem:$0x1FA70]  }
0x29c: {  	v1 =	vld.idx.msk [tilespmem:v1+s28+$0x0], $0xffff  }
0x29d: {  	v6 =	vld.idx.msk [tilespmem:v63+s25+$0x0], $0xffff;
	v2 =	vmul.f32 v3, v2  }
0x29e: {  	v5 =	vld.idx.msk [tilespmem:v63+s28+$0x0], $0xffff  }
0x29f: {  	v0 =	vadd.f32 v2, v0;
	v2 =	vld [tilespmem:$0x1FAC0];
	_ =	sdelay $0x2  }
0x2a0: {  	v1 =	vmul.f32 v1, v8  }
0x2a1: {  	v8 =	vld.idx.msk [tilespmem:v11+s25+$0x0], $0xffff  }
0x2a2: {  	v1 =	vmul.f32 v2, v1;
	v2 =	vmul.f32 v5, v6;
	v5 =	vld.idx.msk [tilespmem:v11+s28+$0x0], $0xffff  }
0x2a3: {  	v11 =	vld [tilespmem:$0x1FA50];
	_ =	sdelay $0x1  }
0x2a4: {  	v10 =	vld.idx.msk [tilespmem:v61+s25+$0x0], $0xffff  }
0x2a5: {  	v4 =	vld.idx.msk [tilespmem:v61+s28+$0x0], $0xffff  }
0x2a6: {  	v0 =	vadd.f32 v1, v0;
	v1 =	vld [tilespmem:$0x1FAB0];
	_ =	sdelay $0x3  }
0x2a7: {  	v6 =	vld.idx.msk [tilespmem:v11+s25+$0x0], $0xffff  }
0x2a8: {  	v1 =	vmul.f32 v1, v2;
	v2 =	vmul.f32 v4, v10;
	v4 =	vld.idx.msk [tilespmem:v11+s28+$0x0], $0xffff  }
0x2a9: {  	v11 =	vld [tilespmem:$0x1FA30];
	_ =	sdelay $0x1  }
0x2aa: {  	v9 =	vld.idx.msk [tilespmem:v52+s25+$0x0], $0xffff  }
0x2ab: {  	v3 =	vld.idx.msk [tilespmem:v52+s28+$0x0], $0xffff  }
0x2ac: {  	v0 =	vadd.f32 v1, v0;
	v1 =	vld [tilespmem:$0x1FAA0];
	_ =	sdelay $0x3  }
0x2ad: {  	v10 =	vld.idx.msk [tilespmem:v11+s25+$0x0], $0xffff  }
0x2ae: {  	v1 =	vmul.f32 v1, v2;
	v2 =	vmul.f32 v3, v9;
	v3 =	vld.idx.msk [tilespmem:v11+s28+$0x0], $0xffff  }
0x2af: {  	v11 =	vld [tilespmem:$0x1FA10]  }
0x2b0: {  	v0 =	vadd.f32 v1, v0;
	v1 =	vld [tilespmem:$0x1FA90];
	_ =	sdelay $0x4  }
0x2b1: {  	v1 =	vmul.f32 v1, v2;
	_ =	sdelay $0x1  }
0x2b2: {  	v0 =	vadd.f32 v1, v0;
	v1 =	vld [tilespmem:$0x1FA80]  }
0x2b3: {  	v9 =	vld.idx.msk [tilespmem:v11+s25+$0x0], $0xffff  }
0x2b4: {  	v2 =	vmul.f32 v5, v8;
	v5 =	vld.idx.msk [tilespmem:v11+s28+$0x0], $0xffff  }
0x2b5: {  	v11 =	vld [tilespmem:$0x1F9F0];
	_ =	sdelay $0x4  }
0x2b6: {  	v1 =	vmul.f32 v1, v2;
	_ =	sdelay $0x1  }
0x2b7: {  	v0 =	vadd.f32 v1, v0;
	v1 =	vld [tilespmem:$0x1FA60]  }
0x2b8: {  	v8 =	vld.idx.msk [tilespmem:v11+s25+$0x0], $0xffff  }
0x2b9: {  	v2 =	vmul.f32 v4, v6;
	v4 =	vld.idx.msk [tilespmem:v11+s28+$0x0], $0xffff  }
0x2ba: {  	v11 =	vld [tilespmem:$0x1F9D0];
	_ =	sdelay $0x4  }
0x2bb: {  	v1 =	vmul.f32 v1, v2;
	_ =	sdelay $0x1  }
0x2bc: {  	v0 =	vadd.f32 v1, v0;
	v1 =	vld [tilespmem:$0x1FA40]  }
0x2bd: {  	v6 =	vld.idx.msk [tilespmem:v11+s25+$0x0], $0xffff  }
0x2be: {  	v2 =	vmul.f32 v3, v10;
	v3 =	vld.idx.msk [tilespmem:v11+s28+$0x0], $0xffff  }
0x2bf: {  	v11 =	vld [tilespmem:$0x1F9B0];
	_ =	sdelay $0x4  }
0x2c0: {  	v1 =	vmul.f32 v1, v2;
	_ =	sdelay $0x1  }
0x2c1: {  	v0 =	vadd.f32 v1, v0;
	v1 =	vld [tilespmem:$0x1FA20]  }
0x2c2: {  	v10 =	vld.idx.msk [tilespmem:v11+s25+$0x0], $0xffff  }
0x2c3: {  	v2 =	vmul.f32 v5, v9;
	v5 =	vld.idx.msk [tilespmem:v11+s28+$0x0], $0xffff  }
0x2c4: {  	v11 =	vld [tilespmem:$0x1F990];
	_ =	sdelay $0x4  }
0x2c5: {  	v1 =	vmul.f32 v1, v2;
	_ =	sdelay $0x1  }
0x2c6: {  	v0 =	vadd.f32 v1, v0;
	v1 =	vld [tilespmem:$0x1FA00]  }
0x2c7: {  	v9 =	vld.idx.msk [tilespmem:v11+s25+$0x0], $0xffff  }
0x2c8: {  	v2 =	vmul.f32 v4, v8;
	v4 =	vld.idx.msk [tilespmem:v11+s28+$0x0], $0xffff  }
0x2c9: {  	v11 =	vld [tilespmem:$0x1F970];
	_ =	sdelay $0x4  }
0x2ca: {  	v1 =	vmul.f32 v1, v2;
	_ =	sdelay $0x1  }
0x2cb: {  	v0 =	vadd.f32 v1, v0;
	v1 =	vld [tilespmem:$0x1F9E0]  }
0x2cc: {  	v8 =	vld.idx.msk [tilespmem:v11+s25+$0x0], $0xffff  }
0x2cd: {  	v2 =	vmul.f32 v3, v6;
	v3 =	vld.idx.msk [tilespmem:v11+s28+$0x0], $0xffff  }
0x2ce: {  	v11 =	vld [tilespmem:$0x1F950];
	_ =	sdelay $0x1  }
0x2cf: {  	v1 =	vmul.f32 v1, v2;
	_ =	sdelay $0x1  }
0x2d0: {  	v0 =	vadd.f32 v1, v0;
	v1 =	vld [tilespmem:$0x1F9C0];
	_ =	sdelay $0x2  }
0x2d1: {  	v2 =	vmul.f32 v5, v10  }
0x2d2: {  	v6 =	vld.idx.msk [tilespmem:v11+s25+$0x0], $0xffff  }
0x2d3: {  	v1 =	vmul.f32 v1, v2;
	v5 =	vld.idx.msk [tilespmem:v11+s28+$0x0], $0xffff  }
0x2d4: {  	v11 =	vld [tilespmem:$0x1F930]  }
0x2d5: {  	v0 =	vadd.f32 v1, v0;
	v1 =	vld [tilespmem:$0x1F9A0];
	_ =	sdelay $0x2  }
0x2d6: {  	v2 =	vmul.f32 v4, v9;
	_ =	sdelay $0x1  }
0x2d7: {  	v1 =	vmul.f32 v1, v2;
	_ =	sdelay $0x1  }
0x2d8: {  	v0 =	vadd.f32 v1, v0;
	v1 =	vld [tilespmem:$0x1F980]  }
0x2d9: {  	v10 =	vld.idx.msk [tilespmem:v11+s25+$0x0], $0xffff  }
0x2da: {  	v4 =	vld.idx.msk [tilespmem:v11+s28+$0x0], $0xffff  }
0x2db: {  	v11 =	vld [tilespmem:$0x1F910];
	_ =	sdelay $0x2  }
0x2dc: {  	v2 =	vmul.f32 v3, v8;
	_ =	sdelay $0x1  }
0x2dd: {  	v1 =	vmul.f32 v1, v2;
	_ =	sdelay $0x1  }
0x2de: {  	v0 =	vadd.f32 v1, v0;
	v1 =	vld [tilespmem:$0x1F960]  }
0x2df: {  	v9 =	vld.idx.msk [tilespmem:v11+s25+$0x0], $0xffff  }
0x2e0: {  	v3 =	vld.idx.msk [tilespmem:v11+s28+$0x0], $0xffff  }
0x2e1: {  	v11 =	vld [tilespmem:$0x1F8F0];
	_ =	sdelay $0x2  }
0x2e2: {  	v2 =	vmul.f32 v5, v6;
	_ =	sdelay $0x1  }
0x2e3: {  	v1 =	vmul.f32 v1, v2;
	_ =	sdelay $0x1  }
0x2e4: {  	v0 =	vadd.f32 v1, v0;
	v1 =	vld [tilespmem:$0x1F940]  }
0x2e5: {  	v8 =	vld.idx.msk [tilespmem:v11+s25+$0x0], $0xffff  }
0x2e6: {  	v5 =	vld.idx.msk [tilespmem:v11+s28+$0x0], $0xffff  }
0x2e7: {  	v11 =	vld [tilespmem:$0x1F8D0];
	_ =	sdelay $0x2  }
0x2e8: {  	v2 =	vmul.f32 v4, v10;
	_ =	sdelay $0x1  }
0x2e9: {  	v1 =	vmul.f32 v1, v2;
	_ =	sdelay $0x1  }
0x2ea: {  	v0 =	vadd.f32 v1, v0;
	v1 =	vld [tilespmem:$0x1F920]  }
0x2eb: {  	v6 =	vld.idx.msk [tilespmem:v11+s25+$0x0], $0xffff  }
0x2ec: {  	v4 =	vld.idx.msk [tilespmem:v11+s28+$0x0], $0xffff  }
0x2ed: {  	v11 =	vld [tilespmem:$0x1F8B0];
	_ =	sdelay $0x2  }
0x2ee: {  	v2 =	vmul.f32 v3, v9;
	_ =	sdelay $0x1  }
0x2ef: {  	v1 =	vmul.f32 v1, v2;
	_ =	sdelay $0x1  }
0x2f0: {  	v0 =	vadd.f32 v1, v0;
	v1 =	vld [tilespmem:$0x1F900]  }
0x2f1: {  	v10 =	vld.idx.msk [tilespmem:v11+s25+$0x0], $0xffff  }
0x2f2: {  	v3 =	vld.idx.msk [tilespmem:v11+s28+$0x0], $0xffff  }
0x2f3: {  	v11 =	vld [tilespmem:$0x1F890];
	_ =	sdelay $0x2  }
0x2f4: {  	v2 =	vmul.f32 v5, v8;
	_ =	sdelay $0x1  }
0x2f5: {  	v1 =	vmul.f32 v1, v2;
	_ =	sdelay $0x1  }
0x2f6: {  	v0 =	vadd.f32 v1, v0;
	v1 =	vld [tilespmem:$0x1F8E0]  }
0x2f7: {  	v9 =	vld.idx.msk [tilespmem:v11+s25+$0x0], $0xffff  }
0x2f8: {  	v5 =	vld.idx.msk [tilespmem:v11+s28+$0x0], $0xffff  }
0x2f9: {  	v2 =	vmul.f32 v4, v6;
	v11 =	vld [tilespmem:$0x1F870];
	_ =	sdelay $0x1  }
0x2fa: {  	v1 =	vmul.f32 v1, v2;
	_ =	sdelay $0x1  }
0x2fb: {  	v0 =	vadd.f32 v1, v0;
	v1 =	vld [tilespmem:$0x1F8C0];
	_ =	sdelay $0x2  }
0x2fc: {  	v2 =	vmul.f32 v3, v10  }
0x2fd: {  	v8 =	vld.idx.msk [tilespmem:v11+s25+$0x0], $0xffff  }
0x2fe: {  	v1 =	vmul.f32 v1, v2;
	v4 =	vld.idx.msk [tilespmem:v11+s28+$0x0], $0xffff  }
0x2ff: {  	v11 =	vld [tilespmem:$0x1F850]  }
0x300: {  	v0 =	vadd.f32 v1, v0;
	v1 =	vld [tilespmem:$0x1F8A0];
	_ =	sdelay $0x2  }
0x301: {  	v2 =	vmul.f32 v5, v9;
	_ =	sdelay $0x1  }
0x302: {  	v1 =	vmul.f32 v1, v2;
	_ =	sdelay $0x1  }
0x303: {  	v0 =	vadd.f32 v1, v0;
	v1 =	vld [tilespmem:$0x1F880]  }
0x304: {  	v6 =	vld.idx.msk [tilespmem:v11+s25+$0x0], $0xffff  }
0x305: {  	v3 =	vld.idx.msk [tilespmem:v11+s28+$0x0], $0xffff  }
0x306: {  	v11 =	vld [tilespmem:$0x1F830];
	_ =	sdelay $0x2  }
0x307: {  	v2 =	vmul.f32 v4, v8;
	_ =	sdelay $0x1  }
0x308: {  	v1 =	vmul.f32 v1, v2;
	_ =	sdelay $0x1  }
0x309: {  	v0 =	vadd.f32 v1, v0;
	v1 =	vld [tilespmem:$0x1F860]  }
0x30a: {  	v10 =	vld.idx.msk [tilespmem:v11+s25+$0x0], $0xffff  }
0x30b: {  	v5 =	vld.idx.msk [tilespmem:v11+s28+$0x0], $0xffff  }
0x30c: {  	v11 =	vld [tilespmem:$0x1F810];
	_ =	sdelay $0x2  }
0x30d: {  	v2 =	vmul.f32 v3, v6;
	_ =	sdelay $0x1  }
0x30e: {  	v1 =	vmul.f32 v1, v2;
	_ =	sdelay $0x1  }
0x30f: {  	v0 =	vadd.f32 v1, v0;
	v1 =	vld [tilespmem:$0x1F840]  }
0x310: {  	v9 =	vld.idx.msk [tilespmem:v11+s25+$0x0], $0xffff  }
0x311: {  	v4 =	vld.idx.msk [tilespmem:v11+s28+$0x0], $0xffff  }
0x312: {  	v11 =	vld [tilespmem:$0x1F7F0];
	_ =	sdelay $0x2  }
0x313: {  	v2 =	vmul.f32 v5, v10;
	_ =	sdelay $0x1  }
0x314: {  	v1 =	vmul.f32 v1, v2;
	_ =	sdelay $0x1  }
0x315: {  	v0 =	vadd.f32 v1, v0;
	v1 =	vld [tilespmem:$0x1F820]  }
0x316: {  	v8 =	vld.idx.msk [tilespmem:v11+s25+$0x0], $0xffff  }
0x317: {  	v3 =	vld.idx.msk [tilespmem:v11+s28+$0x0], $0xffff  }
0x318: {  	v11 =	vld [tilespmem:$0x1F7C0];
	_ =	sdelay $0x2  }
0x319: {  	v2 =	vmul.f32 v4, v9;
	_ =	sdelay $0x1  }
0x31a: {  	v1 =	vmul.f32 v1, v2;
	_ =	sdelay $0x1  }
0x31b: {  	v0 =	vadd.f32 v1, v0;
	v1 =	vld [tilespmem:$0x1F800]  }
0x31c: {  	v6 =	vld.idx.msk [tilespmem:v11+s25+$0x0], $0xffff  }
0x31d: {  	v5 =	vld.idx.msk [tilespmem:v11+s28+$0x0], $0xffff  }
0x31e: {  	v11 =	vld [tilespmem:$0x1F7A0];
	_ =	sdelay $0x2  }
0x31f: {  	v2 =	vmul.f32 v3, v8;
	_ =	sdelay $0x1  }
0x320: {  	v1 =	vmul.f32 v1, v2;
	_ =	sdelay $0x1  }
0x321: {  	v0 =	vadd.f32 v1, v0;
	v1 =	vld [tilespmem:$0x1F7D0]  }
0x322: {  	v10 =	vld.idx.msk [tilespmem:v11+s25+$0x0], $0xffff  }
0x323: {  	v4 =	vld.idx.msk [tilespmem:v11+s28+$0x0], $0xffff  }
0x324: {  	v11 =	vld [tilespmem:$0x1F770];
	_ =	sdelay $0x2  }
0x325: {  	v2 =	vmul.f32 v5, v6;
	_ =	sdelay $0x1  }
0x326: {  	v1 =	vmul.f32 v1, v2;
	_ =	sdelay $0x1  }
0x327: {  	v0 =	vadd.f32 v1, v0;
	v1 =	vld [tilespmem:$0x1F7B0]  }
0x328: {  	v9 =	vld.idx.msk [tilespmem:v11+s25+$0x0], $0xffff  }
0x329: {  	v3 =	vld.idx.msk [tilespmem:v11+s28+$0x0], $0xffff  }
0x32a: {  	v2 =	vmul.f32 v4, v10;
	v11 =	vld [tilespmem:$0x1FFF0]  }
0x32b: {  	v12 =	vld [tilespmem:$0x1F740]  }
0x32c: {  	v1 =	vmul.f32 v1, v2;
	_ =	sdelay $0x1  }
0x32d: {  	v0 =	vadd.f32 v1, v0;
	v1 =	vld [tilespmem:$0x1F780]  }
0x32e: {  	v7 =	vor.u32 v11, v7;
	v11 =	vld [tilespmem:$0x1F710];
	_ =	sdelay $0x2  }
0x32f: {  	v2 =	vmul.f32 v3, v9  }
0x330: {  	v8 =	vld.idx.msk [tilespmem:v12+s25+$0x0], $0xffff  }
0x331: {  	v5 =	vld.idx.msk [tilespmem:v12+s28+$0x0], $0xffff;
	v1 =	vmul.f32 v1, v2;
	_ =	sdelay $0x1  }
0x332: {  	v0 =	vadd.f32 v1, v0;
	v1 =	vld [tilespmem:$0x1F750]  }
0x333: {  	v6 =	vld.idx.msk [tilespmem:v11+s25+$0x0], $0xffff  }
0x334: {  	v4 =	vld.idx.msk [tilespmem:v11+s28+$0x0], $0xffff  }
0x335: {  	v2 =	vmul.f32 v5, v8;
	v11 =	vld [tilespmem:$0x1F6E0];
	_ =	sdelay $0x1  }
0x336: {  	v1 =	vmul.f32 v1, v2;
	_ =	sdelay $0x1  }
0x337: {  	v0 =	vadd.f32 v1, v0;
	v1 =	vld [tilespmem:$0x1F720];
	_ =	sdelay $0x2  }
0x338: {  	v9 =	vld.idx.msk [tilespmem:v7+s25+$0x0], $0xffff;
	v2 =	vmul.f32 v4, v6  }
0x339: {  	v10 =	vld.idx.msk [tilespmem:v11+s25+$0x0], $0xffff  }
0x33a: {  	v3 =	vld.idx.msk [tilespmem:v11+s28+$0x0], $0xffff;
	v1 =	vmul.f32 v1, v2  }
0x33b: {  	v5 =	vld.idx.msk [tilespmem:v7+s28+$0x0], $0xffff  }
0x33c: {  	v0 =	vadd.f32 v1, v0;
	v1 =	vld [tilespmem:$0x1F6F0];
	_ =	sdelay $0x2  }
0x33d: {  	v2 =	vmul.f32 v3, v10;
	_ =	sdelay $0x1  }
0x33e: {  	v1 =	vmul.f32 v1, v2;
	v2 =	vmul.f32 v5, v9;
	v5 =	vld [tilespmem:$0x1FF40]  }
0x33f: {  	v4 =	vld.idx.msk [tilespmem:v7+s30+$0x0], $0xffff;
	_ =	sdelay $0x1  }
0x340: {  	v6 =	vmov s16  }
0x341: {  	v3 =	vshll.u32 v6, $0x7  }
0x342: {  	v7 =	vor.u32 v5, v3;
	v3 =	vld [tilespmem:$0x1FE80]  }
0x343: {  	v0 =	vadd.f32 v1, v0;
	v1 =	vmul.f32 v4, v2;
	_ =	sdelay $0x1  }
0x344: {  	v0 =	vadd.f32 v1, v0  }
0x345: {  	s11 =	sadd.s32 $0x10, s11  }
0x346: {  	[tilespmem:s11+$0x0] =	vst v0;
	v0 =	vld [tilespmem:$0x1FD20];
	v3 =	vor.u32 v3, v7;
	_ =	sdelay $0x3  }
0x347: {  	v59 =	vld [tilespmem:$0x1FD60]  }
0x348: {  	v6 =	vor.u32 v0, v7;
	v0 =	vld.idx.msk [tilespmem:v3+s30+$0x0], $0xffff;
	_ =	sdelay $0x4  }
0x349: {  	v4 =	vor.u32 v59, v7;
	[tilespmem:$0x1F6F0] =	vst v0;
	v0 =	vld [tilespmem:$0x1F700];
	_ =	sdelay $0x3  }
0x34a: {  	v2 =	vld [tilespmem:$0x1FD50]  }
0x34b: {  	[tilespmem:$0x1F6E0] =	vst v3;
	v3 =	vor.u32 v0, v7;
	v0 =	vld.idx.msk [tilespmem:v4+s30+$0x0], $0xffff;
	_ =	sdelay $0x4  }
0x34c: {  	v2 =	vor.u32 v2, v7;
	[tilespmem:$0x1F720] =	vst v0;
	v0 =	vld [tilespmem:$0x1F730];
	_ =	sdelay $0x3  }
0x34d: {  	v1 =	vld [tilespmem:$0x1F6D0]  }
0x34e: {  	[tilespmem:$0x1F710] =	vst v4;
	v4 =	vor.u32 v0, v7;
	v0 =	vld.idx.msk [tilespmem:v2+s30+$0x0], $0xffff;
	_ =	sdelay $0x4  }
0x34f: {  	v5 =	vor.u32 v1, v7;
	[tilespmem:$0x1F750] =	vst v0;
	v0 =	vld [tilespmem:$0x1F760];
	_ =	sdelay $0x3  }
0x350: {  	v1 =	vld [tilespmem:$0x1FD30]  }
0x351: {  	[tilespmem:$0x1F740] =	vst v2;
	v2 =	vor.u32 v0, v7;
	v0 =	vld.idx.msk [tilespmem:v5+s30+$0x0], $0xffff;
	_ =	sdelay $0x4  }
0x352: {  	v1 =	vor.u32 v1, v7;
	[tilespmem:$0x1F780] =	vst v0;
	v0 =	vld [tilespmem:$0x1F790];
	_ =	sdelay $0x4  }
0x353: {  	[tilespmem:$0x1F770] =	vst v5;
	v5 =	vor.u32 v0, v7;
	v0 =	vld.idx.msk [tilespmem:v1+s30+$0x0], $0xffff;
	_ =	sdelay $0x4  }
0x354: {  	[tilespmem:$0x1F7B0] =	vst v0;
	v0 =	vld [tilespmem:$0x1FCF0];
	_ =	sdelay $0x4  }
0x355: {  	[tilespmem:$0x1F7A0] =	vst v1;
	v1 =	vor.u32 v0, v7;
	v0 =	vld.idx.msk [tilespmem:v6+s30+$0x0], $0xffff;
	_ =	sdelay $0x4  }
0x356: {  	[tilespmem:$0x1F7D0] =	vst v0;
	v0 =	vld [tilespmem:$0x1F7E0];
	_ =	sdelay $0x4  }
0x357: {  	[tilespmem:$0x1F7C0] =	vst v6;
	v6 =	vor.u32 v0, v7;
	v0 =	vld.idx.msk [tilespmem:v3+s30+$0x0], $0xffff;
	_ =	sdelay $0x4  }
0x358: {  	[tilespmem:$0x1F800] =	vst v0;
	v0 =	vld [tilespmem:$0x1FCB0];
	_ =	sdelay $0x4  }
0x359: {  	[tilespmem:$0x1F7F0] =	vst v3;
	v3 =	vor.u32 v0, v7;
	v0 =	vld.idx.msk [tilespmem:v4+s30+$0x0], $0xffff;
	_ =	sdelay $0x4  }
0x35a: {  	[tilespmem:$0x1F820] =	vst v0;
	v0 =	vld [tilespmem:$0x1FCA0];
	_ =	sdelay $0x4  }
0x35b: {  	[tilespmem:$0x1F810] =	vst v4;
	v4 =	vor.u32 v0, v7;
	v0 =	vld.idx.msk [tilespmem:v2+s30+$0x0], $0xffff;
	_ =	sdelay $0x4  }
0x35c: {  	[tilespmem:$0x1F840] =	vst v0;
	v0 =	vld [tilespmem:$0x1FE60];
	_ =	sdelay $0x4  }
0x35d: {  	[tilespmem:$0x1F830] =	vst v2;
	v2 =	vor.u32 v0, v7;
	v0 =	vld.idx.msk [tilespmem:v5+s30+$0x0], $0xffff;
	_ =	sdelay $0x4  }
0x35e: {  	[tilespmem:$0x1F860] =	vst v0;
	v0 =	vld [tilespmem:$0x1FE50];
	_ =	sdelay $0x4  }
0x35f: {  	[tilespmem:$0x1F850] =	vst v5;
	v5 =	vor.u32 v0, v7;
	v0 =	vld.idx.msk [tilespmem:v1+s30+$0x0], $0xffff;
	_ =	sdelay $0x4  }
0x360: {  	[tilespmem:$0x1F880] =	vst v0;
	v0 =	vld [tilespmem:$0x1FE40];
	_ =	sdelay $0x4  }
0x361: {  	[tilespmem:$0x1F870] =	vst v1;
	v1 =	vor.u32 v0, v7;
	v0 =	vld.idx.msk [tilespmem:v6+s30+$0x0], $0xffff;
	_ =	sdelay $0x4  }
0x362: {  	[tilespmem:$0x1F8A0] =	vst v0;
	v0 =	vld [tilespmem:$0x1FE30];
	_ =	sdelay $0x4  }
0x363: {  	[tilespmem:$0x1F890] =	vst v6;
	v6 =	vor.u32 v0, v7;
	v0 =	vld.idx.msk [tilespmem:v3+s30+$0x0], $0xffff;
	_ =	sdelay $0x4  }
0x364: {  	[tilespmem:$0x1F8C0] =	vst v0;
	v0 =	vld [tilespmem:$0x1FE20];
	_ =	sdelay $0x4  }
0x365: {  	[tilespmem:$0x1F8B0] =	vst v3;
	v3 =	vor.u32 v0, v7;
	v0 =	vld.idx.msk [tilespmem:v4+s30+$0x0], $0xffff;
	_ =	sdelay $0x4  }
0x366: {  	[tilespmem:$0x1F8E0] =	vst v0;
	v0 =	vld [tilespmem:$0x1FE10];
	_ =	sdelay $0x4  }
0x367: {  	[tilespmem:$0x1F8D0] =	vst v4;
	v4 =	vor.u32 v0, v7;
	v0 =	vld.idx.msk [tilespmem:v2+s30+$0x0], $0xffff;
	_ =	sdelay $0x4  }
0x368: {  	[tilespmem:$0x1F900] =	vst v0;
	v0 =	vld [tilespmem:$0x1FE00];
	_ =	sdelay $0x4  }
0x369: {  	[tilespmem:$0x1F8F0] =	vst v2;
	v2 =	vor.u32 v0, v7;
	v0 =	vld.idx.msk [tilespmem:v5+s30+$0x0], $0xffff;
	_ =	sdelay $0x4  }
0x36a: {  	[tilespmem:$0x1F920] =	vst v0;
	v0 =	vld [tilespmem:$0x1FDF0];
	_ =	sdelay $0x4  }
0x36b: {  	[tilespmem:$0x1F910] =	vst v5;
	v5 =	vor.u32 v0, v7;
	v0 =	vld.idx.msk [tilespmem:v1+s30+$0x0], $0xffff;
	_ =	sdelay $0x4  }
0x36c: {  	[tilespmem:$0x1F940] =	vst v0;
	v0 =	vld [tilespmem:$0x1FDE0];
	_ =	sdelay $0x4  }
0x36d: {  	[tilespmem:$0x1F930] =	vst v1;
	v1 =	vor.u32 v0, v7;
	v0 =	vld.idx.msk [tilespmem:v6+s30+$0x0], $0xffff;
	_ =	sdelay $0x4  }
0x36e: {  	[tilespmem:$0x1F960] =	vst v0;
	v0 =	vld [tilespmem:$0x1FDD0];
	_ =	sdelay $0x4  }
0x36f: {  	[tilespmem:$0x1F950] =	vst v6;
	v6 =	vor.u32 v0, v7;
	v0 =	vld.idx.msk [tilespmem:v3+s30+$0x0], $0xffff;
	_ =	sdelay $0x4  }
0x370: {  	[tilespmem:$0x1F980] =	vst v0;
	v0 =	vld [tilespmem:$0x1FDC0];
	_ =	sdelay $0x4  }
0x371: {  	[tilespmem:$0x1F970] =	vst v3;
	v3 =	vor.u32 v0, v7;
	v0 =	vld.idx.msk [tilespmem:v4+s30+$0x0], $0xffff;
	_ =	sdelay $0x4  }
0x372: {  	[tilespmem:$0x1F9A0] =	vst v0;
	v0 =	vld [tilespmem:$0x1FC50];
	_ =	sdelay $0x4  }
0x373: {  	[tilespmem:$0x1F990] =	vst v4;
	v4 =	vor.u32 v0, v7;
	v0 =	vld.idx.msk [tilespmem:v2+s30+$0x0], $0xffff;
	_ =	sdelay $0x4  }
0x374: {  	[tilespmem:$0x1F9C0] =	vst v0;
	v0 =	vld [tilespmem:$0x1FC40];
	_ =	sdelay $0x4  }
0x375: {  	v8 =	vor.u32 v0, v7;
	v0 =	vld.idx.msk [tilespmem:v5+s30+$0x0], $0xffff;
	_ =	sdelay $0x4  }
0x376: {  	[tilespmem:$0x1F9E0] =	vst v0;
	v0 =	vld [tilespmem:$0x1FC30];
	_ =	sdelay $0x4  }
0x377: {  	v52 =	vor.u32 v0, v7;
	v0 =	vld.idx.msk [tilespmem:v1+s30+$0x0], $0xffff;
	_ =	sdelay $0x4  }
0x378: {  	[tilespmem:$0x1FA00] =	vst v0;
	v0 =	vld [tilespmem:$0x1FC20];
	_ =	sdelay $0x4  }
0x379: {  	v61 =	vor.u32 v0, v7;
	v0 =	vld.idx.msk [tilespmem:v6+s30+$0x0], $0xffff;
	_ =	sdelay $0x4  }
0x37a: {  	[tilespmem:$0x1FA20] =	vst v0;
	v0 =	vld [tilespmem:$0x1FC10];
	_ =	sdelay $0x4  }
0x37b: {  	v63 =	vor.u32 v0, v7;
	v0 =	vld.idx.msk [tilespmem:v3+s30+$0x0], $0xffff;
	_ =	sdelay $0x4  }
0x37c: {  	[tilespmem:$0x1FA40] =	vst v0;
	v0 =	vld [tilespmem:$0x1FC00];
	_ =	sdelay $0x4  }
0x37d: {  	[tilespmem:$0x1F9F0] =	vst v1;
	v1 =	vor.u32 v0, v7;
	v0 =	vld.idx.msk [tilespmem:v4+s30+$0x0], $0xffff;
	_ =	sdelay $0x4  }
0x37e: {  	[tilespmem:$0x1FA60] =	vst v0;
	v0 =	vld [tilespmem:$0x1FBF0];
	_ =	sdelay $0x4  }
0x37f: {  	[tilespmem:$0x1F9B0] =	vst v2;
	v2 =	vor.u32 v0, v7;
	v0 =	vld.idx.msk [tilespmem:v8+s30+$0x0], $0xffff;
	_ =	sdelay $0x4  }
0x380: {  	[tilespmem:$0x1FA80] =	vst v0;
	v0 =	vld [tilespmem:$0x1FBE0];
	_ =	sdelay $0x4  }
0x381: {  	[tilespmem:$0x1F9D0] =	vst v5;
	v5 =	vor.u32 v0, v7;
	v0 =	vld.idx.msk [tilespmem:v52+s30+$0x0], $0xffff;
	_ =	sdelay $0x4  }
0x382: {  	[tilespmem:$0x1FA90] =	vst v0;
	v0 =	vld [tilespmem:$0x1FBD0];
	_ =	sdelay $0x4  }
0x383: {  	v10 =	vor.u32 v0, v7;
	v0 =	vld.idx.msk [tilespmem:v61+s30+$0x0], $0xffff;
	_ =	sdelay $0x4  }
0x384: {  	[tilespmem:$0x1FAA0] =	vst v0;
	v0 =	vld [tilespmem:$0x1FBC0];
	_ =	sdelay $0x4  }
0x385: {  	v14 =	vor.u32 v0, v7;
	v0 =	vld.idx.msk [tilespmem:v63+s30+$0x0], $0xffff;
	_ =	sdelay $0x4  }
0x386: {  	[tilespmem:$0x1FAB0] =	vst v0;
	v0 =	vld [tilespmem:$0x1FBB0];
	_ =	sdelay $0x4  }
0x387: {  	v19 =	vor.u32 v0, v7;
	v0 =	vld.idx.msk [tilespmem:v1+s30+$0x0], $0xffff;
	_ =	sdelay $0x4  }
0x388: {  	[tilespmem:$0x1FAC0] =	vst v0;
	v0 =	vld [tilespmem:$0x1FBA0];
	_ =	sdelay $0x4  }
0x389: {  	v23 =	vor.u32 v0, v7;
	v0 =	vld.idx.msk [tilespmem:v2+s30+$0x0], $0xffff;
	_ =	sdelay $0x4  }
0x38a: {  	[tilespmem:$0x1FAD0] =	vst v0;
	v0 =	vld [tilespmem:$0x1FB90];
	_ =	sdelay $0x4  }
0x38b: {  	v27 =	vor.u32 v0, v7;
	v0 =	vld.idx.msk [tilespmem:v5+s30+$0x0], $0xffff;
	_ =	sdelay $0x4  }
0x38c: {  	[tilespmem:$0x1FAE0] =	vst v0;
	v0 =	vld [tilespmem:$0x1FB80];
	_ =	sdelay $0x4  }
0x38d: {  	v31 =	vor.u32 v0, v7;
	v0 =	vld.idx.msk [tilespmem:v10+s30+$0x0], $0xffff;
	_ =	sdelay $0x4  }
0x38e: {  	[tilespmem:$0x1FAF0] =	vst v0;
	v0 =	vld [tilespmem:$0x1FB70];
	_ =	sdelay $0x4  }
0x38f: {  	v35 =	vor.u32 v0, v7;
	v0 =	vld.idx.msk [tilespmem:v14+s30+$0x0], $0xffff;
	_ =	sdelay $0x4  }
0x390: {  	[tilespmem:$0x1FB00] =	vst v0;
	v0 =	vld [tilespmem:$0x1FB60];
	_ =	sdelay $0x4  }
0x391: {  	v43 =	vor.u32 v0, v7;
	v0 =	vld.idx.msk [tilespmem:v19+s30+$0x0], $0xffff;
	_ =	sdelay $0x4  }
0x392: {  	[tilespmem:$0x1FB10] =	vst v0;
	v0 =	vld [tilespmem:$0x1FFA0];
	_ =	sdelay $0x4  }
0x393: {  	v53 =	vor.u32 v0, v7;
	v0 =	vld.idx.msk [tilespmem:v23+s30+$0x0], $0xffff;
	_ =	sdelay $0x4  }
0x394: {  	[tilespmem:$0x1FB20] =	vst v0;
	v0 =	vld [tilespmem:$0x1FF80];
	_ =	sdelay $0x4  }
0x395: {  	v58 =	vor.u32 v0, v7;
	v0 =	vld.idx.msk [tilespmem:v27+s30+$0x0], $0xffff;
	_ =	sdelay $0x4  }
0x396: {  	[tilespmem:$0x1FB30] =	vst v0;
	v0 =	vld [tilespmem:$0x1FF60];
	_ =	sdelay $0x4  }
0x397: {  	v38 =	vor.u32 v0, v7;
	v0 =	vld.idx.msk [tilespmem:v31+s30+$0x0], $0xffff;
	_ =	sdelay $0x4  }
0x398: {  	[tilespmem:$0x1FB40] =	vst v0;
	v0 =	vld [tilespmem:$0x1FEF0];
	_ =	sdelay $0x4  }
0x399: {  	v9 =	vor.u32 v0, v7;
	v0 =	vld.idx.msk [tilespmem:v35+s30+$0x0], $0xffff;
	_ =	sdelay $0x4  }
0x39a: {  	[tilespmem:$0x1FB50] =	vst v0;
	v0 =	vld [tilespmem:$0x1FEE0];
	_ =	sdelay $0x4  }
0x39b: {  	v11 =	vor.u32 v0, v7;
	v0 =	vld [tilespmem:$0x1FE90];
	_ =	sdelay $0x4  }
0x39c: {  	v13 =	vor.u32 v0, v7;
	v0 =	vld [tilespmem:$0x1FEA0];
	_ =	sdelay $0x4  }
0x39d: {  	v47 =	vor.u32 v0, v7;
	v0 =	vld [tilespmem:$0x1FEB0];
	_ =	sdelay $0x4  }
0x39e: {  	v51 =	vor.u32 v0, v7;
	v0 =	vld [tilespmem:$0x1FED0];
	_ =	sdelay $0x4  }
0x39f: {  	v20 =	vor.u32 v0, v7;
	v0 =	vld [tilespmem:$0x1FEC0];
	_ =	sdelay $0x4  }
0x3a0: {  	v22 =	vor.u32 v0, v7;
	v0 =	vld [tilespmem:$0x1FF00];
	_ =	sdelay $0x4  }
0x3a1: {  	v24 =	vor.u32 v0, v7;
	v0 =	vld [tilespmem:$0x1FF10];
	_ =	sdelay $0x4  }
0x3a2: {  	v28 =	vor.u32 v0, v7;
	v0 =	vld [tilespmem:$0x1FF20];
	_ =	sdelay $0x4  }
0x3a3: {  	v30 =	vor.u32 v0, v7;
	v0 =	vld [tilespmem:$0x1FF30];
	_ =	sdelay $0x3  }
0x3a4: {  	[tilespmem:$0x1FA70] =	vst v8;
	v8 =	vld [tilespmem:$0x1FFD0]  }
0x3a5: {  	[tilespmem:$0x1FA50] =	vst v4;
	v4 =	vor.u32 v0, v7;
	v0 =	vld [tilespmem:$0x1FF50];
	_ =	sdelay $0x3  }
0x3a6: {  	v17 =	vor.u32 v8, v7;
	v8 =	vld [tilespmem:$0x1FFE0]  }
0x3a7: {  	v34 =	vor.u32 v0, v7;
	v0 =	vld [tilespmem:$0x1FF70]  }
0x3a8: {  	v37 =	vld.idx.msk [tilespmem:v43+s30+$0x0], $0xffff  }
0x3a9: {  	v45 =	vld.idx.msk [tilespmem:v53+s30+$0x0], $0xffff  }
0x3aa: {  	v55 =	vld.idx.msk [tilespmem:v58+s30+$0x0], $0xffff  }
0x3ab: {  	[tilespmem:$0x1FA30] =	vst v3;
	v3 =	vld.idx.msk [tilespmem:v38+s30+$0x0], $0xffff  }
0x3ac: {  	v36 =	vor.u32 v0, v7;
	v0 =	vld [tilespmem:$0x1FF90]  }
0x3ad: {  	[tilespmem:$0x1FA10] =	vst v6;
	v6 =	vld.idx.msk [tilespmem:v9+s30+$0x0], $0xffff  }
0x3ae: {  	v40 =	vld.idx.msk [tilespmem:v11+s30+$0x0], $0xffff  }
0x3af: {  	v46 =	vld.idx.msk [tilespmem:v13+s30+$0x0], $0xffff  }
0x3b0: {  	v15 =	vld.idx.msk [tilespmem:v47+s30+$0x0], $0xffff  }
0x3b1: {  	v42 =	vor.u32 v0, v7;
	v0 =	vld [tilespmem:$0x1FFB0]  }
0x3b2: {  	v16 =	vld.idx.msk [tilespmem:v51+s30+$0x0], $0xffff  }
0x3b3: {  	v18 =	vld.idx.msk [tilespmem:v20+s30+$0x0], $0xffff  }
0x3b4: {  	v57 =	vld.idx.msk [tilespmem:v22+s30+$0x0], $0xffff  }
0x3b5: {  	v62 =	vld.idx.msk [tilespmem:v24+s30+$0x0], $0xffff  }
0x3b6: {  	p0 =	sne.s32 s16, $0x70;
	v12 =	vor.u32 v0, v7;
	v0 =	vld [tilespmem:$0x1FFC0]  }
.Ltmp1:
0x3b7: {  	v26 =	vld.idx.msk [tilespmem:v28+s30+$0x0], $0xffff;
	(pc) =	sbr.rel @p0 .LBB2_5-.Ltmp1, $4  }
0x3b8: {  	v60 =	vld.idx.msk [tilespmem:v30+s30+$0x0], $0xffff  }
0x3b9: {  	v32 =	vld.idx.msk [tilespmem:v34+s30+$0x0], $0xffff  }
0x3ba: {  	v50 =	vor.u32 v8, v7;
	v8 =	vld.idx.msk [tilespmem:v36+s30+$0x0], $0xffff  }
0x3bb: {  	s16 =	sadd.s32 $0x10, s16;
	v44 =	vor.u32 v0, v7;
	v0 =	vld.idx.msk [tilespmem:v4+s30+$0x0], $0xffff  }
0x3bc: {  	_ =	sdelay $0x2  }
0x3bd: {  	v21 =	vlaneseq.u32  }
0x3be: {  	v33 =	vld.idx.msk [tilespmem:v50+s30+$0x0], $0xffff;
	v21 =	vor.u32 v21, v7  }
0x3bf: {  	v39 =	vld.idx.msk [tilespmem:v50+s25+$0x0], $0xffff  }
0x3c0: {  	v41 =	vld.idx.msk [tilespmem:v50+s28+$0x0], $0xffff  }
0x3c1: {  	v48 =	vld.idx.msk [tilespmem:v17+s30+$0x0], $0xffff  }
0x3c2: {  	v49 =	vld.idx.msk [tilespmem:v17+s25+$0x0], $0xffff  }
0x3c3: {  	v25 =	vld.idx.msk [tilespmem:v21+s30+$0x0], $0xffff  }
0x3c4: {  	v29 =	vld.idx.msk [tilespmem:v21+s28+$0x0], $0xffff  }
0x3c5: {  	v21 =	vld.idx.msk [tilespmem:v21+s25+$0x0], $0xffff  }
0x3c6: {  	v17 =	vld.idx.msk [tilespmem:v17+s28+$0x0], $0xffff  }
0x3c7: {  	v50 =	vld.idx.msk [tilespmem:v44+s30+$0x0], $0xffff  }
0x3c8: {  	v54 =	vld.idx.msk [tilespmem:v44+s25+$0x0], $0xffff  }
0x3c9: {  	v44 =	vld.idx.msk [tilespmem:v44+s28+$0x0], $0xffff  }
0x3ca: {  	v56 =	vld.idx.msk [tilespmem:v12+s25+$0x0], $0xffff;
	v21 =	vmul.f32 v29, v21  }
0x3cb: {  	v17 =	vmul.f32 v17, v49;
	v49 =	vld.idx.msk [tilespmem:v36+s28+$0x0], $0xffff  }
0x3cc: {  	v29 =	vld.idx.msk [tilespmem:v12+s30+$0x0], $0xffff;
	v21 =	vmul.f32 v25, v21;
	v25 =	vmul.f32 v41, v39  }
0x3cd: {  	v12 =	vld.idx.msk [tilespmem:v12+s28+$0x0], $0xffff  }
0x3ce: {  	v41 =	vld.idx.msk [tilespmem:v42+s28+$0x0], $0xffff;
	v25 =	vmul.f32 v33, v25;
	v21 =	vadd.f32 $0.0e+00, v21  }
0x3cf: {  	v33 =	vld.idx.msk [tilespmem:v42+s25+$0x0], $0xffff  }
0x3d0: {  	v17 =	vmul.f32 v48, v17;
	v48 =	vld.idx.msk [tilespmem:v36+s25+$0x0], $0xffff;
	v21 =	vadd.f32 v25, v21;
	v25 =	vmul.f32 v44, v54  }
0x3d1: {  	v39 =	vld.idx.msk [tilespmem:v42+s30+$0x0], $0xffff  }
0x3d2: {  	v12 =	vmul.f32 v12, v56;
	v54 =	vld.idx.msk [tilespmem:v34+s28+$0x0], $0xffff;
	v17 =	vadd.f32 v17, v21;
	v21 =	vmul.f32 v50, v25  }
0x3d3: {  	v25 =	vld.idx.msk [tilespmem:v34+s25+$0x0], $0xffff  }
0x3d4: {  	v12 =	vmul.f32 v29, v12;
	v29 =	vld.idx.msk [tilespmem:v4+s25+$0x0], $0xffff;
	v17 =	vadd.f32 v21, v17;
	v21 =	vmul.f32 v41, v33  }
0x3d5: {  	v4 =	vld.idx.msk [tilespmem:v4+s28+$0x0], $0xffff  }
0x3d6: {  	v56 =	vld.idx.msk [tilespmem:v30+s25+$0x0], $0xffff;
	v12 =	vadd.f32 v12, v17;
	v17 =	vmul.f32 v39, v21;
	v21 =	vmul.f32 v49, v48  }
0x3d7: {  	v30 =	vld.idx.msk [tilespmem:v30+s28+$0x0], $0xffff  }
0x3d8: {  	v12 =	vadd.f32 v17, v12;
	v8 =	vmul.f32 v8, v21;
	v17 =	vmul.f32 v54, v25;
	v21 =	vld.idx.msk [tilespmem:v28+s25+$0x0], $0xffff  }
0x3d9: {  	v25 =	vld.idx.msk [tilespmem:v28+s28+$0x0], $0xffff  }
0x3da: {  	v4 =	vmul.f32 v4, v29;
	v8 =	vadd.f32 v8, v12;
	v12 =	vmul.f32 v32, v17;
	v17 =	vld.idx.msk [tilespmem:v24+s25+$0x0], $0xffff  }
0x3db: {  	v24 =	vld.idx.msk [tilespmem:v24+s28+$0x0], $0xffff  }
0x3dc: {  	v0 =	vmul.f32 v0, v4;
	v4 =	vmul.f32 v30, v56;
	v8 =	vadd.f32 v12, v8;
	v12 =	vld.idx.msk [tilespmem:v22+s25+$0x0], $0xffff  }
0x3dd: {  	v22 =	vld.idx.msk [tilespmem:v22+s28+$0x0], $0xffff  }
0x3de: {  	v4 =	vmul.f32 v60, v4;
	v0 =	vadd.f32 v0, v8;
	v8 =	vmul.f32 v25, v21;
	v21 =	vld.idx.msk [tilespmem:v20+s25+$0x0], $0xffff  }
0x3df: {  	v20 =	vld.idx.msk [tilespmem:v20+s28+$0x0], $0xffff  }
0x3e0: {  	v0 =	vadd.f32 v4, v0;
	v4 =	vmul.f32 v26, v8;
	v8 =	vmul.f32 v24, v17;
	v17 =	vld.idx.msk [tilespmem:v51+s25+$0x0], $0xffff  }
0x3e1: {  	v24 =	vld.idx.msk [tilespmem:v51+s28+$0x0], $0xffff  }
0x3e2: {  	v0 =	vadd.f32 v4, v0;
	v4 =	vmul.f32 v62, v8;
	v8 =	vmul.f32 v22, v12;
	v12 =	vld.idx.msk [tilespmem:v47+s25+$0x0], $0xffff  }
0x3e3: {  	v22 =	vld.idx.msk [tilespmem:v47+s28+$0x0], $0xffff  }
0x3e4: {  	v0 =	vadd.f32 v4, v0;
	v4 =	vmul.f32 v57, v8;
	v8 =	vmul.f32 v20, v21;
	v20 =	vld.idx.msk [tilespmem:v13+s25+$0x0], $0xffff  }
0x3e5: {  	v13 =	vld.idx.msk [tilespmem:v13+s28+$0x0], $0xffff  }
0x3e6: {  	v0 =	vadd.f32 v4, v0;
	v4 =	vmul.f32 v18, v8;
	v8 =	vmul.f32 v24, v17;
	v17 =	vld.idx.msk [tilespmem:v11+s25+$0x0], $0xffff  }
0x3e7: {  	v11 =	vld.idx.msk [tilespmem:v11+s28+$0x0], $0xffff  }
0x3e8: {  	v0 =	vadd.f32 v4, v0;
	v4 =	vmul.f32 v16, v8;
	v8 =	vmul.f32 v22, v12;
	v12 =	vld.idx.msk [tilespmem:v9+s25+$0x0], $0xffff  }
0x3e9: {  	v9 =	vld.idx.msk [tilespmem:v9+s28+$0x0], $0xffff  }
0x3ea: {  	v0 =	vadd.f32 v4, v0;
	v4 =	vmul.f32 v15, v8;
	v8 =	vmul.f32 v13, v20;
	v13 =	vld.idx.msk [tilespmem:v38+s25+$0x0], $0xffff  }
0x3eb: {  	v15 =	vld.idx.msk [tilespmem:v38+s28+$0x0], $0xffff  }
0x3ec: {  	v16 =	vld.idx.msk [tilespmem:v58+s28+$0x0], $0xffff;
	v0 =	vadd.f32 v4, v0;
	v4 =	vmul.f32 v46, v8;
	v8 =	vmul.f32 v11, v17  }
0x3ed: {  	v11 =	vld.idx.msk [tilespmem:v58+s25+$0x0], $0xffff  }
0x3ee: {  	v0 =	vadd.f32 v4, v0;
	v4 =	vmul.f32 v40, v8;
	v8 =	vmul.f32 v9, v12;
	v9 =	vld.idx.msk [tilespmem:v53+s25+$0x0], $0xffff  }
0x3ef: {  	v12 =	vld.idx.msk [tilespmem:v53+s28+$0x0], $0xffff  }
0x3f0: {  	v0 =	vadd.f32 v4, v0;
	v4 =	vmul.f32 v6, v8;
	v6 =	vmul.f32 v15, v13;
	v8 =	vld.idx.msk [tilespmem:v43+s25+$0x0], $0xffff  }
0x3f1: {  	v13 =	vld.idx.msk [tilespmem:v43+s28+$0x0], $0xffff  }
0x3f2: {  	v0 =	vadd.f32 v4, v0;
	v3 =	vmul.f32 v3, v6;
	v4 =	vmul.f32 v16, v11;
	_ =	sdelay $0x1  }
0x3f3: {  	v0 =	vadd.f32 v3, v0;
	v3 =	vmul.f32 v55, v4;
	v4 =	vmul.f32 v12, v9;
	_ =	sdelay $0x1  }
0x3f4: {  	v0 =	vadd.f32 v3, v0;
	v3 =	vmul.f32 v45, v4;
	v4 =	vmul.f32 v13, v8  }
0x3f5: {  	v6 =	vld.idx.msk [tilespmem:v35+s25+$0x0], $0xffff  }
0x3f6: {  	v11 =	vld.idx.msk [tilespmem:v35+s28+$0x0], $0xffff;
	v0 =	vadd.f32 v3, v0;
	v3 =	vmul.f32 v37, v4;
	_ =	sdelay $0x1  }
0x3f7: {  	v0 =	vadd.f32 v3, v0;
	v3 =	vld [tilespmem:$0x1FB50];
	_ =	sdelay $0x2  }
0x3f8: {  	v4 =	vmul.f32 v11, v6  }
0x3f9: {  	v9 =	vld.idx.msk [tilespmem:v31+s25+$0x0], $0xffff  }
0x3fa: {  	v12 =	vld.idx.msk [tilespmem:v31+s28+$0x0], $0xffff;
	v3 =	vmul.f32 v3, v4;
	_ =	sdelay $0x1  }
0x3fb: {  	v0 =	vadd.f32 v3, v0;
	v3 =	vld [tilespmem:$0x1FB40];
	_ =	sdelay $0x2  }
0x3fc: {  	v4 =	vmul.f32 v12, v9  }
0x3fd: {  	v8 =	vld.idx.msk [tilespmem:v27+s25+$0x0], $0xffff  }
0x3fe: {  	v13 =	vld.idx.msk [tilespmem:v27+s28+$0x0], $0xffff;
	v3 =	vmul.f32 v3, v4;
	_ =	sdelay $0x1  }
0x3ff: {  	v0 =	vadd.f32 v3, v0;
	v3 =	vld [tilespmem:$0x1FB30];
	_ =	sdelay $0x2  }
0x400: {  	v4 =	vmul.f32 v13, v8  }
0x401: {  	v6 =	vld.idx.msk [tilespmem:v23+s25+$0x0], $0xffff  }
0x402: {  	v11 =	vld.idx.msk [tilespmem:v23+s28+$0x0], $0xffff;
	v3 =	vmul.f32 v3, v4;
	_ =	sdelay $0x1  }
0x403: {  	v0 =	vadd.f32 v3, v0;
	v3 =	vld [tilespmem:$0x1FB20];
	_ =	sdelay $0x2  }
0x404: {  	v4 =	vmul.f32 v11, v6  }
0x405: {  	v9 =	vld.idx.msk [tilespmem:v19+s25+$0x0], $0xffff  }
0x406: {  	v12 =	vld.idx.msk [tilespmem:v19+s28+$0x0], $0xffff;
	v3 =	vmul.f32 v3, v4;
	_ =	sdelay $0x1  }
0x407: {  	v0 =	vadd.f32 v3, v0;
	v3 =	vld [tilespmem:$0x1FB10];
	_ =	sdelay $0x2  }
0x408: {  	v4 =	vmul.f32 v12, v9  }
0x409: {  	v8 =	vld.idx.msk [tilespmem:v14+s25+$0x0], $0xffff  }
0x40a: {  	v13 =	vld.idx.msk [tilespmem:v14+s28+$0x0], $0xffff;
	v3 =	vmul.f32 v3, v4;
	_ =	sdelay $0x1  }
0x40b: {  	v0 =	vadd.f32 v3, v0;
	v3 =	vld [tilespmem:$0x1FB00];
	_ =	sdelay $0x2  }
0x40c: {  	v4 =	vmul.f32 v13, v8  }
0x40d: {  	v6 =	vld.idx.msk [tilespmem:v10+s25+$0x0], $0xffff  }
0x40e: {  	v10 =	vld.idx.msk [tilespmem:v10+s28+$0x0], $0xffff;
	v3 =	vmul.f32 v3, v4;
	_ =	sdelay $0x1  }
0x40f: {  	v0 =	vadd.f32 v3, v0;
	v3 =	vld [tilespmem:$0x1FAF0];
	_ =	sdelay $0x2  }
0x410: {  	v4 =	vmul.f32 v10, v6  }
0x411: {  	v9 =	vld.idx.msk [tilespmem:v5+s25+$0x0], $0xffff  }
0x412: {  	v5 =	vld.idx.msk [tilespmem:v5+s28+$0x0], $0xffff;
	v3 =	vmul.f32 v3, v4;
	_ =	sdelay $0x1  }
0x413: {  	v0 =	vadd.f32 v3, v0;
	v3 =	vld [tilespmem:$0x1FAE0];
	_ =	sdelay $0x2  }
0x414: {  	v4 =	vmul.f32 v5, v9  }
0x415: {  	v8 =	vld.idx.msk [tilespmem:v2+s25+$0x0], $0xffff  }
0x416: {  	v2 =	vld.idx.msk [tilespmem:v2+s28+$0x0], $0xffff;
	v3 =	vmul.f32 v3, v4;
	_ =	sdelay $0x1  }
0x417: {  	v0 =	vadd.f32 v3, v0;
	v3 =	vld [tilespmem:$0x1FAD0];
	_ =	sdelay $0x2  }
0x418: {  	v2 =	vmul.f32 v2, v8  }
0x419: {  	v6 =	vld.idx.msk [tilespmem:v1+s25+$0x0], $0xffff  }
0x41a: {  	v1 =	vld.idx.msk [tilespmem:v1+s28+$0x0], $0xffff;
	v2 =	vmul.f32 v3, v2;
	_ =	sdelay $0x1  }
0x41b: {  	v0 =	vadd.f32 v2, v0;
	v2 =	vld [tilespmem:$0x1FAC0];
	_ =	sdelay $0x1  }
0x41c: {  	v5 =	vld.idx.msk [tilespmem:v63+s25+$0x0], $0xffff  }
0x41d: {  	v1 =	vmul.f32 v1, v6;
	v9 =	vld.idx.msk [tilespmem:v63+s28+$0x0], $0xffff;
	_ =	sdelay $0x1  }
0x41e: {  	v8 =	vld.idx.msk [tilespmem:v61+s28+$0x0], $0xffff;
	v1 =	vmul.f32 v2, v1  }
0x41f: {  	v4 =	vld.idx.msk [tilespmem:v61+s25+$0x0], $0xffff  }
0x420: {  	v0 =	vadd.f32 v1, v0;
	v1 =	vld [tilespmem:$0x1FAB0]  }
0x421: {  	v2 =	vmul.f32 v9, v5;
	v9 =	vld [tilespmem:$0x1FA70]  }
0x422: {  	v11 =	vld [tilespmem:$0x1FAA0];
	_ =	sdelay $0x1  }
0x423: {  	v10 =	vld [tilespmem:$0x1FA30]  }
0x424: {  	v6 =	vld.idx.msk [tilespmem:v52+s28+$0x0], $0xffff;
	v1 =	vmul.f32 v1, v2;
	v2 =	vmul.f32 v8, v4  }
0x425: {  	v3 =	vld.idx.msk [tilespmem:v52+s25+$0x0], $0xffff  }
0x426: {  	v2 =	vmul.f32 v11, v2;
	v11 =	vld [tilespmem:$0x1FA10]  }
0x427: {  	v8 =	vld [tilespmem:$0x1FA50]  }
0x428: {  	v5 =	vld.idx.msk [tilespmem:v9+s25+$0x0], $0xffff;
	v0 =	vadd.f32 v1, v0  }
0x429: {  	v9 =	vld.idx.msk [tilespmem:v9+s28+$0x0], $0xffff  }
0x42a: {  	v0 =	vadd.f32 v2, v0;
	v2 =	vld [tilespmem:$0x1FA90];
	_ =	sdelay $0x1  }
0x42b: {  	v3 =	vmul.f32 v6, v3;
	v6 =	vld.idx.msk [tilespmem:v10+s28+$0x0], $0xffff  }
0x42c: {  	v1 =	vld.idx.msk [tilespmem:v10+s25+$0x0], $0xffff  }
0x42d: {  	v10 =	vld.idx.msk [tilespmem:v11+s25+$0x0], $0xffff  }
0x42e: {  	v2 =	vmul.f32 v2, v3;
	v3 =	vmul.f32 v9, v5;
	v5 =	vld.idx.msk [tilespmem:v11+s28+$0x0], $0xffff  }
0x42f: {  	v11 =	vld [tilespmem:$0x1F9F0];
	_ =	sdelay $0x1  }
0x430: {  	v4 =	vld.idx.msk [tilespmem:v8+s25+$0x0], $0xffff  }
0x431: {  	v8 =	vld.idx.msk [tilespmem:v8+s28+$0x0], $0xffff  }
0x432: {  	v0 =	vadd.f32 v2, v0;
	v2 =	vld [tilespmem:$0x1FA80];
	_ =	sdelay $0x3  }
0x433: {  	v9 =	vld.idx.msk [tilespmem:v11+s25+$0x0], $0xffff  }
0x434: {  	v2 =	vmul.f32 v2, v3;
	v3 =	vmul.f32 v8, v4;
	v4 =	vld.idx.msk [tilespmem:v11+s28+$0x0], $0xffff  }
0x435: {  	v11 =	vld [tilespmem:$0x1F9D0];
	_ =	sdelay $0x3  }
0x436: {  	v0 =	vadd.f32 v2, v0;
	v2 =	vld [tilespmem:$0x1FA60];
	_ =	sdelay $0x3  }
0x437: {  	v8 =	vld.idx.msk [tilespmem:v11+s25+$0x0], $0xffff  }
0x438: {  	v2 =	vmul.f32 v2, v3;
	v3 =	vld.idx.msk [tilespmem:v11+s28+$0x0], $0xffff  }
0x439: {  	v11 =	vld [tilespmem:$0x1F9B0];
	_ =	sdelay $0x3  }
0x43a: {  	v0 =	vadd.f32 v2, v0;
	v2 =	vld [tilespmem:$0x1FA40];
	_ =	sdelay $0x2  }
0x43b: {  	v1 =	vmul.f32 v6, v1  }
0x43c: {  	v6 =	vld.idx.msk [tilespmem:v11+s25+$0x0], $0xffff  }
0x43d: {  	v1 =	vmul.f32 v2, v1;
	v2 =	vmul.f32 v5, v10;
	v5 =	vld.idx.msk [tilespmem:v11+s28+$0x0], $0xffff  }
0x43e: {  	v11 =	vld [tilespmem:$0x1F990];
	_ =	sdelay $0x3  }
0x43f: {  	v0 =	vadd.f32 v1, v0;
	v1 =	vld [tilespmem:$0x1FA20];
	_ =	sdelay $0x3  }
0x440: {  	v10 =	vld.idx.msk [tilespmem:v11+s25+$0x0], $0xffff  }
0x441: {  	v1 =	vmul.f32 v1, v2;
	v2 =	vmul.f32 v4, v9;
	v4 =	vld.idx.msk [tilespmem:v11+s28+$0x0], $0xffff  }
0x442: {  	v11 =	vld [tilespmem:$0x1F970];
	_ =	sdelay $0x3  }
0x443: {  	v0 =	vadd.f32 v1, v0;
	v1 =	vld [tilespmem:$0x1FA00];
	_ =	sdelay $0x3  }
0x444: {  	v9 =	vld.idx.msk [tilespmem:v11+s25+$0x0], $0xffff  }
0x445: {  	v1 =	vmul.f32 v1, v2;
	v2 =	vmul.f32 v3, v8;
	v3 =	vld.idx.msk [tilespmem:v11+s28+$0x0], $0xffff  }
0x446: {  	v11 =	vld [tilespmem:$0x1F950];
	_ =	sdelay $0x3  }
0x447: {  	v0 =	vadd.f32 v1, v0;
	v1 =	vld [tilespmem:$0x1F9E0];
	_ =	sdelay $0x3  }
0x448: {  	v8 =	vld.idx.msk [tilespmem:v11+s25+$0x0], $0xffff  }
0x449: {  	v1 =	vmul.f32 v1, v2;
	v2 =	vmul.f32 v5, v6;
	v5 =	vld.idx.msk [tilespmem:v11+s28+$0x0], $0xffff  }
0x44a: {  	v11 =	vld [tilespmem:$0x1F930];
	_ =	sdelay $0x3  }
0x44b: {  	v0 =	vadd.f32 v1, v0;
	v1 =	vld [tilespmem:$0x1F9C0];
	_ =	sdelay $0x3  }
0x44c: {  	v6 =	vld.idx.msk [tilespmem:v11+s25+$0x0], $0xffff  }
0x44d: {  	v1 =	vmul.f32 v1, v2;
	v2 =	vmul.f32 v4, v10;
	v4 =	vld.idx.msk [tilespmem:v11+s28+$0x0], $0xffff  }
0x44e: {  	v11 =	vld [tilespmem:$0x1F910];
	_ =	sdelay $0x3  }
0x44f: {  	v0 =	vadd.f32 v1, v0;
	v1 =	vld [tilespmem:$0x1F9A0];
	_ =	sdelay $0x3  }
0x450: {  	v10 =	vld.idx.msk [tilespmem:v11+s25+$0x0], $0xffff  }
0x451: {  	v1 =	vmul.f32 v1, v2;
	v2 =	vmul.f32 v3, v9;
	v3 =	vld.idx.msk [tilespmem:v11+s28+$0x0], $0xffff  }
0x452: {  	v11 =	vld [tilespmem:$0x1F8F0];
	_ =	sdelay $0x3  }
0x453: {  	v0 =	vadd.f32 v1, v0;
	v1 =	vld [tilespmem:$0x1F980];
	_ =	sdelay $0x3  }
0x454: {  	v9 =	vld.idx.msk [tilespmem:v11+s25+$0x0], $0xffff  }
0x455: {  	v1 =	vmul.f32 v1, v2;
	v2 =	vmul.f32 v5, v8;
	v5 =	vld.idx.msk [tilespmem:v11+s28+$0x0], $0xffff  }
0x456: {  	v11 =	vld [tilespmem:$0x1F8D0];
	_ =	sdelay $0x3  }
0x457: {  	v0 =	vadd.f32 v1, v0;
	v1 =	vld [tilespmem:$0x1F960];
	_ =	sdelay $0x3  }
0x458: {  	v8 =	vld.idx.msk [tilespmem:v11+s25+$0x0], $0xffff  }
0x459: {  	v1 =	vmul.f32 v1, v2;
	v2 =	vmul.f32 v4, v6;
	v4 =	vld.idx.msk [tilespmem:v11+s28+$0x0], $0xffff  }
0x45a: {  	v11 =	vld [tilespmem:$0x1F8B0];
	_ =	sdelay $0x3  }
0x45b: {  	v0 =	vadd.f32 v1, v0;
	v1 =	vld [tilespmem:$0x1F940];
	_ =	sdelay $0x3  }
0x45c: {  	v6 =	vld.idx.msk [tilespmem:v11+s25+$0x0], $0xffff  }
0x45d: {  	v1 =	vmul.f32 v1, v2;
	v2 =	vmul.f32 v3, v10;
	v3 =	vld.idx.msk [tilespmem:v11+s28+$0x0], $0xffff  }
0x45e: {  	v11 =	vld [tilespmem:$0x1F890];
	_ =	sdelay $0x3  }
0x45f: {  	v0 =	vadd.f32 v1, v0;
	v1 =	vld [tilespmem:$0x1F920];
	_ =	sdelay $0x3  }
0x460: {  	v10 =	vld.idx.msk [tilespmem:v11+s25+$0x0], $0xffff  }
0x461: {  	v1 =	vmul.f32 v1, v2;
	v2 =	vmul.f32 v5, v9;
	v5 =	vld.idx.msk [tilespmem:v11+s28+$0x0], $0xffff  }
0x462: {  	v11 =	vld [tilespmem:$0x1F870];
	_ =	sdelay $0x3  }
0x463: {  	v0 =	vadd.f32 v1, v0;
	v1 =	vld [tilespmem:$0x1F900];
	_ =	sdelay $0x3  }
0x464: {  	v9 =	vld.idx.msk [tilespmem:v11+s25+$0x0], $0xffff  }
0x465: {  	v1 =	vmul.f32 v1, v2;
	v2 =	vmul.f32 v4, v8;
	v4 =	vld.idx.msk [tilespmem:v11+s28+$0x0], $0xffff  }
0x466: {  	v11 =	vld [tilespmem:$0x1F850];
	_ =	sdelay $0x3  }
0x467: {  	v0 =	vadd.f32 v1, v0;
	v1 =	vld [tilespmem:$0x1F8E0];
	_ =	sdelay $0x3  }
0x468: {  	v8 =	vld.idx.msk [tilespmem:v11+s25+$0x0], $0xffff  }
0x469: {  	v1 =	vmul.f32 v1, v2;
	v2 =	vmul.f32 v3, v6;
	v3 =	vld.idx.msk [tilespmem:v11+s28+$0x0], $0xffff  }
0x46a: {  	v11 =	vld [tilespmem:$0x1F830];
	_ =	sdelay $0x3  }
0x46b: {  	v0 =	vadd.f32 v1, v0;
	v1 =	vld [tilespmem:$0x1F8C0];
	_ =	sdelay $0x3  }
0x46c: {  	v6 =	vld.idx.msk [tilespmem:v11+s25+$0x0], $0xffff  }
0x46d: {  	v1 =	vmul.f32 v1, v2;
	v2 =	vmul.f32 v5, v10;
	v5 =	vld.idx.msk [tilespmem:v11+s28+$0x0], $0xffff  }
0x46e: {  	v11 =	vld [tilespmem:$0x1F810];
	_ =	sdelay $0x3  }
0x46f: {  	v0 =	vadd.f32 v1, v0;
	v1 =	vld [tilespmem:$0x1F8A0];
	_ =	sdelay $0x3  }
0x470: {  	v10 =	vld.idx.msk [tilespmem:v11+s25+$0x0], $0xffff  }
0x471: {  	v1 =	vmul.f32 v1, v2;
	v2 =	vmul.f32 v4, v9;
	v4 =	vld.idx.msk [tilespmem:v11+s28+$0x0], $0xffff  }
0x472: {  	v11 =	vld [tilespmem:$0x1F7F0];
	_ =	sdelay $0x3  }
0x473: {  	v0 =	vadd.f32 v1, v0;
	v1 =	vld [tilespmem:$0x1F880];
	_ =	sdelay $0x3  }
0x474: {  	v9 =	vld.idx.msk [tilespmem:v11+s25+$0x0], $0xffff  }
0x475: {  	v1 =	vmul.f32 v1, v2;
	v2 =	vmul.f32 v3, v8;
	v3 =	vld.idx.msk [tilespmem:v11+s28+$0x0], $0xffff  }
0x476: {  	v11 =	vld [tilespmem:$0x1F7C0];
	_ =	sdelay $0x2  }
0x477: {  	v0 =	vadd.f32 v1, v0;
	v1 =	vld [tilespmem:$0x1F860];
	_ =	sdelay $0x4  }
0x478: {  	v1 =	vmul.f32 v1, v2;
	v8 =	vld.idx.msk [tilespmem:v11+s25+$0x0], $0xffff  }
0x479: {  	v2 =	vmul.f32 v5, v6;
	v5 =	vld.idx.msk [tilespmem:v11+s28+$0x0], $0xffff  }
0x47a: {  	v0 =	vadd.f32 v1, v0;
	v1 =	vld [tilespmem:$0x1F840];
	_ =	sdelay $0x2  }
0x47b: {  	v11 =	vld [tilespmem:$0x1F7A0];
	_ =	sdelay $0x1  }
0x47c: {  	v1 =	vmul.f32 v1, v2;
	_ =	sdelay $0x1  }
0x47d: {  	v0 =	vadd.f32 v1, v0;
	v1 =	vld [tilespmem:$0x1F820];
	_ =	sdelay $0x2  }
0x47e: {  	v2 =	vmul.f32 v4, v10  }
0x47f: {  	v6 =	vld.idx.msk [tilespmem:v11+s25+$0x0], $0xffff  }
0x480: {  	v4 =	vld.idx.msk [tilespmem:v11+s28+$0x0], $0xffff;
	v1 =	vmul.f32 v1, v2  }
0x481: {  	v11 =	vld [tilespmem:$0x1F770]  }
0x482: {  	v0 =	vadd.f32 v1, v0;
	v1 =	vld [tilespmem:$0x1F800];
	_ =	sdelay $0x2  }
0x483: {  	v2 =	vmul.f32 v3, v9;
	_ =	sdelay $0x1  }
0x484: {  	v1 =	vmul.f32 v1, v2;
	_ =	sdelay $0x1  }
0x485: {  	v0 =	vadd.f32 v1, v0;
	v1 =	vld [tilespmem:$0x1F7D0]  }
0x486: {  	v10 =	vld.idx.msk [tilespmem:v11+s25+$0x0], $0xffff  }
0x487: {  	v3 =	vld.idx.msk [tilespmem:v11+s28+$0x0], $0xffff  }
0x488: {  	v11 =	vld [tilespmem:$0x1F740];
	v2 =	vmul.f32 v5, v8;
	_ =	sdelay $0x1  }
0x489: {  	v1 =	vmul.f32 v1, v2  }
0x48a: {  	v5 =	vld [tilespmem:$0x1FFF0]  }
0x48b: {  	v0 =	vadd.f32 v1, v0;
	v1 =	vld [tilespmem:$0x1F7B0];
	_ =	sdelay $0x2  }
0x48c: {  	v2 =	vmul.f32 v4, v6  }
0x48d: {  	v9 =	vld.idx.msk [tilespmem:v11+s25+$0x0], $0xffff  }
0x48e: {  	v5 =	vor.u32 v5, v7;
	v7 =	vld.idx.msk [tilespmem:v11+s28+$0x0], $0xffff;
	v1 =	vmul.f32 v1, v2  }
0x48f: {  	v11 =	vld [tilespmem:$0x1F710]  }
0x490: {  	v0 =	vadd.f32 v1, v0;
	v1 =	vld [tilespmem:$0x1F780];
	_ =	sdelay $0x2  }
0x491: {  	v2 =	vmul.f32 v3, v10;
	_ =	sdelay $0x1  }
0x492: {  	v1 =	vmul.f32 v1, v2;
	_ =	sdelay $0x1  }
0x493: {  	v0 =	vadd.f32 v1, v0;
	v1 =	vld [tilespmem:$0x1F750]  }
0x494: {  	v8 =	vld.idx.msk [tilespmem:v11+s25+$0x0], $0xffff  }
0x495: {  	v4 =	vld.idx.msk [tilespmem:v11+s28+$0x0], $0xffff  }
0x496: {  	v11 =	vld [tilespmem:$0x1F6E0];
	v2 =	vmul.f32 v7, v9;
	_ =	sdelay $0x1  }
0x497: {  	v1 =	vmul.f32 v1, v2;
	_ =	sdelay $0x1  }
0x498: {  	v0 =	vadd.f32 v1, v0;
	v1 =	vld [tilespmem:$0x1F720];
	_ =	sdelay $0x2  }
0x499: {  	v10 =	vld.idx.msk [tilespmem:v5+s25+$0x0], $0xffff;
	v2 =	vmul.f32 v4, v8  }
0x49a: {  	v6 =	vld.idx.msk [tilespmem:v11+s25+$0x0], $0xffff  }
0x49b: {  	v3 =	vld.idx.msk [tilespmem:v11+s28+$0x0], $0xffff;
	v1 =	vmul.f32 v1, v2  }
0x49c: {  	v7 =	vld.idx.msk [tilespmem:v5+s28+$0x0], $0xffff  }
0x49d: {  	v0 =	vadd.f32 v1, v0;
	v1 =	vld [tilespmem:$0x1F6F0];
	_ =	sdelay $0x1  }
0x49e: {  	v4 =	vld.idx.msk [tilespmem:v5+s30+$0x0], $0xffff  }
0x49f: {  	v2 =	vmul.f32 v3, v6;
	_ =	sdelay $0x1  }
0x4a0: {  	v1 =	vmul.f32 v1, v2;
	v2 =	vmul.f32 v7, v10;
	_ =	sdelay $0x1  }
0x4a1: {  	v0 =	vadd.f32 v1, v0;
	v1 =	vmul.f32 v4, v2;
	_ =	sdelay $0x1  }
0x4a2: {  	v0 =	vadd.f32 v1, v0  }
0x4a3: {  	s11 =	sadd.s32 $0x10, s11;
	p0 =	seq.s32 s13, $0xB  }
0x4a4: {  	s16 =	simm.s32 @!p0 $0x80;
	s17 =	simm.s32 @!p0 $0x5400;
	[tilespmem:s11+$0x0] =	vst v0;
	s11 =	sadd.s32 @!p0 $0x2500, s14  }
0x4a5: {  	[tilespmem:s17], [sflag:$0x1] =	stream.indirect.gather @!p0 [hbm4b:s3+s16], $0x80, s11, s16, $0xb8;
	[tilespmem:$0x1D400] =	vst v63  }
0x4a6: {  	s11 =	sadd.s32 @!p0 $0x3100, s14;
	s17 =	simm.s32 @!p0 $0xD400  }
0x4a7: {  	[tilespmem:s17], [sflag:$0x3] =	stream.indirect.gather @!p0 [hbm4b:s4+s16], $0x80, s11, s16, $0xb8;
	[tilespmem:$0x1D400] =	vst v63  }
0x4a8: {  	s11 =	sadd.s32 @!p0 $0x3D00, s14;
	s14 =	simm.s32 @!p0 $0x15400  }
0x4a9: {  	[tilespmem:s14], [sflag:$0x5] =	stream.indirect.gather @!p0 [hbm4b:s3+s16], $0x80, s11, s16, $0xb8;
	[tilespmem:$0x1D400] =	vst v63  }
0x4aa: {  	_ =	swait.ge [sflag:s8], $0x4000  }
0x4ab: {  	[sflag:s8] =	ssyncset.done $0x0  }
0x4ac: {  	[sflag:s8] =	ssyncadd.s32 $0xFFFFC000  }
0x4ad: {  	_ =	swait.ge [sflag:s24], $0x4000  }
0x4ae: {  	v1 =	vld [tilespmem:$0x1FF40];
	_ =	sdelay $0x1  }
0x4af: {  	s21 =	simm.s32 $0x0  }
0x4b0: {  	v0 =	vmov s21  }
0x4b1: {  	v0 =	vshll.u32 v0, $0x7  }
0x4b2: {  	v4 =	vor.u32 v1, v0;
	v0 =	vld [tilespmem:$0x1FE80];
	_ =	sdelay $0x3  }
0x4b3: {  	v2 =	vor.u32 v59, v4  }
0x4b4: {  	[sflag:s24] =	ssyncset.done $0x0;
	[tilespmem:$0x1F100] =	vst v2;
	v1 =	vor.u32 v0, v4  }
0x4b5: {  	[sflag:s24] =	ssyncadd.s32 $0xFFFFC000;
	[tilespmem:$0x1F120] =	vst v1  }
0x4b6: {  	_ =	swait.ge [sflag:s9], $0x4000  }
0x4b7: {  	v0 =	vld [tilespmem:$0x1FEF0];
	_ =	sdelay $0x4  }
0x4b8: {  	v5 =	vor.u32 v0, v4;
	v0 =	vld [tilespmem:$0x1FEE0];
	_ =	sdelay $0x4  }
0x4b9: {  	v6 =	vor.u32 v0, v4;
	v0 =	vld [tilespmem:$0x1FE90];
	_ =	sdelay $0x2  }
0x4ba: {  	[sflag:s9] =	ssyncset.done $0x0  }
0x4bb: {  	[sflag:s9] =	ssyncadd.s32 $0xFFFFC000  }
0x4bc: {  	v7 =	vor.u32 v0, v4;
	v0 =	vld.idx.msk [tilespmem:v1+s29+$0x0], $0xffff;
	_ =	sdelay $0x4  }
0x4bd: {  	[tilespmem:$0x1F170] =	vst v0;
	v0 =	vld [tilespmem:$0x1FEA0];
	_ =	sdelay $0x4  }
0x4be: {  	v8 =	vor.u32 v0, v4;
	v0 =	vld.idx.msk [tilespmem:v2+s29+$0x0], $0xffff;
	_ =	sdelay $0x4  }
0x4bf: {  	[tilespmem:$0x1F160] =	vst v0;
	v0 =	vld [tilespmem:$0x1FEB0];
	_ =	sdelay $0x4  }
0x4c0: {  	v9 =	vor.u32 v0, v4;
	v0 =	vld [tilespmem:$0x1FED0];
	_ =	sdelay $0x4  }
0x4c1: {  	v10 =	vor.u32 v0, v4;
	v0 =	vld [tilespmem:$0x1FEC0];
	_ =	sdelay $0x4  }
0x4c2: {  	v11 =	vor.u32 v0, v4;
	v0 =	vld [tilespmem:$0x1FF00];
	_ =	sdelay $0x4  }
0x4c3: {  	v12 =	vor.u32 v0, v4;
	v0 =	vld [tilespmem:$0x1FF10];
	_ =	sdelay $0x3  }
0x4c4: {  	v25 =	vld.idx.msk [tilespmem:v5+s29+$0x0], $0xffff  }
0x4c5: {  	v13 =	vor.u32 v0, v4;
	v0 =	vld [tilespmem:$0x1FF20]  }
0x4c6: {  	v17 =	vld.idx.msk [tilespmem:v5+s31+$0x0], $0xffff  }
0x4c7: {  	v5 =	vld.idx.msk [tilespmem:v5+s0+$0x0], $0xffff  }
0x4c8: {  	v26 =	vld.idx.msk [tilespmem:v6+s29+$0x0], $0xffff  }
0x4c9: {  	v27 =	vld.idx.msk [tilespmem:v7+s29+$0x0], $0xffff  }
0x4ca: {  	v14 =	vor.u32 v0, v4;
	v0 =	vld [tilespmem:$0x1FF30]  }
0x4cb: {  	v3 =	vld.idx.msk [tilespmem:v7+s31+$0x0], $0xffff  }
0x4cc: {  	v7 =	vld.idx.msk [tilespmem:v7+s0+$0x0], $0xffff  }
0x4cd: {  	v2 =	vld [tilespmem:$0x1FFA0]  }
0x4ce: {  	v19 =	vld.idx.msk [tilespmem:v8+s29+$0x0], $0xffff  }
0x4cf: {  	v15 =	vor.u32 v0, v4;
	v0 =	vld [tilespmem:$0x1FF50]  }
0x4d0: {  	v1 =	vld.idx.msk [tilespmem:v9+s29+$0x0], $0xffff  }
0x4d1: {  	v20 =	vld.idx.msk [tilespmem:v10+s29+$0x0], $0xffff  }
0x4d2: {  	v60 =	vld.idx.msk [tilespmem:v10+s31+$0x0], $0xffff  }
0x4d3: {  	v18 =	vld.idx.msk [tilespmem:v11+s29+$0x0], $0xffff  }
0x4d4: {  	v16 =	vor.u32 v0, v4;
	v0 =	vld [tilespmem:$0x1FF70]  }
0x4d5: {  	v58 =	vld.idx.msk [tilespmem:v11+s31+$0x0], $0xffff  }
0x4d6: {  	v59 =	vld.idx.msk [tilespmem:v11+s0+$0x0], $0xffff  }
0x4d7: {  	v11 =	vld.idx.msk [tilespmem:v6+s31+$0x0], $0xffff  }
0x4d8: {  	v21 =	vld.idx.msk [tilespmem:v12+s29+$0x0], $0xffff  }
0x4d9: {  	v22 =	vor.u32 v0, v4;
	v0 =	vld [tilespmem:$0x1FF90]  }
0x4da: {  	v56 =	vld.idx.msk [tilespmem:v12+s31+$0x0], $0xffff  }
0x4db: {  	v57 =	vld.idx.msk [tilespmem:v12+s0+$0x0], $0xffff  }
0x4dc: {  	v24 =	vld.idx.msk [tilespmem:v13+s29+$0x0], $0xffff  }
0x4dd: {  	v55 =	vld.idx.msk [tilespmem:v13+s31+$0x0], $0xffff  }
0x4de: {  	v23 =	vor.u32 v0, v4;
	v0 =	vld [tilespmem:$0x1FFB0]  }
0x4df: {  	v13 =	vld.idx.msk [tilespmem:v13+s0+$0x0], $0xffff  }
0x4e0: {  	v30 =	vld.idx.msk [tilespmem:v14+s29+$0x0], $0xffff  }
0x4e1: {  	v53 =	vld.idx.msk [tilespmem:v14+s31+$0x0], $0xffff  }
0x4e2: {  	v54 =	vld.idx.msk [tilespmem:v14+s0+$0x0], $0xffff  }
0x4e3: {  	v28 =	vor.u32 v0, v4;
	v0 =	vld [tilespmem:$0x1FFC0]  }
0x4e4: {  	v31 =	vld.idx.msk [tilespmem:v15+s29+$0x0], $0xffff  }
0x4e5: {  	v52 =	vld.idx.msk [tilespmem:v15+s31+$0x0], $0xffff  }
0x4e6: {  	v15 =	vld.idx.msk [tilespmem:v15+s0+$0x0], $0xffff  }
0x4e7: {  	v33 =	vld.idx.msk [tilespmem:v16+s29+$0x0], $0xffff  }
0x4e8: {  	v29 =	vor.u32 v0, v4;
	v0 =	vld [tilespmem:$0x1FFD0]  }
0x4e9: {  	v51 =	vld.idx.msk [tilespmem:v16+s31+$0x0], $0xffff  }
0x4ea: {  	v16 =	vld.idx.msk [tilespmem:v16+s0+$0x0], $0xffff  }
0x4eb: {  	v35 =	vld.idx.msk [tilespmem:v22+s29+$0x0], $0xffff  }
0x4ec: {  	v37 =	vld.idx.msk [tilespmem:v23+s29+$0x0], $0xffff  }
0x4ed: {  	v49 =	vld.idx.msk [tilespmem:v23+s31+$0x0], $0xffff;
	v61 =	vor.u32 v0, v4  }
0x4ee: {  	v0 =	vld [tilespmem:$0x1FFE0]  }
0x4ef: {  	v23 =	vld.idx.msk [tilespmem:v23+s0+$0x0], $0xffff  }
0x4f0: {  	v38 =	vld.idx.msk [tilespmem:v28+s29+$0x0], $0xffff  }
0x4f1: {  	v48 =	vld.idx.msk [tilespmem:v28+s31+$0x0], $0xffff  }
0x4f2: {  	v40 =	vld.idx.msk [tilespmem:v61+s29+$0x0], $0xffff  }
0x4f3: {  	v62 =	vor.u32 v0, v4;
	v45 =	vld.idx.msk [tilespmem:v61+s31+$0x0], $0xffff  }
0x4f4: {  	v32 =	vld.idx.msk [tilespmem:v61+s0+$0x0], $0xffff  }
0x4f5: {  	v61 =	vld.idx.msk [tilespmem:v10+s0+$0x0], $0xffff  }
0x4f6: {  	v0 =	vlaneseq.u32;
	v10 =	vor.u32 v2, v4;
	v2 =	vld [tilespmem:$0x1FF60]  }
0x4f7: {  	v63 =	vor.u32 v0, v4;
	v0 =	vld.idx.msk [tilespmem:v8+s31+$0x0], $0xffff  }
0x4f8: {  	v41 =	vld.idx.msk [tilespmem:v62+s29+$0x0], $0xffff  }
0x4f9: {  	v44 =	vld.idx.msk [tilespmem:v62+s31+$0x0], $0xffff  }
0x4fa: {  	v34 =	vld.idx.msk [tilespmem:v62+s0+$0x0], $0xffff  }
0x4fb: {  	v62 =	vld.idx.msk [tilespmem:v9+s31+$0x0], $0xffff  }
0x4fc: {  	v42 =	vld.idx.msk [tilespmem:v63+s29+$0x0], $0xffff  }
0x4fd: {  	v43 =	vld.idx.msk [tilespmem:v63+s0+$0x0], $0xffff  }
0x4fe: {  	v36 =	vld.idx.msk [tilespmem:v63+s31+$0x0], $0xffff  }
0x4ff: {  	v63 =	vld.idx.msk [tilespmem:v9+s0+$0x0], $0xffff  }
0x500: {  	v9 =	vld.idx.msk [tilespmem:v8+s0+$0x0], $0xffff  }
0x501: {  	v8 =	vor.u32 v2, v4;
	v2 =	vld.idx.msk [tilespmem:v6+s0+$0x0], $0xffff  }
0x502: {  	v6 =	vld [tilespmem:$0x1FF80]  }
0x503: {  	v28 =	vld.idx.msk [tilespmem:v28+s0+$0x0], $0xffff  }
0x504: {  	v39 =	vld.idx.msk [tilespmem:v29+s29+$0x0], $0xffff  }
0x505: {  	v46 =	vld.idx.msk [tilespmem:v29+s31+$0x0], $0xffff  }
0x506: {  	v47 =	vld.idx.msk [tilespmem:v29+s0+$0x0], $0xffff;
	v12 =	vmul.f32 v43, v36  }
0x507: {  	v29 =	vld.idx.msk [tilespmem:v10+s29+$0x0], $0xffff;
	v14 =	vmul.f32 v34, v44;
	v6 =	vor.u32 v6, v4  }
0x508: {  	v43 =	vld.idx.msk [tilespmem:v8+s29+$0x0], $0xffff;
	v12 =	vmul.f32 v42, v12  }
0x509: {  	v14 =	vmul.f32 v41, v14;
	v41 =	vld.idx.msk [tilespmem:v8+s0+$0x0], $0xffff  }
0x50a: {  	v42 =	vld.idx.msk [tilespmem:v8+s31+$0x0], $0xffff;
	v8 =	vmul.f32 v32, v45;
	v12 =	vadd.f32 $0.0e+00, v12  }
0x50b: {  	v36 =	vld [tilespmem:$0x1FB60]  }
0x50c: {  	v8 =	vmul.f32 v40, v8;
	v44 =	vld.idx.msk [tilespmem:v6+s29+$0x0], $0xffff;
	v12 =	vadd.f32 v14, v12  }
0x50d: {  	v45 =	vld.idx.msk [tilespmem:v6+s31+$0x0], $0xffff;
	v14 =	vmul.f32 v47, v46  }
0x50e: {  	v12 =	vadd.f32 v8, v12;
	v8 =	vld [tilespmem:$0x1F6D0]  }
0x50f: {  	v40 =	vld.idx.msk [tilespmem:v6+s0+$0x0], $0xffff;
	v14 =	vmul.f32 v39, v14  }
0x510: {  	v46 =	vld.idx.msk [tilespmem:v10+s31+$0x0], $0xffff  }
0x511: {  	v12 =	vadd.f32 v14, v12;
	v14 =	vld [tilespmem:$0x1FB80]  }
0x512: {  	v39 =	vld.idx.msk [tilespmem:v10+s0+$0x0], $0xffff  }
0x513: {  	v10 =	vld [tilespmem:$0x1FD30];
	v8 =	vor.u32 v8, v4  }
0x514: {  	v28 =	vmul.f32 v28, v48;
	v6 =	vld [tilespmem:$0x1FD50]  }
0x515: {  	v50 =	vld.idx.msk [tilespmem:v22+s31+$0x0], $0xffff;
	v0 =	vmul.f32 v9, v0;
	v32 =	vor.u32 v36, v4  }
0x516: {  	v22 =	vld.idx.msk [tilespmem:v22+s0+$0x0], $0xffff;
	v23 =	vmul.f32 v23, v49;
	v48 =	vor.u32 v14, v4;
	v14 =	vmul.f32 v38, v28  }
0x517: {  	v0 =	vmul.f32 v19, v0;
	v19 =	vld [tilespmem:$0x1FDE0]  }
0x518: {  	v10 =	vor.u32 v10, v4;
	v12 =	vadd.f32 v14, v12;
	v14 =	vmul.f32 v37, v23;
	v23 =	vld.idx.msk [tilespmem:v8+s29+$0x0], $0xffff  }
0x519: {  	v6 =	vor.u32 v6, v4;
	v28 =	vld [tilespmem:$0x1FB70]  }
0x51a: {  	v47 =	vld.idx.msk [tilespmem:v32+s29+$0x0], $0xffff  }
0x51b: {  	v22 =	vmul.f32 v22, v50;
	v36 =	vld.idx.msk [tilespmem:v32+s31+$0x0], $0xffff  }
0x51c: {  	v49 =	vld.idx.msk [tilespmem:v32+s0+$0x0], $0xffff  }
0x51d: {  	v12 =	vadd.f32 v14, v12;
	v14 =	vmul.f32 v35, v22;
	[tilespmem:$0x1F140] =	vst v23;
	v23 =	vld.idx.msk [tilespmem:v10+s29+$0x0], $0xffff  }
0x51e: {  	v16 =	vmul.f32 v16, v51;
	v38 =	vld.idx.msk [tilespmem:v6+s29+$0x0], $0xffff;
	v28 =	vor.u32 v28, v4  }
0x51f: {  	v14 =	vadd.f32 v14, v12;
	v12 =	vld [tilespmem:$0x1FD20]  }
0x520: {  	v16 =	vmul.f32 v33, v16;
	v37 =	vld [tilespmem:$0x1FE40]  }
0x521: {  	v22 =	vld [tilespmem:$0x1FB90]  }
0x522: {  	v15 =	vmul.f32 v15, v52;
	[tilespmem:$0x1F130] =	vst v23;
	v23 =	vadd.f32 v16, v14;
	v14 =	vld [tilespmem:$0x1F700]  }
0x523: {  	v35 =	vld.idx.msk [tilespmem:v28+s29+$0x0], $0xffff  }
0x524: {  	v15 =	vmul.f32 v31, v15;
	v51 =	vld.idx.msk [tilespmem:v28+s31+$0x0], $0xffff;
	v12 =	vor.u32 v12, v4  }
0x525: {  	v52 =	vld.idx.msk [tilespmem:v28+s0+$0x0], $0xffff  }
0x526: {  	v22 =	vor.u32 v22, v4;
	v15 =	vadd.f32 v15, v23;
	v23 =	vld [tilespmem:$0x1FBB0]  }
0x527: {  	v28 =	vmul.f32 v54, v53;
	v16 =	vld [tilespmem:$0x1F730];
	v14 =	vor.u32 v14, v4  }
0x528: {  	v50 =	vld.idx.msk [tilespmem:v48+s29+$0x0], $0xffff  }
0x529: {  	v28 =	vmul.f32 v30, v28;
	v30 =	vld.idx.msk [tilespmem:v12+s29+$0x0], $0xffff  }
0x52a: {  	v13 =	vmul.f32 v13, v55;
	v33 =	vld.idx.msk [tilespmem:v48+s31+$0x0], $0xffff  }
0x52b: {  	v54 =	vld.idx.msk [tilespmem:v22+s29+$0x0], $0xffff;
	v23 =	vor.u32 v23, v4  }
0x52c: {  	v24 =	vmul.f32 v24, v13;
	v16 =	vor.u32 v16, v4;
	v13 =	vld.idx.msk [tilespmem:v14+s29+$0x0], $0xffff  }
0x52d: {  	v53 =	vld.idx.msk [tilespmem:v22+s31+$0x0], $0xffff  }
0x52e: {  	v31 =	vld.idx.msk [tilespmem:v22+s0+$0x0], $0xffff;
	v28 =	vadd.f32 v28, v15;
	[tilespmem:$0x1F110] =	vst v30;
	v30 =	vmul.f32 v57, v56  }
0x52f: {  	v22 =	vld [tilespmem:$0x1FBA0]  }
0x530: {  	v24 =	vadd.f32 v24, v28;
	v28 =	vmul.f32 v59, v58;
	v21 =	vmul.f32 v21, v30;
	v56 =	vld.idx.msk [tilespmem:v23+s29+$0x0], $0xffff  }
0x531: {  	[tilespmem:$0x1F0F0] =	vst v13;
	v13 =	vld.idx.msk [tilespmem:v16+s29+$0x0], $0xffff  }
0x532: {  	v21 =	vadd.f32 v21, v24;
	v24 =	vmul.f32 v18, v28;
	v28 =	vmul.f32 v61, v60;
	v60 =	vld.idx.msk [tilespmem:v23+s31+$0x0], $0xffff  }
0x533: {  	v61 =	vld.idx.msk [tilespmem:v23+s0+$0x0], $0xffff;
	v23 =	vmul.f32 v63, v62  }
0x534: {  	v48 =	vld.idx.msk [tilespmem:v48+s0+$0x0], $0xffff;
	v34 =	vmul.f32 v52, v51;
	v22 =	vor.u32 v22, v4  }
0x535: {  	v21 =	vadd.f32 v24, v21;
	v24 =	vmul.f32 v20, v28;
	v23 =	vmul.f32 v1, v23;
	v1 =	vld [tilespmem:$0x1FC00]  }
0x536: {  	[tilespmem:$0x1F0E0] =	vst v13;
	v13 =	vld [tilespmem:$0x1FBC0]  }
0x537: {  	v35 =	vmul.f32 v35, v34;
	v34 =	vld [tilespmem:$0x1FE30];
	v21 =	vadd.f32 v24, v21  }
0x538: {  	v3 =	vmul.f32 v7, v3;
	v15 =	vld [tilespmem:$0x1FDC0]  }
0x539: {  	v57 =	vld.idx.msk [tilespmem:v22+s29+$0x0], $0xffff;
	v23 =	vadd.f32 v23, v21  }
0x53a: {  	v3 =	vmul.f32 v27, v3;
	v58 =	vld.idx.msk [tilespmem:v22+s31+$0x0], $0xffff;
	v1 =	vor.u32 v1, v4  }
0x53b: {  	v2 =	vmul.f32 v2, v11;
	v0 =	vadd.f32 v0, v23;
	v30 =	vor.u32 v13, v4;
	v13 =	vld [tilespmem:$0x1F760]  }
0x53c: {  	v59 =	vld.idx.msk [tilespmem:v22+s0+$0x0], $0xffff  }
0x53d: {  	v2 =	vmul.f32 v26, v2;
	v21 =	vld [tilespmem:$0x1FDF0];
	v0 =	vadd.f32 v3, v0  }
0x53e: {  	v23 =	vld [tilespmem:$0x1FE00];
	v3 =	vmul.f32 v5, v17  }
0x53f: {  	v39 =	vmul.f32 v39, v46;
	v11 =	vld.idx.msk [tilespmem:v1+s29+$0x0], $0xffff;
	v0 =	vadd.f32 v2, v0  }
0x540: {  	v2 =	vmul.f32 v25, v3;
	v3 =	vmul.f32 v41, v42;
	v18 =	vor.u32 v13, v4;
	v13 =	vld [tilespmem:$0x1F790]  }
0x541: {  	v29 =	vmul.f32 v29, v39;
	v39 =	vld.idx.msk [tilespmem:v1+s0+$0x0], $0xffff  }
0x542: {  	v0 =	vadd.f32 v2, v0;
	v2 =	vmul.f32 v43, v3;
	v43 =	vld.idx.msk [tilespmem:v1+s31+$0x0], $0xffff  }
0x543: {  	v1 =	vld [tilespmem:$0x1FC40]  }
0x544: {  	v25 =	vmul.f32 v40, v45;
	v0 =	vadd.f32 v2, v0;
	v2 =	vld [tilespmem:$0x1FCA0]  }
0x545: {  	v20 =	vor.u32 v13, v4;
	v13 =	vld [tilespmem:$0x1FCF0]  }
0x546: {  	v25 =	vmul.f32 v44, v25;
	v62 =	vld.idx.msk [tilespmem:v30+s29+$0x0], $0xffff  }
0x547: {  	v63 =	vld.idx.msk [tilespmem:v30+s31+$0x0], $0xffff  }
0x548: {  	v36 =	vmul.f32 v49, v36;
	v9 =	vld.idx.msk [tilespmem:v30+s0+$0x0], $0xffff;
	v0 =	vadd.f32 v25, v0  }
0x549: {  	v25 =	vld [tilespmem:$0x1FE10]  }
0x54a: {  	v36 =	vmul.f32 v47, v36;
	v46 =	vadd.f32 v29, v0;
	v22 =	vor.u32 v13, v4;
	v13 =	vld [tilespmem:$0x1F7E0]  }
0x54b: {  	v33 =	vmul.f32 v48, v33;
	v44 =	vor.u32 v1, v4;
	v1 =	vld [tilespmem:$0x1FC30]  }
0x54c: {  	v0 =	vld [tilespmem:$0x1FC20];
	v36 =	vadd.f32 v36, v46  }
0x54d: {  	v33 =	vmul.f32 v50, v33;
	v29 =	vld [tilespmem:$0x1FE20]  }
0x54e: {  	v31 =	vmul.f32 v31, v53;
	v9 =	vmul.f32 v9, v63;
	v63 =	vld [tilespmem:$0x1FDD0];
	v35 =	vadd.f32 v35, v36  }
0x54f: {  	v24 =	vor.u32 v13, v4;
	v13 =	vld.idx.msk [tilespmem:v18+s29+$0x0], $0xffff  }
0x550: {  	v31 =	vmul.f32 v54, v31;
	v45 =	vor.u32 v1, v4;
	v46 =	vld.idx.msk [tilespmem:v44+s29+$0x0], $0xffff;
	v33 =	vadd.f32 v33, v35  }
0x551: {  	v49 =	vor.u32 v0, v4;
	v0 =	vld [tilespmem:$0x1FC10]  }
0x552: {  	v31 =	vadd.f32 v31, v33;
	v33 =	vld.idx.msk [tilespmem:v44+s31+$0x0], $0xffff  }
0x553: {  	v7 =	vld.idx.msk [tilespmem:v22+s29+$0x0], $0xffff  }
0x554: {  	[tilespmem:$0x1F0D0] =	vst v13;
	v13 =	vld [tilespmem:$0x1FBF0]  }
0x555: {  	v47 =	vld.idx.msk [tilespmem:v45+s29+$0x0], $0xffff  }
0x556: {  	v35 =	vld.idx.msk [tilespmem:v45+s31+$0x0], $0xffff  }
0x557: {  	v45 =	vld.idx.msk [tilespmem:v45+s0+$0x0], $0xffff  }
0x558: {  	[tilespmem:$0x1F0B0] =	vst v7;
	v7 =	vld.idx.msk [tilespmem:v24+s29+$0x0], $0xffff  }
0x559: {  	v60 =	vmul.f32 v61, v60;
	v55 =	vor.u32 v13, v4;
	v13 =	vld.idx.msk [tilespmem:v20+s29+$0x0], $0xffff  }
0x55a: {  	v53 =	vor.u32 v37, v4;
	v58 =	vmul.f32 v59, v58;
	v36 =	vld.idx.msk [tilespmem:v49+s29+$0x0], $0xffff  }
0x55b: {  	v61 =	vmul.f32 v56, v60;
	v56 =	vor.u32 v29, v4;
	v52 =	vld.idx.msk [tilespmem:v49+s31+$0x0], $0xffff  }
0x55c: {  	v59 =	vmul.f32 v57, v58;
	v57 =	vor.u32 v25, v4;
	v49 =	vld.idx.msk [tilespmem:v49+s0+$0x0], $0xffff  }
0x55d: {  	v54 =	vor.u32 v34, v4;
	[tilespmem:$0x1F0A0] =	vst v7;
	v7 =	vld [tilespmem:$0x1FBE0]  }
0x55e: {  	v31 =	vadd.f32 v59, v31;
	[tilespmem:$0x1F0C0] =	vst v13;
	v13 =	vld [tilespmem:$0x1FBD0]  }
0x55f: {  	v51 =	vor.u32 v0, v4;
	v59 =	vld.idx.msk [tilespmem:v53+s29+$0x0], $0xffff  }
0x560: {  	v9 =	vmul.f32 v62, v9;
	v60 =	vld.idx.msk [tilespmem:v56+s29+$0x0], $0xffff;
	v31 =	vadd.f32 v61, v31  }
0x561: {  	v61 =	vld.idx.msk [tilespmem:v57+s29+$0x0], $0xffff  }
0x562: {  	v9 =	vadd.f32 v9, v31;
	v31 =	vld.idx.msk [tilespmem:v54+s29+$0x0], $0xffff;
	v7 =	vor.u32 v7, v4  }
0x563: {  	v28 =	vor.u32 v13, v4;
	v13 =	vld [tilespmem:$0x1FCB0]  }
0x564: {  	v48 =	vld.idx.msk [tilespmem:v51+s29+$0x0], $0xffff  }
0x565: {  	v50 =	vld.idx.msk [tilespmem:v51+s31+$0x0], $0xffff  }
0x566: {  	v51 =	vld.idx.msk [tilespmem:v51+s0+$0x0], $0xffff  }
0x567: {  	v42 =	vld.idx.msk [tilespmem:v7+s29+$0x0], $0xffff  }
0x568: {  	v26 =	vor.u32 v13, v4;
	v13 =	vld [tilespmem:$0x1FE60]  }
0x569: {  	v3 =	vld.idx.msk [tilespmem:v7+s31+$0x0], $0xffff  }
0x56a: {  	v7 =	vld.idx.msk [tilespmem:v7+s0+$0x0], $0xffff  }
0x56b: {  	v17 =	vld.idx.msk [tilespmem:v28+s31+$0x0], $0xffff  }
0x56c: {  	v41 =	vld.idx.msk [tilespmem:v28+s0+$0x0], $0xffff  }
0x56d: {  	v30 =	vor.u32 v13, v4;
	v13 =	vld [tilespmem:$0x1FE50]  }
0x56e: {  	v27 =	vld.idx.msk [tilespmem:v55+s29+$0x0], $0xffff  }
0x56f: {  	v58 =	vor.u32 v23, v4;
	v5 =	vld.idx.msk [tilespmem:v28+s29+$0x0], $0xffff  }
0x570: {  	v40 =	vld.idx.msk [tilespmem:v55+s0+$0x0], $0xffff;
	v28 =	vor.u32 v2, v4  }
0x571: {  	v2 =	vld.idx.msk [tilespmem:v55+s31+$0x0], $0xffff;
	v3 =	vmul.f32 v7, v3;
	v7 =	vor.u32 v63, v4  }
0x572: {  	v17 =	vmul.f32 v41, v17;
	v32 =	vor.u32 v13, v4;
	v13 =	vld [tilespmem:$0x1FC50]  }
0x573: {  	v41 =	vld.idx.msk [tilespmem:v44+s0+$0x0], $0xffff;
	v44 =	vor.u32 v21, v4  }
0x574: {  	v3 =	vmul.f32 v42, v3;
	v42 =	vld.idx.msk [tilespmem:v58+s29+$0x0], $0xffff;
	v5 =	vmul.f32 v5, v17  }
0x575: {  	[tilespmem:$0x1F150] =	vst v38;
	v38 =	vld.idx.msk [tilespmem:v28+s29+$0x0], $0xffff  }
0x576: {  	v35 =	vmul.f32 v45, v35;
	v45 =	vld.idx.msk [tilespmem:v7+s31+$0x0], $0xffff;
	v5 =	vadd.f32 v5, v9;
	v9 =	vor.u32 v15, v4  }
0x577: {  	v2 =	vmul.f32 v40, v2;
	v1 =	vld.idx.msk [tilespmem:v30+s29+$0x0], $0xffff;
	v40 =	vor.u32 v13, v4  }
0x578: {  	v62 =	vld.idx.msk [tilespmem:v44+s29+$0x0], $0xffff  }
0x579: {  	v2 =	vmul.f32 v27, v2;
	v3 =	vadd.f32 v3, v5;
	v5 =	vmul.f32 v39, v43;
	v39 =	vld.idx.msk [tilespmem:v7+s29+$0x0], $0xffff  }
0x57a: {  	v7 =	vld.idx.msk [tilespmem:v7+s0+$0x0], $0xffff  }
0x57b: {  	v2 =	vadd.f32 v2, v3;
	v3 =	vmul.f32 v11, v5;
	v5 =	vmul.f32 v51, v50;
	v11 =	vld.idx.msk [tilespmem:v9+s29+$0x0], $0xffff  }
0x57c: {  	v17 =	vor.u32 v19, v4;
	v43 =	vld.idx.msk [tilespmem:v40+s29+$0x0], $0xffff  }
0x57d: {  	v2 =	vadd.f32 v3, v2;
	v3 =	vmul.f32 v48, v5;
	v5 =	vmul.f32 v49, v52;
	v52 =	vld.idx.msk [tilespmem:v40+s31+$0x0], $0xffff  }
0x57e: {  	v40 =	vld.idx.msk [tilespmem:v40+s0+$0x0], $0xffff  }
0x57f: {  	v2 =	vadd.f32 v3, v2;
	v3 =	vld.idx.msk [tilespmem:v9+s31+$0x0], $0xffff;
	v5 =	vmul.f32 v36, v5  }
0x580: {  	v9 =	vld.idx.msk [tilespmem:v9+s0+$0x0], $0xffff  }
0x581: {  	v33 =	vmul.f32 v41, v33;
	v27 =	vld.idx.msk [tilespmem:v17+s29+$0x0], $0xffff;
	v2 =	vadd.f32 v5, v2;
	v5 =	vmul.f32 v47, v35  }
0x582: {  	v51 =	vld.idx.msk [tilespmem:v44+s31+$0x0], $0xffff  }
0x583: {  	v49 =	vld.idx.msk [tilespmem:v17+s31+$0x0], $0xffff;
	v2 =	vadd.f32 v5, v2;
	v5 =	vmul.f32 v46, v33;
	v50 =	vmul.f32 v40, v52  }
0x584: {  	v17 =	vld.idx.msk [tilespmem:v17+s0+$0x0], $0xffff  }
0x585: {  	v0 =	vld.idx.msk [tilespmem:v32+s29+$0x0], $0xffff;
	v3 =	vmul.f32 v9, v3;
	v2 =	vadd.f32 v5, v2;
	v5 =	vmul.f32 v43, v50  }
0x586: {  	v9 =	vld.idx.msk [tilespmem:v44+s0+$0x0], $0xffff  }
0x587: {  	v3 =	vmul.f32 v11, v3;
	v52 =	vld.idx.msk [tilespmem:v58+s31+$0x0], $0xffff;
	v2 =	vadd.f32 v5, v2;
	v5 =	vmul.f32 v7, v45  }
0x588: {  	v7 =	vld.idx.msk [tilespmem:v58+s0+$0x0], $0xffff  }
0x589: {  	v11 =	vld.idx.msk [tilespmem:v57+s31+$0x0], $0xffff;
	v2 =	vadd.f32 v3, v2;
	v3 =	vmul.f32 v39, v5;
	v5 =	vmul.f32 v17, v49  }
0x58a: {  	v17 =	vld.idx.msk [tilespmem:v57+s0+$0x0], $0xffff  }
0x58b: {  	v57 =	vld.idx.msk [tilespmem:v56+s31+$0x0], $0xffff;
	v2 =	vadd.f32 v3, v2;
	v3 =	vmul.f32 v27, v5;
	v5 =	vmul.f32 v9, v51  }
0x58c: {  	v9 =	vld.idx.msk [tilespmem:v56+s0+$0x0], $0xffff  }
0x58d: {  	v27 =	vld.idx.msk [tilespmem:v54+s31+$0x0], $0xffff;
	v2 =	vadd.f32 v3, v2;
	v3 =	vmul.f32 v62, v5;
	v5 =	vmul.f32 v7, v52  }
0x58e: {  	v7 =	vld.idx.msk [tilespmem:v54+s0+$0x0], $0xffff  }
0x58f: {  	v58 =	vld.idx.msk [tilespmem:v53+s31+$0x0], $0xffff;
	v2 =	vadd.f32 v3, v2;
	v3 =	vmul.f32 v42, v5;
	v5 =	vmul.f32 v17, v11  }
0x590: {  	v11 =	vld.idx.msk [tilespmem:v53+s0+$0x0], $0xffff  }
0x591: {  	v17 =	vld.idx.msk [tilespmem:v32+s31+$0x0], $0xffff;
	v2 =	vadd.f32 v3, v2;
	v3 =	vmul.f32 v61, v5;
	v5 =	vmul.f32 v9, v57  }
0x592: {  	v9 =	vld.idx.msk [tilespmem:v32+s0+$0x0], $0xffff  }
0x593: {  	v62 =	vld.idx.msk [tilespmem:v30+s31+$0x0], $0xffff;
	v2 =	vadd.f32 v3, v2;
	v3 =	vmul.f32 v60, v5;
	v5 =	vmul.f32 v7, v27  }
0x594: {  	v7 =	vld.idx.msk [tilespmem:v30+s0+$0x0], $0xffff  }
0x595: {  	v27 =	vld.idx.msk [tilespmem:v28+s31+$0x0], $0xffff;
	v2 =	vadd.f32 v3, v2;
	v3 =	vmul.f32 v31, v5;
	v5 =	vmul.f32 v11, v58  }
0x596: {  	v11 =	vld.idx.msk [tilespmem:v28+s0+$0x0], $0xffff  }
0x597: {  	v28 =	vld.idx.msk [tilespmem:v26+s31+$0x0], $0xffff;
	v2 =	vadd.f32 v3, v2;
	v3 =	vmul.f32 v59, v5;
	v5 =	vmul.f32 v9, v17  }
0x598: {  	v9 =	vld.idx.msk [tilespmem:v26+s0+$0x0], $0xffff  }
0x599: {  	v2 =	vadd.f32 v3, v2;
	v0 =	vmul.f32 v0, v5;
	v3 =	vmul.f32 v7, v62  }
0x59a: {  	v55 =	vld.idx.msk [tilespmem:v26+s29+$0x0], $0xffff  }
0x59b: {  	v0 =	vadd.f32 v0, v2;
	v2 =	vmul.f32 v1, v3;
	v3 =	vmul.f32 v11, v27;
	_ =	sdelay $0x1  }
0x59c: {  	v0 =	vadd.f32 v2, v0;
	v1 =	vmul.f32 v38, v3;
	v2 =	vmul.f32 v9, v28  }
0x59d: {  	v17 =	vld.idx.msk [tilespmem:v24+s31+$0x0], $0xffff  }
0x59e: {  	v5 =	vld.idx.msk [tilespmem:v24+s0+$0x0], $0xffff;
	v0 =	vadd.f32 v1, v0;
	v1 =	vmul.f32 v55, v2;
	_ =	sdelay $0x1  }
0x59f: {  	v0 =	vadd.f32 v1, v0;
	v1 =	vld [tilespmem:$0x1F0A0];
	_ =	sdelay $0x2  }
0x5a0: {  	v2 =	vmul.f32 v5, v17  }
0x5a1: {  	v7 =	vld.idx.msk [tilespmem:v22+s31+$0x0], $0xffff  }
0x5a2: {  	v11 =	vld.idx.msk [tilespmem:v22+s0+$0x0], $0xffff;
	v1 =	vmul.f32 v1, v2;
	_ =	sdelay $0x1  }
0x5a3: {  	v0 =	vadd.f32 v1, v0;
	v1 =	vld [tilespmem:$0x1F0B0];
	_ =	sdelay $0x2  }
0x5a4: {  	v2 =	vmul.f32 v11, v7  }
0x5a5: {  	v22 =	vld.idx.msk [tilespmem:v20+s31+$0x0], $0xffff  }
0x5a6: {  	v3 =	vld.idx.msk [tilespmem:v20+s0+$0x0], $0xffff;
	v1 =	vmul.f32 v1, v2;
	_ =	sdelay $0x1  }
0x5a7: {  	v0 =	vadd.f32 v1, v0;
	v1 =	vld [tilespmem:$0x1F0C0];
	_ =	sdelay $0x2  }
0x5a8: {  	v2 =	vmul.f32 v3, v22  }
0x5a9: {  	v9 =	vld.idx.msk [tilespmem:v18+s31+$0x0], $0xffff  }
0x5aa: {  	v5 =	vld.idx.msk [tilespmem:v18+s0+$0x0], $0xffff;
	v1 =	vmul.f32 v1, v2;
	_ =	sdelay $0x1  }
0x5ab: {  	v0 =	vadd.f32 v1, v0;
	v1 =	vld [tilespmem:$0x1F0D0];
	_ =	sdelay $0x2  }
0x5ac: {  	v2 =	vmul.f32 v5, v9  }
0x5ad: {  	v17 =	vld.idx.msk [tilespmem:v16+s31+$0x0], $0xffff  }
0x5ae: {  	v7 =	vld.idx.msk [tilespmem:v16+s0+$0x0], $0xffff;
	v1 =	vmul.f32 v1, v2;
	_ =	sdelay $0x1  }
0x5af: {  	v0 =	vadd.f32 v1, v0;
	v1 =	vld [tilespmem:$0x1F0E0];
	_ =	sdelay $0x2  }
0x5b0: {  	v2 =	vmul.f32 v7, v17  }
0x5b1: {  	v11 =	vld.idx.msk [tilespmem:v14+s31+$0x0], $0xffff  }
0x5b2: {  	v3 =	vld.idx.msk [tilespmem:v14+s0+$0x0], $0xffff;
	v1 =	vmul.f32 v1, v2;
	_ =	sdelay $0x1  }
0x5b3: {  	v0 =	vadd.f32 v1, v0;
	v1 =	vld [tilespmem:$0x1F0F0];
	_ =	sdelay $0x2  }
0x5b4: {  	v2 =	vmul.f32 v3, v11  }
0x5b5: {  	v14 =	vld.idx.msk [tilespmem:v12+s31+$0x0], $0xffff  }
0x5b6: {  	v5 =	vld.idx.msk [tilespmem:v12+s0+$0x0], $0xffff;
	v1 =	vmul.f32 v1, v2;
	_ =	sdelay $0x1  }
0x5b7: {  	v0 =	vadd.f32 v1, v0;
	v1 =	vld [tilespmem:$0x1F110];
	_ =	sdelay $0x2  }
0x5b8: {  	v2 =	vmul.f32 v5, v14  }
0x5b9: {  	v9 =	vld.idx.msk [tilespmem:v10+s31+$0x0], $0xffff  }
0x5ba: {  	v7 =	vld.idx.msk [tilespmem:v10+s0+$0x0], $0xffff;
	v1 =	vmul.f32 v1, v2;
	_ =	sdelay $0x1  }
0x5bb: {  	v0 =	vadd.f32 v1, v0;
	v1 =	vld [tilespmem:$0x1F130];
	_ =	sdelay $0x2  }
0x5bc: {  	v2 =	vmul.f32 v7, v9  }
0x5bd: {  	v10 =	vld.idx.msk [tilespmem:v8+s31+$0x0], $0xffff  }
0x5be: {  	v3 =	vld.idx.msk [tilespmem:v8+s0+$0x0], $0xffff;
	v1 =	vmul.f32 v1, v2  }
0x5bf: {  	v11 =	vld [tilespmem:$0x1F100]  }
0x5c0: {  	v0 =	vadd.f32 v1, v0;
	v1 =	vld [tilespmem:$0x1F140];
	_ =	sdelay $0x2  }
0x5c1: {  	v2 =	vmul.f32 v3, v10  }
0x5c2: {  	v8 =	vld.idx.msk [tilespmem:v6+s31+$0x0], $0xffff  }
0x5c3: {  	v5 =	vld.idx.msk [tilespmem:v6+s0+$0x0], $0xffff;
	v1 =	vmul.f32 v1, v2  }
0x5c4: {  	v56 =	vld [tilespmem:$0x1FFF0]  }
0x5c5: {  	v0 =	vadd.f32 v1, v0;
	v1 =	vld [tilespmem:$0x1F150]  }
0x5c6: {  	v6 =	vld.idx.msk [tilespmem:v11+s31+$0x0], $0xffff  }
0x5c7: {  	v7 =	vld.idx.msk [tilespmem:v11+s0+$0x0], $0xffff  }
0x5c8: {  	v11 =	vld [tilespmem:$0x1F120];
	v2 =	vmul.f32 v5, v8;
	_ =	sdelay $0x1  }
0x5c9: {  	v4 =	vor.u32 v56, v4;
	v1 =	vmul.f32 v1, v2;
	_ =	sdelay $0x1  }
0x5ca: {  	v0 =	vadd.f32 v1, v0;
	v1 =	vld [tilespmem:$0x1F160];
	_ =	sdelay $0x2  }
0x5cb: {  	v10 =	vld.idx.msk [tilespmem:v4+s31+$0x0], $0xffff;
	v2 =	vmul.f32 v7, v6  }
0x5cc: {  	v9 =	vld.idx.msk [tilespmem:v11+s31+$0x0], $0xffff  }
0x5cd: {  	v3 =	vld.idx.msk [tilespmem:v11+s0+$0x0], $0xffff;
	v1 =	vmul.f32 v1, v2  }
0x5ce: {  	v5 =	vld.idx.msk [tilespmem:v4+s0+$0x0], $0xffff  }
0x5cf: {  	v0 =	vadd.f32 v1, v0;
	v1 =	vld [tilespmem:$0x1F170];
	_ =	sdelay $0x2  }
0x5d0: {  	v2 =	vmul.f32 v3, v9;
	_ =	sdelay $0x1  }
0x5d1: {  	v1 =	vmul.f32 v1, v2;
	v2 =	vmul.f32 v5, v10;
	v5 =	vld [tilespmem:$0x1FF40]  }
0x5d2: {  	v4 =	vld.idx.msk [tilespmem:v4+s29+$0x0], $0xffff  }
0x5d3: {  	s22 =	simm.s32 $0x10  }
0x5d4: {  	v6 =	vmov s22  }
0x5d5: {  	v3 =	vshll.u32 v6, $0x7  }
0x5d6: {  	v7 =	vor.u32 v5, v3;
	v3 =	vld [tilespmem:$0x1FE80]  }
0x5d7: {  	v0 =	vadd.f32 v1, v0;
	v1 =	vmul.f32 v4, v2;
	_ =	sdelay $0x1  }
0x5d8: {  	v0 =	vadd.f32 v1, v0;
	_ =	sdelay $0x1  }
0x5d9: {  	[tilespmem:s12+$0x0] =	vst v0;
	v0 =	vld [tilespmem:$0x1FD20];
	v3 =	vor.u32 v3, v7;
	_ =	sdelay $0x3  }
0x5da: {  	v2 =	vld [tilespmem:$0x1FD60]  }
0x5db: {  	v6 =	vor.u32 v0, v7;
	v0 =	vld.idx.msk [tilespmem:v3+s29+$0x0], $0xffff;
	_ =	sdelay $0x4  }
0x5dc: {  	v2 =	vor.u32 v2, v7;
	[tilespmem:$0x1F190] =	vst v0;
	v0 =	vld [tilespmem:$0x1F700];
	_ =	sdelay $0x3  }
0x5dd: {  	v4 =	vld [tilespmem:$0x1FD50]  }
0x5de: {  	[tilespmem:$0x1F180] =	vst v3;
	v3 =	vor.u32 v0, v7;
	v0 =	vld.idx.msk [tilespmem:v2+s29+$0x0], $0xffff;
	_ =	sdelay $0x4  }
0x5df: {  	v4 =	vor.u32 v4, v7;
	[tilespmem:$0x1F1B0] =	vst v0;
	v0 =	vld [tilespmem:$0x1F730];
	_ =	sdelay $0x3  }
0x5e0: {  	v1 =	vld [tilespmem:$0x1F6D0]  }
0x5e1: {  	[tilespmem:$0x1F1A0] =	vst v2;
	v2 =	vor.u32 v0, v7;
	v0 =	vld.idx.msk [tilespmem:v4+s29+$0x0], $0xffff;
	_ =	sdelay $0x4  }
0x5e2: {  	v1 =	vor.u32 v1, v7;
	[tilespmem:$0x1F1D0] =	vst v0;
	v0 =	vld [tilespmem:$0x1F760];
	_ =	sdelay $0x3  }
0x5e3: {  	v5 =	vld [tilespmem:$0x1FD30]  }
0x5e4: {  	[tilespmem:$0x1F1C0] =	vst v4;
	v4 =	vor.u32 v0, v7;
	v0 =	vld.idx.msk [tilespmem:v1+s29+$0x0], $0xffff;
	_ =	sdelay $0x4  }
0x5e5: {  	v5 =	vor.u32 v5, v7;
	[tilespmem:$0x1F1F0] =	vst v0;
	v0 =	vld [tilespmem:$0x1F790];
	_ =	sdelay $0x4  }
0x5e6: {  	[tilespmem:$0x1F1E0] =	vst v1;
	v1 =	vor.u32 v0, v7;
	v0 =	vld.idx.msk [tilespmem:v5+s29+$0x0], $0xffff;
	_ =	sdelay $0x4  }
0x5e7: {  	[tilespmem:$0x1F210] =	vst v0;
	v0 =	vld [tilespmem:$0x1FCF0];
	_ =	sdelay $0x4  }
0x5e8: {  	[tilespmem:$0x1F200] =	vst v5;
	v5 =	vor.u32 v0, v7;
	v0 =	vld.idx.msk [tilespmem:v6+s29+$0x0], $0xffff;
	_ =	sdelay $0x4  }
0x5e9: {  	[tilespmem:$0x1F230] =	vst v0;
	v0 =	vld [tilespmem:$0x1F7E0];
	_ =	sdelay $0x4  }
0x5ea: {  	[tilespmem:$0x1F220] =	vst v6;
	v6 =	vor.u32 v0, v7;
	v0 =	vld.idx.msk [tilespmem:v3+s29+$0x0], $0xffff;
	_ =	sdelay $0x4  }
0x5eb: {  	[tilespmem:$0x1F250] =	vst v0;
	v0 =	vld [tilespmem:$0x1FCB0];
	_ =	sdelay $0x4  }
0x5ec: {  	[tilespmem:$0x1F240] =	vst v3;
	v3 =	vor.u32 v0, v7;
	v0 =	vld.idx.msk [tilespmem:v2+s29+$0x0], $0xffff;
	_ =	sdelay $0x4  }
0x5ed: {  	[tilespmem:$0x1F270] =	vst v0;
	v0 =	vld [tilespmem:$0x1FCA0];
	_ =	sdelay $0x4  }
0x5ee: {  	[tilespmem:$0x1F260] =	vst v2;
	v2 =	vor.u32 v0, v7;
	v0 =	vld.idx.msk [tilespmem:v4+s29+$0x0], $0xffff;
	_ =	sdelay $0x4  }
0x5ef: {  	[tilespmem:$0x1F290] =	vst v0;
	v0 =	vld [tilespmem:$0x1FE60];
	_ =	sdelay $0x4  }
0x5f0: {  	[tilespmem:$0x1F280] =	vst v4;
	v4 =	vor.u32 v0, v7;
	v0 =	vld.idx.msk [tilespmem:v1+s29+$0x0], $0xffff;
	_ =	sdelay $0x4  }
0x5f1: {  	[tilespmem:$0x1F2B0] =	vst v0;
	v0 =	vld [tilespmem:$0x1FE50];
	_ =	sdelay $0x4  }
0x5f2: {  	[tilespmem:$0x1F2A0] =	vst v1;
	v1 =	vor.u32 v0, v7;
	v0 =	vld.idx.msk [tilespmem:v5+s29+$0x0], $0xffff;
	_ =	sdelay $0x4  }
0x5f3: {  	[tilespmem:$0x1F2D0] =	vst v0;
	v0 =	vld.idx.msk [tilespmem:v3+s29+$0x0], $0xffff;
	_ =	sdelay $0x4  }
0x5f4: {  	[tilespmem:$0x1F300] =	vst v0;
	v0 =	vld.idx.msk [tilespmem:v2+s29+$0x0], $0xffff;
	_ =	sdelay $0x4  }
0x5f5: {  	[tilespmem:$0x1F320] =	vst v0;
	v0 =	vld.idx.msk [tilespmem:v4+s29+$0x0], $0xffff;
	_ =	sdelay $0x3  }
0x5f6: {  	[tilespmem:$0x1F2C0] =	vst v5  }
0x5f7: {  	v5 =	vor.u32 v37, v7;
	[tilespmem:$0x1F340] =	vst v0;
	v0 =	vld.idx.msk [tilespmem:v1+s29+$0x0], $0xffff;
	_ =	sdelay $0x3  }
0x5f8: {  	[tilespmem:$0x1F2E0] =	vst v6;
	v37 =	vld.idx.msk [tilespmem:v6+s29+$0x0], $0xffff  }
0x5f9: {  	v6 =	vor.u32 v34, v7;
	[tilespmem:$0x1F360] =	vst v0;
	v0 =	vld.idx.msk [tilespmem:v5+s29+$0x0], $0xffff;
	_ =	sdelay $0x3  }
0x5fa: {  	[tilespmem:$0x1F2F0] =	vst v3  }
0x5fb: {  	v3 =	vor.u32 v29, v7;
	[tilespmem:$0x1F380] =	vst v0;
	v0 =	vld.idx.msk [tilespmem:v6+s29+$0x0], $0xffff;
	_ =	sdelay $0x3  }
0x5fc: {  	[tilespmem:$0x1F310] =	vst v2  }
0x5fd: {  	v2 =	vor.u32 v25, v7;
	[tilespmem:$0x1F3A0] =	vst v0;
	v0 =	vld.idx.msk [tilespmem:v3+s29+$0x0], $0xffff;
	_ =	sdelay $0x3  }
0x5fe: {  	[tilespmem:$0x1F330] =	vst v4  }
0x5ff: {  	v4 =	vor.u32 v23, v7;
	[tilespmem:$0x1F3C0] =	vst v0;
	v0 =	vld.idx.msk [tilespmem:v2+s29+$0x0], $0xffff;
	_ =	sdelay $0x4  }
0x600: {  	[tilespmem:$0x1F3E0] =	vst v0;
	v0 =	vld.idx.msk [tilespmem:v4+s29+$0x0], $0xffff;
	_ =	sdelay $0x3  }
0x601: {  	[tilespmem:$0x1F350] =	vst v1  }
0x602: {  	v1 =	vor.u32 v21, v7;
	[tilespmem:$0x1F400] =	vst v0;
	v0 =	vld [tilespmem:$0x1FC40];
	_ =	sdelay $0x4  }
0x603: {  	[tilespmem:$0x1F3F0] =	vst v4;
	v4 =	vor.u32 v0, v7;
	v0 =	vld.idx.msk [tilespmem:v1+s29+$0x0], $0xffff;
	_ =	sdelay $0x3  }
0x604: {  	[tilespmem:$0x1F370] =	vst v5  }
0x605: {  	v5 =	vor.u32 v19, v7;
	[tilespmem:$0x1F420] =	vst v0;
	v0 =	vld [tilespmem:$0x1FC30];
	_ =	sdelay $0x4  }
0x606: {  	v52 =	vor.u32 v0, v7;
	v0 =	vld.idx.msk [tilespmem:v5+s29+$0x0], $0xffff;
	_ =	sdelay $0x3  }
0x607: {  	[tilespmem:$0x1F390] =	vst v6  }
0x608: {  	v6 =	vor.u32 v63, v7;
	[tilespmem:$0x1F440] =	vst v0;
	v0 =	vld [tilespmem:$0x1FC20];
	_ =	sdelay $0x4  }
0x609: {  	v61 =	vor.u32 v0, v7;
	v0 =	vld.idx.msk [tilespmem:v6+s29+$0x0], $0xffff;
	_ =	sdelay $0x3  }
0x60a: {  	[tilespmem:$0x1F3B0] =	vst v3  }
0x60b: {  	v3 =	vor.u32 v15, v7;
	[tilespmem:$0x1F460] =	vst v0;
	v0 =	vld [tilespmem:$0x1FC10];
	_ =	sdelay $0x4  }
0x60c: {  	v63 =	vor.u32 v0, v7;
	v0 =	vld.idx.msk [tilespmem:v3+s29+$0x0], $0xffff;
	_ =	sdelay $0x3  }
0x60d: {  	[tilespmem:$0x1F3D0] =	vst v2  }
0x60e: {  	v2 =	vor.u32 v13, v7;
	[tilespmem:$0x1F480] =	vst v0;
	v0 =	vld [tilespmem:$0x1FC00];
	_ =	sdelay $0x4  }
0x60f: {  	[tilespmem:$0x1F410] =	vst v1;
	v1 =	vor.u32 v0, v7;
	v0 =	vld.idx.msk [tilespmem:v2+s29+$0x0], $0xffff;
	_ =	sdelay $0x4  }
0x610: {  	[tilespmem:$0x1F4A0] =	vst v0;
	v0 =	vld [tilespmem:$0x1FBF0];
	_ =	sdelay $0x4  }
0x611: {  	[tilespmem:$0x1F490] =	vst v2;
	v2 =	vor.u32 v0, v7;
	v0 =	vld.idx.msk [tilespmem:v4+s29+$0x0], $0xffff;
	_ =	sdelay $0x4  }
0x612: {  	[tilespmem:$0x1F4C0] =	vst v0;
	v0 =	vld [tilespmem:$0x1FBE0];
	_ =	sdelay $0x4  }
0x613: {  	[tilespmem:$0x1F430] =	vst v5;
	v5 =	vor.u32 v0, v7;
	v0 =	vld.idx.msk [tilespmem:v52+s29+$0x0], $0xffff;
	_ =	sdelay $0x4  }
0x614: {  	[tilespmem:$0x1F4D0] =	vst v0;
	v0 =	vld [tilespmem:$0x1FBD0];
	_ =	sdelay $0x4  }
0x615: {  	v10 =	vor.u32 v0, v7;
	v0 =	vld.idx.msk [tilespmem:v61+s29+$0x0], $0xffff;
	_ =	sdelay $0x4  }
0x616: {  	[tilespmem:$0x1F4E0] =	vst v0;
	v0 =	vld [tilespmem:$0x1FBC0];
	_ =	sdelay $0x4  }
0x617: {  	v15 =	vor.u32 v0, v7;
	v0 =	vld.idx.msk [tilespmem:v63+s29+$0x0], $0xffff;
	_ =	sdelay $0x4  }
0x618: {  	[tilespmem:$0x1F4F0] =	vst v0;
	v0 =	vld [tilespmem:$0x1FBB0];
	_ =	sdelay $0x4  }
0x619: {  	v19 =	vor.u32 v0, v7;
	v0 =	vld.idx.msk [tilespmem:v1+s29+$0x0], $0xffff;
	_ =	sdelay $0x4  }
0x61a: {  	[tilespmem:$0x1F500] =	vst v0;
	v0 =	vld [tilespmem:$0x1FBA0];
	_ =	sdelay $0x4  }
0x61b: {  	v23 =	vor.u32 v0, v7;
	v0 =	vld.idx.msk [tilespmem:v2+s29+$0x0], $0xffff;
	_ =	sdelay $0x4  }
0x61c: {  	[tilespmem:$0x1F510] =	vst v0;
	v0 =	vld [tilespmem:$0x1FB90];
	_ =	sdelay $0x4  }
0x61d: {  	v27 =	vor.u32 v0, v7;
	v0 =	vld.idx.msk [tilespmem:v5+s29+$0x0], $0xffff;
	_ =	sdelay $0x4  }
0x61e: {  	[tilespmem:$0x1F520] =	vst v0;
	v0 =	vld [tilespmem:$0x1FB80];
	_ =	sdelay $0x4  }
0x61f: {  	v31 =	vor.u32 v0, v7;
	v0 =	vld.idx.msk [tilespmem:v10+s29+$0x0], $0xffff;
	_ =	sdelay $0x4  }
0x620: {  	[tilespmem:$0x1F530] =	vst v0;
	v0 =	vld [tilespmem:$0x1FB70];
	_ =	sdelay $0x4  }
0x621: {  	v35 =	vor.u32 v0, v7;
	v0 =	vld.idx.msk [tilespmem:v15+s29+$0x0], $0xffff;
	_ =	sdelay $0x4  }
0x622: {  	[tilespmem:$0x1F540] =	vst v0;
	v0 =	vld [tilespmem:$0x1FB60];
	_ =	sdelay $0x4  }
0x623: {  	v43 =	vor.u32 v0, v7;
	v0 =	vld.idx.msk [tilespmem:v19+s29+$0x0], $0xffff;
	_ =	sdelay $0x4  }
0x624: {  	[tilespmem:$0x1F550] =	vst v0;
	v0 =	vld [tilespmem:$0x1FFA0];
	_ =	sdelay $0x4  }
0x625: {  	v53 =	vor.u32 v0, v7;
	v0 =	vld.idx.msk [tilespmem:v23+s29+$0x0], $0xffff;
	_ =	sdelay $0x4  }
0x626: {  	[tilespmem:$0x1F560] =	vst v0;
	v0 =	vld [tilespmem:$0x1FF80];
	_ =	sdelay $0x4  }
0x627: {  	v58 =	vor.u32 v0, v7;
	v0 =	vld.idx.msk [tilespmem:v27+s29+$0x0], $0xffff;
	_ =	sdelay $0x4  }
0x628: {  	[tilespmem:$0x1F570] =	vst v0;
	v0 =	vld [tilespmem:$0x1FF60];
	_ =	sdelay $0x4  }
0x629: {  	v59 =	vor.u32 v0, v7;
	v0 =	vld.idx.msk [tilespmem:v31+s29+$0x0], $0xffff;
	_ =	sdelay $0x4  }
0x62a: {  	[tilespmem:$0x1F580] =	vst v0;
	v0 =	vld [tilespmem:$0x1FEF0];
	_ =	sdelay $0x4  }
0x62b: {  	v8 =	vor.u32 v0, v7;
	v0 =	vld.idx.msk [tilespmem:v35+s29+$0x0], $0xffff;
	_ =	sdelay $0x4  }
0x62c: {  	[tilespmem:$0x1F590] =	vst v0;
	v0 =	vld [tilespmem:$0x1FEE0];
	_ =	sdelay $0x4  }
0x62d: {  	v11 =	vor.u32 v0, v7;
	v0 =	vld.idx.msk [tilespmem:v43+s29+$0x0], $0xffff;
	_ =	sdelay $0x4  }
0x62e: {  	[tilespmem:$0x1F5A0] =	vst v0;
	v0 =	vld [tilespmem:$0x1FE90];
	_ =	sdelay $0x4  }
0x62f: {  	v13 =	vor.u32 v0, v7;
	v0 =	vld [tilespmem:$0x1FEA0];
	_ =	sdelay $0x4  }
0x630: {  	v48 =	vor.u32 v0, v7;
	v0 =	vld [tilespmem:$0x1FEB0];
	_ =	sdelay $0x4  }
0x631: {  	v51 =	vor.u32 v0, v7;
	v0 =	vld [tilespmem:$0x1FED0];
	_ =	sdelay $0x4  }
0x632: {  	v20 =	vor.u32 v0, v7;
	v0 =	vld [tilespmem:$0x1FEC0];
	_ =	sdelay $0x1  }
0x633: {  	v9 =	vld [tilespmem:$0x1FF90];
	_ =	sdelay $0x2  }
0x634: {  	v22 =	vor.u32 v0, v7;
	v0 =	vld [tilespmem:$0x1FF00];
	_ =	sdelay $0x1  }
0x635: {  	v42 =	vor.u32 v9, v7;
	v9 =	vld [tilespmem:$0x1FFB0];
	_ =	sdelay $0x2  }
0x636: {  	v24 =	vor.u32 v0, v7;
	v0 =	vld [tilespmem:$0x1FF10];
	_ =	sdelay $0x1  }
0x637: {  	v12 =	vor.u32 v9, v7;
	v9 =	vld [tilespmem:$0x1FFC0];
	_ =	sdelay $0x2  }
0x638: {  	v28 =	vor.u32 v0, v7;
	v0 =	vld [tilespmem:$0x1FF20];
	_ =	sdelay $0x1  }
0x639: {  	v44 =	vor.u32 v9, v7;
	v9 =	vld [tilespmem:$0x1FFD0];
	_ =	sdelay $0x2  }
0x63a: {  	v30 =	vor.u32 v0, v7;
	v0 =	vld [tilespmem:$0x1FF30];
	_ =	sdelay $0x1  }
0x63b: {  	v17 =	vor.u32 v9, v7;
	v9 =	vld [tilespmem:$0x1FFE0]  }
0x63c: {  	v45 =	vld.idx.msk [tilespmem:v53+s29+$0x0], $0xffff  }
0x63d: {  	v55 =	vld.idx.msk [tilespmem:v58+s29+$0x0], $0xffff  }
0x63e: {  	[tilespmem:$0x1F4B0] =	vst v4;
	v4 =	vor.u32 v0, v7;
	v0 =	vld [tilespmem:$0x1FF50]  }
0x63f: {  	[tilespmem:$0x1F470] =	vst v3;
	v3 =	vld.idx.msk [tilespmem:v59+s29+$0x0], $0xffff  }
0x640: {  	[tilespmem:$0x1F450] =	vst v6;
	v6 =	vld.idx.msk [tilespmem:v8+s29+$0x0], $0xffff  }
0x641: {  	v40 =	vld.idx.msk [tilespmem:v11+s29+$0x0], $0xffff  }
0x642: {  	v46 =	vld.idx.msk [tilespmem:v13+s29+$0x0], $0xffff  }
0x643: {  	v34 =	vor.u32 v0, v7;
	v0 =	vld [tilespmem:$0x1FF70]  }
0x644: {  	v14 =	vld.idx.msk [tilespmem:v48+s29+$0x0], $0xffff  }
0x645: {  	v16 =	vld.idx.msk [tilespmem:v51+s29+$0x0], $0xffff  }
0x646: {  	v18 =	vld.idx.msk [tilespmem:v20+s29+$0x0], $0xffff  }
0x647: {  	v57 =	vld.idx.msk [tilespmem:v22+s29+$0x0], $0xffff  }
0x648: {  	v62 =	vld.idx.msk [tilespmem:v24+s29+$0x0], $0xffff;
	v36 =	vor.u32 v0, v7  }
0x649: {  	v26 =	vld.idx.msk [tilespmem:v28+s29+$0x0], $0xffff  }
0x64a: {  	v60 =	vld.idx.msk [tilespmem:v30+s29+$0x0], $0xffff  }
0x64b: {  	v0 =	vld.idx.msk [tilespmem:v4+s29+$0x0], $0xffff  }
0x64c: {  	v32 =	vld.idx.msk [tilespmem:v34+s29+$0x0], $0xffff  }
0x64d: {  	s11 =	simm.s32 $0x20;
	s14 =	smov.u32 s12;
	v50 =	vor.u32 v9, v7;
	v9 =	vld.idx.msk [tilespmem:v36+s29+$0x0], $0xffff  }
.LBB2_7:
0x64e: {  	_ =	sdelay $0x1  }
0x64f: {  	v21 =	vlaneseq.u32  }
0x650: {  	[tilespmem:$0x1F090] =	vst v37;
	v37 =	vmov v56;
	v56 =	vld.idx.msk [tilespmem:v12+s29+$0x0], $0xffff;
	v54 =	vor.u32 v21, v7  }
0x651: {  	v25 =	vld.idx.msk [tilespmem:v44+s29+$0x0], $0xffff  }
0x652: {  	v38 =	vld.idx.msk [tilespmem:v17+s29+$0x0], $0xffff  }
0x653: {  	v39 =	vld.idx.msk [tilespmem:v50+s29+$0x0], $0xffff  }
0x654: {  	v33 =	vld.idx.msk [tilespmem:v50+s31+$0x0], $0xffff  }
0x655: {  	v29 =	vld.idx.msk [tilespmem:v54+s29+$0x0], $0xffff  }
0x656: {  	v41 =	vld.idx.msk [tilespmem:v54+s0+$0x0], $0xffff  }
0x657: {  	v54 =	vld.idx.msk [tilespmem:v54+s31+$0x0], $0xffff  }
0x658: {  	v50 =	vld.idx.msk [tilespmem:v50+s0+$0x0], $0xffff  }
0x659: {  	v47 =	vld.idx.msk [tilespmem:v17+s31+$0x0], $0xffff  }
0x65a: {  	v17 =	vld.idx.msk [tilespmem:v17+s0+$0x0], $0xffff  }
0x65b: {  	v49 =	vld.idx.msk [tilespmem:v44+s31+$0x0], $0xffff  }
0x65c: {  	v44 =	vld.idx.msk [tilespmem:v44+s0+$0x0], $0xffff;
	v41 =	vmul.f32 v41, v54  }
0x65d: {  	v21 =	vld.idx.msk [tilespmem:v42+s29+$0x0], $0xffff  }
0x65e: {  	v33 =	vmul.f32 v50, v33;
	v54 =	vld.idx.msk [tilespmem:v12+s31+$0x0], $0xffff;
	v29 =	vmul.f32 v29, v41  }
0x65f: {  	v12 =	vld.idx.msk [tilespmem:v12+s0+$0x0], $0xffff  }
0x660: {  	v17 =	vmul.f32 v17, v47;
	v33 =	vmul.f32 v39, v33;
	v39 =	vld.idx.msk [tilespmem:v42+s0+$0x0], $0xffff;
	v29 =	vadd.f32 $0.0e+00, v29  }
0x661: {  	v41 =	vld.idx.msk [tilespmem:v42+s31+$0x0], $0xffff  }
0x662: {  	v44 =	vmul.f32 v44, v49;
	v47 =	vld.idx.msk [tilespmem:v36+s0+$0x0], $0xffff;
	v17 =	vmul.f32 v38, v17;
	v29 =	vadd.f32 v33, v29  }
0x663: {  	v42 =	vld.idx.msk [tilespmem:v36+s31+$0x0], $0xffff  }
0x664: {  	v49 =	vld.idx.msk [tilespmem:v34+s31+$0x0], $0xffff;
	v25 =	vmul.f32 v25, v44;
	v12 =	vmul.f32 v12, v54;
	v17 =	vadd.f32 v17, v29  }
0x665: {  	v29 =	vld.idx.msk [tilespmem:v34+s0+$0x0], $0xffff  }
0x666: {  	v50 =	vld.idx.msk [tilespmem:v4+s31+$0x0], $0xffff;
	v12 =	vmul.f32 v56, v12;
	v17 =	vadd.f32 v25, v17;
	v25 =	vmul.f32 v39, v41  }
0x667: {  	v4 =	vld.idx.msk [tilespmem:v4+s0+$0x0], $0xffff  }
0x668: {  	v54 =	vld.idx.msk [tilespmem:v30+s31+$0x0], $0xffff;
	v12 =	vadd.f32 v12, v17;
	v17 =	vmul.f32 v21, v25;
	v21 =	vmul.f32 v47, v42  }
0x669: {  	v25 =	vld.idx.msk [tilespmem:v30+s0+$0x0], $0xffff  }
0x66a: {  	v30 =	vld.idx.msk [tilespmem:v28+s31+$0x0], $0xffff;
	v12 =	vadd.f32 v17, v12;
	v9 =	vmul.f32 v9, v21;
	v17 =	vmul.f32 v29, v49  }
0x66b: {  	v21 =	vld.idx.msk [tilespmem:v28+s0+$0x0], $0xffff  }
0x66c: {  	v4 =	vmul.f32 v4, v50;
	v28 =	vld.idx.msk [tilespmem:v24+s31+$0x0], $0xffff;
	v9 =	vadd.f32 v9, v12;
	v12 =	vmul.f32 v32, v17  }
0x66d: {  	v17 =	vld.idx.msk [tilespmem:v24+s0+$0x0], $0xffff  }
0x66e: {  	v0 =	vmul.f32 v0, v4;
	v24 =	vld.idx.msk [tilespmem:v22+s31+$0x0], $0xffff;
	v4 =	vmul.f32 v25, v54;
	v9 =	vadd.f32 v12, v9  }
0x66f: {  	v12 =	vld.idx.msk [tilespmem:v22+s0+$0x0], $0xffff  }
0x670: {  	v22 =	vld.idx.msk [tilespmem:v20+s31+$0x0], $0xffff;
	v4 =	vmul.f32 v60, v4;
	v0 =	vadd.f32 v0, v9;
	v9 =	vmul.f32 v21, v30  }
0x671: {  	v20 =	vld.idx.msk [tilespmem:v20+s0+$0x0], $0xffff  }
0x672: {  	v21 =	vld.idx.msk [tilespmem:v51+s31+$0x0], $0xffff;
	v0 =	vadd.f32 v4, v0;
	v4 =	vmul.f32 v26, v9;
	v9 =	vmul.f32 v17, v28  }
0x673: {  	v17 =	vld.idx.msk [tilespmem:v51+s0+$0x0], $0xffff  }
0x674: {  	v25 =	vld.idx.msk [tilespmem:v48+s31+$0x0], $0xffff;
	v0 =	vadd.f32 v4, v0;
	v4 =	vmul.f32 v62, v9;
	v9 =	vmul.f32 v12, v24  }
0x675: {  	v12 =	vld.idx.msk [tilespmem:v48+s0+$0x0], $0xffff  }
0x676: {  	v24 =	vld.idx.msk [tilespmem:v13+s31+$0x0], $0xffff;
	v0 =	vadd.f32 v4, v0;
	v4 =	vmul.f32 v57, v9;
	v9 =	vmul.f32 v20, v22  }
0x677: {  	v13 =	vld.idx.msk [tilespmem:v13+s0+$0x0], $0xffff  }
0x678: {  	v20 =	vld.idx.msk [tilespmem:v11+s31+$0x0], $0xffff;
	v0 =	vadd.f32 v4, v0;
	v4 =	vmul.f32 v18, v9;
	v9 =	vmul.f32 v17, v21  }
0x679: {  	v11 =	vld.idx.msk [tilespmem:v11+s0+$0x0], $0xffff  }
0x67a: {  	v17 =	vld.idx.msk [tilespmem:v8+s31+$0x0], $0xffff;
	v0 =	vadd.f32 v4, v0;
	v4 =	vmul.f32 v16, v9;
	v9 =	vmul.f32 v12, v25  }
0x67b: {  	v8 =	vld.idx.msk [tilespmem:v8+s0+$0x0], $0xffff  }
0x67c: {  	v12 =	vld.idx.msk [tilespmem:v59+s31+$0x0], $0xffff;
	v0 =	vadd.f32 v4, v0;
	v4 =	vmul.f32 v14, v9;
	v9 =	vmul.f32 v13, v24  }
0x67d: {  	v13 =	vld.idx.msk [tilespmem:v59+s0+$0x0], $0xffff  }
0x67e: {  	v14 =	vld.idx.msk [tilespmem:v58+s31+$0x0], $0xffff;
	v0 =	vadd.f32 v4, v0;
	v4 =	vmul.f32 v46, v9;
	v9 =	vmul.f32 v11, v20  }
0x67f: {  	v11 =	vld.idx.msk [tilespmem:v58+s0+$0x0], $0xffff  }
0x680: {  	v16 =	vld.idx.msk [tilespmem:v53+s31+$0x0], $0xffff;
	v8 =	vmul.f32 v8, v17;
	v0 =	vadd.f32 v4, v0;
	v4 =	vmul.f32 v40, v9  }
0x681: {  	v9 =	vld.idx.msk [tilespmem:v53+s0+$0x0], $0xffff  }
0x682: {  	v0 =	vadd.f32 v4, v0;
	v4 =	vmul.f32 v6, v8;
	v6 =	vmul.f32 v13, v12;
	_ =	sdelay $0x1  }
0x683: {  	v0 =	vadd.f32 v4, v0;
	v3 =	vmul.f32 v3, v6;
	v4 =	vmul.f32 v11, v14;
	_ =	sdelay $0x1  }
0x684: {  	v0 =	vadd.f32 v3, v0;
	v3 =	vmul.f32 v55, v4;
	v4 =	vmul.f32 v9, v16  }
0x685: {  	v17 =	vld.idx.msk [tilespmem:v43+s31+$0x0], $0xffff  }
0x686: {  	v8 =	vld.idx.msk [tilespmem:v43+s0+$0x0], $0xffff;
	v0 =	vadd.f32 v3, v0;
	v3 =	vmul.f32 v45, v4;
	_ =	sdelay $0x1  }
0x687: {  	v0 =	vadd.f32 v3, v0;
	v3 =	vld [tilespmem:$0x1F5A0];
	_ =	sdelay $0x2  }
0x688: {  	v4 =	vmul.f32 v8, v17  }
0x689: {  	v12 =	vld.idx.msk [tilespmem:v35+s31+$0x0], $0xffff  }
0x68a: {  	v6 =	vld.idx.msk [tilespmem:v35+s0+$0x0], $0xffff;
	v3 =	vmul.f32 v3, v4;
	_ =	sdelay $0x1  }
0x68b: {  	v0 =	vadd.f32 v3, v0;
	v3 =	vld [tilespmem:$0x1F590];
	_ =	sdelay $0x2  }
0x68c: {  	v4 =	vmul.f32 v6, v12  }
0x68d: {  	v11 =	vld.idx.msk [tilespmem:v31+s31+$0x0], $0xffff  }
0x68e: {  	v9 =	vld.idx.msk [tilespmem:v31+s0+$0x0], $0xffff;
	v3 =	vmul.f32 v3, v4;
	_ =	sdelay $0x1  }
0x68f: {  	v0 =	vadd.f32 v3, v0;
	v3 =	vld [tilespmem:$0x1F580];
	_ =	sdelay $0x2  }
0x690: {  	v4 =	vmul.f32 v9, v11  }
0x691: {  	v13 =	vld.idx.msk [tilespmem:v27+s31+$0x0], $0xffff  }
0x692: {  	v8 =	vld.idx.msk [tilespmem:v27+s0+$0x0], $0xffff;
	v3 =	vmul.f32 v3, v4;
	_ =	sdelay $0x1  }
0x693: {  	v0 =	vadd.f32 v3, v0;
	v3 =	vld [tilespmem:$0x1F570];
	_ =	sdelay $0x2  }
0x694: {  	v4 =	vmul.f32 v8, v13  }
0x695: {  	v14 =	vld.idx.msk [tilespmem:v23+s31+$0x0], $0xffff  }
0x696: {  	v6 =	vld.idx.msk [tilespmem:v23+s0+$0x0], $0xffff;
	v3 =	vmul.f32 v3, v4;
	_ =	sdelay $0x1  }
0x697: {  	v0 =	vadd.f32 v3, v0;
	v3 =	vld [tilespmem:$0x1F560];
	_ =	sdelay $0x2  }
0x698: {  	v4 =	vmul.f32 v6, v14  }
0x699: {  	v12 =	vld.idx.msk [tilespmem:v19+s31+$0x0], $0xffff  }
0x69a: {  	v9 =	vld.idx.msk [tilespmem:v19+s0+$0x0], $0xffff;
	v3 =	vmul.f32 v3, v4;
	_ =	sdelay $0x1  }
0x69b: {  	v0 =	vadd.f32 v3, v0;
	v3 =	vld [tilespmem:$0x1F550];
	_ =	sdelay $0x2  }
0x69c: {  	v4 =	vmul.f32 v9, v12  }
0x69d: {  	v11 =	vld.idx.msk [tilespmem:v15+s31+$0x0], $0xffff  }
0x69e: {  	v8 =	vld.idx.msk [tilespmem:v15+s0+$0x0], $0xffff;
	v3 =	vmul.f32 v3, v4;
	_ =	sdelay $0x1  }
0x69f: {  	v0 =	vadd.f32 v3, v0;
	v3 =	vld [tilespmem:$0x1F540];
	_ =	sdelay $0x2  }
0x6a0: {  	v4 =	vmul.f32 v8, v11  }
0x6a1: {  	v13 =	vld.idx.msk [tilespmem:v10+s31+$0x0], $0xffff  }
0x6a2: {  	v6 =	vld.idx.msk [tilespmem:v10+s0+$0x0], $0xffff;
	v3 =	vmul.f32 v3, v4;
	_ =	sdelay $0x1  }
0x6a3: {  	v0 =	vadd.f32 v3, v0;
	v3 =	vld [tilespmem:$0x1F530];
	_ =	sdelay $0x2  }
0x6a4: {  	v4 =	vmul.f32 v6, v13  }
0x6a5: {  	v10 =	vld.idx.msk [tilespmem:v5+s31+$0x0], $0xffff  }
0x6a6: {  	v5 =	vld.idx.msk [tilespmem:v5+s0+$0x0], $0xffff;
	v3 =	vmul.f32 v3, v4;
	_ =	sdelay $0x1  }
0x6a7: {  	v0 =	vadd.f32 v3, v0;
	v3 =	vld [tilespmem:$0x1F520];
	_ =	sdelay $0x2  }
0x6a8: {  	v4 =	vmul.f32 v5, v10  }
0x6a9: {  	v9 =	vld.idx.msk [tilespmem:v2+s31+$0x0], $0xffff  }
0x6aa: {  	v2 =	vld.idx.msk [tilespmem:v2+s0+$0x0], $0xffff;
	v3 =	vmul.f32 v3, v4;
	_ =	sdelay $0x1  }
0x6ab: {  	v0 =	vadd.f32 v3, v0;
	v3 =	vld [tilespmem:$0x1F510];
	_ =	sdelay $0x1  }
0x6ac: {  	v8 =	vld.idx.msk [tilespmem:v1+s31+$0x0], $0xffff  }
0x6ad: {  	v2 =	vmul.f32 v2, v9;
	v11 =	vld [tilespmem:$0x1F4B0]  }
0x6ae: {  	v1 =	vld.idx.msk [tilespmem:v1+s0+$0x0], $0xffff  }
0x6af: {  	v6 =	vld.idx.msk [tilespmem:v63+s31+$0x0], $0xffff;
	v2 =	vmul.f32 v3, v2  }
0x6b0: {  	v5 =	vld.idx.msk [tilespmem:v63+s0+$0x0], $0xffff  }
0x6b1: {  	v0 =	vadd.f32 v2, v0;
	v2 =	vld [tilespmem:$0x1F500];
	_ =	sdelay $0x2  }
0x6b2: {  	v1 =	vmul.f32 v1, v8  }
0x6b3: {  	v8 =	vld.idx.msk [tilespmem:v11+s31+$0x0], $0xffff  }
0x6b4: {  	v1 =	vmul.f32 v2, v1;
	v2 =	vmul.f32 v5, v6;
	v5 =	vld.idx.msk [tilespmem:v11+s0+$0x0], $0xffff  }
0x6b5: {  	v11 =	vld [tilespmem:$0x1F490];
	_ =	sdelay $0x1  }
0x6b6: {  	v10 =	vld.idx.msk [tilespmem:v61+s31+$0x0], $0xffff  }
0x6b7: {  	v4 =	vld.idx.msk [tilespmem:v61+s0+$0x0], $0xffff  }
0x6b8: {  	v0 =	vadd.f32 v1, v0;
	v1 =	vld [tilespmem:$0x1F4F0];
	_ =	sdelay $0x3  }
0x6b9: {  	v6 =	vld.idx.msk [tilespmem:v11+s31+$0x0], $0xffff  }
0x6ba: {  	v1 =	vmul.f32 v1, v2;
	v2 =	vmul.f32 v4, v10;
	v4 =	vld.idx.msk [tilespmem:v11+s0+$0x0], $0xffff  }
0x6bb: {  	v11 =	vld [tilespmem:$0x1F470];
	_ =	sdelay $0x1  }
0x6bc: {  	v9 =	vld.idx.msk [tilespmem:v52+s31+$0x0], $0xffff  }
0x6bd: {  	v3 =	vld.idx.msk [tilespmem:v52+s0+$0x0], $0xffff  }
0x6be: {  	v0 =	vadd.f32 v1, v0;
	v1 =	vld [tilespmem:$0x1F4E0];
	_ =	sdelay $0x3  }
0x6bf: {  	v10 =	vld.idx.msk [tilespmem:v11+s31+$0x0], $0xffff  }
0x6c0: {  	v1 =	vmul.f32 v1, v2;
	v2 =	vmul.f32 v3, v9;
	v3 =	vld.idx.msk [tilespmem:v11+s0+$0x0], $0xffff  }
0x6c1: {  	v11 =	vld [tilespmem:$0x1F450]  }
0x6c2: {  	v0 =	vadd.f32 v1, v0;
	v1 =	vld [tilespmem:$0x1F4D0];
	_ =	sdelay $0x4  }
0x6c3: {  	v1 =	vmul.f32 v1, v2;
	_ =	sdelay $0x1  }
0x6c4: {  	v0 =	vadd.f32 v1, v0;
	v1 =	vld [tilespmem:$0x1F4C0]  }
0x6c5: {  	v9 =	vld.idx.msk [tilespmem:v11+s31+$0x0], $0xffff  }
0x6c6: {  	v2 =	vmul.f32 v5, v8;
	v5 =	vld.idx.msk [tilespmem:v11+s0+$0x0], $0xffff  }
0x6c7: {  	v11 =	vld [tilespmem:$0x1F430];
	_ =	sdelay $0x4  }
0x6c8: {  	v1 =	vmul.f32 v1, v2;
	_ =	sdelay $0x1  }
0x6c9: {  	v0 =	vadd.f32 v1, v0;
	v1 =	vld [tilespmem:$0x1F4A0]  }
0x6ca: {  	v8 =	vld.idx.msk [tilespmem:v11+s31+$0x0], $0xffff  }
0x6cb: {  	v2 =	vmul.f32 v4, v6;
	v4 =	vld.idx.msk [tilespmem:v11+s0+$0x0], $0xffff  }
0x6cc: {  	v11 =	vld [tilespmem:$0x1F410];
	_ =	sdelay $0x4  }
0x6cd: {  	v1 =	vmul.f32 v1, v2;
	_ =	sdelay $0x1  }
0x6ce: {  	v0 =	vadd.f32 v1, v0;
	v1 =	vld [tilespmem:$0x1F480]  }
0x6cf: {  	v6 =	vld.idx.msk [tilespmem:v11+s31+$0x0], $0xffff  }
0x6d0: {  	v2 =	vmul.f32 v3, v10;
	v3 =	vld.idx.msk [tilespmem:v11+s0+$0x0], $0xffff  }
0x6d1: {  	v11 =	vld [tilespmem:$0x1F3F0];
	_ =	sdelay $0x4  }
0x6d2: {  	v1 =	vmul.f32 v1, v2;
	_ =	sdelay $0x1  }
0x6d3: {  	v0 =	vadd.f32 v1, v0;
	v1 =	vld [tilespmem:$0x1F460]  }
0x6d4: {  	v10 =	vld.idx.msk [tilespmem:v11+s31+$0x0], $0xffff  }
0x6d5: {  	v2 =	vmul.f32 v5, v9;
	v5 =	vld.idx.msk [tilespmem:v11+s0+$0x0], $0xffff  }
0x6d6: {  	v11 =	vld [tilespmem:$0x1F3D0];
	_ =	sdelay $0x4  }
0x6d7: {  	v1 =	vmul.f32 v1, v2;
	_ =	sdelay $0x1  }
0x6d8: {  	v0 =	vadd.f32 v1, v0;
	v1 =	vld [tilespmem:$0x1F440]  }
0x6d9: {  	v9 =	vld.idx.msk [tilespmem:v11+s31+$0x0], $0xffff  }
0x6da: {  	v2 =	vmul.f32 v4, v8;
	v4 =	vld.idx.msk [tilespmem:v11+s0+$0x0], $0xffff  }
0x6db: {  	v11 =	vld [tilespmem:$0x1F3B0];
	_ =	sdelay $0x4  }
0x6dc: {  	v1 =	vmul.f32 v1, v2;
	_ =	sdelay $0x1  }
0x6dd: {  	v0 =	vadd.f32 v1, v0;
	v1 =	vld [tilespmem:$0x1F420]  }
0x6de: {  	v8 =	vld.idx.msk [tilespmem:v11+s31+$0x0], $0xffff  }
0x6df: {  	v2 =	vmul.f32 v3, v6;
	v3 =	vld.idx.msk [tilespmem:v11+s0+$0x0], $0xffff  }
0x6e0: {  	v11 =	vld [tilespmem:$0x1F390];
	_ =	sdelay $0x1  }
0x6e1: {  	v1 =	vmul.f32 v1, v2;
	_ =	sdelay $0x1  }
0x6e2: {  	v0 =	vadd.f32 v1, v0;
	v1 =	vld [tilespmem:$0x1F400];
	_ =	sdelay $0x2  }
0x6e3: {  	v2 =	vmul.f32 v5, v10  }
0x6e4: {  	v6 =	vld.idx.msk [tilespmem:v11+s31+$0x0], $0xffff  }
0x6e5: {  	v1 =	vmul.f32 v1, v2;
	v5 =	vld.idx.msk [tilespmem:v11+s0+$0x0], $0xffff  }
0x6e6: {  	v11 =	vld [tilespmem:$0x1F370]  }
0x6e7: {  	v0 =	vadd.f32 v1, v0;
	v1 =	vld [tilespmem:$0x1F3E0];
	_ =	sdelay $0x2  }
0x6e8: {  	v2 =	vmul.f32 v4, v9;
	_ =	sdelay $0x1  }
0x6e9: {  	v1 =	vmul.f32 v1, v2;
	_ =	sdelay $0x1  }
0x6ea: {  	v0 =	vadd.f32 v1, v0;
	v1 =	vld [tilespmem:$0x1F3C0]  }
0x6eb: {  	v10 =	vld.idx.msk [tilespmem:v11+s31+$0x0], $0xffff  }
0x6ec: {  	v4 =	vld.idx.msk [tilespmem:v11+s0+$0x0], $0xffff  }
0x6ed: {  	v11 =	vld [tilespmem:$0x1F350];
	_ =	sdelay $0x2  }
0x6ee: {  	v2 =	vmul.f32 v3, v8;
	_ =	sdelay $0x1  }
0x6ef: {  	v1 =	vmul.f32 v1, v2;
	_ =	sdelay $0x1  }
0x6f0: {  	v0 =	vadd.f32 v1, v0;
	v1 =	vld [tilespmem:$0x1F3A0]  }
0x6f1: {  	v9 =	vld.idx.msk [tilespmem:v11+s31+$0x0], $0xffff  }
0x6f2: {  	v3 =	vld.idx.msk [tilespmem:v11+s0+$0x0], $0xffff  }
0x6f3: {  	v11 =	vld [tilespmem:$0x1F330];
	_ =	sdelay $0x2  }
0x6f4: {  	v2 =	vmul.f32 v5, v6;
	_ =	sdelay $0x1  }
0x6f5: {  	v1 =	vmul.f32 v1, v2;
	_ =	sdelay $0x1  }
0x6f6: {  	v0 =	vadd.f32 v1, v0;
	v1 =	vld [tilespmem:$0x1F380]  }
0x6f7: {  	v8 =	vld.idx.msk [tilespmem:v11+s31+$0x0], $0xffff  }
0x6f8: {  	v5 =	vld.idx.msk [tilespmem:v11+s0+$0x0], $0xffff  }
0x6f9: {  	v11 =	vld [tilespmem:$0x1F310];
	_ =	sdelay $0x2  }
0x6fa: {  	v2 =	vmul.f32 v4, v10;
	_ =	sdelay $0x1  }
0x6fb: {  	v1 =	vmul.f32 v1, v2;
	_ =	sdelay $0x1  }
0x6fc: {  	v0 =	vadd.f32 v1, v0;
	v1 =	vld [tilespmem:$0x1F360]  }
0x6fd: {  	v6 =	vld.idx.msk [tilespmem:v11+s31+$0x0], $0xffff  }
0x6fe: {  	v4 =	vld.idx.msk [tilespmem:v11+s0+$0x0], $0xffff  }
0x6ff: {  	v11 =	vld [tilespmem:$0x1F2F0];
	_ =	sdelay $0x2  }
0x700: {  	v2 =	vmul.f32 v3, v9;
	_ =	sdelay $0x1  }
0x701: {  	v1 =	vmul.f32 v1, v2;
	_ =	sdelay $0x1  }
0x702: {  	v0 =	vadd.f32 v1, v0;
	v1 =	vld [tilespmem:$0x1F340]  }
0x703: {  	v10 =	vld.idx.msk [tilespmem:v11+s31+$0x0], $0xffff  }
0x704: {  	v3 =	vld.idx.msk [tilespmem:v11+s0+$0x0], $0xffff  }
0x705: {  	v11 =	vld [tilespmem:$0x1F2E0];
	_ =	sdelay $0x2  }
0x706: {  	v2 =	vmul.f32 v5, v8;
	_ =	sdelay $0x1  }
0x707: {  	v1 =	vmul.f32 v1, v2;
	_ =	sdelay $0x1  }
0x708: {  	v0 =	vadd.f32 v1, v0;
	v1 =	vld [tilespmem:$0x1F320]  }
0x709: {  	v9 =	vld.idx.msk [tilespmem:v11+s31+$0x0], $0xffff  }
0x70a: {  	v5 =	vld.idx.msk [tilespmem:v11+s0+$0x0], $0xffff  }
0x70b: {  	v2 =	vmul.f32 v4, v6;
	v11 =	vld [tilespmem:$0x1F2C0];
	_ =	sdelay $0x1  }
0x70c: {  	v1 =	vmul.f32 v1, v2;
	_ =	sdelay $0x1  }
0x70d: {  	v0 =	vadd.f32 v1, v0;
	v1 =	vld [tilespmem:$0x1F300];
	_ =	sdelay $0x2  }
0x70e: {  	v2 =	vmul.f32 v3, v10  }
0x70f: {  	v8 =	vld.idx.msk [tilespmem:v11+s31+$0x0], $0xffff  }
0x710: {  	v1 =	vmul.f32 v1, v2;
	v4 =	vld.idx.msk [tilespmem:v11+s0+$0x0], $0xffff  }
0x711: {  	v11 =	vld [tilespmem:$0x1F2A0]  }
0x712: {  	v0 =	vadd.f32 v1, v0;
	v1 =	vld [tilespmem:$0x1F090];
	_ =	sdelay $0x2  }
0x713: {  	v2 =	vmul.f32 v5, v9;
	_ =	sdelay $0x1  }
0x714: {  	v1 =	vmul.f32 v1, v2;
	_ =	sdelay $0x1  }
0x715: {  	v0 =	vadd.f32 v1, v0;
	v1 =	vld [tilespmem:$0x1F2D0]  }
0x716: {  	v6 =	vld.idx.msk [tilespmem:v11+s31+$0x0], $0xffff  }
0x717: {  	v3 =	vld.idx.msk [tilespmem:v11+s0+$0x0], $0xffff  }
0x718: {  	v11 =	vld [tilespmem:$0x1F280];
	_ =	sdelay $0x2  }
0x719: {  	v2 =	vmul.f32 v4, v8;
	_ =	sdelay $0x1  }
0x71a: {  	v1 =	vmul.f32 v1, v2;
	_ =	sdelay $0x1  }
0x71b: {  	v0 =	vadd.f32 v1, v0;
	v1 =	vld [tilespmem:$0x1F2B0]  }
0x71c: {  	v10 =	vld.idx.msk [tilespmem:v11+s31+$0x0], $0xffff  }
0x71d: {  	v5 =	vld.idx.msk [tilespmem:v11+s0+$0x0], $0xffff  }
0x71e: {  	v11 =	vld [tilespmem:$0x1F260];
	_ =	sdelay $0x2  }
0x71f: {  	v2 =	vmul.f32 v3, v6;
	_ =	sdelay $0x1  }
0x720: {  	v1 =	vmul.f32 v1, v2;
	_ =	sdelay $0x1  }
0x721: {  	v0 =	vadd.f32 v1, v0;
	v1 =	vld [tilespmem:$0x1F290]  }
0x722: {  	v9 =	vld.idx.msk [tilespmem:v11+s31+$0x0], $0xffff  }
0x723: {  	v4 =	vld.idx.msk [tilespmem:v11+s0+$0x0], $0xffff  }
0x724: {  	v11 =	vld [tilespmem:$0x1F240];
	_ =	sdelay $0x2  }
0x725: {  	v2 =	vmul.f32 v5, v10;
	_ =	sdelay $0x1  }
0x726: {  	v1 =	vmul.f32 v1, v2;
	_ =	sdelay $0x1  }
0x727: {  	v0 =	vadd.f32 v1, v0;
	v1 =	vld [tilespmem:$0x1F270]  }
0x728: {  	v8 =	vld.idx.msk [tilespmem:v11+s31+$0x0], $0xffff  }
0x729: {  	v3 =	vld.idx.msk [tilespmem:v11+s0+$0x0], $0xffff  }
0x72a: {  	v11 =	vld [tilespmem:$0x1F220];
	_ =	sdelay $0x2  }
0x72b: {  	v2 =	vmul.f32 v4, v9;
	_ =	sdelay $0x1  }
0x72c: {  	v1 =	vmul.f32 v1, v2;
	_ =	sdelay $0x1  }
0x72d: {  	v0 =	vadd.f32 v1, v0;
	v1 =	vld [tilespmem:$0x1F250]  }
0x72e: {  	v6 =	vld.idx.msk [tilespmem:v11+s31+$0x0], $0xffff  }
0x72f: {  	v5 =	vld.idx.msk [tilespmem:v11+s0+$0x0], $0xffff  }
0x730: {  	v11 =	vld [tilespmem:$0x1F200];
	_ =	sdelay $0x2  }
0x731: {  	v2 =	vmul.f32 v3, v8;
	_ =	sdelay $0x1  }
0x732: {  	v1 =	vmul.f32 v1, v2;
	_ =	sdelay $0x1  }
0x733: {  	v0 =	vadd.f32 v1, v0;
	v1 =	vld [tilespmem:$0x1F230]  }
0x734: {  	v10 =	vld.idx.msk [tilespmem:v11+s31+$0x0], $0xffff  }
0x735: {  	v4 =	vld.idx.msk [tilespmem:v11+s0+$0x0], $0xffff  }
0x736: {  	v11 =	vld [tilespmem:$0x1F1E0];
	_ =	sdelay $0x2  }
0x737: {  	v2 =	vmul.f32 v5, v6;
	_ =	sdelay $0x1  }
0x738: {  	v1 =	vmul.f32 v1, v2;
	_ =	sdelay $0x1  }
0x739: {  	v0 =	vadd.f32 v1, v0;
	v1 =	vld [tilespmem:$0x1F210]  }
0x73a: {  	v9 =	vld.idx.msk [tilespmem:v11+s31+$0x0], $0xffff  }
0x73b: {  	v3 =	vld.idx.msk [tilespmem:v11+s0+$0x0], $0xffff  }
0x73c: {  	v11 =	vld [tilespmem:$0x1F1C0];
	_ =	sdelay $0x2  }
0x73d: {  	v2 =	vmul.f32 v4, v10;
	_ =	sdelay $0x1  }
0x73e: {  	v1 =	vmul.f32 v1, v2;
	_ =	sdelay $0x1  }
0x73f: {  	v0 =	vadd.f32 v1, v0;
	v1 =	vld [tilespmem:$0x1F1F0]  }
0x740: {  	v8 =	vld.idx.msk [tilespmem:v11+s31+$0x0], $0xffff  }
0x741: {  	v5 =	vld.idx.msk [tilespmem:v11+s0+$0x0], $0xffff  }
0x742: {  	v11 =	vld [tilespmem:$0x1F1A0];
	_ =	sdelay $0x2  }
0x743: {  	v2 =	vmul.f32 v3, v9;
	_ =	sdelay $0x1  }
0x744: {  	v1 =	vmul.f32 v1, v2;
	_ =	sdelay $0x1  }
0x745: {  	v0 =	vadd.f32 v1, v0;
	v1 =	vld [tilespmem:$0x1F1D0]  }
0x746: {  	v6 =	vld.idx.msk [tilespmem:v11+s31+$0x0], $0xffff  }
0x747: {  	v4 =	vld.idx.msk [tilespmem:v11+s0+$0x0], $0xffff  }
0x748: {  	v2 =	vmul.f32 v5, v8;
	v11 =	vld [tilespmem:$0x1F180];
	_ =	sdelay $0x1  }
0x749: {  	v7 =	vor.u32 v37, v7;
	v1 =	vmul.f32 v1, v2;
	_ =	sdelay $0x1  }
0x74a: {  	v0 =	vadd.f32 v1, v0;
	v1 =	vld [tilespmem:$0x1F1B0];
	_ =	sdelay $0x2  }
0x74b: {  	v9 =	vld.idx.msk [tilespmem:v7+s31+$0x0], $0xffff;
	v2 =	vmul.f32 v4, v6  }
0x74c: {  	v10 =	vld.idx.msk [tilespmem:v11+s31+$0x0], $0xffff  }
0x74d: {  	v1 =	vmul.f32 v1, v2;
	v3 =	vld.idx.msk [tilespmem:v11+s0+$0x0], $0xffff  }
0x74e: {  	v5 =	vld.idx.msk [tilespmem:v7+s0+$0x0], $0xffff  }
0x74f: {  	v0 =	vadd.f32 v1, v0;
	v1 =	vld [tilespmem:$0x1F190];
	_ =	sdelay $0x2  }
0x750: {  	v2 =	vmul.f32 v3, v10;
	_ =	sdelay $0x1  }
0x751: {  	v1 =	vmul.f32 v1, v2;
	v2 =	vmul.f32 v5, v9;
	v5 =	vld [tilespmem:$0x1FF40]  }
0x752: {  	v4 =	vld.idx.msk [tilespmem:v7+s29+$0x0], $0xffff;
	_ =	sdelay $0x1  }
0x753: {  	v6 =	vmov s11  }
0x754: {  	v3 =	vshll.u32 v6, $0x7  }
0x755: {  	v7 =	vor.u32 v5, v3;
	v3 =	vld [tilespmem:$0x1FE80]  }
0x756: {  	v0 =	vadd.f32 v1, v0;
	v1 =	vmul.f32 v4, v2;
	_ =	sdelay $0x1  }
0x757: {  	v0 =	vadd.f32 v1, v0  }
0x758: {  	s14 =	sadd.s32 $0x10, s14  }
0x759: {  	[tilespmem:s14+$0x0] =	vst v0;
	v0 =	vld [tilespmem:$0x1FD20];
	v3 =	vor.u32 v3, v7;
	_ =	sdelay $0x3  }
0x75a: {  	v2 =	vld [tilespmem:$0x1FD60]  }
0x75b: {  	v6 =	vor.u32 v0, v7;
	v0 =	vld.idx.msk [tilespmem:v3+s29+$0x0], $0xffff;
	_ =	sdelay $0x4  }
0x75c: {  	v4 =	vor.u32 v2, v7;
	[tilespmem:$0x1F190] =	vst v0;
	v0 =	vld [tilespmem:$0x1F700];
	_ =	sdelay $0x3  }
0x75d: {  	v2 =	vld [tilespmem:$0x1FD50]  }
0x75e: {  	[tilespmem:$0x1F180] =	vst v3;
	v3 =	vor.u32 v0, v7;
	v0 =	vld.idx.msk [tilespmem:v4+s29+$0x0], $0xffff;
	_ =	sdelay $0x4  }
0x75f: {  	v2 =	vor.u32 v2, v7;
	[tilespmem:$0x1F1B0] =	vst v0;
	v0 =	vld [tilespmem:$0x1F730];
	_ =	sdelay $0x3  }
0x760: {  	v1 =	vld [tilespmem:$0x1F6D0]  }
0x761: {  	[tilespmem:$0x1F1A0] =	vst v4;
	v4 =	vor.u32 v0, v7;
	v0 =	vld.idx.msk [tilespmem:v2+s29+$0x0], $0xffff;
	_ =	sdelay $0x4  }
0x762: {  	v5 =	vor.u32 v1, v7;
	[tilespmem:$0x1F1D0] =	vst v0;
	v0 =	vld [tilespmem:$0x1F760];
	_ =	sdelay $0x3  }
0x763: {  	v1 =	vld [tilespmem:$0x1FD30]  }
0x764: {  	[tilespmem:$0x1F1C0] =	vst v2;
	v2 =	vor.u32 v0, v7;
	v0 =	vld.idx.msk [tilespmem:v5+s29+$0x0], $0xffff;
	_ =	sdelay $0x4  }
0x765: {  	v1 =	vor.u32 v1, v7;
	[tilespmem:$0x1F1F0] =	vst v0;
	v0 =	vld [tilespmem:$0x1F790];
	_ =	sdelay $0x4  }
0x766: {  	[tilespmem:$0x1F1E0] =	vst v5;
	v5 =	vor.u32 v0, v7;
	v0 =	vld.idx.msk [tilespmem:v1+s29+$0x0], $0xffff;
	_ =	sdelay $0x4  }
0x767: {  	[tilespmem:$0x1F210] =	vst v0;
	v0 =	vld [tilespmem:$0x1FCF0];
	_ =	sdelay $0x4  }
0x768: {  	[tilespmem:$0x1F200] =	vst v1;
	v1 =	vor.u32 v0, v7;
	v0 =	vld.idx.msk [tilespmem:v6+s29+$0x0], $0xffff;
	_ =	sdelay $0x4  }
0x769: {  	[tilespmem:$0x1F230] =	vst v0;
	v0 =	vld [tilespmem:$0x1F7E0];
	_ =	sdelay $0x4  }
0x76a: {  	[tilespmem:$0x1F220] =	vst v6;
	v6 =	vor.u32 v0, v7;
	v0 =	vld.idx.msk [tilespmem:v3+s29+$0x0], $0xffff;
	_ =	sdelay $0x4  }
0x76b: {  	[tilespmem:$0x1F250] =	vst v0;
	v0 =	vld [tilespmem:$0x1FCB0];
	_ =	sdelay $0x4  }
0x76c: {  	[tilespmem:$0x1F240] =	vst v3;
	v3 =	vor.u32 v0, v7;
	v0 =	vld.idx.msk [tilespmem:v4+s29+$0x0], $0xffff;
	_ =	sdelay $0x4  }
0x76d: {  	[tilespmem:$0x1F270] =	vst v0;
	v0 =	vld [tilespmem:$0x1FCA0];
	_ =	sdelay $0x4  }
0x76e: {  	[tilespmem:$0x1F260] =	vst v4;
	v4 =	vor.u32 v0, v7;
	v0 =	vld.idx.msk [tilespmem:v2+s29+$0x0], $0xffff;
	_ =	sdelay $0x4  }
0x76f: {  	[tilespmem:$0x1F290] =	vst v0;
	v0 =	vld [tilespmem:$0x1FE60];
	_ =	sdelay $0x4  }
0x770: {  	[tilespmem:$0x1F280] =	vst v2;
	v2 =	vor.u32 v0, v7;
	v0 =	vld.idx.msk [tilespmem:v5+s29+$0x0], $0xffff;
	_ =	sdelay $0x4  }
0x771: {  	[tilespmem:$0x1F2B0] =	vst v0;
	v0 =	vld [tilespmem:$0x1FE50];
	_ =	sdelay $0x4  }
0x772: {  	[tilespmem:$0x1F2A0] =	vst v5;
	v5 =	vor.u32 v0, v7;
	v0 =	vld.idx.msk [tilespmem:v1+s29+$0x0], $0xffff;
	_ =	sdelay $0x4  }
0x773: {  	[tilespmem:$0x1F2D0] =	vst v0;
	v0 =	vld [tilespmem:$0x1FE40];
	_ =	sdelay $0x4  }
0x774: {  	[tilespmem:$0x1F2C0] =	vst v1;
	v1 =	vor.u32 v0, v7;
	v0 =	vld [tilespmem:$0x1FE30];
	_ =	sdelay $0x3  }
0x775: {  	v56 =	vmov v37;
	v37 =	vld.idx.msk [tilespmem:v6+s29+$0x0], $0xffff  }
0x776: {  	[tilespmem:$0x1F2E0] =	vst v6;
	v6 =	vor.u32 v0, v7;
	v0 =	vld.idx.msk [tilespmem:v3+s29+$0x0], $0xffff;
	_ =	sdelay $0x4  }
0x777: {  	[tilespmem:$0x1F300] =	vst v0;
	v0 =	vld [tilespmem:$0x1FE20];
	_ =	sdelay $0x4  }
0x778: {  	[tilespmem:$0x1F2F0] =	vst v3;
	v3 =	vor.u32 v0, v7;
	v0 =	vld.idx.msk [tilespmem:v4+s29+$0x0], $0xffff;
	_ =	sdelay $0x4  }
0x779: {  	[tilespmem:$0x1F320] =	vst v0;
	v0 =	vld [tilespmem:$0x1FE10];
	_ =	sdelay $0x4  }
0x77a: {  	[tilespmem:$0x1F310] =	vst v4;
	v4 =	vor.u32 v0, v7;
	v0 =	vld.idx.msk [tilespmem:v2+s29+$0x0], $0xffff;
	_ =	sdelay $0x4  }
0x77b: {  	[tilespmem:$0x1F340] =	vst v0;
	v0 =	vld [tilespmem:$0x1FE00];
	_ =	sdelay $0x4  }
0x77c: {  	[tilespmem:$0x1F330] =	vst v2;
	v2 =	vor.u32 v0, v7;
	v0 =	vld.idx.msk [tilespmem:v5+s29+$0x0], $0xffff;
	_ =	sdelay $0x4  }
0x77d: {  	[tilespmem:$0x1F360] =	vst v0;
	v0 =	vld [tilespmem:$0x1FDF0];
	_ =	sdelay $0x4  }
0x77e: {  	[tilespmem:$0x1F350] =	vst v5;
	v5 =	vor.u32 v0, v7;
	v0 =	vld.idx.msk [tilespmem:v1+s29+$0x0], $0xffff;
	_ =	sdelay $0x4  }
0x77f: {  	[tilespmem:$0x1F380] =	vst v0;
	v0 =	vld [tilespmem:$0x1FDE0];
	_ =	sdelay $0x4  }
0x780: {  	[tilespmem:$0x1F370] =	vst v1;
	v1 =	vor.u32 v0, v7;
	v0 =	vld.idx.msk [tilespmem:v6+s29+$0x0], $0xffff;
	_ =	sdelay $0x4  }
0x781: {  	[tilespmem:$0x1F3A0] =	vst v0;
	v0 =	vld [tilespmem:$0x1FDD0];
	_ =	sdelay $0x4  }
0x782: {  	[tilespmem:$0x1F390] =	vst v6;
	v6 =	vor.u32 v0, v7;
	v0 =	vld.idx.msk [tilespmem:v3+s29+$0x0], $0xffff;
	_ =	sdelay $0x4  }
0x783: {  	[tilespmem:$0x1F3C0] =	vst v0;
	v0 =	vld [tilespmem:$0x1FDC0];
	_ =	sdelay $0x4  }
0x784: {  	[tilespmem:$0x1F3B0] =	vst v3;
	v3 =	vor.u32 v0, v7;
	v0 =	vld.idx.msk [tilespmem:v4+s29+$0x0], $0xffff;
	_ =	sdelay $0x4  }
0x785: {  	[tilespmem:$0x1F3E0] =	vst v0;
	v0 =	vld [tilespmem:$0x1FC50];
	_ =	sdelay $0x4  }
0x786: {  	[tilespmem:$0x1F3D0] =	vst v4;
	v4 =	vor.u32 v0, v7;
	v0 =	vld.idx.msk [tilespmem:v2+s29+$0x0], $0xffff;
	_ =	sdelay $0x4  }
0x787: {  	[tilespmem:$0x1F400] =	vst v0;
	v0 =	vld [tilespmem:$0x1FC40];
	_ =	sdelay $0x4  }
0x788: {  	v8 =	vor.u32 v0, v7;
	v0 =	vld.idx.msk [tilespmem:v5+s29+$0x0], $0xffff;
	_ =	sdelay $0x4  }
0x789: {  	[tilespmem:$0x1F420] =	vst v0;
	v0 =	vld [tilespmem:$0x1FC30];
	_ =	sdelay $0x4  }
0x78a: {  	v52 =	vor.u32 v0, v7;
	v0 =	vld.idx.msk [tilespmem:v1+s29+$0x0], $0xffff;
	_ =	sdelay $0x4  }
0x78b: {  	[tilespmem:$0x1F440] =	vst v0;
	v0 =	vld [tilespmem:$0x1FC20];
	_ =	sdelay $0x4  }
0x78c: {  	v61 =	vor.u32 v0, v7;
	v0 =	vld.idx.msk [tilespmem:v6+s29+$0x0], $0xffff;
	_ =	sdelay $0x4  }
0x78d: {  	[tilespmem:$0x1F460] =	vst v0;
	v0 =	vld [tilespmem:$0x1FC10];
	_ =	sdelay $0x4  }
0x78e: {  	v63 =	vor.u32 v0, v7;
	v0 =	vld.idx.msk [tilespmem:v3+s29+$0x0], $0xffff;
	_ =	sdelay $0x4  }
0x78f: {  	[tilespmem:$0x1F480] =	vst v0;
	v0 =	vld [tilespmem:$0x1FC00];
	_ =	sdelay $0x4  }
0x790: {  	[tilespmem:$0x1F430] =	vst v1;
	v1 =	vor.u32 v0, v7;
	v0 =	vld.idx.msk [tilespmem:v4+s29+$0x0], $0xffff;
	_ =	sdelay $0x4  }
0x791: {  	[tilespmem:$0x1F4A0] =	vst v0;
	v0 =	vld [tilespmem:$0x1FBF0];
	_ =	sdelay $0x4  }
0x792: {  	[tilespmem:$0x1F3F0] =	vst v2;
	v2 =	vor.u32 v0, v7;
	v0 =	vld.idx.msk [tilespmem:v8+s29+$0x0], $0xffff;
	_ =	sdelay $0x4  }
0x793: {  	[tilespmem:$0x1F4C0] =	vst v0;
	v0 =	vld [tilespmem:$0x1FBE0];
	_ =	sdelay $0x4  }
0x794: {  	[tilespmem:$0x1F410] =	vst v5;
	v5 =	vor.u32 v0, v7;
	v0 =	vld.idx.msk [tilespmem:v52+s29+$0x0], $0xffff;
	_ =	sdelay $0x4  }
0x795: {  	[tilespmem:$0x1F4D0] =	vst v0;
	v0 =	vld [tilespmem:$0x1FBD0];
	_ =	sdelay $0x4  }
0x796: {  	v10 =	vor.u32 v0, v7;
	v0 =	vld.idx.msk [tilespmem:v61+s29+$0x0], $0xffff;
	_ =	sdelay $0x4  }
0x797: {  	[tilespmem:$0x1F4E0] =	vst v0;
	v0 =	vld [tilespmem:$0x1FBC0];
	_ =	sdelay $0x4  }
0x798: {  	v15 =	vor.u32 v0, v7;
	v0 =	vld.idx.msk [tilespmem:v63+s29+$0x0], $0xffff;
	_ =	sdelay $0x4  }
0x799: {  	[tilespmem:$0x1F4F0] =	vst v0;
	v0 =	vld [tilespmem:$0x1FBB0];
	_ =	sdelay $0x4  }
0x79a: {  	v19 =	vor.u32 v0, v7;
	v0 =	vld.idx.msk [tilespmem:v1+s29+$0x0], $0xffff;
	_ =	sdelay $0x4  }
0x79b: {  	[tilespmem:$0x1F500] =	vst v0;
	v0 =	vld [tilespmem:$0x1FBA0];
	_ =	sdelay $0x4  }
0x79c: {  	v23 =	vor.u32 v0, v7;
	v0 =	vld.idx.msk [tilespmem:v2+s29+$0x0], $0xffff;
	_ =	sdelay $0x4  }
0x79d: {  	[tilespmem:$0x1F510] =	vst v0;
	v0 =	vld [tilespmem:$0x1FB90];
	_ =	sdelay $0x4  }
0x79e: {  	v27 =	vor.u32 v0, v7;
	v0 =	vld.idx.msk [tilespmem:v5+s29+$0x0], $0xffff;
	_ =	sdelay $0x4  }
0x79f: {  	[tilespmem:$0x1F520] =	vst v0;
	v0 =	vld [tilespmem:$0x1FB80];
	_ =	sdelay $0x4  }
0x7a0: {  	v31 =	vor.u32 v0, v7;
	v0 =	vld.idx.msk [tilespmem:v10+s29+$0x0], $0xffff;
	_ =	sdelay $0x4  }
0x7a1: {  	[tilespmem:$0x1F530] =	vst v0;
	v0 =	vld [tilespmem:$0x1FB70];
	_ =	sdelay $0x4  }
0x7a2: {  	v35 =	vor.u32 v0, v7;
	v0 =	vld.idx.msk [tilespmem:v15+s29+$0x0], $0xffff;
	_ =	sdelay $0x4  }
0x7a3: {  	[tilespmem:$0x1F540] =	vst v0;
	v0 =	vld [tilespmem:$0x1FB60];
	_ =	sdelay $0x4  }
0x7a4: {  	v43 =	vor.u32 v0, v7;
	v0 =	vld.idx.msk [tilespmem:v19+s29+$0x0], $0xffff;
	_ =	sdelay $0x4  }
0x7a5: {  	[tilespmem:$0x1F550] =	vst v0;
	v0 =	vld [tilespmem:$0x1FFA0];
	_ =	sdelay $0x4  }
0x7a6: {  	v53 =	vor.u32 v0, v7;
	v0 =	vld.idx.msk [tilespmem:v23+s29+$0x0], $0xffff;
	_ =	sdelay $0x4  }
0x7a7: {  	[tilespmem:$0x1F560] =	vst v0;
	v0 =	vld [tilespmem:$0x1FF80];
	_ =	sdelay $0x4  }
0x7a8: {  	v58 =	vor.u32 v0, v7;
	v0 =	vld.idx.msk [tilespmem:v27+s29+$0x0], $0xffff;
	_ =	sdelay $0x4  }
0x7a9: {  	[tilespmem:$0x1F570] =	vst v0;
	v0 =	vld [tilespmem:$0x1FF60];
	_ =	sdelay $0x4  }
0x7aa: {  	v59 =	vor.u32 v0, v7;
	v0 =	vld.idx.msk [tilespmem:v31+s29+$0x0], $0xffff;
	_ =	sdelay $0x4  }
0x7ab: {  	[tilespmem:$0x1F580] =	vst v0;
	v0 =	vld [tilespmem:$0x1FEF0];
	_ =	sdelay $0x4  }
0x7ac: {  	[tilespmem:$0x1F4B0] =	vst v8;
	v8 =	vor.u32 v0, v7;
	v0 =	vld.idx.msk [tilespmem:v35+s29+$0x0], $0xffff;
	_ =	sdelay $0x4  }
0x7ad: {  	[tilespmem:$0x1F590] =	vst v0;
	v0 =	vld [tilespmem:$0x1FEE0];
	_ =	sdelay $0x4  }
0x7ae: {  	v11 =	vor.u32 v0, v7;
	v0 =	vld.idx.msk [tilespmem:v43+s29+$0x0], $0xffff;
	_ =	sdelay $0x4  }
0x7af: {  	[tilespmem:$0x1F5A0] =	vst v0;
	v0 =	vld [tilespmem:$0x1FE90];
	_ =	sdelay $0x4  }
0x7b0: {  	v13 =	vor.u32 v0, v7;
	v0 =	vld [tilespmem:$0x1FEA0];
	_ =	sdelay $0x4  }
0x7b1: {  	v48 =	vor.u32 v0, v7;
	v0 =	vld [tilespmem:$0x1FEB0];
	_ =	sdelay $0x4  }
0x7b2: {  	v51 =	vor.u32 v0, v7;
	v0 =	vld [tilespmem:$0x1FED0];
	_ =	sdelay $0x4  }
0x7b3: {  	v20 =	vor.u32 v0, v7;
	v0 =	vld [tilespmem:$0x1FEC0];
	_ =	sdelay $0x4  }
0x7b4: {  	v22 =	vor.u32 v0, v7;
	v0 =	vld [tilespmem:$0x1FF00];
	_ =	sdelay $0x4  }
0x7b5: {  	v24 =	vor.u32 v0, v7;
	v0 =	vld [tilespmem:$0x1FF10];
	_ =	sdelay $0x4  }
0x7b6: {  	v28 =	vor.u32 v0, v7;
	v0 =	vld [tilespmem:$0x1FF20];
	_ =	sdelay $0x4  }
0x7b7: {  	v30 =	vor.u32 v0, v7;
	v0 =	vld [tilespmem:$0x1FF30];
	_ =	sdelay $0x4  }
0x7b8: {  	[tilespmem:$0x1F490] =	vst v4;
	v4 =	vor.u32 v0, v7;
	v0 =	vld [tilespmem:$0x1FF50]  }
0x7b9: {  	v9 =	vld [tilespmem:$0x1FFD0];
	_ =	sdelay $0x3  }
0x7ba: {  	v34 =	vor.u32 v0, v7;
	v0 =	vld [tilespmem:$0x1FF70]  }
0x7bb: {  	v17 =	vor.u32 v9, v7;
	v9 =	vld [tilespmem:$0x1FFE0]  }
0x7bc: {  	v45 =	vld.idx.msk [tilespmem:v53+s29+$0x0], $0xffff  }
0x7bd: {  	v55 =	vld.idx.msk [tilespmem:v58+s29+$0x0], $0xffff  }
0x7be: {  	[tilespmem:$0x1F470] =	vst v3;
	v3 =	vld.idx.msk [tilespmem:v59+s29+$0x0], $0xffff  }
0x7bf: {  	v36 =	vor.u32 v0, v7;
	v0 =	vld [tilespmem:$0x1FF90]  }
0x7c0: {  	[tilespmem:$0x1F450] =	vst v6;
	v6 =	vld.idx.msk [tilespmem:v8+s29+$0x0], $0xffff  }
0x7c1: {  	v40 =	vld.idx.msk [tilespmem:v11+s29+$0x0], $0xffff  }
0x7c2: {  	v46 =	vld.idx.msk [tilespmem:v13+s29+$0x0], $0xffff  }
0x7c3: {  	v14 =	vld.idx.msk [tilespmem:v48+s29+$0x0], $0xffff  }
0x7c4: {  	v42 =	vor.u32 v0, v7;
	v0 =	vld [tilespmem:$0x1FFB0]  }
0x7c5: {  	v16 =	vld.idx.msk [tilespmem:v51+s29+$0x0], $0xffff  }
0x7c6: {  	v18 =	vld.idx.msk [tilespmem:v20+s29+$0x0], $0xffff  }
0x7c7: {  	v57 =	vld.idx.msk [tilespmem:v22+s29+$0x0], $0xffff  }
0x7c8: {  	v62 =	vld.idx.msk [tilespmem:v24+s29+$0x0], $0xffff  }
0x7c9: {  	p0 =	sne.s32 s11, $0x70;
	v12 =	vor.u32 v0, v7;
	v0 =	vld [tilespmem:$0x1FFC0]  }
.Ltmp2:
0x7ca: {  	v26 =	vld.idx.msk [tilespmem:v28+s29+$0x0], $0xffff;
	(pc) =	sbr.rel @p0 .LBB2_7-.Ltmp2, $4  }
0x7cb: {  	v60 =	vld.idx.msk [tilespmem:v30+s29+$0x0], $0xffff  }
0x7cc: {  	v32 =	vld.idx.msk [tilespmem:v34+s29+$0x0], $0xffff  }
0x7cd: {  	v50 =	vor.u32 v9, v7;
	v9 =	vld.idx.msk [tilespmem:v36+s29+$0x0], $0xffff  }
0x7ce: {  	s11 =	sadd.s32 $0x10, s11;
	v44 =	vor.u32 v0, v7;
	v0 =	vld.idx.msk [tilespmem:v4+s29+$0x0], $0xffff  }
0x7cf: {  	_ =	sdelay $0x3  }
0x7d0: {  	v21 =	vlaneseq.u32;
	v33 =	vld.idx.msk [tilespmem:v50+s29+$0x0], $0xffff  }
0x7d1: {  	v38 =	vld.idx.msk [tilespmem:v50+s31+$0x0], $0xffff;
	v21 =	vor.u32 v21, v7  }
0x7d2: {  	v39 =	vld.idx.msk [tilespmem:v50+s0+$0x0], $0xffff  }
0x7d3: {  	v41 =	vld.idx.msk [tilespmem:v17+s29+$0x0], $0xffff  }
0x7d4: {  	v47 =	vld.idx.msk [tilespmem:v17+s31+$0x0], $0xffff  }
0x7d5: {  	v17 =	vld.idx.msk [tilespmem:v17+s0+$0x0], $0xffff  }
0x7d6: {  	v25 =	vld.idx.msk [tilespmem:v21+s29+$0x0], $0xffff  }
0x7d7: {  	v29 =	vld.idx.msk [tilespmem:v21+s0+$0x0], $0xffff  }
0x7d8: {  	v21 =	vld.idx.msk [tilespmem:v21+s31+$0x0], $0xffff  }
0x7d9: {  	v49 =	vld.idx.msk [tilespmem:v44+s29+$0x0], $0xffff  }
0x7da: {  	v50 =	vld.idx.msk [tilespmem:v44+s31+$0x0], $0xffff  }
0x7db: {  	v44 =	vld.idx.msk [tilespmem:v44+s0+$0x0], $0xffff  }
0x7dc: {  	v54 =	vld.idx.msk [tilespmem:v12+s31+$0x0], $0xffff  }
0x7dd: {  	v21 =	vmul.f32 v29, v21;
	v29 =	vld.idx.msk [tilespmem:v12+s29+$0x0], $0xffff  }
0x7de: {  	v12 =	vld.idx.msk [tilespmem:v12+s0+$0x0], $0xffff  }
0x7df: {  	v17 =	vmul.f32 v17, v47;
	v47 =	vld.idx.msk [tilespmem:v36+s31+$0x0], $0xffff  }
0x7e0: {  	v21 =	vmul.f32 v25, v21;
	v25 =	vmul.f32 v39, v38;
	v38 =	vld.idx.msk [tilespmem:v42+s29+$0x0], $0xffff  }
0x7e1: {  	v39 =	vld.idx.msk [tilespmem:v42+s0+$0x0], $0xffff  }
0x7e2: {  	v25 =	vmul.f32 v33, v25;
	v21 =	vadd.f32 $0.0e+00, v21;
	v33 =	vld.idx.msk [tilespmem:v42+s31+$0x0], $0xffff  }
0x7e3: {  	v12 =	vmul.f32 v12, v54;
	v54 =	vld.idx.msk [tilespmem:v34+s0+$0x0], $0xffff  }
0x7e4: {  	v21 =	vadd.f32 v25, v21;
	v25 =	vmul.f32 v44, v50;
	v50 =	vld.idx.msk [tilespmem:v36+s0+$0x0], $0xffff  }
0x7e5: {  	v17 =	vmul.f32 v41, v17;
	v36 =	vld.idx.msk [tilespmem:v30+s31+$0x0], $0xffff  }
0x7e6: {  	v30 =	vld.idx.msk [tilespmem:v30+s0+$0x0], $0xffff  }
0x7e7: {  	v12 =	vmul.f32 v29, v12;
	v29 =	vld.idx.msk [tilespmem:v4+s31+$0x0], $0xffff;
	v17 =	vadd.f32 v17, v21;
	v21 =	vmul.f32 v49, v25  }
0x7e8: {  	v4 =	vld.idx.msk [tilespmem:v4+s0+$0x0], $0xffff  }
0x7e9: {  	v25 =	vld.idx.msk [tilespmem:v34+s31+$0x0], $0xffff;
	v17 =	vadd.f32 v21, v17;
	v21 =	vmul.f32 v39, v33  }
0x7ea: {  	v34 =	vld.idx.msk [tilespmem:v19+s31+$0x0], $0xffff  }
0x7eb: {  	v33 =	vld [tilespmem:$0x1F590];
	v12 =	vadd.f32 v12, v17;
	v17 =	vmul.f32 v38, v21;
	v21 =	vmul.f32 v50, v47  }
0x7ec: {  	v47 =	vld.idx.msk [tilespmem:v11+s0+$0x0], $0xffff  }
0x7ed: {  	v9 =	vmul.f32 v9, v21;
	v21 =	vld.idx.msk [tilespmem:v28+s31+$0x0], $0xffff  }
0x7ee: {  	v4 =	vmul.f32 v4, v29;
	v12 =	vadd.f32 v17, v12;
	v17 =	vmul.f32 v54, v25;
	v25 =	vld.idx.msk [tilespmem:v28+s0+$0x0], $0xffff  }
0x7ef: {  	v54 =	vld.idx.msk [tilespmem:v53+s31+$0x0], $0xffff  }
0x7f0: {  	v0 =	vmul.f32 v0, v4;
	v4 =	vmul.f32 v30, v36;
	v36 =	vld [tilespmem:$0x1F570]  }
0x7f1: {  	v9 =	vadd.f32 v9, v12;
	v12 =	vmul.f32 v32, v17;
	v17 =	vld.idx.msk [tilespmem:v24+s31+$0x0], $0xffff  }
0x7f2: {  	v24 =	vld.idx.msk [tilespmem:v24+s0+$0x0], $0xffff  }
0x7f3: {  	v32 =	vld.idx.msk [tilespmem:v23+s0+$0x0], $0xffff  }
0x7f4: {  	v9 =	vadd.f32 v12, v9;
	v12 =	vld.idx.msk [tilespmem:v22+s31+$0x0], $0xffff  }
0x7f5: {  	v22 =	vld.idx.msk [tilespmem:v22+s0+$0x0], $0xffff  }
0x7f6: {  	v38 =	vmul.f32 v25, v21;
	v21 =	vld.idx.msk [tilespmem:v20+s31+$0x0], $0xffff  }
0x7f7: {  	v20 =	vld.idx.msk [tilespmem:v20+s0+$0x0], $0xffff  }
0x7f8: {  	v39 =	vmul.f32 v24, v17;
	v17 =	vld.idx.msk [tilespmem:v51+s31+$0x0], $0xffff  }
0x7f9: {  	v4 =	vmul.f32 v60, v4;
	v0 =	vadd.f32 v0, v9;
	v24 =	vld.idx.msk [tilespmem:v51+s0+$0x0], $0xffff  }
0x7fa: {  	v51 =	vld.idx.msk [tilespmem:v58+s31+$0x0], $0xffff  }
0x7fb: {  	v0 =	vadd.f32 v4, v0;
	v4 =	vmul.f32 v26, v38;
	v38 =	vld.idx.msk [tilespmem:v10+s0+$0x0], $0xffff  }
0x7fc: {  	v41 =	vmul.f32 v22, v12;
	v12 =	vld.idx.msk [tilespmem:v48+s31+$0x0], $0xffff  }
0x7fd: {  	v22 =	vld.idx.msk [tilespmem:v48+s0+$0x0], $0xffff;
	v0 =	vadd.f32 v4, v0;
	v4 =	vmul.f32 v62, v39  }
0x7fe: {  	v42 =	vmul.f32 v20, v21;
	v20 =	vld.idx.msk [tilespmem:v13+s31+$0x0], $0xffff  }
0x7ff: {  	v13 =	vld.idx.msk [tilespmem:v13+s0+$0x0], $0xffff;
	v0 =	vadd.f32 v4, v0;
	v4 =	vmul.f32 v57, v41  }
0x800: {  	v62 =	vld [tilespmem:$0x1F5A0]  }
0x801: {  	v39 =	vld [tilespmem:$0x1F560];
	v44 =	vmul.f32 v24, v17;
	v0 =	vadd.f32 v4, v0;
	v4 =	vmul.f32 v18, v42  }
0x802: {  	v17 =	vld.idx.msk [tilespmem:v11+s31+$0x0], $0xffff  }
0x803: {  	v48 =	vmul.f32 v22, v12;
	v12 =	vld.idx.msk [tilespmem:v8+s31+$0x0], $0xffff;
	v0 =	vadd.f32 v4, v0;
	v4 =	vmul.f32 v16, v44  }
0x804: {  	v8 =	vld.idx.msk [tilespmem:v8+s0+$0x0], $0xffff  }
0x805: {  	v49 =	vmul.f32 v13, v20;
	v13 =	vld.idx.msk [tilespmem:v59+s31+$0x0], $0xffff;
	v0 =	vadd.f32 v4, v0;
	v4 =	vmul.f32 v14, v48  }
0x806: {  	v14 =	vld.idx.msk [tilespmem:v59+s0+$0x0], $0xffff  }
0x807: {  	v57 =	vld.idx.msk [tilespmem:v35+s0+$0x0], $0xffff;
	v50 =	vmul.f32 v47, v17;
	v0 =	vadd.f32 v4, v0;
	v4 =	vmul.f32 v46, v49  }
0x808: {  	v16 =	vld.idx.msk [tilespmem:v58+s0+$0x0], $0xffff  }
0x809: {  	v41 =	vld [tilespmem:$0x1F550];
	v8 =	vmul.f32 v8, v12;
	v0 =	vadd.f32 v4, v0;
	v4 =	vmul.f32 v40, v50  }
0x80a: {  	v12 =	vld.idx.msk [tilespmem:v53+s0+$0x0], $0xffff  }
0x80b: {  	v0 =	vadd.f32 v4, v0;
	v4 =	vmul.f32 v6, v8;
	v6 =	vmul.f32 v14, v13;
	v8 =	vld.idx.msk [tilespmem:v43+s31+$0x0], $0xffff  }
0x80c: {  	v13 =	vld.idx.msk [tilespmem:v43+s0+$0x0], $0xffff  }
0x80d: {  	v59 =	vld.idx.msk [tilespmem:v31+s31+$0x0], $0xffff;
	v0 =	vadd.f32 v4, v0;
	v3 =	vmul.f32 v3, v6;
	v4 =	vmul.f32 v16, v51  }
0x80e: {  	v6 =	vld.idx.msk [tilespmem:v35+s31+$0x0], $0xffff  }
0x80f: {  	v35 =	vld [tilespmem:$0x1F580];
	v0 =	vadd.f32 v3, v0;
	v58 =	vmul.f32 v55, v4;
	v4 =	vmul.f32 v12, v54  }
0x810: {  	v12 =	vld.idx.msk [tilespmem:v31+s0+$0x0], $0xffff  }
0x811: {  	v0 =	vadd.f32 v58, v0;
	v60 =	vmul.f32 v45, v4;
	v4 =	vmul.f32 v13, v8;
	v8 =	vld.idx.msk [tilespmem:v27+s31+$0x0], $0xffff  }
0x812: {  	v13 =	vld.idx.msk [tilespmem:v27+s0+$0x0], $0xffff  }
0x813: {  	v42 =	vld.idx.msk [tilespmem:v2+s0+$0x0], $0xffff;
	v0 =	vadd.f32 v60, v0;
	v3 =	vmul.f32 v62, v4;
	v4 =	vmul.f32 v57, v6  }
0x814: {  	v6 =	vld.idx.msk [tilespmem:v23+s31+$0x0], $0xffff  }
0x815: {  	v40 =	vld.idx.msk [tilespmem:v5+s31+$0x0], $0xffff;
	v0 =	vadd.f32 v3, v0;
	v3 =	vmul.f32 v33, v4;
	v4 =	vmul.f32 v12, v59  }
0x816: {  	v12 =	vld.idx.msk [tilespmem:v19+s0+$0x0], $0xffff  }
0x817: {  	v0 =	vadd.f32 v3, v0;
	v3 =	vmul.f32 v35, v4;
	v4 =	vmul.f32 v13, v8;
	v8 =	vld.idx.msk [tilespmem:v15+s31+$0x0], $0xffff  }
0x818: {  	v13 =	vld.idx.msk [tilespmem:v15+s0+$0x0], $0xffff  }
0x819: {  	v43 =	vld [tilespmem:$0x1F540];
	v0 =	vadd.f32 v3, v0;
	v3 =	vmul.f32 v36, v4;
	v4 =	vmul.f32 v32, v6  }
0x81a: {  	v6 =	vld.idx.msk [tilespmem:v10+s31+$0x0], $0xffff  }
0x81b: {  	v5 =	vld.idx.msk [tilespmem:v5+s0+$0x0], $0xffff;
	v0 =	vadd.f32 v3, v0;
	v3 =	vmul.f32 v39, v4;
	v4 =	vmul.f32 v12, v34  }
0x81c: {  	v45 =	vld [tilespmem:$0x1F530]  }
0x81d: {  	v0 =	vadd.f32 v3, v0;
	v3 =	vmul.f32 v41, v4;
	v4 =	vmul.f32 v13, v8;
	v8 =	vld.idx.msk [tilespmem:v2+s31+$0x0], $0xffff  }
0x81e: {  	v47 =	vld [tilespmem:$0x1F520]  }
0x81f: {  	v44 =	vld.idx.msk [tilespmem:v1+s0+$0x0], $0xffff;
	v0 =	vadd.f32 v3, v0;
	v3 =	vmul.f32 v43, v4;
	v4 =	vmul.f32 v38, v6  }
0x820: {  	v6 =	vld.idx.msk [tilespmem:v1+s31+$0x0], $0xffff  }
0x821: {  	v29 =	vld [tilespmem:$0x1FF80];
	v0 =	vadd.f32 v3, v0;
	v3 =	vmul.f32 v45, v4;
	v4 =	vmul.f32 v5, v40  }
0x822: {  	v2 =	vmul.f32 v42, v8;
	v8 =	vld.idx.msk [tilespmem:v61+s0+$0x0], $0xffff  }
0x823: {  	v0 =	vadd.f32 v3, v0;
	v3 =	vmul.f32 v47, v4;
	v4 =	vld.idx.msk [tilespmem:v61+s31+$0x0], $0xffff  }
0x824: {  	v49 =	vld.idx.msk [tilespmem:v52+s31+$0x0], $0xffff  }
0x825: {  	v1 =	vmul.f32 v44, v6;
	v6 =	vld.idx.msk [tilespmem:v52+s0+$0x0], $0xffff  }
0x826: {  	v30 =	vld [tilespmem:$0x1FF90]  }
0x827: {  	v28 =	vld [tilespmem:$0x1FF70]  }
0x828: {  	v54 =	vmul.f32 v8, v4;
	v8 =	vld [tilespmem:$0x1F490]  }
0x829: {  	v25 =	vld [tilespmem:$0x1FF20]  }
0x82a: {  	v57 =	vmul.f32 v6, v49;
	v6 =	vld [tilespmem:$0x1F470]  }
0x82b: {  	v26 =	vld [tilespmem:$0x1FF60]  }
0x82c: {  	v24 =	vld [tilespmem:$0x1FEF0]  }
0x82d: {  	v18 =	vld [tilespmem:$0x1FED0]  }
0x82e: {  	v22 =	vld [tilespmem:$0x1FEB0]  }
0x82f: {  	v20 =	vld [tilespmem:$0x1FF30]  }
0x830: {  	v4 =	vld.idx.msk [tilespmem:v8+s31+$0x0], $0xffff  }
0x831: {  	v8 =	vld.idx.msk [tilespmem:v8+s0+$0x0], $0xffff  }
0x832: {  	v58 =	vld.idx.msk [tilespmem:v6+s31+$0x0], $0xffff  }
0x833: {  	v6 =	vld.idx.msk [tilespmem:v6+s0+$0x0], $0xffff  }
0x834: {  	v46 =	vld.idx.msk [tilespmem:v63+s0+$0x0], $0xffff  }
0x835: {  	v5 =	vld.idx.msk [tilespmem:v63+s31+$0x0], $0xffff  }
0x836: {  	v63 =	vmul.f32 v8, v4;
	v8 =	vld [tilespmem:$0x1F430]  }
0x837: {  	v17 =	vld [tilespmem:$0x1FE90]  }
0x838: {  	v11 =	vmul.f32 v6, v58;
	v6 =	vld [tilespmem:$0x1F410]  }
0x839: {  	v48 =	vld [tilespmem:$0x1F510]  }
0x83a: {  	v53 =	vld [tilespmem:$0x1F4F0]  }
0x83b: {  	v50 =	vld [tilespmem:$0x1F500]  }
0x83c: {  	v14 =	vld [tilespmem:$0x1FEC0]  }
0x83d: {  	v16 =	vld [tilespmem:$0x1FF00]  }
0x83e: {  	v4 =	vld.idx.msk [tilespmem:v8+s31+$0x0], $0xffff  }
0x83f: {  	v8 =	vld.idx.msk [tilespmem:v8+s0+$0x0], $0xffff  }
0x840: {  	v32 =	vld.idx.msk [tilespmem:v6+s31+$0x0], $0xffff  }
0x841: {  	v6 =	vld.idx.msk [tilespmem:v6+s0+$0x0], $0xffff  }
0x842: {  	v55 =	vld [tilespmem:$0x1F4E0]  }
0x843: {  	v31 =	vld [tilespmem:$0x1FFA0]  }
0x844: {  	v38 =	vmul.f32 v8, v4;
	v8 =	vld [tilespmem:$0x1F3D0]  }
0x845: {  	v62 =	vld [tilespmem:$0x1F4C0]  }
0x846: {  	v40 =	vmul.f32 v6, v32;
	v6 =	vld [tilespmem:$0x1F3B0]  }
0x847: {  	v59 =	vld [tilespmem:$0x1F4D0]  }
0x848: {  	v33 =	vld [tilespmem:$0x1F480]  }
0x849: {  	v52 =	vld [tilespmem:$0x1F4B0]  }
0x84a: {  	v35 =	vld [tilespmem:$0x1F3F0]  }
0x84b: {  	v10 =	vld [tilespmem:$0x1F4A0]  }
0x84c: {  	v4 =	vld.idx.msk [tilespmem:v8+s31+$0x0], $0xffff  }
0x84d: {  	v8 =	vld.idx.msk [tilespmem:v8+s0+$0x0], $0xffff  }
0x84e: {  	v41 =	vld.idx.msk [tilespmem:v6+s31+$0x0], $0xffff  }
0x84f: {  	v6 =	vld.idx.msk [tilespmem:v6+s0+$0x0], $0xffff  }
0x850: {  	v61 =	vld [tilespmem:$0x1F450]  }
0x851: {  	v51 =	vmul.f32 v46, v5;
	v5 =	vld.idx.msk [tilespmem:v52+s31+$0x0], $0xffff  }
0x852: {  	v46 =	vmul.f32 v8, v4;
	v8 =	vld [tilespmem:$0x1F370]  }
0x853: {  	v9 =	vld.idx.msk [tilespmem:v52+s0+$0x0], $0xffff  }
0x854: {  	v2 =	vmul.f32 v48, v2;
	v48 =	vmul.f32 v6, v41;
	v6 =	vld [tilespmem:$0x1F350]  }
0x855: {  	v36 =	vld [tilespmem:$0x1F460]  }
0x856: {  	v39 =	vld [tilespmem:$0x1F440]  }
0x857: {  	v45 =	vld [tilespmem:$0x1F400]  }
0x858: {  	v60 =	vmul.f32 v9, v5;
	v5 =	vld.idx.msk [tilespmem:v61+s31+$0x0], $0xffff  }
0x859: {  	v9 =	vld.idx.msk [tilespmem:v61+s0+$0x0], $0xffff  }
0x85a: {  	v0 =	vadd.f32 v3, v0;
	v4 =	vld.idx.msk [tilespmem:v8+s31+$0x0], $0xffff  }
0x85b: {  	v8 =	vld.idx.msk [tilespmem:v8+s0+$0x0], $0xffff  }
0x85c: {  	v1 =	vmul.f32 v50, v1;
	v0 =	vadd.f32 v2, v0;
	v49 =	vld.idx.msk [tilespmem:v6+s31+$0x0], $0xffff  }
0x85d: {  	v6 =	vld.idx.msk [tilespmem:v6+s0+$0x0], $0xffff  }
0x85e: {  	v44 =	vld [tilespmem:$0x1F390];
	v0 =	vadd.f32 v1, v0;
	v1 =	vmul.f32 v53, v51  }
0x85f: {  	v34 =	vmul.f32 v9, v5;
	v5 =	vld.idx.msk [tilespmem:v35+s31+$0x0], $0xffff  }
0x860: {  	v0 =	vadd.f32 v1, v0;
	v1 =	vmul.f32 v55, v54;
	v54 =	vmul.f32 v8, v4;
	v8 =	vld [tilespmem:$0x1F310]  }
0x861: {  	v9 =	vld.idx.msk [tilespmem:v35+s0+$0x0], $0xffff  }
0x862: {  	v0 =	vadd.f32 v1, v0;
	v1 =	vmul.f32 v59, v57;
	v57 =	vmul.f32 v6, v49;
	v6 =	vld [tilespmem:$0x1F2F0]  }
0x863: {  	v42 =	vld [tilespmem:$0x1F420]  }
0x864: {  	v47 =	vld [tilespmem:$0x1F3E0]  }
0x865: {  	v52 =	vld [tilespmem:$0x1F330]  }
0x866: {  	v43 =	vmul.f32 v9, v5;
	v5 =	vld.idx.msk [tilespmem:v44+s31+$0x0], $0xffff  }
0x867: {  	v9 =	vld.idx.msk [tilespmem:v44+s0+$0x0], $0xffff  }
0x868: {  	v4 =	vld.idx.msk [tilespmem:v8+s31+$0x0], $0xffff  }
0x869: {  	v8 =	vld.idx.msk [tilespmem:v8+s0+$0x0], $0xffff  }
0x86a: {  	v58 =	vld.idx.msk [tilespmem:v6+s31+$0x0], $0xffff  }
0x86b: {  	v6 =	vld.idx.msk [tilespmem:v6+s0+$0x0], $0xffff  }
0x86c: {  	v0 =	vadd.f32 v1, v0;
	v61 =	vld [tilespmem:$0x1F2E0];
	v1 =	vmul.f32 v62, v60  }
0x86d: {  	v51 =	vmul.f32 v9, v5;
	v5 =	vld.idx.msk [tilespmem:v52+s31+$0x0], $0xffff  }
0x86e: {  	v0 =	vadd.f32 v1, v0;
	v1 =	vmul.f32 v10, v63;
	v63 =	vmul.f32 v8, v4;
	v8 =	vld [tilespmem:$0x1F2C0]  }
0x86f: {  	v9 =	vld.idx.msk [tilespmem:v52+s0+$0x0], $0xffff  }
0x870: {  	v0 =	vadd.f32 v1, v0;
	v1 =	vmul.f32 v33, v11;
	v11 =	vmul.f32 v6, v58;
	v6 =	vld [tilespmem:$0x1F2A0]  }
0x871: {  	v50 =	vld [tilespmem:$0x1F3C0]  }
0x872: {  	v53 =	vld [tilespmem:$0x1F3A0]  }
0x873: {  	v55 =	vld [tilespmem:$0x1F380]  }
0x874: {  	v60 =	vmul.f32 v9, v5;
	v5 =	vld.idx.msk [tilespmem:v61+s31+$0x0], $0xffff  }
0x875: {  	v9 =	vld.idx.msk [tilespmem:v61+s0+$0x0], $0xffff  }
0x876: {  	v4 =	vld.idx.msk [tilespmem:v8+s31+$0x0], $0xffff  }
0x877: {  	v8 =	vld.idx.msk [tilespmem:v8+s0+$0x0], $0xffff  }
0x878: {  	v32 =	vld.idx.msk [tilespmem:v6+s31+$0x0], $0xffff  }
0x879: {  	v6 =	vld.idx.msk [tilespmem:v6+s0+$0x0], $0xffff  }
0x87a: {  	v59 =	vld [tilespmem:$0x1F360];
	v0 =	vadd.f32 v1, v0;
	v1 =	vmul.f32 v36, v34;
	v34 =	vmul.f32 v9, v5  }
0x87b: {  	v62 =	vld [tilespmem:$0x1F340]  }
0x87c: {  	v36 =	vmul.f32 v37, v34;
	v37 =	vmul.f32 v8, v4;
	v8 =	vld [tilespmem:$0x1F260]  }
0x87d: {  	v35 =	vld [tilespmem:$0x1F280]  }
0x87e: {  	v0 =	vadd.f32 v1, v0;
	v1 =	vmul.f32 v39, v38;
	v39 =	vmul.f32 v6, v32;
	v6 =	vld [tilespmem:$0x1F240]  }
0x87f: {  	v10 =	vld [tilespmem:$0x1F320]  }
0x880: {  	v33 =	vld [tilespmem:$0x1F300];
	v0 =	vadd.f32 v1, v0;
	v1 =	vmul.f32 v42, v40  }
0x881: {  	v44 =	vld [tilespmem:$0x1F290]  }
0x882: {  	v52 =	vld [tilespmem:$0x1F230];
	v0 =	vadd.f32 v1, v0;
	v1 =	vmul.f32 v45, v43  }
0x883: {  	v43 =	vld [tilespmem:$0x1F220]  }
0x884: {  	v0 =	vadd.f32 v1, v0;
	v1 =	vmul.f32 v47, v46;
	v4 =	vld.idx.msk [tilespmem:v8+s31+$0x0], $0xffff  }
0x885: {  	v8 =	vld.idx.msk [tilespmem:v8+s0+$0x0], $0xffff  }
0x886: {  	v0 =	vadd.f32 v1, v0;
	v1 =	vmul.f32 v50, v48;
	v40 =	vld.idx.msk [tilespmem:v6+s31+$0x0], $0xffff  }
0x887: {  	v6 =	vld.idx.msk [tilespmem:v6+s0+$0x0], $0xffff  }
0x888: {  	v5 =	vld.idx.msk [tilespmem:v35+s31+$0x0], $0xffff;
	v0 =	vadd.f32 v1, v0;
	v1 =	vmul.f32 v53, v51  }
0x889: {  	v9 =	vld.idx.msk [tilespmem:v35+s0+$0x0], $0xffff  }
0x88a: {  	v0 =	vadd.f32 v1, v0;
	v1 =	vmul.f32 v55, v54;
	v45 =	vmul.f32 v8, v4;
	v8 =	vld [tilespmem:$0x1F200]  }
0x88b: {  	v38 =	vld [tilespmem:$0x1F2D0]  }
0x88c: {  	v0 =	vadd.f32 v1, v0;
	v1 =	vmul.f32 v59, v57;
	v47 =	vmul.f32 v6, v40;
	v6 =	vld [tilespmem:$0x1F1E0]  }
0x88d: {  	v61 =	vld [tilespmem:$0x1F1B0]  }
0x88e: {  	v41 =	vld [tilespmem:$0x1F2B0];
	v0 =	vadd.f32 v1, v0;
	v1 =	vmul.f32 v62, v60  }
0x88f: {  	v42 =	vmul.f32 v9, v5;
	v5 =	vld.idx.msk [tilespmem:v43+s31+$0x0], $0xffff  }
0x890: {  	v9 =	vld.idx.msk [tilespmem:v43+s0+$0x0], $0xffff;
	v0 =	vadd.f32 v1, v0;
	v1 =	vmul.f32 v10, v63  }
0x891: {  	v51 =	vld [tilespmem:$0x1F1C0]  }
0x892: {  	v0 =	vadd.f32 v1, v0;
	v1 =	vmul.f32 v33, v11;
	v4 =	vld.idx.msk [tilespmem:v8+s31+$0x0], $0xffff  }
0x893: {  	v8 =	vld.idx.msk [tilespmem:v8+s0+$0x0], $0xffff  }
0x894: {  	v0 =	vadd.f32 v1, v0;
	v48 =	vld.idx.msk [tilespmem:v6+s31+$0x0], $0xffff  }
0x895: {  	v6 =	vld.idx.msk [tilespmem:v6+s0+$0x0], $0xffff  }
0x896: {  	v46 =	vld [tilespmem:$0x1F270];
	v0 =	vadd.f32 v36, v0;
	v1 =	vmul.f32 v38, v37  }
0x897: {  	v49 =	vld [tilespmem:$0x1F250]  }
0x898: {  	v0 =	vadd.f32 v1, v0;
	v1 =	vmul.f32 v41, v39;
	v53 =	vmul.f32 v8, v4;
	v8 =	vld [tilespmem:$0x1F1A0]  }
0x899: {  	v7 =	vor.u32 v56, v7;
	v50 =	vmul.f32 v9, v5;
	v5 =	vld.idx.msk [tilespmem:v51+s31+$0x0], $0xffff  }
0x89a: {  	v0 =	vadd.f32 v1, v0;
	v1 =	vmul.f32 v44, v42;
	v55 =	vmul.f32 v6, v48;
	v6 =	vld [tilespmem:$0x1F180]  }
0x89b: {  	v9 =	vld.idx.msk [tilespmem:v51+s0+$0x0], $0xffff  }
0x89c: {  	v54 =	vld [tilespmem:$0x1F210];
	v0 =	vadd.f32 v1, v0;
	v1 =	vmul.f32 v46, v45  }
0x89d: {  	v57 =	vld [tilespmem:$0x1F1F0]  }
0x89e: {  	v59 =	vld.idx.msk [tilespmem:v7+s0+$0x0], $0xffff;
	v0 =	vadd.f32 v1, v0;
	v1 =	vmul.f32 v49, v47  }
0x89f: {  	v60 =	vld [tilespmem:$0x1F1D0]  }
0x8a0: {  	v0 =	vadd.f32 v1, v0;
	v1 =	vmul.f32 v52, v50;
	v4 =	vld.idx.msk [tilespmem:v8+s31+$0x0], $0xffff  }
0x8a1: {  	v8 =	vld.idx.msk [tilespmem:v8+s0+$0x0], $0xffff  }
0x8a2: {  	v0 =	vadd.f32 v1, v0;
	v1 =	vmul.f32 v54, v53;
	v56 =	vld.idx.msk [tilespmem:v6+s31+$0x0], $0xffff  }
0x8a3: {  	v6 =	vld.idx.msk [tilespmem:v6+s0+$0x0], $0xffff  }
0x8a4: {  	v5 =	vmul.f32 v9, v5;
	v62 =	vld [tilespmem:$0x1F190];
	v0 =	vadd.f32 v1, v0;
	v1 =	vmul.f32 v57, v55  }
0x8a5: {  	v58 =	vld.idx.msk [tilespmem:v7+s31+$0x0], $0xffff  }
0x8a6: {  	v27 =	vld [tilespmem:$0x1FF50];
	v0 =	vadd.f32 v1, v0;
	v1 =	vmul.f32 v60, v5;
	v4 =	vmul.f32 v8, v4  }
0x8a7: {  	v5 =	vld.idx.msk [tilespmem:v7+s29+$0x0], $0xffff  }
0x8a8: {  	v23 =	vld [tilespmem:$0x1FEE0];
	v0 =	vadd.f32 v1, v0;
	v3 =	vmul.f32 v6, v56;
	v1 =	vmul.f32 v61, v4  }
0x8a9: {  	v19 =	vld [tilespmem:$0x1FEA0]  }
0x8aa: {  	s13 =	sadd.s32 $0x1, s13;
	v15 =	vld [tilespmem:$0x1FF10];
	v2 =	vmul.f32 v59, v58;
	v0 =	vadd.f32 v1, v0;
	v1 =	vmul.f32 v62, v3  }
0x8ab: {  	p0 =	sne.s32 s13, $0xC;
	v13 =	vld [tilespmem:$0x1FF40]  }
.Ltmp3:
0x8ac: {  	v34 =	vld [tilespmem:$0x1FFC0];
	v63 =	vmul.f32 v5, v2;
	v0 =	vadd.f32 v1, v0;
	(pc) =	sbr.rel @p0 .LBB2_4-.Ltmp3, $4  }
0x8ad: {  	v36 =	vld [tilespmem:$0x1FFD0]  }
0x8ae: {  	v32 =	vld [tilespmem:$0x1FFB0];
	v0 =	vadd.f32 v63, v0  }
0x8af: {  	s11 =	sadd.s32 $0x10, s14;
	v38 =	vld [tilespmem:$0x1FFE0]  }
0x8b0: {  	s15 =	sadd.s32 $0x100, s15;
	s12 =	sadd.s32 $0x100, s12;
	v40 =	vlaneseq.u32;
	v7 =	vld [tilespmem:$0x1FE80];
	[tilespmem:s11+$0x0] =	vst v0  }
0x8b1: {  	s11 =	rddreg [dreg:$0x10];
	s12 =	simm.s32 $0x4800  }
0x8b2: {  	[hbm4b:s11+s1] =	stream.linear.scatter [tilespmem:s12], [sflag:$0x7], $0x200, $0x38;
	[tilespmem:$0x1D400] =	vst v63  }
0x8b3: {  	_ =	swait.ge [sflag:s23], $0x200  }
0x8b4: {  	[sflag:s23] =	ssyncset.done $0x0  }
0x8b5: {  	s26 =	simm.s32 $0x4A00;
	s22 =	rddreg [dreg:$0x11];
	[sflag:s23] =	ssyncadd.s32 $0xFFFFFE00  }
0x8b6: {  	[hbm4b:s22+s1] =	stream.linear.scatter [tilespmem:s26], [sflag:$0x7], $0x200, $0x38;
	[tilespmem:$0x1D400] =	vst v63  }
0x8b7: {  	_ =	swait.ge [sflag:s23], $0x200  }
0x8b8: {  	[sflag:s23] =	ssyncset.done $0x0  }
0x8b9: {  	s14 =	simm.s32 $0x4C00;
	s13 =	rddreg [dreg:$0x12];
	[sflag:s23] =	ssyncadd.s32 $0xFFFFFE00  }
0x8ba: {  	[hbm4b:s13+s1] =	stream.linear.scatter [tilespmem:s14], [sflag:$0x7], $0x200, $0x38;
	[tilespmem:$0x1D400] =	vst v63  }
0x8bb: {  	_ =	swait.ge [sflag:s23], $0x200  }
0x8bc: {  	[sflag:s23] =	ssyncset.done $0x0  }
0x8bd: {  	s16 =	simm.s32 $0x4E00;
	s15 =	rddreg [dreg:$0x13];
	[sflag:s23] =	ssyncadd.s32 $0xFFFFFE00  }
0x8be: {  	[hbm4b:s15+s1] =	stream.linear.scatter [tilespmem:s16], [sflag:$0x7], $0x200, $0x38;
	[tilespmem:$0x1D400] =	vst v63  }
0x8bf: {  	_ =	swait.ge [sflag:s23], $0x200  }
0x8c0: {  	[sflag:s23] =	ssyncset.done $0x0  }
0x8c1: {  	s18 =	simm.s32 $0x5000;
	s17 =	rddreg [dreg:$0x14];
	[sflag:s23] =	ssyncadd.s32 $0xFFFFFE00  }
0x8c2: {  	[hbm4b:s17+s1] =	stream.linear.scatter [tilespmem:s18], [sflag:$0x7], $0x200, $0x38;
	[tilespmem:$0x1D400] =	vst v63  }
0x8c3: {  	_ =	swait.ge [sflag:s23], $0x200  }
0x8c4: {  	[sflag:s23] =	ssyncset.done $0x0  }
0x8c5: {  	s22 =	simm.s32 $0x5200;
	s21 =	rddreg [dreg:$0x15];
	[sflag:s23] =	ssyncadd.s32 $0xFFFFFE00  }
0x8c6: {  	[hbm4b:s21+s1] =	stream.linear.scatter [tilespmem:s22], [sflag:$0x7], $0x200, $0x38;
	[tilespmem:$0x1D400] =	vst v63  }
0x8c7: {  	_ =	swait.ge [sflag:s23], $0x200  }
0x8c8: {  	s10 =	sadd.s32 $0x1, s10;
	s26 =	rddreg [dreg:$0x16]  }
0x8c9: {  	p0 =	sne.s32 s10, s26  }
.Ltmp4:
0x8ca: {  	_ = 	snop;
	(pc) =	sbr.rel @p0 .LBB2_1-.Ltmp4, $3  }
0x8cb: {  	_ =	sdelay $0x1  }
0x8cc: {  	[sflag:s23] =	ssyncset.done $0x0  }
0x8cd: {  	v12 =	vld [tilespmem:$0x1FE70];
	[sflag:s23] =	ssyncadd.s32 $0xFFFFFE00  }
0x8ce: {  	_ =	sfence.sel $0x180000  }
0x8cf: {  	[bflag:$0x0] =	sbarrier.arrive $0xFFFF  }
0x8d0: {  	_ =	strace $0x90000047  }
0x8d1: {  	s0 =	stileid.u32;
	[bflag:$0x2] =	sbarrier.arrive $0xFFFF  }
0x8d2: {  	p0 =	sne.s32 s0, $0x0;
	s0 =	rddreg [dreg:$0x4]  }
0x8d3: {  	s0 =	sadd.s32 @!p0 $0x100000, s0  }
0x8d4: {  	[sflag:s0] =	ssyncadd.tile.s32 @!p0 $0x1;
	_ =	shalt  }
.Lfunc_end2:
_tile_overlayer_lowered:
.L_overlay_start_2:
0x8d5: {  	(tag) =	ssettag $0x2  }
0x8d6: {  	s0 =	rddreg [dreg:$0x0];
	s2 =	stileid.u32  }
0x8d7: {  	s1 =	rddreg [dreg:$0x1];
	p0 =	sne.s32 s2, $0x0  }
0x8d8: {  	s3 =	rddreg [dreg:$0x2];
	[bflag:$0x3] =	sbarrier.arrive $0xFFFF;
	s2 =	simm.s32 @!p0 $0x1C07  }
0x8d9: {  	[timem:s3], [sflag:s2] =	dma.local @!p0 [hbm:s0], s1  }
0x8da: {  	s0 =	simm.s32 @!p0 $0x7  }
0x8db: {  	_ =	swait.ge @!p0 [sflag:s0], s1  }
0x8dc: {  	s1 =	ssub.s32 @!p0 $0x0, s1;
	[sflag:s0] =	ssyncset.done @!p0 $0x0  }
0x8dd: {  	[sflag:s0] =	ssyncadd.s32 @!p0 s1  }
0x8de: {  	[bflag:$0x3] =	sbarrier.arrive $0xFFFF  }
0x8df: {  	_ =	shalt  }

</sc_bundles>
